<compile_context>
chip_gen: v7x
topology: tpu7x:2x2x1
jax: 0.10.2.dev20260603
libtpu: 0.0.44.dev20260713+nightly
codegen_flags: <defaults>
</compile_context>

<pallas_src>
import functools

import jax
import jax.numpy as jnp
from jax import lax
from jax.experimental import pallas as pl
from jax.experimental.pallas import tpu as pltpu
from jax.experimental.pallas import tpu_sc as plsc

BATCH = 4096
HIST = 50
EMBED_DIM = 64
LANES = 16
NUM_WORKERS = 32
B_PER_W = BATCH // NUM_WORKERS
GROUPS = B_PER_W // LANES
PAD_DIM = 2 * EMBED_DIM


def _worker_id():
    return lax.axis_index("s") * 2 + lax.axis_index("c")


def _kernel_a(user_ids_hbm, item_seq_t_hbm, last_pos_hbm,
              user_table_hbm, global_emb_hbm,
              partial_hbm, iids_hbm,
              uid_v, lp_v, seq_v, iid_v, urows_v, part_v, g_v,
              sem_u):
    base = _worker_id() * B_PER_W

    pltpu.sync_copy(user_ids_hbm.at[pl.ds(base, B_PER_W)], uid_v)
    pltpu.sync_copy(last_pos_hbm.at[pl.ds(base, B_PER_W)], lp_v)
    pltpu.sync_copy(item_seq_t_hbm.at[:, pl.ds(base, B_PER_W)], seq_v)
    pltpu.sync_copy(global_emb_hbm, g_v)

    lane_ids = lax.iota(jnp.int32, LANES)

    def fire(g, carry):
        gbase = g * LANES
        uc = uid_v[pl.ds(gbase, LANES)]
        lpc = lp_v[pl.ds(gbase, LANES)]
        vals = jnp.zeros((LANES,), jnp.int32)
        for i in range(LANES):
            pltpu.async_copy(user_table_hbm.at[uc[i]],
                             urows_v.at[gbase + i], sem_u)
            iid_s = seq_v[lpc[i], pl.ds(gbase, LANES)][i]
            vals = jnp.where(lane_ids == i, jnp.full((LANES,), iid_s), vals)
        iid_v[pl.ds(gbase, LANES)] = vals
        return carry

    lax.fori_loop(0, GROUPS, fire, 0)

    pltpu.sync_copy(iid_v, iids_hbm.at[pl.ds(base, B_PER_W)])

    pltpu.make_async_copy(
        user_table_hbm.at[pl.ds(0, B_PER_W), :], urows_v, sem_u).wait()

    g_chunks = [g_v[pl.ds(c * LANES, LANES)] for c in range(EMBED_DIM // LANES)]
    one = jnp.float32(1.0)
    zero = jnp.float32(0.0)

    def body(g, carry):
        su = jnp.where(uid_v[pl.ds(g * LANES, LANES)] != 0, one, zero)
        for i in range(LANES):
            e = g * LANES + i
            s_u = jnp.full((LANES,), su[i], dtype=jnp.float32)
            for c in range(EMBED_DIM // LANES):
                part_v[e, pl.ds(c * LANES, LANES)] = (
                    urows_v[e, pl.ds(c * LANES, LANES)] * s_u + g_chunks[c])
        return carry

    lax.fori_loop(0, GROUPS, body, 0)

    pltpu.sync_copy(part_v, partial_hbm.at[pl.ds(base, B_PER_W), :])


def _kernel_b(iids_hbm, item_table_hbm, partial_hbm,
              out_hbm,
              iid_v, irows_v, part_v, out_v,
              sem_i):
    base = _worker_id() * B_PER_W

    pltpu.sync_copy(iids_hbm.at[pl.ds(base, B_PER_W)], iid_v)

    def fire(g, carry):
        ic = iid_v[pl.ds(g * LANES, LANES)]
        for i in range(LANES):
            pltpu.async_copy(item_table_hbm.at[ic[i]],
                             irows_v.at[g * LANES + i], sem_i)
        return carry

    lax.fori_loop(0, GROUPS, fire, 0)

    pltpu.sync_copy(partial_hbm.at[pl.ds(base, B_PER_W), :], part_v)
    pltpu.make_async_copy(
        item_table_hbm.at[pl.ds(0, B_PER_W), :], irows_v, sem_i).wait()

    one = jnp.float32(1.0)
    zero = jnp.float32(0.0)

    def body(g, carry):
        si = jnp.where(iid_v[pl.ds(g * LANES, LANES)] != 0, one, zero)
        for i in range(LANES):
            e = g * LANES + i
            s_i = jnp.full((LANES,), si[i], dtype=jnp.float32)
            for c in range(EMBED_DIM // LANES):
                out_v[e, pl.ds(c * LANES, LANES)] = (
                    part_v[e, pl.ds(c * LANES, LANES)]
                    + irows_v[e, pl.ds(c * LANES, LANES)] * s_i)
        return carry

    lax.fori_loop(0, GROUPS, body, 0)

    pltpu.sync_copy(out_v, out_hbm.at[pl.ds(base, B_PER_W), :])


@jax.jit
def _run(user_ids, item_seq, last_pos, user_table, item_table, global_user_emb):
    mesh = plsc.VectorSubcoreMesh(core_axis_name="c", subcore_axis_name="s")

    fa = functools.partial(
        pl.kernel,
        mesh=mesh,
        out_type=(
            jax.ShapeDtypeStruct((BATCH, PAD_DIM), jnp.float32),
            jax.ShapeDtypeStruct((BATCH,), jnp.int32),
        ),
        scratch_types=[
            pltpu.VMEM((B_PER_W,), jnp.int32),
            pltpu.VMEM((B_PER_W,), jnp.int32),
            pltpu.VMEM((HIST, B_PER_W), jnp.int32),
            pltpu.VMEM((B_PER_W,), jnp.int32),
            pltpu.VMEM((B_PER_W, EMBED_DIM), jnp.float32),
            pltpu.VMEM((B_PER_W, PAD_DIM), jnp.float32),
            pltpu.VMEM((EMBED_DIM,), jnp.float32),
            pltpu.SemaphoreType.DMA,
        ],
    )(_kernel_a)

    fb = functools.partial(
        pl.kernel,
        mesh=mesh,
        out_type=jax.ShapeDtypeStruct((BATCH, EMBED_DIM), jnp.float32),
        scratch_types=[
            pltpu.VMEM((B_PER_W,), jnp.int32),
            pltpu.VMEM((B_PER_W, EMBED_DIM), jnp.float32),
            pltpu.VMEM((B_PER_W, PAD_DIM), jnp.float32),
            pltpu.VMEM((B_PER_W, EMBED_DIM), jnp.float32),
            pltpu.SemaphoreType.DMA,
        ],
    )(_kernel_b)

    partial, iids = fa(user_ids.astype(jnp.int32),
                       item_seq.astype(jnp.int32).T,
                       last_pos.astype(jnp.int32),
                       user_table, global_user_emb)
    return fb(iids, item_table, partial)


def kernel(user_ids, item_seq, last_pos, user_table, item_table, global_user_emb):
    return _run(user_ids, item_seq, last_pos, user_table, item_table,
                global_user_emb)

# --- scband reference (transcript-rebuilt; emitter-appended) ---
"""Pipeline reference for scband-trans-rec-query-encoder-20547123544739 (READ-ONLY COPY).

The authoritative reference and input builder live on the scoring server;
editing this copy changes nothing except your own understanding.
"""

import jax, jax.numpy as jnp
import numpy as np

NUM_USERS = 100000
NUM_ITEMS = 100000
EMBED_DIM = 64
BATCH = 4096
HIST = 50

def setup_inputs(seed: int = 0) -> dict:
    key = jax.random.key(seed)
    k1, k2, k3, k4, k5, k6 = jax.random.split(key, 6)
    user_ids = jax.random.randint(k1, (BATCH,), 0, NUM_USERS)
    item_seq = jax.random.randint(k2, (BATCH, HIST), 0, NUM_ITEMS)
    last_pos = jax.random.randint(k3, (BATCH,), 0, HIST)
    user_table = jax.random.normal(k4, (NUM_USERS, EMBED_DIM), dtype=jnp.float32) * 0.02
    item_table = jax.random.normal(k5, (NUM_ITEMS, EMBED_DIM), dtype=jnp.float32) * 0.02
    global_user_emb = jax.random.normal(k6, (EMBED_DIM,), dtype=jnp.float32) * 0.02
    return {"user_ids": user_ids, "item_seq": item_seq, "last_pos": last_pos,
            "user_table": user_table, "item_table": item_table,
            "global_user_emb": global_user_emb}

def reference(user_ids, item_seq, last_pos, user_table, item_table, global_user_emb):
    # Emulate padding_idx=0: row 0 contributes zeros
    ut = user_table.at[0].set(0.0)
    it = item_table.at[0].set(0.0)
    # user embedding lookup: [B, D]
    user_emb = jnp.take(ut, user_ids, axis=0)
    # item_encoder over the history sequence: [B, L, D]
    B, L = item_seq.shape
    seq_emb = jnp.take(it, item_seq.reshape(-1), axis=0).reshape(B, L, EMBED_DIM)
    # gather the last (most recent) item's embedding per example: [B, D]
    idx = jnp.broadcast_to(last_pos[:, None, None], (B, 1, EMBED_DIM))
    last_emb = jnp.take_along_axis(seq_emb, idx, axis=1).squeeze(1)
    # TransRec query: user translation vector + global user bias + last item emb
    query = user_emb + global_user_emb[None, :] + last_emb
    return query

if __name__ == "__main__":
    import jax
    _d = setup_inputs()
    print(jax.jit(kernel)(*tuple(_d.values())))

</pallas_src>

<mosaic_0001>
#map = affine_map<(d0, d1) -> (0)>
#map1 = affine_map<(d0, d1) -> (0, 0)>
module attributes {stable_mosaic.version = 14 : i64} {
  func.func @_kernel_b(%arg0: i32, %arg1: i32, %arg2: memref<4096xi32, #tpu.memory_space<hbm>>, %arg3: memref<100000x64xf32, #tpu.memory_space<hbm>>, %arg4: memref<4096x128xf32, #tpu.memory_space<hbm>>, %arg5: memref<4096x64xf32, #tpu.memory_space<hbm>>, %arg6: memref<128xi32, #tpu.memory_space<vmem>>, %arg7: memref<128x64xf32, #tpu.memory_space<vmem>>, %arg8: memref<128x128xf32, #tpu.memory_space<vmem>>, %arg9: memref<128x64xf32, #tpu.memory_space<vmem>>, %arg10: memref<!tpu.dma_semaphore, #tpu.memory_space<semaphore_mem>>) attributes {dimension_semantics = [#tpu.dimension_semantics<core_parallel>, #tpu.dimension_semantics<subcore_parallel>], iteration_bounds = array<i64: 2, 16>, scalar_prefetch = 0 : i64, scratch_operands = 5 : i64, tpu.core_type = #tpu.core_type<sc_vector_subcore>, window_params = [{transform_indices = #map}, {transform_indices = #map1}, {transform_indices = #map1}, {transform_indices = #map1}]} {
    %mul3A = arith.constant 2 : i32
    %mul3A_0 = arith.muli %arg1, %mul3A : i32
    %add3A = arith.addi %mul3A_0, %arg0 : i32
    %mul3A_1 = arith.constant 128 : i32
    %mul3A_2 = arith.muli %add3A, %mul3A_1 : i32
    "tpu.region"() ({
      %run_scoped3A = tpu.sem_alloc : memref<!tpu.dma_semaphore, #tpu.memory_space<semaphore_mem>>
      %dma_start3A = tpu.memref_slice %arg2[%mul3A_2] : memref<4096xi32, #tpu.memory_space<hbm>> -> memref<128xi32, #tpu.memory_space<hbm>>
      %dma_start3A_21 = tpu.memref_slice %arg2[%mul3A_2] : memref<4096xi32, #tpu.memory_space<hbm>> -> memref<128xi32, #tpu.memory_space<hbm>>
      tpu.enqueue_dma source(%dma_start3A_21 : memref<128xi32, #tpu.memory_space<hbm>>) target(%arg6 : memref<128xi32, #tpu.memory_space<vmem>>) target_semaphore(%run_scoped3A : memref<!tpu.dma_semaphore, #tpu.memory_space<semaphore_mem>>)
      %dma_wait3A_22 = tpu.memref_slice %arg2[%mul3A_2] : memref<4096xi32, #tpu.memory_space<hbm>> -> memref<128xi32, #tpu.memory_space<hbm>>
      %dma_wait3A_23 = tpu.memref_slice %arg2[%mul3A_2] : memref<4096xi32, #tpu.memory_space<hbm>> -> memref<128xi32, #tpu.memory_space<hbm>>
      tpu.wait_dma2 semaphore(%run_scoped3A : memref<!tpu.dma_semaphore, #tpu.memory_space<semaphore_mem>>) src(%dma_wait3A_23 : memref<128xi32, #tpu.memory_space<hbm>>) dst(%arg6 : memref<128xi32, #tpu.memory_space<vmem>>)
      tpu.yield
    }) : () -> ()
    %scan3A = arith.constant 0 : i32
    %scan3A_3 = arith.constant 0 : i32
    %scan3A_4 = arith.constant 8 : i32
    %scan3A_5 = arith.addi %scan3A_3, %scan3A_4 : i32
    %scan3A_6 = arith.constant 1 : i32
    scf.for %scan3A_21 = %scan3A_3 to %scan3A_5 step %scan3A_6  : i32 {
      %mul3A_22 = arith.constant 16 : i32
      %mul3A_23 = arith.muli %scan3A_21, %mul3A_22 : i32
      %get3A = arith.index_cast %mul3A_23 : i32 to index
      %get3A_24 = tpu.vector_load %arg6[%get3A] {strides = array<i32>} : memref<128xi32, #tpu.memory_space<vmem>>, vector<16xi32>,
      %get3A_25 = vector.shape_cast %get3A_24 : vector<16xi32> to vector<16xi32>
      %slice3A = vector.extract_strided_slice %get3A_25 {offsets = [0], sizes = [1], strides = [1]} : vector<16xi32> to vector<1xi32>
      %squeeze3A = vector.extract %slice3A[0] : i32 from vector<1xi32>
      %mul3A_26 = arith.constant 16 : i32
      %mul3A_27 = arith.muli %scan3A_21, %mul3A_26 : i32
      %add3A_28 = arith.constant 0 : i32
      %add3A_29 = arith.addi %mul3A_27, %add3A_28 : i32
      %dma_start3A = arith.constant 0 : i32
      %dma_start3A_30 = tpu.memref_slice %arg7[%add3A_29, %dma_start3A] : memref<128x64xf32, #tpu.memory_space<vmem>> -> memref<1x64xf32, #tpu.memory_space<vmem>>
      %dma_start3A_31 = tpu.memref_squeeze %dma_start3A_30 : memref<1x64xf32, #tpu.memory_space<vmem>> -> memref<64xf32, #tpu.memory_space<vmem>>
      %dma_start3A_32 = arith.constant 0 : i32
      %dma_start3A_33 = tpu.memref_slice %arg3[%squeeze3A, %dma_start3A_32] : memref<100000x64xf32, #tpu.memory_space<hbm>> -> memref<1x64xf32, #tpu.memory_space<hbm>>
      %dma_start3A_34 = tpu.memref_squeeze %dma_start3A_33 : memref<1x64xf32, #tpu.memory_space<hbm>> -> memref<64xf32, #tpu.memory_space<hbm>>
      %dma_start3A_35 = arith.constant 0 : i32
      %dma_start3A_36 = tpu.memref_slice %arg7[%add3A_29, %dma_start3A_35] : memref<128x64xf32, #tpu.memory_space<vmem>> -> memref<1x64xf32, #tpu.memory_space<vmem>>
      %dma_start3A_37 = tpu.memref_squeeze %dma_start3A_36 : memref<1x64xf32, #tpu.memory_space<vmem>> -> memref<64xf32, #tpu.memory_space<vmem>>
      %dma_start3A_38 = arith.constant 0 : i32
      %dma_start3A_39 = tpu.memref_slice %arg3[%squeeze3A, %dma_start3A_38] : memref<100000x64xf32, #tpu.memory_space<hbm>> -> memref<1x64xf32, #tpu.memory_space<hbm>>
      %dma_start3A_40 = tpu.memref_squeeze %dma_start3A_39 : memref<1x64xf32, #tpu.memory_space<hbm>> -> memref<64xf32, #tpu.memory_space<hbm>>
      tpu.enqueue_dma source(%dma_start3A_40 : memref<64xf32, #tpu.memory_space<hbm>>) target(%dma_start3A_37 : memref<64xf32, #tpu.memory_space<vmem>>) target_semaphore(%arg10 : memref<!tpu.dma_semaphore, #tpu.memory_space<semaphore_mem>>)
      %slice3A_41 = vector.extract_strided_slice %get3A_25 {offsets = [1], sizes = [1], strides = [1]} : vector<16xi32> to vector<1xi32>
      %squeeze3A_42 = vector.extract %slice3A_41[0] : i32 from vector<1xi32>
      %mul3A_43 = arith.constant 16 : i32
      %mul3A_44 = arith.muli %scan3A_21, %mul3A_43 : i32
      %add3A_45 = arith.constant 1 : i32
      %add3A_46 = arith.addi %mul3A_44, %add3A_45 : i32
      %dma_start3A_47 = arith.constant 0 : i32
      %dma_start3A_48 = tpu.memref_slice %arg7[%add3A_46, %dma_start3A_47] : memref<128x64xf32, #tpu.memory_space<vmem>> -> memref<1x64xf32, #tpu.memory_space<vmem>>
      %dma_start3A_49 = tpu.memref_squeeze %dma_start3A_48 : memref<1x64xf32, #tpu.memory_space<vmem>> -> memref<64xf32, #tpu.memory_space<vmem>>
      %dma_start3A_50 = arith.constant 0 : i32
      %dma_start3A_51 = tpu.memref_slice %arg3[%squeeze3A_42, %dma_start3A_50] : memref<100000x64xf32, #tpu.memory_space<hbm>> -> memref<1x64xf32, #tpu.memory_space<hbm>>
      %dma_start3A_52 = tpu.memref_squeeze %dma_start3A_51 : memref<1x64xf32, #tpu.memory_space<hbm>> -> memref<64xf32, #tpu.memory_space<hbm>>
      %dma_start3A_53 = arith.constant 0 : i32
      %dma_start3A_54 = tpu.memref_slice %arg7[%add3A_46, %dma_start3A_53] : memref<128x64xf32, #tpu.memory_space<vmem>> -> memref<1x64xf32, #tpu.memory_space<vmem>>
      %dma_start3A_55 = tpu.memref_squeeze %dma_start3A_54 : memref<1x64xf32, #tpu.memory_space<vmem>> -> memref<64xf32, #tpu.memory_space<vmem>>
      %dma_start3A_56 = arith.constant 0 : i32
      %dma_start3A_57 = tpu.memref_slice %arg3[%squeeze3A_42, %dma_start3A_56] : memref<100000x64xf32, #tpu.memory_space<hbm>> -> memref<1x64xf32, #tpu.memory_space<hbm>>
      %dma_start3A_58 = tpu.memref_squeeze %dma_start3A_57 : memref<1x64xf32, #tpu.memory_space<hbm>> -> memref<64xf32, #tpu.memory_space<hbm>>
      tpu.enqueue_dma source(%dma_start3A_58 : memref<64xf32, #tpu.memory_space<hbm>>) target(%dma_start3A_55 : memref<64xf32, #tpu.memory_space<vmem>>) target_semaphore(%arg10 : memref<!tpu.dma_semaphore, #tpu.memory_space<semaphore_mem>>)
      %slice3A_59 = vector.extract_strided_slice %get3A_25 {offsets = [2], sizes = [1], strides = [1]} : vector<16xi32> to vector<1xi32>
      %squeeze3A_60 = vector.extract %slice3A_59[0] : i32 from vector<1xi32>
      %mul3A_61 = arith.constant 16 : i32
      %mul3A_62 = arith.muli %scan3A_21, %mul3A_61 : i32
      %add3A_63 = arith.constant 2 : i32
      %add3A_64 = arith.addi %mul3A_62, %add3A_63 : i32
      %dma_start3A_65 = arith.constant 0 : i32
      %dma_start3A_66 = tpu.memref_slice %arg7[%add3A_64, %dma_start3A_65] : memref<128x64xf32, #tpu.memory_space<vmem>> -> memref<1x64xf32, #tpu.memory_space<vmem>>
      %dma_start3A_67 = tpu.memref_squeeze %dma_start3A_66 : memref<1x64xf32, #tpu.memory_space<vmem>> -> memref<64xf32, #tpu.memory_space<vmem>>
      %dma_start3A_68 = arith.constant 0 : i32
      %dma_start3A_69 = tpu.memref_slice %arg3[%squeeze3A_60, %dma_start3A_68] : memref<100000x64xf32, #tpu.memory_space<hbm>> -> memref<1x64xf32, #tpu.memory_space<hbm>>
      %dma_start3A_70 = tpu.memref_squeeze %dma_start3A_69 : memref<1x64xf32, #tpu.memory_space<hbm>> -> memref<64xf32, #tpu.memory_space<hbm>>
      %dma_start3A_71 = arith.constant 0 : i32
      %dma_start3A_72 = tpu.memref_slice %arg7[%add3A_64, %dma_start3A_71] : memref<128x64xf32, #tpu.memory_space<vmem>> -> memref<1x64xf32, #tpu.memory_space<vmem>>
      %dma_start3A_73 = tpu.memref_squeeze %dma_start3A_72 : memref<1x64xf32, #tpu.memory_space<vmem>> -> memref<64xf32, #tpu.memory_space<vmem>>
      %dma_start3A_74 = arith.constant 0 : i32
      %dma_start3A_75 = tpu.memref_slice %arg3[%squeeze3A_60, %dma_start3A_74] : memref<100000x64xf32, #tpu.memory_space<hbm>> -> memref<1x64xf32, #tpu.memory_space<hbm>>
      %dma_start3A_76 = tpu.memref_squeeze %dma_start3A_75 : memref<1x64xf32, #tpu.memory_space<hbm>> -> memref<64xf32, #tpu.memory_space<hbm>>
      tpu.enqueue_dma source(%dma_start3A_76 : memref<64xf32, #tpu.memory_space<hbm>>) target(%dma_start3A_73 : memref<64xf32, #tpu.memory_space<vmem>>) target_semaphore(%arg10 : memref<!tpu.dma_semaphore, #tpu.memory_space<semaphore_mem>>)
      %slice3A_77 = vector.extract_strided_slice %get3A_25 {offsets = [3], sizes = [1], strides = [1]} : vector<16xi32> to vector<1xi32>
      %squeeze3A_78 = vector.extract %slice3A_77[0] : i32 from vector<1xi32>
      %mul3A_79 = arith.constant 16 : i32
      %mul3A_80 = arith.muli %scan3A_21, %mul3A_79 : i32
      %add3A_81 = arith.constant 3 : i32
      %add3A_82 = arith.addi %mul3A_80, %add3A_81 : i32
      %dma_start3A_83 = arith.constant 0 : i32
      %dma_start3A_84 = tpu.memref_slice %arg7[%add3A_82, %dma_start3A_83] : memref<128x64xf32, #tpu.memory_space<vmem>> -> memref<1x64xf32, #tpu.memory_space<vmem>>
      %dma_start3A_85 = tpu.memref_squeeze %dma_start3A_84 : memref<1x64xf32, #tpu.memory_space<vmem>> -> memref<64xf32, #tpu.memory_space<vmem>>
      %dma_start3A_86 = arith.constant 0 : i32
      %dma_start3A_87 = tpu.memref_slice %arg3[%squeeze3A_78, %dma_start3A_86] : memref<100000x64xf32, #tpu.memory_space<hbm>> -> memref<1x64xf32, #tpu.memory_space<hbm>>
      %dma_start3A_88 = tpu.memref_squeeze %dma_start3A_87 : memref<1x64xf32, #tpu.memory_space<hbm>> -> memref<64xf32, #tpu.memory_space<hbm>>
      %dma_start3A_89 = arith.constant 0 : i32
      %dma_start3A_90 = tpu.memref_slice %arg7[%add3A_82, %dma_start3A_89] : memref<128x64xf32, #tpu.memory_space<vmem>> -> memref<1x64xf32, #tpu.memory_space<vmem>>
      %dma_start3A_91 = tpu.memref_squeeze %dma_start3A_90 : memref<1x64xf32, #tpu.memory_space<vmem>> -> memref<64xf32, #tpu.memory_space<vmem>>
      %dma_start3A_92 = arith.constant 0 : i32
      %dma_start3A_93 = tpu.memref_slice %arg3[%squeeze3A_78, %dma_start3A_92] : memref<100000x64xf32, #tpu.memory_space<hbm>> -> memref<1x64xf32, #tpu.memory_space<hbm>>
      %dma_start3A_94 = tpu.memref_squeeze %dma_start3A_93 : memref<1x64xf32, #tpu.memory_space<hbm>> -> memref<64xf32, #tpu.memory_space<hbm>>
      tpu.enqueue_dma source(%dma_start3A_94 : memref<64xf32, #tpu.memory_space<hbm>>) target(%dma_start3A_91 : memref<64xf32, #tpu.memory_space<vmem>>) target_semaphore(%arg10 : memref<!tpu.dma_semaphore, #tpu.memory_space<semaphore_mem>>)
      %slice3A_95 = vector.extract_strided_slice %get3A_25 {offsets = [4], sizes = [1], strides = [1]} : vector<16xi32> to vector<1xi32>
      %squeeze3A_96 = vector.extract %slice3A_95[0] : i32 from vector<1xi32>
      %mul3A_97 = arith.constant 16 : i32
      %mul3A_98 = arith.muli %scan3A_21, %mul3A_97 : i32
      %add3A_99 = arith.constant 4 : i32
      %add3A_100 = arith.addi %mul3A_98, %add3A_99 : i32
      %dma_start3A_101 = arith.constant 0 : i32
      %dma_start3A_102 = tpu.memref_slice %arg7[%add3A_100, %dma_start3A_101] : memref<128x64xf32, #tpu.memory_space<vmem>> -> memref<1x64xf32, #tpu.memory_space<vmem>>
      %dma_start3A_103 = tpu.memref_squeeze %dma_start3A_102 : memref<1x64xf32, #tpu.memory_space<vmem>> -> memref<64xf32, #tpu.memory_space<vmem>>
      %dma_start3A_104 = arith.constant 0 : i32
      %dma_start3A_105 = tpu.memref_slice %arg3[%squeeze3A_96, %dma_start3A_104] : memref<100000x64xf32, #tpu.memory_space<hbm>> -> memref<1x64xf32, #tpu.memory_space<hbm>>
      %dma_start3A_106 = tpu.memref_squeeze %dma_start3A_105 : memref<1x64xf32, #tpu.memory_space<hbm>> -> memref<64xf32, #tpu.memory_space<hbm>>
      %dma_start3A_107 = arith.constant 0 : i32
      %dma_start3A_108 = tpu.memref_slice %arg7[%add3A_100, %dma_start3A_107] : memref<128x64xf32, #tpu.memory_space<vmem>> -> memref<1x64xf32, #tpu.memory_space<vmem>>
      %dma_start3A_109 = tpu.memref_squeeze %dma_start3A_108 : memref<1x64xf32, #tpu.memory_space<vmem>> -> memref<64xf32, #tpu.memory_space<vmem>>
      %dma_start3A_110 = arith.constant 0 : i32
      %dma_start3A_111 = tpu.memref_slice %arg3[%squeeze3A_96, %dma_start3A_110] : memref<100000x64xf32, #tpu.memory_space<hbm>> -> memref<1x64xf32, #tpu.memory_space<hbm>>
      %dma_start3A_112 = tpu.memref_squeeze %dma_start3A_111 : memref<1x64xf32, #tpu.memory_space<hbm>> -> memref<64xf32, #tpu.memory_space<hbm>>
      tpu.enqueue_dma source(%dma_start3A_112 : memref<64xf32, #tpu.memory_space<hbm>>) target(%dma_start3A_109 : memref<64xf32, #tpu.memory_space<vmem>>) target_semaphore(%arg10 : memref<!tpu.dma_semaphore, #tpu.memory_space<semaphore_mem>>)
      %slice3A_113 = vector.extract_strided_slice %get3A_25 {offsets = [5], sizes = [1], strides = [1]} : vector<16xi32> to vector<1xi32>
      %squeeze3A_114 = vector.extract %slice3A_113[0] : i32 from vector<1xi32>
      %mul3A_115 = arith.constant 16 : i32
      %mul3A_116 = arith.muli %scan3A_21, %mul3A_115 : i32
      %add3A_117 = arith.constant 5 : i32
      %add3A_118 = arith.addi %mul3A_116, %add3A_117 : i32
      %dma_start3A_119 = arith.constant 0 : i32
      %dma_start3A_120 = tpu.memref_slice %arg7[%add3A_118, %dma_start3A_119] : memref<128x64xf32, #tpu.memory_space<vmem>> -> memref<1x64xf32, #tpu.memory_space<vmem>>
      %dma_start3A_121 = tpu.memref_squeeze %dma_start3A_120 : memref<1x64xf32, #tpu.memory_space<vmem>> -> memref<64xf32, #tpu.memory_space<vmem>>
      %dma_start3A_122 = arith.constant 0 : i32
      %dma_start3A_123 = tpu.memref_slice %arg3[%squeeze3A_114, %dma_start3A_122] : memref<100000x64xf32, #tpu.memory_space<hbm>> -> memref<1x64xf32, #tpu.memory_space<hbm>>
      %dma_start3A_124 = tpu.memref_squeeze %dma_start3A_123 : memref<1x64xf32, #tpu.memory_space<hbm>> -> memref<64xf32, #tpu.memory_space<hbm>>
      %dma_start3A_125 = arith.constant 0 : i32
      %dma_start3A_126 = tpu.memref_slice %arg7[%add3A_118, %dma_start3A_125] : memref<128x64xf32, #tpu.memory_space<vmem>> -> memref<1x64xf32, #tpu.memory_space<vmem>>
      %dma_start3A_127 = tpu.memref_squeeze %dma_start3A_126 : memref<1x64xf32, #tpu.memory_space<vmem>> -> memref<64xf32, #tpu.memory_space<vmem>>
      %dma_start3A_128 = arith.constant 0 : i32
      %dma_start3A_129 = tpu.memref_slice %arg3[%squeeze3A_114, %dma_start3A_128] : memref<100000x64xf32, #tpu.memory_space<hbm>> -> memref<1x64xf32, #tpu.memory_space<hbm>>
      %dma_start3A_130 = tpu.memref_squeeze %dma_start3A_129 : memref<1x64xf32, #tpu.memory_space<hbm>> -> memref<64xf32, #tpu.memory_space<hbm>>
      tpu.enqueue_dma source(%dma_start3A_130 : memref<64xf32, #tpu.memory_space<hbm>>) target(%dma_start3A_127 : memref<64xf32, #tpu.memory_space<vmem>>) target_semaphore(%arg10 : memref<!tpu.dma_semaphore, #tpu.memory_space<semaphore_mem>>)
      %slice3A_131 = vector.extract_strided_slice %get3A_25 {offsets = [6], sizes = [1], strides = [1]} : vector<16xi32> to vector<1xi32>
      %squeeze3A_132 = vector.extract %slice3A_131[0] : i32 from vector<1xi32>
      %mul3A_133 = arith.constant 16 : i32
      %mul3A_134 = arith.muli %scan3A_21, %mul3A_133 : i32
      %add3A_135 = arith.constant 6 : i32
      %add3A_136 = arith.addi %mul3A_134, %add3A_135 : i32
      %dma_start3A_137 = arith.constant 0 : i32
      %dma_start3A_138 = tpu.memref_slice %arg7[%add3A_136, %dma_start3A_137] : memref<128x64xf32, #tpu.memory_space<vmem>> -> memref<1x64xf32, #tpu.memory_space<vmem>>
      %dma_start3A_139 = tpu.memref_squeeze %dma_start3A_138 : memref<1x64xf32, #tpu.memory_space<vmem>> -> memref<64xf32, #tpu.memory_space<vmem>>
      %dma_start3A_140 = arith.constant 0 : i32
      %dma_start3A_141 = tpu.memref_slice %arg3[%squeeze3A_132, %dma_start3A_140] : memref<100000x64xf32, #tpu.memory_space<hbm>> -> memref<1x64xf32, #tpu.memory_space<hbm>>
      %dma_start3A_142 = tpu.memref_squeeze %dma_start3A_141 : memref<1x64xf32, #tpu.memory_space<hbm>> -> memref<64xf32, #tpu.memory_space<hbm>>
      %dma_start3A_143 = arith.constant 0 : i32
      %dma_start3A_144 = tpu.memref_slice %arg7[%add3A_136, %dma_start3A_143] : memref<128x64xf32, #tpu.memory_space<vmem>> -> memref<1x64xf32, #tpu.memory_space<vmem>>
      %dma_start3A_145 = tpu.memref_squeeze %dma_start3A_144 : memref<1x64xf32, #tpu.memory_space<vmem>> -> memref<64xf32, #tpu.memory_space<vmem>>
      %dma_start3A_146 = arith.constant 0 : i32
      %dma_start3A_147 = tpu.memref_slice %arg3[%squeeze3A_132, %dma_start3A_146] : memref<100000x64xf32, #tpu.memory_space<hbm>> -> memref<1x64xf32, #tpu.memory_space<hbm>>
      %dma_start3A_148 = tpu.memref_squeeze %dma_start3A_147 : memref<1x64xf32, #tpu.memory_space<hbm>> -> memref<64xf32, #tpu.memory_space<hbm>>
      tpu.enqueue_dma source(%dma_start3A_148 : memref<64xf32, #tpu.memory_space<hbm>>) target(%dma_start3A_145 : memref<64xf32, #tpu.memory_space<vmem>>) target_semaphore(%arg10 : memref<!tpu.dma_semaphore, #tpu.memory_space<semaphore_mem>>)
      %slice3A_149 = vector.extract_strided_slice %get3A_25 {offsets = [7], sizes = [1], strides = [1]} : vector<16xi32> to vector<1xi32>
      %squeeze3A_150 = vector.extract %slice3A_149[0] : i32 from vector<1xi32>
      %mul3A_151 = arith.constant 16 : i32
      %mul3A_152 = arith.muli %scan3A_21, %mul3A_151 : i32
      %add3A_153 = arith.constant 7 : i32
      %add3A_154 = arith.addi %mul3A_152, %add3A_153 : i32
      %dma_start3A_155 = arith.constant 0 : i32
      %dma_start3A_156 = tpu.memref_slice %arg7[%add3A_154, %dma_start3A_155] : memref<128x64xf32, #tpu.memory_space<vmem>> -> memref<1x64xf32, #tpu.memory_space<vmem>>
      %dma_start3A_157 = tpu.memref_squeeze %dma_start3A_156 : memref<1x64xf32, #tpu.memory_space<vmem>> -> memref<64xf32, #tpu.memory_space<vmem>>
      %dma_start3A_158 = arith.constant 0 : i32
      %dma_start3A_159 = tpu.memref_slice %arg3[%squeeze3A_150, %dma_start3A_158] : memref<100000x64xf32, #tpu.memory_space<hbm>> -> memref<1x64xf32, #tpu.memory_space<hbm>>
      %dma_start3A_160 = tpu.memref_squeeze %dma_start3A_159 : memref<1x64xf32, #tpu.memory_space<hbm>> -> memref<64xf32, #tpu.memory_space<hbm>>
      %dma_start3A_161 = arith.constant 0 : i32
      %dma_start3A_162 = tpu.memref_slice %arg7[%add3A_154, %dma_start3A_161] : memref<128x64xf32, #tpu.memory_space<vmem>> -> memref<1x64xf32, #tpu.memory_space<vmem>>
      %dma_start3A_163 = tpu.memref_squeeze %dma_start3A_162 : memref<1x64xf32, #tpu.memory_space<vmem>> -> memref<64xf32, #tpu.memory_space<vmem>>
      %dma_start3A_164 = arith.constant 0 : i32
      %dma_start3A_165 = tpu.memref_slice %arg3[%squeeze3A_150, %dma_start3A_164] : memref<100000x64xf32, #tpu.memory_space<hbm>> -> memref<1x64xf32, #tpu.memory_space<hbm>>
      %dma_start3A_166 = tpu.memref_squeeze %dma_start3A_165 : memref<1x64xf32, #tpu.memory_space<hbm>> -> memref<64xf32, #tpu.memory_space<hbm>>
      tpu.enqueue_dma source(%dma_start3A_166 : memref<64xf32, #tpu.memory_space<hbm>>) target(%dma_start3A_163 : memref<64xf32, #tpu.memory_space<vmem>>) target_semaphore(%arg10 : memref<!tpu.dma_semaphore, #tpu.memory_space<semaphore_mem>>)
      %slice3A_167 = vector.extract_strided_slice %get3A_25 {offsets = [8], sizes = [1], strides = [1]} : vector<16xi32> to vector<1xi32>
      %squeeze3A_168 = vector.extract %slice3A_167[0] : i32 from vector<1xi32>
      %mul3A_169 = arith.constant 16 : i32
      %mul3A_170 = arith.muli %scan3A_21, %mul3A_169 : i32
      %add3A_171 = arith.constant 8 : i32
      %add3A_172 = arith.addi %mul3A_170, %add3A_171 : i32
      %dma_start3A_173 = arith.constant 0 : i32
      %dma_start3A_174 = tpu.memref_slice %arg7[%add3A_172, %dma_start3A_173] : memref<128x64xf32, #tpu.memory_space<vmem>> -> memref<1x64xf32, #tpu.memory_space<vmem>>
      %dma_start3A_175 = tpu.memref_squeeze %dma_start3A_174 : memref<1x64xf32, #tpu.memory_space<vmem>> -> memref<64xf32, #tpu.memory_space<vmem>>
      %dma_start3A_176 = arith.constant 0 : i32
      %dma_start3A_177 = tpu.memref_slice %arg3[%squeeze3A_168, %dma_start3A_176] : memref<100000x64xf32, #tpu.memory_space<hbm>> -> memref<1x64xf32, #tpu.memory_space<hbm>>
      %dma_start3A_178 = tpu.memref_squeeze %dma_start3A_177 : memref<1x64xf32, #tpu.memory_space<hbm>> -> memref<64xf32, #tpu.memory_space<hbm>>
      %dma_start3A_179 = arith.constant 0 : i32
      %dma_start3A_180 = tpu.memref_slice %arg7[%add3A_172, %dma_start3A_179] : memref<128x64xf32, #tpu.memory_space<vmem>> -> memref<1x64xf32, #tpu.memory_space<vmem>>
      %dma_start3A_181 = tpu.memref_squeeze %dma_start3A_180 : memref<1x64xf32, #tpu.memory_space<vmem>> -> memref<64xf32, #tpu.memory_space<vmem>>
      %dma_start3A_182 = arith.constant 0 : i32
      %dma_start3A_183 = tpu.memref_slice %arg3[%squeeze3A_168, %dma_start3A_182] : memref<100000x64xf32, #tpu.memory_space<hbm>> -> memref<1x64xf32, #tpu.memory_space<hbm>>
      %dma_start3A_184 = tpu.memref_squeeze %dma_start3A_183 : memref<1x64xf32, #tpu.memory_space<hbm>> -> memref<64xf32, #tpu.memory_space<hbm>>
      tpu.enqueue_dma source(%dma_start3A_184 : memref<64xf32, #tpu.memory_space<hbm>>) target(%dma_start3A_181 : memref<64xf32, #tpu.memory_space<vmem>>) target_semaphore(%arg10 : memref<!tpu.dma_semaphore, #tpu.memory_space<semaphore_mem>>)
      %slice3A_185 = vector.extract_strided_slice %get3A_25 {offsets = [9], sizes = [1], strides = [1]} : vector<16xi32> to vector<1xi32>
      %squeeze3A_186 = vector.extract %slice3A_185[0] : i32 from vector<1xi32>
      %mul3A_187 = arith.constant 16 : i32
      %mul3A_188 = arith.muli %scan3A_21, %mul3A_187 : i32
      %add3A_189 = arith.constant 9 : i32
      %add3A_190 = arith.addi %mul3A_188, %add3A_189 : i32
      %dma_start3A_191 = arith.constant 0 : i32
      %dma_start3A_192 = tpu.memref_slice %arg7[%add3A_190, %dma_start3A_191] : memref<128x64xf32, #tpu.memory_space<vmem>> -> memref<1x64xf32, #tpu.memory_space<vmem>>
      %dma_start3A_193 = tpu.memref_squeeze %dma_start3A_192 : memref<1x64xf32, #tpu.memory_space<vmem>> -> memref<64xf32, #tpu.memory_space<vmem>>
      %dma_start3A_194 = arith.constant 0 : i32
      %dma_start3A_195 = tpu.memref_slice %arg3[%squeeze3A_186, %dma_start3A_194] : memref<100000x64xf32, #tpu.memory_space<hbm>> -> memref<1x64xf32, #tpu.memory_space<hbm>>
      %dma_start3A_196 = tpu.memref_squeeze %dma_start3A_195 : memref<1x64xf32, #tpu.memory_space<hbm>> -> memref<64xf32, #tpu.memory_space<hbm>>
      %dma_start3A_197 = arith.constant 0 : i32
      %dma_start3A_198 = tpu.memref_slice %arg7[%add3A_190, %dma_start3A_197] : memref<128x64xf32, #tpu.memory_space<vmem>> -> memref<1x64xf32, #tpu.memory_space<vmem>>
      %dma_start3A_199 = tpu.memref_squeeze %dma_start3A_198 : memref<1x64xf32, #tpu.memory_space<vmem>> -> memref<64xf32, #tpu.memory_space<vmem>>
      %dma_start3A_200 = arith.constant 0 : i32
      %dma_start3A_201 = tpu.memref_slice %arg3[%squeeze3A_186, %dma_start3A_200] : memref<100000x64xf32, #tpu.memory_space<hbm>> -> memref<1x64xf32, #tpu.memory_space<hbm>>
      %dma_start3A_202 = tpu.memref_squeeze %dma_start3A_201 : memref<1x64xf32, #tpu.memory_space<hbm>> -> memref<64xf32, #tpu.memory_space<hbm>>
      tpu.enqueue_dma source(%dma_start3A_202 : memref<64xf32, #tpu.memory_space<hbm>>) target(%dma_start3A_199 : memref<64xf32, #tpu.memory_space<vmem>>) target_semaphore(%arg10 : memref<!tpu.dma_semaphore, #tpu.memory_space<semaphore_mem>>)
      %slice3A_203 = vector.extract_strided_slice %get3A_25 {offsets = [10], sizes = [1], strides = [1]} : vector<16xi32> to vector<1xi32>
      %squeeze3A_204 = vector.extract %slice3A_203[0] : i32 from vector<1xi32>
      %mul3A_205 = arith.constant 16 : i32
      %mul3A_206 = arith.muli %scan3A_21, %mul3A_205 : i32
      %add3A_207 = arith.constant 10 : i32
      %add3A_208 = arith.addi %mul3A_206, %add3A_207 : i32
      %dma_start3A_209 = arith.constant 0 : i32
      %dma_start3A_210 = tpu.memref_slice %arg7[%add3A_208, %dma_start3A_209] : memref<128x64xf32, #tpu.memory_space<vmem>> -> memref<1x64xf32, #tpu.memory_space<vmem>>
      %dma_start3A_211 = tpu.memref_squeeze %dma_start3A_210 : memref<1x64xf32, #tpu.memory_space<vmem>> -> memref<64xf32, #tpu.memory_space<vmem>>
      %dma_start3A_212 = arith.constant 0 : i32
      %dma_start3A_213 = tpu.memref_slice %arg3[%squeeze3A_204, %dma_start3A_212] : memref<100000x64xf32, #tpu.memory_space<hbm>> -> memref<1x64xf32, #tpu.memory_space<hbm>>
      %dma_start3A_214 = tpu.memref_squeeze %dma_start3A_213 : memref<1x64xf32, #tpu.memory_space<hbm>> -> memref<64xf32, #tpu.memory_space<hbm>>
      %dma_start3A_215 = arith.constant 0 : i32
      %dma_start3A_216 = tpu.memref_slice %arg7[%add3A_208, %dma_start3A_215] : memref<128x64xf32, #tpu.memory_space<vmem>> -> memref<1x64xf32, #tpu.memory_space<vmem>>
      %dma_start3A_217 = tpu.memref_squeeze %dma_start3A_216 : memref<1x64xf32, #tpu.memory_space<vmem>> -> memref<64xf32, #tpu.memory_space<vmem>>
      %dma_start3A_218 = arith.constant 0 : i32
      %dma_start3A_219 = tpu.memref_slice %arg3[%squeeze3A_204, %dma_start3A_218] : memref<100000x64xf32, #tpu.memory_space<hbm>> -> memref<1x64xf32, #tpu.memory_space<hbm>>
      %dma_start3A_220 = tpu.memref_squeeze %dma_start3A_219 : memref<1x64xf32, #tpu.memory_space<hbm>> -> memref<64xf32, #tpu.memory_space<hbm>>
      tpu.enqueue_dma source(%dma_start3A_220 : memref<64xf32, #tpu.memory_space<hbm>>) target(%dma_start3A_217 : memref<64xf32, #tpu.memory_space<vmem>>) target_semaphore(%arg10 : memref<!tpu.dma_semaphore, #tpu.memory_space<semaphore_mem>>)
      %slice3A_221 = vector.extract_strided_slice %get3A_25 {offsets = [11], sizes = [1], strides = [1]} : vector<16xi32> to vector<1xi32>
      %squeeze3A_222 = vector.extract %slice3A_221[0] : i32 from vector<1xi32>
      %mul3A_223 = arith.constant 16 : i32
      %mul3A_224 = arith.muli %scan3A_21, %mul3A_223 : i32
      %add3A_225 = arith.constant 11 : i32
      %add3A_226 = arith.addi %mul3A_224, %add3A_225 : i32
      %dma_start3A_227 = arith.constant 0 : i32
      %dma_start3A_228 = tpu.memref_slice %arg7[%add3A_226, %dma_start3A_227] : memref<128x64xf32, #tpu.memory_space<vmem>> -> memref<1x64xf32, #tpu.memory_space<vmem>>
      %dma_start3A_229 = tpu.memref_squeeze %dma_start3A_228 : memref<1x64xf32, #tpu.memory_space<vmem>> -> memref<64xf32, #tpu.memory_space<vmem>>
      %dma_start3A_230 = arith.constant 0 : i32
      %dma_start3A_231 = tpu.memref_slice %arg3[%squeeze3A_222, %dma_start3A_230] : memref<100000x64xf32, #tpu.memory_space<hbm>> -> memref<1x64xf32, #tpu.memory_space<hbm>>
      %dma_start3A_232 = tpu.memref_squeeze %dma_start3A_231 : memref<1x64xf32, #tpu.memory_space<hbm>> -> memref<64xf32, #tpu.memory_space<hbm>>
      %dma_start3A_233 = arith.constant 0 : i32
      %dma_start3A_234 = tpu.memref_slice %arg7[%add3A_226, %dma_start3A_233] : memref<128x64xf32, #tpu.memory_space<vmem>> -> memref<1x64xf32, #tpu.memory_space<vmem>>
      %dma_start3A_235 = tpu.memref_squeeze %dma_start3A_234 : memref<1x64xf32, #tpu.memory_space<vmem>> -> memref<64xf32, #tpu.memory_space<vmem>>
      %dma_start3A_236 = arith.constant 0 : i32
      %dma_start3A_237 = tpu.memref_slice %arg3[%squeeze3A_222, %dma_start3A_236] : memref<100000x64xf32, #tpu.memory_space<hbm>> -> memref<1x64xf32, #tpu.memory_space<hbm>>
      %dma_start3A_238 = tpu.memref_squeeze %dma_start3A_237 : memref<1x64xf32, #tpu.memory_space<hbm>> -> memref<64xf32, #tpu.memory_space<hbm>>
      tpu.enqueue_dma source(%dma_start3A_238 : memref<64xf32, #tpu.memory_space<hbm>>) target(%dma_start3A_235 : memref<64xf32, #tpu.memory_space<vmem>>) target_semaphore(%arg10 : memref<!tpu.dma_semaphore, #tpu.memory_space<semaphore_mem>>)
      %slice3A_239 = vector.extract_strided_slice %get3A_25 {offsets = [12], sizes = [1], strides = [1]} : vector<16xi32> to vector<1xi32>
      %squeeze3A_240 = vector.extract %slice3A_239[0] : i32 from vector<1xi32>
      %mul3A_241 = arith.constant 16 : i32
      %mul3A_242 = arith.muli %scan3A_21, %mul3A_241 : i32
      %add3A_243 = arith.constant 12 : i32
      %add3A_244 = arith.addi %mul3A_242, %add3A_243 : i32
      %dma_start3A_245 = arith.constant 0 : i32
      %dma_start3A_246 = tpu.memref_slice %arg7[%add3A_244, %dma_start3A_245] : memref<128x64xf32, #tpu.memory_space<vmem>> -> memref<1x64xf32, #tpu.memory_space<vmem>>
      %dma_start3A_247 = tpu.memref_squeeze %dma_start3A_246 : memref<1x64xf32, #tpu.memory_space<vmem>> -> memref<64xf32, #tpu.memory_space<vmem>>
      %dma_start3A_248 = arith.constant 0 : i32
      %dma_start3A_249 = tpu.memref_slice %arg3[%squeeze3A_240, %dma_start3A_248] : memref<100000x64xf32, #tpu.memory_space<hbm>> -> memref<1x64xf32, #tpu.memory_space<hbm>>
      %dma_start3A_250 = tpu.memref_squeeze %dma_start3A_249 : memref<1x64xf32, #tpu.memory_space<hbm>> -> memref<64xf32, #tpu.memory_space<hbm>>
      %dma_start3A_251 = arith.constant 0 : i32
      %dma_start3A_252 = tpu.memref_slice %arg7[%add3A_244, %dma_start3A_251] : memref<128x64xf32, #tpu.memory_space<vmem>> -> memref<1x64xf32, #tpu.memory_space<vmem>>
      %dma_start3A_253 = tpu.memref_squeeze %dma_start3A_252 : memref<1x64xf32, #tpu.memory_space<vmem>> -> memref<64xf32, #tpu.memory_space<vmem>>
      %dma_start3A_254 = arith.constant 0 : i32
      %dma_start3A_255 = tpu.memref_slice %arg3[%squeeze3A_240, %dma_start3A_254] : memref<100000x64xf32, #tpu.memory_space<hbm>> -> memref<1x64xf32, #tpu.memory_space<hbm>>
      %dma_start3A_256 = tpu.memref_squeeze %dma_start3A_255 : memref<1x64xf32, #tpu.memory_space<hbm>> -> memref<64xf32, #tpu.memory_space<hbm>>
      tpu.enqueue_dma source(%dma_start3A_256 : memref<64xf32, #tpu.memory_space<hbm>>) target(%dma_start3A_253 : memref<64xf32, #tpu.memory_space<vmem>>) target_semaphore(%arg10 : memref<!tpu.dma_semaphore, #tpu.memory_space<semaphore_mem>>)
      %slice3A_257 = vector.extract_strided_slice %get3A_25 {offsets = [13], sizes = [1], strides = [1]} : vector<16xi32> to vector<1xi32>
      %squeeze3A_258 = vector.extract %slice3A_257[0] : i32 from vector<1xi32>
      %mul3A_259 = arith.constant 16 : i32
      %mul3A_260 = arith.muli %scan3A_21, %mul3A_259 : i32
      %add3A_261 = arith.constant 13 : i32
      %add3A_262 = arith.addi %mul3A_260, %add3A_261 : i32
      %dma_start3A_263 = arith.constant 0 : i32
      %dma_start3A_264 = tpu.memref_slice %arg7[%add3A_262, %dma_start3A_263] : memref<128x64xf32, #tpu.memory_space<vmem>> -> memref<1x64xf32, #tpu.memory_space<vmem>>
      %dma_start3A_265 = tpu.memref_squeeze %dma_start3A_264 : memref<1x64xf32, #tpu.memory_space<vmem>> -> memref<64xf32, #tpu.memory_space<vmem>>
      %dma_start3A_266 = arith.constant 0 : i32
      %dma_start3A_267 = tpu.memref_slice %arg3[%squeeze3A_258, %dma_start3A_266] : memref<100000x64xf32, #tpu.memory_space<hbm>> -> memref<1x64xf32, #tpu.memory_space<hbm>>
      %dma_start3A_268 = tpu.memref_squeeze %dma_start3A_267 : memref<1x64xf32, #tpu.memory_space<hbm>> -> memref<64xf32, #tpu.memory_space<hbm>>
      %dma_start3A_269 = arith.constant 0 : i32
      %dma_start3A_270 = tpu.memref_slice %arg7[%add3A_262, %dma_start3A_269] : memref<128x64xf32, #tpu.memory_space<vmem>> -> memref<1x64xf32, #tpu.memory_space<vmem>>
      %dma_start3A_271 = tpu.memref_squeeze %dma_start3A_270 : memref<1x64xf32, #tpu.memory_space<vmem>> -> memref<64xf32, #tpu.memory_space<vmem>>
      %dma_start3A_272 = arith.constant 0 : i32
      %dma_start3A_273 = tpu.memref_slice %arg3[%squeeze3A_258, %dma_start3A_272] : memref<100000x64xf32, #tpu.memory_space<hbm>> -> memref<1x64xf32, #tpu.memory_space<hbm>>
      %dma_start3A_274 = tpu.memref_squeeze %dma_start3A_273 : memref<1x64xf32, #tpu.memory_space<hbm>> -> memref<64xf32, #tpu.memory_space<hbm>>
      tpu.enqueue_dma source(%dma_start3A_274 : memref<64xf32, #tpu.memory_space<hbm>>) target(%dma_start3A_271 : memref<64xf32, #tpu.memory_space<vmem>>) target_semaphore(%arg10 : memref<!tpu.dma_semaphore, #tpu.memory_space<semaphore_mem>>)
      %slice3A_275 = vector.extract_strided_slice %get3A_25 {offsets = [14], sizes = [1], strides = [1]} : vector<16xi32> to vector<1xi32>
      %squeeze3A_276 = vector.extract %slice3A_275[0] : i32 from vector<1xi32>
      %mul3A_277 = arith.constant 16 : i32
      %mul3A_278 = arith.muli %scan3A_21, %mul3A_277 : i32
      %add3A_279 = arith.constant 14 : i32
      %add3A_280 = arith.addi %mul3A_278, %add3A_279 : i32
      %dma_start3A_281 = arith.constant 0 : i32
      %dma_start3A_282 = tpu.memref_slice %arg7[%add3A_280, %dma_start3A_281] : memref<128x64xf32, #tpu.memory_space<vmem>> -> memref<1x64xf32, #tpu.memory_space<vmem>>
      %dma_start3A_283 = tpu.memref_squeeze %dma_start3A_282 : memref<1x64xf32, #tpu.memory_space<vmem>> -> memref<64xf32, #tpu.memory_space<vmem>>
      %dma_start3A_284 = arith.constant 0 : i32
      %dma_start3A_285 = tpu.memref_slice %arg3[%squeeze3A_276, %dma_start3A_284] : memref<100000x64xf32, #tpu.memory_space<hbm>> -> memref<1x64xf32, #tpu.memory_space<hbm>>
      %dma_start3A_286 = tpu.memref_squeeze %dma_start3A_285 : memref<1x64xf32, #tpu.memory_space<hbm>> -> memref<64xf32, #tpu.memory_space<hbm>>
      %dma_start3A_287 = arith.constant 0 : i32
      %dma_start3A_288 = tpu.memref_slice %arg7[%add3A_280, %dma_start3A_287] : memref<128x64xf32, #tpu.memory_space<vmem>> -> memref<1x64xf32, #tpu.memory_space<vmem>>
      %dma_start3A_289 = tpu.memref_squeeze %dma_start3A_288 : memref<1x64xf32, #tpu.memory_space<vmem>> -> memref<64xf32, #tpu.memory_space<vmem>>
      %dma_start3A_290 = arith.constant 0 : i32
      %dma_start3A_291 = tpu.memref_slice %arg3[%squeeze3A_276, %dma_start3A_290] : memref<100000x64xf32, #tpu.memory_space<hbm>> -> memref<1x64xf32, #tpu.memory_space<hbm>>
      %dma_start3A_292 = tpu.memref_squeeze %dma_start3A_291 : memref<1x64xf32, #tpu.memory_space<hbm>> -> memref<64xf32, #tpu.memory_space<hbm>>
      tpu.enqueue_dma source(%dma_start3A_292 : memref<64xf32, #tpu.memory_space<hbm>>) target(%dma_start3A_289 : memref<64xf32, #tpu.memory_space<vmem>>) target_semaphore(%arg10 : memref<!tpu.dma_semaphore, #tpu.memory_space<semaphore_mem>>)
      %slice3A_293 = vector.extract_strided_slice %get3A_25 {offsets = [15], sizes = [1], strides = [1]} : vector<16xi32> to vector<1xi32>
      %squeeze3A_294 = vector.extract %slice3A_293[0] : i32 from vector<1xi32>
      %mul3A_295 = arith.constant 16 : i32
      %mul3A_296 = arith.muli %scan3A_21, %mul3A_295 : i32
      %add3A_297 = arith.constant 15 : i32
      %add3A_298 = arith.addi %mul3A_296, %add3A_297 : i32
      %dma_start3A_299 = arith.constant 0 : i32
      %dma_start3A_300 = tpu.memref_slice %arg7[%add3A_298, %dma_start3A_299] : memref<128x64xf32, #tpu.memory_space<vmem>> -> memref<1x64xf32, #tpu.memory_space<vmem>>
      %dma_start3A_301 = tpu.memref_squeeze %dma_start3A_300 : memref<1x64xf32, #tpu.memory_space<vmem>> -> memref<64xf32, #tpu.memory_space<vmem>>
      %dma_start3A_302 = arith.constant 0 : i32
      %dma_start3A_303 = tpu.memref_slice %arg3[%squeeze3A_294, %dma_start3A_302] : memref<100000x64xf32, #tpu.memory_space<hbm>> -> memref<1x64xf32, #tpu.memory_space<hbm>>
      %dma_start3A_304 = tpu.memref_squeeze %dma_start3A_303 : memref<1x64xf32, #tpu.memory_space<hbm>> -> memref<64xf32, #tpu.memory_space<hbm>>
      %dma_start3A_305 = arith.constant 0 : i32
      %dma_start3A_306 = tpu.memref_slice %arg7[%add3A_298, %dma_start3A_305] : memref<128x64xf32, #tpu.memory_space<vmem>> -> memref<1x64xf32, #tpu.memory_space<vmem>>
      %dma_start3A_307 = tpu.memref_squeeze %dma_start3A_306 : memref<1x64xf32, #tpu.memory_space<vmem>> -> memref<64xf32, #tpu.memory_space<vmem>>
      %dma_start3A_308 = arith.constant 0 : i32
      %dma_start3A_309 = tpu.memref_slice %arg3[%squeeze3A_294, %dma_start3A_308] : memref<100000x64xf32, #tpu.memory_space<hbm>> -> memref<1x64xf32, #tpu.memory_space<hbm>>
      %dma_start3A_310 = tpu.memref_squeeze %dma_start3A_309 : memref<1x64xf32, #tpu.memory_space<hbm>> -> memref<64xf32, #tpu.memory_space<hbm>>
      tpu.enqueue_dma source(%dma_start3A_310 : memref<64xf32, #tpu.memory_space<hbm>>) target(%dma_start3A_307 : memref<64xf32, #tpu.memory_space<vmem>>) target_semaphore(%arg10 : memref<!tpu.dma_semaphore, #tpu.memory_space<semaphore_mem>>)
    }
    %scan3A_7 = arith.constant 8 : i32
    "tpu.region"() ({
      %run_scoped3A = tpu.sem_alloc : memref<!tpu.dma_semaphore, #tpu.memory_space<semaphore_mem>>
      %dma_start3A = arith.constant 0 : i32
      %dma_start3A_21 = tpu.memref_slice %arg4[%mul3A_2, %dma_start3A] : memref<4096x128xf32, #tpu.memory_space<hbm>> -> memref<128x128xf32, #tpu.memory_space<hbm>>
      %dma_start3A_22 = arith.constant 0 : i32
      %dma_start3A_23 = tpu.memref_slice %arg4[%mul3A_2, %dma_start3A_22] : memref<4096x128xf32, #tpu.memory_space<hbm>> -> memref<128x128xf32, #tpu.memory_space<hbm>>
      tpu.enqueue_dma source(%dma_start3A_23 : memref<128x128xf32, #tpu.memory_space<hbm>>) target(%arg8 : memref<128x128xf32, #tpu.memory_space<vmem>>) target_semaphore(%run_scoped3A : memref<!tpu.dma_semaphore, #tpu.memory_space<semaphore_mem>>)
      %dma_wait3A_24 = arith.constant 0 : i32
      %dma_wait3A_25 = tpu.memref_slice %arg4[%mul3A_2, %dma_wait3A_24] : memref<4096x128xf32, #tpu.memory_space<hbm>> -> memref<128x128xf32, #tpu.memory_space<hbm>>
      %dma_wait3A_26 = arith.constant 0 : i32
      %dma_wait3A_27 = tpu.memref_slice %arg4[%mul3A_2, %dma_wait3A_26] : memref<4096x128xf32, #tpu.memory_space<hbm>> -> memref<128x128xf32, #tpu.memory_space<hbm>>
      tpu.wait_dma2 semaphore(%run_scoped3A : memref<!tpu.dma_semaphore, #tpu.memory_space<semaphore_mem>>) src(%dma_wait3A_27 : memref<128x128xf32, #tpu.memory_space<hbm>>) dst(%arg8 : memref<128x128xf32, #tpu.memory_space<vmem>>)
      tpu.yield
    }) : () -> ()
    %dma_wait3A = arith.constant 0 : i32
    %dma_wait3A_8 = arith.constant 0 : i32
    %dma_wait3A_9 = tpu.memref_slice %arg3[%dma_wait3A, %dma_wait3A_8] : memref<100000x64xf32, #tpu.memory_space<hbm>> -> memref<128x64xf32, #tpu.memory_space<hbm>>
    %dma_wait3A_10 = arith.constant 0 : i32
    %dma_wait3A_11 = arith.constant 0 : i32
    %dma_wait3A_12 = tpu.memref_slice %arg3[%dma_wait3A_10, %dma_wait3A_11] : memref<100000x64xf32, #tpu.memory_space<hbm>> -> memref<128x64xf32, #tpu.memory_space<hbm>>
    tpu.wait_dma2 semaphore(%arg10 : memref<!tpu.dma_semaphore, #tpu.memory_space<semaphore_mem>>) src(%dma_wait3A_12 : memref<128x64xf32, #tpu.memory_space<hbm>>) dst(%arg7 : memref<128x64xf32, #tpu.memory_space<vmem>>)
    %scan3A_13 = arith.constant 0 : i32
    %scan3A_14 = arith.constant 1.000000e+00 : f32
    %scan3A_15 = arith.constant 0.000000e+00 : f32
    %scan3A_16 = arith.constant 0 : i32
    %scan3A_17 = arith.constant 8 : i32
    %scan3A_18 = arith.addi %scan3A_16, %scan3A_17 : i32
    %scan3A_19 = arith.constant 1 : i32
    scf.for %scan3A_21 = %scan3A_16 to %scan3A_18 step %scan3A_19  : i32 {
      %mul3A_22 = arith.constant 16 : i32
      %mul3A_23 = arith.muli %scan3A_21, %mul3A_22 : i32
      %get3A = arith.index_cast %mul3A_23 : i32 to index
      %get3A_24 = tpu.vector_load %arg6[%get3A] {strides = array<i32>} : memref<128xi32, #tpu.memory_space<vmem>>, vector<16xi32>,
      %get3A_25 = vector.shape_cast %get3A_24 : vector<16xi32> to vector<16xi32>
      %ne3A = arith.constant 0 : i32
      %ne3A_26 = vector.broadcast %ne3A : i32 to vector<16xi32>
      %ne3A_27 = arith.cmpi ne, %get3A_25, %ne3A_26 : vector<16xi32>
      %broadcast_in_dim3A = vector.broadcast %scan3A_14 : f32 to vector<16xf32>
      %broadcast_in_dim3A_28 = vector.broadcast %scan3A_15 : f32 to vector<16xf32>
      %select_n3A = arith.select %ne3A_27, %broadcast_in_dim3A, %broadcast_in_dim3A_28 : vector<16xi1>, vector<16xf32>
      %mul3A_29 = arith.constant 16 : i32
      %mul3A_30 = arith.muli %scan3A_21, %mul3A_29 : i32
      %add3A_31 = arith.constant 0 : i32
      %add3A_32 = arith.addi %mul3A_30, %add3A_31 : i32
      %slice3A = vector.extract_strided_slice %select_n3A {offsets = [0], sizes = [1], strides = [1]} : vector<16xf32> to vector<1xf32>
      %squeeze3A = vector.extract %slice3A[0] : f32 from vector<1xf32>
      %broadcast_in_dim3A_33 = vector.broadcast %squeeze3A : f32 to vector<16xf32>
      %get3A_34 = arith.index_cast %add3A_32 : i32 to index
      %get3A_35 = arith.constant 0 : index
      %get3A_36 = tpu.vector_load %arg8[%get3A_34, %get3A_35] {strides = array<i32>} : memref<128x128xf32, #tpu.memory_space<vmem>>, vector<1x16xf32>,
      %get3A_37 = vector.shape_cast %get3A_36 : vector<1x16xf32> to vector<16xf32>
      %get3A_38 = arith.index_cast %add3A_32 : i32 to index
      %get3A_39 = arith.constant 0 : index
      %get3A_40 = tpu.vector_load %arg7[%get3A_38, %get3A_39] {strides = array<i32>} : memref<128x64xf32, #tpu.memory_space<vmem>>, vector<1x16xf32>,
      %get3A_41 = vector.shape_cast %get3A_40 : vector<1x16xf32> to vector<16xf32>
      %mul3A_42 = arith.mulf %get3A_41, %broadcast_in_dim3A_33 : vector<16xf32>
      %add3A_43 = arith.addf %get3A_37, %mul3A_42 : vector<16xf32>
      %swap3A = arith.index_cast %add3A_32 : i32 to index
      %swap3A_44 = arith.constant 0 : index
      %swap3A_45 = tpu.vector_load %arg9[%swap3A, %swap3A_44] {strides = array<i32>} : memref<128x64xf32, #tpu.memory_space<vmem>>, vector<1x16xf32>,
      %swap3A_46 = vector.shape_cast %swap3A_45 : vector<1x16xf32> to vector<16xf32>
      %swap3A_47 = vector.shape_cast %add3A_43 : vector<16xf32> to vector<1x16xf32>
      tpu.vector_store %arg9[%swap3A, %swap3A_44], %swap3A_47 {strides = array<i32>} : memref<128x64xf32, #tpu.memory_space<vmem>>, vector<1x16xf32>,
      %get3A_48 = arith.index_cast %add3A_32 : i32 to index
      %get3A_49 = arith.constant 16 : index
      %get3A_50 = tpu.vector_load %arg8[%get3A_48, %get3A_49] {strides = array<i32>} : memref<128x128xf32, #tpu.memory_space<vmem>>, vector<1x16xf32>,
      %get3A_51 = vector.shape_cast %get3A_50 : vector<1x16xf32> to vector<16xf32>
      %get3A_52 = arith.index_cast %add3A_32 : i32 to index
      %get3A_53 = arith.constant 16 : index
      %get3A_54 = tpu.vector_load %arg7[%get3A_52, %get3A_53] {strides = array<i32>} : memref<128x64xf32, #tpu.memory_space<vmem>>, vector<1x16xf32>,
      %get3A_55 = vector.shape_cast %get3A_54 : vector<1x16xf32> to vector<16xf32>
      %mul3A_56 = arith.mulf %get3A_55, %broadcast_in_dim3A_33 : vector<16xf32>
      %add3A_57 = arith.addf %get3A_51, %mul3A_56 : vector<16xf32>
      %swap3A_58 = arith.index_cast %add3A_32 : i32 to index
      %swap3A_59 = arith.constant 16 : index
      %swap3A_60 = tpu.vector_load %arg9[%swap3A_58, %swap3A_59] {strides = array<i32>} : memref<128x64xf32, #tpu.memory_space<vmem>>, vector<1x16xf32>,
      %swap3A_61 = vector.shape_cast %swap3A_60 : vector<1x16xf32> to vector<16xf32>
      %swap3A_62 = vector.shape_cast %add3A_57 : vector<16xf32> to vector<1x16xf32>
      tpu.vector_store %arg9[%swap3A_58, %swap3A_59], %swap3A_62 {strides = array<i32>} : memref<128x64xf32, #tpu.memory_space<vmem>>, vector<1x16xf32>,
      %get3A_63 = arith.index_cast %add3A_32 : i32 to index
      %get3A_64 = arith.constant 32 : index
      %get3A_65 = tpu.vector_load %arg8[%get3A_63, %get3A_64] {strides = array<i32>} : memref<128x128xf32, #tpu.memory_space<vmem>>, vector<1x16xf32>,
      %get3A_66 = vector.shape_cast %get3A_65 : vector<1x16xf32> to vector<16xf32>
      %get3A_67 = arith.index_cast %add3A_32 : i32 to index
      %get3A_68 = arith.constant 32 : index
      %get3A_69 = tpu.vector_load %arg7[%get3A_67, %get3A_68] {strides = array<i32>} : memref<128x64xf32, #tpu.memory_space<vmem>>, vector<1x16xf32>,
      %get3A_70 = vector.shape_cast %get3A_69 : vector<1x16xf32> to vector<16xf32>
      %mul3A_71 = arith.mulf %get3A_70, %broadcast_in_dim3A_33 : vector<16xf32>
      %add3A_72 = arith.addf %get3A_66, %mul3A_71 : vector<16xf32>
      %swap3A_73 = arith.index_cast %add3A_32 : i32 to index
      %swap3A_74 = arith.constant 32 : index
      %swap3A_75 = tpu.vector_load %arg9[%swap3A_73, %swap3A_74] {strides = array<i32>} : memref<128x64xf32, #tpu.memory_space<vmem>>, vector<1x16xf32>,
      %swap3A_76 = vector.shape_cast %swap3A_75 : vector<1x16xf32> to vector<16xf32>
      %swap3A_77 = vector.shape_cast %add3A_72 : vector<16xf32> to vector<1x16xf32>
      tpu.vector_store %arg9[%swap3A_73, %swap3A_74], %swap3A_77 {strides = array<i32>} : memref<128x64xf32, #tpu.memory_space<vmem>>, vector<1x16xf32>,
      %get3A_78 = arith.index_cast %add3A_32 : i32 to index
      %get3A_79 = arith.constant 48 : index
      %get3A_80 = tpu.vector_load %arg8[%get3A_78, %get3A_79] {strides = array<i32>} : memref<128x128xf32, #tpu.memory_space<vmem>>, vector<1x16xf32>,
      %get3A_81 = vector.shape_cast %get3A_80 : vector<1x16xf32> to vector<16xf32>
      %get3A_82 = arith.index_cast %add3A_32 : i32 to index
      %get3A_83 = arith.constant 48 : index
      %get3A_84 = tpu.vector_load %arg7[%get3A_82, %get3A_83] {strides = array<i32>} : memref<128x64xf32, #tpu.memory_space<vmem>>, vector<1x16xf32>,
      %get3A_85 = vector.shape_cast %get3A_84 : vector<1x16xf32> to vector<16xf32>
      %mul3A_86 = arith.mulf %get3A_85, %broadcast_in_dim3A_33 : vector<16xf32>
      %add3A_87 = arith.addf %get3A_81, %mul3A_86 : vector<16xf32>
      %swap3A_88 = arith.index_cast %add3A_32 : i32 to index
      %swap3A_89 = arith.constant 48 : index
      %swap3A_90 = tpu.vector_load %arg9[%swap3A_88, %swap3A_89] {strides = array<i32>} : memref<128x64xf32, #tpu.memory_space<vmem>>, vector<1x16xf32>,
      %swap3A_91 = vector.shape_cast %swap3A_90 : vector<1x16xf32> to vector<16xf32>
      %swap3A_92 = vector.shape_cast %add3A_87 : vector<16xf32> to vector<1x16xf32>
      tpu.vector_store %arg9[%swap3A_88, %swap3A_89], %swap3A_92 {strides = array<i32>} : memref<128x64xf32, #tpu.memory_space<vmem>>, vector<1x16xf32>,
      %mul3A_93 = arith.constant 16 : i32
      %mul3A_94 = arith.muli %scan3A_21, %mul3A_93 : i32
      %add3A_95 = arith.constant 1 : i32
      %add3A_96 = arith.addi %mul3A_94, %add3A_95 : i32
      %slice3A_97 = vector.extract_strided_slice %select_n3A {offsets = [1], sizes = [1], strides = [1]} : vector<16xf32> to vector<1xf32>
      %squeeze3A_98 = vector.extract %slice3A_97[0] : f32 from vector<1xf32>
      %broadcast_in_dim3A_99 = vector.broadcast %squeeze3A_98 : f32 to vector<16xf32>
      %get3A_100 = arith.index_cast %add3A_96 : i32 to index
      %get3A_101 = arith.constant 0 : index
      %get3A_102 = tpu.vector_load %arg8[%get3A_100, %get3A_101] {strides = array<i32>} : memref<128x128xf32, #tpu.memory_space<vmem>>, vector<1x16xf32>,
      %get3A_103 = vector.shape_cast %get3A_102 : vector<1x16xf32> to vector<16xf32>
      %get3A_104 = arith.index_cast %add3A_96 : i32 to index
      %get3A_105 = arith.constant 0 : index
      %get3A_106 = tpu.vector_load %arg7[%get3A_104, %get3A_105] {strides = array<i32>} : memref<128x64xf32, #tpu.memory_space<vmem>>, vector<1x16xf32>,
      %get3A_107 = vector.shape_cast %get3A_106 : vector<1x16xf32> to vector<16xf32>
      %mul3A_108 = arith.mulf %get3A_107, %broadcast_in_dim3A_99 : vector<16xf32>
      %add3A_109 = arith.addf %get3A_103, %mul3A_108 : vector<16xf32>
      %swap3A_110 = arith.index_cast %add3A_96 : i32 to index
      %swap3A_111 = arith.constant 0 : index
      %swap3A_112 = tpu.vector_load %arg9[%swap3A_110, %swap3A_111] {strides = array<i32>} : memref<128x64xf32, #tpu.memory_space<vmem>>, vector<1x16xf32>,
      %swap3A_113 = vector.shape_cast %swap3A_112 : vector<1x16xf32> to vector<16xf32>
      %swap3A_114 = vector.shape_cast %add3A_109 : vector<16xf32> to vector<1x16xf32>
      tpu.vector_store %arg9[%swap3A_110, %swap3A_111], %swap3A_114 {strides = array<i32>} : memref<128x64xf32, #tpu.memory_space<vmem>>, vector<1x16xf32>,
      %get3A_115 = arith.index_cast %add3A_96 : i32 to index
      %get3A_116 = arith.constant 16 : index
      %get3A_117 = tpu.vector_load %arg8[%get3A_115, %get3A_116] {strides = array<i32>} : memref<128x128xf32, #tpu.memory_space<vmem>>, vector<1x16xf32>,
      %get3A_118 = vector.shape_cast %get3A_117 : vector<1x16xf32> to vector<16xf32>
      %get3A_119 = arith.index_cast %add3A_96 : i32 to index
      %get3A_120 = arith.constant 16 : index
      %get3A_121 = tpu.vector_load %arg7[%get3A_119, %get3A_120] {strides = array<i32>} : memref<128x64xf32, #tpu.memory_space<vmem>>, vector<1x16xf32>,
      %get3A_122 = vector.shape_cast %get3A_121 : vector<1x16xf32> to vector<16xf32>
      %mul3A_123 = arith.mulf %get3A_122, %broadcast_in_dim3A_99 : vector<16xf32>
      %add3A_124 = arith.addf %get3A_118, %mul3A_123 : vector<16xf32>
      %swap3A_125 = arith.index_cast %add3A_96 : i32 to index
      %swap3A_126 = arith.constant 16 : index
      %swap3A_127 = tpu.vector_load %arg9[%swap3A_125, %swap3A_126] {strides = array<i32>} : memref<128x64xf32, #tpu.memory_space<vmem>>, vector<1x16xf32>,
      %swap3A_128 = vector.shape_cast %swap3A_127 : vector<1x16xf32> to vector<16xf32>
      %swap3A_129 = vector.shape_cast %add3A_124 : vector<16xf32> to vector<1x16xf32>
      tpu.vector_store %arg9[%swap3A_125, %swap3A_126], %swap3A_129 {strides = array<i32>} : memref<128x64xf32, #tpu.memory_space<vmem>>, vector<1x16xf32>,
      %get3A_130 = arith.index_cast %add3A_96 : i32 to index
      %get3A_131 = arith.constant 32 : index
      %get3A_132 = tpu.vector_load %arg8[%get3A_130, %get3A_131] {strides = array<i32>} : memref<128x128xf32, #tpu.memory_space<vmem>>, vector<1x16xf32>,
      %get3A_133 = vector.shape_cast %get3A_132 : vector<1x16xf32> to vector<16xf32>
      %get3A_134 = arith.index_cast %add3A_96 : i32 to index
      %get3A_135 = arith.constant 32 : index
      %get3A_136 = tpu.vector_load %arg7[%get3A_134, %get3A_135] {strides = array<i32>} : memref<128x64xf32, #tpu.memory_space<vmem>>, vector<1x16xf32>,
      %get3A_137 = vector.shape_cast %get3A_136 : vector<1x16xf32> to vector<16xf32>
      %mul3A_138 = arith.mulf %get3A_137, %broadcast_in_dim3A_99 : vector<16xf32>
      %add3A_139 = arith.addf %get3A_133, %mul3A_138 : vector<16xf32>
      %swap3A_140 = arith.index_cast %add3A_96 : i32 to index
      %swap3A_141 = arith.constant 32 : index
      %swap3A_142 = tpu.vector_load %arg9[%swap3A_140, %swap3A_141] {strides = array<i32>} : memref<128x64xf32, #tpu.memory_space<vmem>>, vector<1x16xf32>,
      %swap3A_143 = vector.shape_cast %swap3A_142 : vector<1x16xf32> to vector<16xf32>
      %swap3A_144 = vector.shape_cast %add3A_139 : vector<16xf32> to vector<1x16xf32>
      tpu.vector_store %arg9[%swap3A_140, %swap3A_141], %swap3A_144 {strides = array<i32>} : memref<128x64xf32, #tpu.memory_space<vmem>>, vector<1x16xf32>,
      %get3A_145 = arith.index_cast %add3A_96 : i32 to index
      %get3A_146 = arith.constant 48 : index
      %get3A_147 = tpu.vector_load %arg8[%get3A_145, %get3A_146] {strides = array<i32>} : memref<128x128xf32, #tpu.memory_space<vmem>>, vector<1x16xf32>,
      %get3A_148 = vector.shape_cast %get3A_147 : vector<1x16xf32> to vector<16xf32>
      %get3A_149 = arith.index_cast %add3A_96 : i32 to index
      %get3A_150 = arith.constant 48 : index
      %get3A_151 = tpu.vector_load %arg7[%get3A_149, %get3A_150] {strides = array<i32>} : memref<128x64xf32, #tpu.memory_space<vmem>>, vector<1x16xf32>,
      %get3A_152 = vector.shape_cast %get3A_151 : vector<1x16xf32> to vector<16xf32>
      %mul3A_153 = arith.mulf %get3A_152, %broadcast_in_dim3A_99 : vector<16xf32>
      %add3A_154 = arith.addf %get3A_148, %mul3A_153 : vector<16xf32>
      %swap3A_155 = arith.index_cast %add3A_96 : i32 to index
      %swap3A_156 = arith.constant 48 : index
      %swap3A_157 = tpu.vector_load %arg9[%swap3A_155, %swap3A_156] {strides = array<i32>} : memref<128x64xf32, #tpu.memory_space<vmem>>, vector<1x16xf32>,
      %swap3A_158 = vector.shape_cast %swap3A_157 : vector<1x16xf32> to vector<16xf32>
      %swap3A_159 = vector.shape_cast %add3A_154 : vector<16xf32> to vector<1x16xf32>
      tpu.vector_store %arg9[%swap3A_155, %swap3A_156], %swap3A_159 {strides = array<i32>} : memref<128x64xf32, #tpu.memory_space<vmem>>, vector<1x16xf32>,
      %mul3A_160 = arith.constant 16 : i32
      %mul3A_161 = arith.muli %scan3A_21, %mul3A_160 : i32
      %add3A_162 = arith.constant 2 : i32
      %add3A_163 = arith.addi %mul3A_161, %add3A_162 : i32
      %slice3A_164 = vector.extract_strided_slice %select_n3A {offsets = [2], sizes = [1], strides = [1]} : vector<16xf32> to vector<1xf32>
      %squeeze3A_165 = vector.extract %slice3A_164[0] : f32 from vector<1xf32>
      %broadcast_in_dim3A_166 = vector.broadcast %squeeze3A_165 : f32 to vector<16xf32>
      %get3A_167 = arith.index_cast %add3A_163 : i32 to index
      %get3A_168 = arith.constant 0 : index
      %get3A_169 = tpu.vector_load %arg8[%get3A_167, %get3A_168] {strides = array<i32>} : memref<128x128xf32, #tpu.memory_space<vmem>>, vector<1x16xf32>,
      %get3A_170 = vector.shape_cast %get3A_169 : vector<1x16xf32> to vector<16xf32>
      %get3A_171 = arith.index_cast %add3A_163 : i32 to index
      %get3A_172 = arith.constant 0 : index
      %get3A_173 = tpu.vector_load %arg7[%get3A_171, %get3A_172] {strides = array<i32>} : memref<128x64xf32, #tpu.memory_space<vmem>>, vector<1x16xf32>,
      %get3A_174 = vector.shape_cast %get3A_173 : vector<1x16xf32> to vector<16xf32>
      %mul3A_175 = arith.mulf %get3A_174, %broadcast_in_dim3A_166 : vector<16xf32>
      %add3A_176 = arith.addf %get3A_170, %mul3A_175 : vector<16xf32>
      %swap3A_177 = arith.index_cast %add3A_163 : i32 to index
      %swap3A_178 = arith.constant 0 : index
      %swap3A_179 = tpu.vector_load %arg9[%swap3A_177, %swap3A_178] {strides = array<i32>} : memref<128x64xf32, #tpu.memory_space<vmem>>, vector<1x16xf32>,
      %swap3A_180 = vector.shape_cast %swap3A_179 : vector<1x16xf32> to vector<16xf32>
      %swap3A_181 = vector.shape_cast %add3A_176 : vector<16xf32> to vector<1x16xf32>
      tpu.vector_store %arg9[%swap3A_177, %swap3A_178], %swap3A_181 {strides = array<i32>} : memref<128x64xf32, #tpu.memory_space<vmem>>, vector<1x16xf32>,
      %get3A_182 = arith.index_cast %add3A_163 : i32 to index
      %get3A_183 = arith.constant 16 : index
      %get3A_184 = tpu.vector_load %arg8[%get3A_182, %get3A_183] {strides = array<i32>} : memref<128x128xf32, #tpu.memory_space<vmem>>, vector<1x16xf32>,
      %get3A_185 = vector.shape_cast %get3A_184 : vector<1x16xf32> to vector<16xf32>
      %get3A_186 = arith.index_cast %add3A_163 : i32 to index
      %get3A_187 = arith.constant 16 : index
      %get3A_188 = tpu.vector_load %arg7[%get3A_186, %get3A_187] {strides = array<i32>} : memref<128x64xf32, #tpu.memory_space<vmem>>, vector<1x16xf32>,
      %get3A_189 = vector.shape_cast %get3A_188 : vector<1x16xf32> to vector<16xf32>
      %mul3A_190 = arith.mulf %get3A_189, %broadcast_in_dim3A_166 : vector<16xf32>
      %add3A_191 = arith.addf %get3A_185, %mul3A_190 : vector<16xf32>
      %swap3A_192 = arith.index_cast %add3A_163 : i32 to index
      %swap3A_193 = arith.constant 16 : index
      %swap3A_194 = tpu.vector_load %arg9[%swap3A_192, %swap3A_193] {strides = array<i32>} : memref<128x64xf32, #tpu.memory_space<vmem>>, vector<1x16xf32>,
      %swap3A_195 = vector.shape_cast %swap3A_194 : vector<1x16xf32> to vector<16xf32>
      %swap3A_196 = vector.shape_cast %add3A_191 : vector<16xf32> to vector<1x16xf32>
      tpu.vector_store %arg9[%swap3A_192, %swap3A_193], %swap3A_196 {strides = array<i32>} : memref<128x64xf32, #tpu.memory_space<vmem>>, vector<1x16xf32>,
      %get3A_197 = arith.index_cast %add3A_163 : i32 to index
      %get3A_198 = arith.constant 32 : index
      %get3A_199 = tpu.vector_load %arg8[%get3A_197, %get3A_198] {strides = array<i32>} : memref<128x128xf32, #tpu.memory_space<vmem>>, vector<1x16xf32>,
      %get3A_200 = vector.shape_cast %get3A_199 : vector<1x16xf32> to vector<16xf32>
      %get3A_201 = arith.index_cast %add3A_163 : i32 to index
      %get3A_202 = arith.constant 32 : index
      %get3A_203 = tpu.vector_load %arg7[%get3A_201, %get3A_202] {strides = array<i32>} : memref<128x64xf32, #tpu.memory_space<vmem>>, vector<1x16xf32>,
      %get3A_204 = vector.shape_cast %get3A_203 : vector<1x16xf32> to vector<16xf32>
      %mul3A_205 = arith.mulf %get3A_204, %broadcast_in_dim3A_166 : vector<16xf32>
      %add3A_206 = arith.addf %get3A_200, %mul3A_205 : vector<16xf32>
      %swap3A_207 = arith.index_cast %add3A_163 : i32 to index
      %swap3A_208 = arith.constant 32 : index
      %swap3A_209 = tpu.vector_load %arg9[%swap3A_207, %swap3A_208] {strides = array<i32>} : memref<128x64xf32, #tpu.memory_space<vmem>>, vector<1x16xf32>,
      %swap3A_210 = vector.shape_cast %swap3A_209 : vector<1x16xf32> to vector<16xf32>
      %swap3A_211 = vector.shape_cast %add3A_206 : vector<16xf32> to vector<1x16xf32>
      tpu.vector_store %arg9[%swap3A_207, %swap3A_208], %swap3A_211 {strides = array<i32>} : memref<128x64xf32, #tpu.memory_space<vmem>>, vector<1x16xf32>,
      %get3A_212 = arith.index_cast %add3A_163 : i32 to index
      %get3A_213 = arith.constant 48 : index
      %get3A_214 = tpu.vector_load %arg8[%get3A_212, %get3A_213] {strides = array<i32>} : memref<128x128xf32, #tpu.memory_space<vmem>>, vector<1x16xf32>,
      %get3A_215 = vector.shape_cast %get3A_214 : vector<1x16xf32> to vector<16xf32>
      %get3A_216 = arith.index_cast %add3A_163 : i32 to index
      %get3A_217 = arith.constant 48 : index
      %get3A_218 = tpu.vector_load %arg7[%get3A_216, %get3A_217] {strides = array<i32>} : memref<128x64xf32, #tpu.memory_space<vmem>>, vector<1x16xf32>,
      %get3A_219 = vector.shape_cast %get3A_218 : vector<1x16xf32> to vector<16xf32>
      %mul3A_220 = arith.mulf %get3A_219, %broadcast_in_dim3A_166 : vector<16xf32>
      %add3A_221 = arith.addf %get3A_215, %mul3A_220 : vector<16xf32>
      %swap3A_222 = arith.index_cast %add3A_163 : i32 to index
      %swap3A_223 = arith.constant 48 : index
      %swap3A_224 = tpu.vector_load %arg9[%swap3A_222, %swap3A_223] {strides = array<i32>} : memref<128x64xf32, #tpu.memory_space<vmem>>, vector<1x16xf32>,
      %swap3A_225 = vector.shape_cast %swap3A_224 : vector<1x16xf32> to vector<16xf32>
      %swap3A_226 = vector.shape_cast %add3A_221 : vector<16xf32> to vector<1x16xf32>
      tpu.vector_store %arg9[%swap3A_222, %swap3A_223], %swap3A_226 {strides = array<i32>} : memref<128x64xf32, #tpu.memory_space<vmem>>, vector<1x16xf32>,
      %mul3A_227 = arith.constant 16 : i32
      %mul3A_228 = arith.muli %scan3A_21, %mul3A_227 : i32
      %add3A_229 = arith.constant 3 : i32
      %add3A_230 = arith.addi %mul3A_228, %add3A_229 : i32
      %slice3A_231 = vector.extract_strided_slice %select_n3A {offsets = [3], sizes = [1], strides = [1]} : vector<16xf32> to vector<1xf32>
      %squeeze3A_232 = vector.extract %slice3A_231[0] : f32 from vector<1xf32>
      %broadcast_in_dim3A_233 = vector.broadcast %squeeze3A_232 : f32 to vector<16xf32>
      %get3A_234 = arith.index_cast %add3A_230 : i32 to index
      %get3A_235 = arith.constant 0 : index
      %get3A_236 = tpu.vector_load %arg8[%get3A_234, %get3A_235] {strides = array<i32>} : memref<128x128xf32, #tpu.memory_space<vmem>>, vector<1x16xf32>,
      %get3A_237 = vector.shape_cast %get3A_236 : vector<1x16xf32> to vector<16xf32>
      %get3A_238 = arith.index_cast %add3A_230 : i32 to index
      %get3A_239 = arith.constant 0 : index
      %get3A_240 = tpu.vector_load %arg7[%get3A_238, %get3A_239] {strides = array<i32>} : memref<128x64xf32, #tpu.memory_space<vmem>>, vector<1x16xf32>,
      %get3A_241 = vector.shape_cast %get3A_240 : vector<1x16xf32> to vector<16xf32>
      %mul3A_242 = arith.mulf %get3A_241, %broadcast_in_dim3A_233 : vector<16xf32>
      %add3A_243 = arith.addf %get3A_237, %mul3A_242 : vector<16xf32>
      %swap3A_244 = arith.index_cast %add3A_230 : i32 to index
      %swap3A_245 = arith.constant 0 : index
      %swap3A_246 = tpu.vector_load %arg9[%swap3A_244, %swap3A_245] {strides = array<i32>} : memref<128x64xf32, #tpu.memory_space<vmem>>, vector<1x16xf32>,
      %swap3A_247 = vector.shape_cast %swap3A_246 : vector<1x16xf32> to vector<16xf32>
      %swap3A_248 = vector.shape_cast %add3A_243 : vector<16xf32> to vector<1x16xf32>
      tpu.vector_store %arg9[%swap3A_244, %swap3A_245], %swap3A_248 {strides = array<i32>} : memref<128x64xf32, #tpu.memory_space<vmem>>, vector<1x16xf32>,
      %get3A_249 = arith.index_cast %add3A_230 : i32 to index
      %get3A_250 = arith.constant 16 : index
      %get3A_251 = tpu.vector_load %arg8[%get3A_249, %get3A_250] {strides = array<i32>} : memref<128x128xf32, #tpu.memory_space<vmem>>, vector<1x16xf32>,
      %get3A_252 = vector.shape_cast %get3A_251 : vector<1x16xf32> to vector<16xf32>
      %get3A_253 = arith.index_cast %add3A_230 : i32 to index
      %get3A_254 = arith.constant 16 : index
      %get3A_255 = tpu.vector_load %arg7[%get3A_253, %get3A_254] {strides = array<i32>} : memref<128x64xf32, #tpu.memory_space<vmem>>, vector<1x16xf32>,
      %get3A_256 = vector.shape_cast %get3A_255 : vector<1x16xf32> to vector<16xf32>
      %mul3A_257 = arith.mulf %get3A_256, %broadcast_in_dim3A_233 : vector<16xf32>
      %add3A_258 = arith.addf %get3A_252, %mul3A_257 : vector<16xf32>
      %swap3A_259 = arith.index_cast %add3A_230 : i32 to index
      %swap3A_260 = arith.constant 16 : index
      %swap3A_261 = tpu.vector_load %arg9[%swap3A_259, %swap3A_260] {strides = array<i32>} : memref<128x64xf32, #tpu.memory_space<vmem>>, vector<1x16xf32>,
      %swap3A_262 = vector.shape_cast %swap3A_261 : vector<1x16xf32> to vector<16xf32>
      %swap3A_263 = vector.shape_cast %add3A_258 : vector<16xf32> to vector<1x16xf32>
      tpu.vector_store %arg9[%swap3A_259, %swap3A_260], %swap3A_263 {strides = array<i32>} : memref<128x64xf32, #tpu.memory_space<vmem>>, vector<1x16xf32>,
      %get3A_264 = arith.index_cast %add3A_230 : i32 to index
      %get3A_265 = arith.constant 32 : index
      %get3A_266 = tpu.vector_load %arg8[%get3A_264, %get3A_265] {strides = array<i32>} : memref<128x128xf32, #tpu.memory_space<vmem>>, vector<1x16xf32>,
      %get3A_267 = vector.shape_cast %get3A_266 : vector<1x16xf32> to vector<16xf32>
      %get3A_268 = arith.index_cast %add3A_230 : i32 to index
      %get3A_269 = arith.constant 32 : index
      %get3A_270 = tpu.vector_load %arg7[%get3A_268, %get3A_269] {strides = array<i32>} : memref<128x64xf32, #tpu.memory_space<vmem>>, vector<1x16xf32>,
      %get3A_271 = vector.shape_cast %get3A_270 : vector<1x16xf32> to vector<16xf32>
      %mul3A_272 = arith.mulf %get3A_271, %broadcast_in_dim3A_233 : vector<16xf32>
      %add3A_273 = arith.addf %get3A_267, %mul3A_272 : vector<16xf32>
      %swap3A_274 = arith.index_cast %add3A_230 : i32 to index
      %swap3A_275 = arith.constant 32 : index
      %swap3A_276 = tpu.vector_load %arg9[%swap3A_274, %swap3A_275] {strides = array<i32>} : memref<128x64xf32, #tpu.memory_space<vmem>>, vector<1x16xf32>,
      %swap3A_277 = vector.shape_cast %swap3A_276 : vector<1x16xf32> to vector<16xf32>
      %swap3A_278 = vector.shape_cast %add3A_273 : vector<16xf32> to vector<1x16xf32>
      tpu.vector_store %arg9[%swap3A_274, %swap3A_275], %swap3A_278 {strides = array<i32>} : memref<128x64xf32, #tpu.memory_space<vmem>>, vector<1x16xf32>,
      %get3A_279 = arith.index_cast %add3A_230 : i32 to index
      %get3A_280 = arith.constant 48 : index
      %get3A_281 = tpu.vector_load %arg8[%get3A_279, %get3A_280] {strides = array<i32>} : memref<128x128xf32, #tpu.memory_space<vmem>>, vector<1x16xf32>,
      %get3A_282 = vector.shape_cast %get3A_281 : vector<1x16xf32> to vector<16xf32>
      %get3A_283 = arith.index_cast %add3A_230 : i32 to index
      %get3A_284 = arith.constant 48 : index
      %get3A_285 = tpu.vector_load %arg7[%get3A_283, %get3A_284] {strides = array<i32>} : memref<128x64xf32, #tpu.memory_space<vmem>>, vector<1x16xf32>,
      %get3A_286 = vector.shape_cast %get3A_285 : vector<1x16xf32> to vector<16xf32>
      %mul3A_287 = arith.mulf %get3A_286, %broadcast_in_dim3A_233 : vector<16xf32>
      %add3A_288 = arith.addf %get3A_282, %mul3A_287 : vector<16xf32>
      %swap3A_289 = arith.index_cast %add3A_230 : i32 to index
      %swap3A_290 = arith.constant 48 : index
      %swap3A_291 = tpu.vector_load %arg9[%swap3A_289, %swap3A_290] {strides = array<i32>} : memref<128x64xf32, #tpu.memory_space<vmem>>, vector<1x16xf32>,
      %swap3A_292 = vector.shape_cast %swap3A_291 : vector<1x16xf32> to vector<16xf32>
      %swap3A_293 = vector.shape_cast %add3A_288 : vector<16xf32> to vector<1x16xf32>
      tpu.vector_store %arg9[%swap3A_289, %swap3A_290], %swap3A_293 {strides = array<i32>} : memref<128x64xf32, #tpu.memory_space<vmem>>, vector<1x16xf32>,
      %mul3A_294 = arith.constant 16 : i32
      %mul3A_295 = arith.muli %scan3A_21, %mul3A_294 : i32
      %add3A_296 = arith.constant 4 : i32
      %add3A_297 = arith.addi %mul3A_295, %add3A_296 : i32
      %slice3A_298 = vector.extract_strided_slice %select_n3A {offsets = [4], sizes = [1], strides = [1]} : vector<16xf32> to vector<1xf32>
      %squeeze3A_299 = vector.extract %slice3A_298[0] : f32 from vector<1xf32>
      %broadcast_in_dim3A_300 = vector.broadcast %squeeze3A_299 : f32 to vector<16xf32>
      %get3A_301 = arith.index_cast %add3A_297 : i32 to index
      %get3A_302 = arith.constant 0 : index
      %get3A_303 = tpu.vector_load %arg8[%get3A_301, %get3A_302] {strides = array<i32>} : memref<128x128xf32, #tpu.memory_space<vmem>>, vector<1x16xf32>,
      %get3A_304 = vector.shape_cast %get3A_303 : vector<1x16xf32> to vector<16xf32>
      %get3A_305 = arith.index_cast %add3A_297 : i32 to index
      %get3A_306 = arith.constant 0 : index
      %get3A_307 = tpu.vector_load %arg7[%get3A_305, %get3A_306] {strides = array<i32>} : memref<128x64xf32, #tpu.memory_space<vmem>>, vector<1x16xf32>,
      %get3A_308 = vector.shape_cast %get3A_307 : vector<1x16xf32> to vector<16xf32>
      %mul3A_309 = arith.mulf %get3A_308, %broadcast_in_dim3A_300 : vector<16xf32>
      %add3A_310 = arith.addf %get3A_304, %mul3A_309 : vector<16xf32>
      %swap3A_311 = arith.index_cast %add3A_297 : i32 to index
      %swap3A_312 = arith.constant 0 : index
      %swap3A_313 = tpu.vector_load %arg9[%swap3A_311, %swap3A_312] {strides = array<i32>} : memref<128x64xf32, #tpu.memory_space<vmem>>, vector<1x16xf32>,
      %swap3A_314 = vector.shape_cast %swap3A_313 : vector<1x16xf32> to vector<16xf32>
      %swap3A_315 = vector.shape_cast %add3A_310 : vector<16xf32> to vector<1x16xf32>
      tpu.vector_store %arg9[%swap3A_311, %swap3A_312], %swap3A_315 {strides = array<i32>} : memref<128x64xf32, #tpu.memory_space<vmem>>, vector<1x16xf32>,
      %get3A_316 = arith.index_cast %add3A_297 : i32 to index
      %get3A_317 = arith.constant 16 : index
      %get3A_318 = tpu.vector_load %arg8[%get3A_316, %get3A_317] {strides = array<i32>} : memref<128x128xf32, #tpu.memory_space<vmem>>, vector<1x16xf32>,
      %get3A_319 = vector.shape_cast %get3A_318 : vector<1x16xf32> to vector<16xf32>
      %get3A_320 = arith.index_cast %add3A_297 : i32 to index
      %get3A_321 = arith.constant 16 : index
      %get3A_322 = tpu.vector_load %arg7[%get3A_320, %get3A_321] {strides = array<i32>} : memref<128x64xf32, #tpu.memory_space<vmem>>, vector<1x16xf32>,
      %get3A_323 = vector.shape_cast %get3A_322 : vector<1x16xf32> to vector<16xf32>
      %mul3A_324 = arith.mulf %get3A_323, %broadcast_in_dim3A_300 : vector<16xf32>
      %add3A_325 = arith.addf %get3A_319, %mul3A_324 : vector<16xf32>
      %swap3A_326 = arith.index_cast %add3A_297 : i32 to index
      %swap3A_327 = arith.constant 16 : index
      %swap3A_328 = tpu.vector_load %arg9[%swap3A_326, %swap3A_327] {strides = array<i32>} : memref<128x64xf32, #tpu.memory_space<vmem>>, vector<1x16xf32>,
      %swap3A_329 = vector.shape_cast %swap3A_328 : vector<1x16xf32> to vector<16xf32>
      %swap3A_330 = vector.shape_cast %add3A_325 : vector<16xf32> to vector<1x16xf32>
      tpu.vector_store %arg9[%swap3A_326, %swap3A_327], %swap3A_330 {strides = array<i32>} : memref<128x64xf32, #tpu.memory_space<vmem>>, vector<1x16xf32>,
      %get3A_331 = arith.index_cast %add3A_297 : i32 to index
      %get3A_332 = arith.constant 32 : index
      %get3A_333 = tpu.vector_load %arg8[%get3A_331, %get3A_332] {strides = array<i32>} : memref<128x128xf32, #tpu.memory_space<vmem>>, vector<1x16xf32>,
      %get3A_334 = vector.shape_cast %get3A_333 : vector<1x16xf32> to vector<16xf32>
      %get3A_335 = arith.index_cast %add3A_297 : i32 to index
      %get3A_336 = arith.constant 32 : index
      %get3A_337 = tpu.vector_load %arg7[%get3A_335, %get3A_336] {strides = array<i32>} : memref<128x64xf32, #tpu.memory_space<vmem>>, vector<1x16xf32>,
      %get3A_338 = vector.shape_cast %get3A_337 : vector<1x16xf32> to vector<16xf32>
      %mul3A_339 = arith.mulf %get3A_338, %broadcast_in_dim3A_300 : vector<16xf32>
      %add3A_340 = arith.addf %get3A_334, %mul3A_339 : vector<16xf32>
      %swap3A_341 = arith.index_cast %add3A_297 : i32 to index
      %swap3A_342 = arith.constant 32 : index
      %swap3A_343 = tpu.vector_load %arg9[%swap3A_341, %swap3A_342] {strides = array<i32>} : memref<128x64xf32, #tpu.memory_space<vmem>>, vector<1x16xf32>,
      %swap3A_344 = vector.shape_cast %swap3A_343 : vector<1x16xf32> to vector<16xf32>
      %swap3A_345 = vector.shape_cast %add3A_340 : vector<16xf32> to vector<1x16xf32>
      tpu.vector_store %arg9[%swap3A_341, %swap3A_342], %swap3A_345 {strides = array<i32>} : memref<128x64xf32, #tpu.memory_space<vmem>>, vector<1x16xf32>,
      %get3A_346 = arith.index_cast %add3A_297 : i32 to index
      %get3A_347 = arith.constant 48 : index
      %get3A_348 = tpu.vector_load %arg8[%get3A_346, %get3A_347] {strides = array<i32>} : memref<128x128xf32, #tpu.memory_space<vmem>>, vector<1x16xf32>,
      %get3A_349 = vector.shape_cast %get3A_348 : vector<1x16xf32> to vector<16xf32>
      %get3A_350 = arith.index_cast %add3A_297 : i32 to index
      %get3A_351 = arith.constant 48 : index
      %get3A_352 = tpu.vector_load %arg7[%get3A_350, %get3A_351] {strides = array<i32>} : memref<128x64xf32, #tpu.memory_space<vmem>>, vector<1x16xf32>,
      %get3A_353 = vector.shape_cast %get3A_352 : vector<1x16xf32> to vector<16xf32>
      %mul3A_354 = arith.mulf %get3A_353, %broadcast_in_dim3A_300 : vector<16xf32>
      %add3A_355 = arith.addf %get3A_349, %mul3A_354 : vector<16xf32>
      %swap3A_356 = arith.index_cast %add3A_297 : i32 to index
      %swap3A_357 = arith.constant 48 : index
      %swap3A_358 = tpu.vector_load %arg9[%swap3A_356, %swap3A_357] {strides = array<i32>} : memref<128x64xf32, #tpu.memory_space<vmem>>, vector<1x16xf32>,
      %swap3A_359 = vector.shape_cast %swap3A_358 : vector<1x16xf32> to vector<16xf32>
      %swap3A_360 = vector.shape_cast %add3A_355 : vector<16xf32> to vector<1x16xf32>
      tpu.vector_store %arg9[%swap3A_356, %swap3A_357], %swap3A_360 {strides = array<i32>} : memref<128x64xf32, #tpu.memory_space<vmem>>, vector<1x16xf32>,
      %mul3A_361 = arith.constant 16 : i32
      %mul3A_362 = arith.muli %scan3A_21, %mul3A_361 : i32
      %add3A_363 = arith.constant 5 : i32
      %add3A_364 = arith.addi %mul3A_362, %add3A_363 : i32
      %slice3A_365 = vector.extract_strided_slice %select_n3A {offsets = [5], sizes = [1], strides = [1]} : vector<16xf32> to vector<1xf32>
      %squeeze3A_366 = vector.extract %slice3A_365[0] : f32 from vector<1xf32>
      %broadcast_in_dim3A_367 = vector.broadcast %squeeze3A_366 : f32 to vector<16xf32>
      %get3A_368 = arith.index_cast %add3A_364 : i32 to index
      %get3A_369 = arith.constant 0 : index
      %get3A_370 = tpu.vector_load %arg8[%get3A_368, %get3A_369] {strides = array<i32>} : memref<128x128xf32, #tpu.memory_space<vmem>>, vector<1x16xf32>,
      %get3A_371 = vector.shape_cast %get3A_370 : vector<1x16xf32> to vector<16xf32>
      %get3A_372 = arith.index_cast %add3A_364 : i32 to index
      %get3A_373 = arith.constant 0 : index
      %get3A_374 = tpu.vector_load %arg7[%get3A_372, %get3A_373] {strides = array<i32>} : memref<128x64xf32, #tpu.memory_space<vmem>>, vector<1x16xf32>,
      %get3A_375 = vector.shape_cast %get3A_374 : vector<1x16xf32> to vector<16xf32>
      %mul3A_376 = arith.mulf %get3A_375, %broadcast_in_dim3A_367 : vector<16xf32>
      %add3A_377 = arith.addf %get3A_371, %mul3A_376 : vector<16xf32>
      %swap3A_378 = arith.index_cast %add3A_364 : i32 to index
      %swap3A_379 = arith.constant 0 : index
      %swap3A_380 = tpu.vector_load %arg9[%swap3A_378, %swap3A_379] {strides = array<i32>} : memref<128x64xf32, #tpu.memory_space<vmem>>, vector<1x16xf32>,
      %swap3A_381 = vector.shape_cast %swap3A_380 : vector<1x16xf32> to vector<16xf32>
      %swap3A_382 = vector.shape_cast %add3A_377 : vector<16xf32> to vector<1x16xf32>
      tpu.vector_store %arg9[%swap3A_378, %swap3A_379], %swap3A_382 {strides = array<i32>} : memref<128x64xf32, #tpu.memory_space<vmem>>, vector<1x16xf32>,
      %get3A_383 = arith.index_cast %add3A_364 : i32 to index
      %get3A_384 = arith.constant 16 : index
      %get3A_385 = tpu.vector_load %arg8[%get3A_383, %get3A_384] {strides = array<i32>} : memref<128x128xf32, #tpu.memory_space<vmem>>, vector<1x16xf32>,
      %get3A_386 = vector.shape_cast %get3A_385 : vector<1x16xf32> to vector<16xf32>
      %get3A_387 = arith.index_cast %add3A_364 : i32 to index
      %get3A_388 = arith.constant 16 : index
      %get3A_389 = tpu.vector_load %arg7[%get3A_387, %get3A_388] {strides = array<i32>} : memref<128x64xf32, #tpu.memory_space<vmem>>, vector<1x16xf32>,
      %get3A_390 = vector.shape_cast %get3A_389 : vector<1x16xf32> to vector<16xf32>
      %mul3A_391 = arith.mulf %get3A_390, %broadcast_in_dim3A_367 : vector<16xf32>
      %add3A_392 = arith.addf %get3A_386, %mul3A_391 : vector<16xf32>
      %swap3A_393 = arith.index_cast %add3A_364 : i32 to index
      %swap3A_394 = arith.constant 16 : index
      %swap3A_395 = tpu.vector_load %arg9[%swap3A_393, %swap3A_394] {strides = array<i32>} : memref<128x64xf32, #tpu.memory_space<vmem>>, vector<1x16xf32>,
      %swap3A_396 = vector.shape_cast %swap3A_395 : vector<1x16xf32> to vector<16xf32>
      %swap3A_397 = vector.shape_cast %add3A_392 : vector<16xf32> to vector<1x16xf32>
      tpu.vector_store %arg9[%swap3A_393, %swap3A_394], %swap3A_397 {strides = array<i32>} : memref<128x64xf32, #tpu.memory_space<vmem>>, vector<1x16xf32>,
      %get3A_398 = arith.index_cast %add3A_364 : i32 to index
      %get3A_399 = arith.constant 32 : index
      %get3A_400 = tpu.vector_load %arg8[%get3A_398, %get3A_399] {strides = array<i32>} : memref<128x128xf32, #tpu.memory_space<vmem>>, vector<1x16xf32>,
      %get3A_401 = vector.shape_cast %get3A_400 : vector<1x16xf32> to vector<16xf32>
      %get3A_402 = arith.index_cast %add3A_364 : i32 to index
      %get3A_403 = arith.constant 32 : index
      %get3A_404 = tpu.vector_load %arg7[%get3A_402, %get3A_403] {strides = array<i32>} : memref<128x64xf32, #tpu.memory_space<vmem>>, vector<1x16xf32>,
      %get3A_405 = vector.shape_cast %get3A_404 : vector<1x16xf32> to vector<16xf32>
      %mul3A_406 = arith.mulf %get3A_405, %broadcast_in_dim3A_367 : vector<16xf32>
      %add3A_407 = arith.addf %get3A_401, %mul3A_406 : vector<16xf32>
      %swap3A_408 = arith.index_cast %add3A_364 : i32 to index
      %swap3A_409 = arith.constant 32 : index
      %swap3A_410 = tpu.vector_load %arg9[%swap3A_408, %swap3A_409] {strides = array<i32>} : memref<128x64xf32, #tpu.memory_space<vmem>>, vector<1x16xf32>,
      %swap3A_411 = vector.shape_cast %swap3A_410 : vector<1x16xf32> to vector<16xf32>
      %swap3A_412 = vector.shape_cast %add3A_407 : vector<16xf32> to vector<1x16xf32>
      tpu.vector_store %arg9[%swap3A_408, %swap3A_409], %swap3A_412 {strides = array<i32>} : memref<128x64xf32, #tpu.memory_space<vmem>>, vector<1x16xf32>,
      %get3A_413 = arith.index_cast %add3A_364 : i32 to index
      %get3A_414 = arith.constant 48 : index
      %get3A_415 = tpu.vector_load %arg8[%get3A_413, %get3A_414] {strides = array<i32>} : memref<128x128xf32, #tpu.memory_space<vmem>>, vector<1x16xf32>,
      %get3A_416 = vector.shape_cast %get3A_415 : vector<1x16xf32> to vector<16xf32>
      %get3A_417 = arith.index_cast %add3A_364 : i32 to index
      %get3A_418 = arith.constant 48 : index
      %get3A_419 = tpu.vector_load %arg7[%get3A_417, %get3A_418] {strides = array<i32>} : memref<128x64xf32, #tpu.memory_space<vmem>>, vector<1x16xf32>,
      %get3A_420 = vector.shape_cast %get3A_419 : vector<1x16xf32> to vector<16xf32>
      %mul3A_421 = arith.mulf %get3A_420, %broadcast_in_dim3A_367 : vector<16xf32>
      %add3A_422 = arith.addf %get3A_416, %mul3A_421 : vector<16xf32>
      %swap3A_423 = arith.index_cast %add3A_364 : i32 to index
      %swap3A_424 = arith.constant 48 : index
      %swap3A_425 = tpu.vector_load %arg9[%swap3A_423, %swap3A_424] {strides = array<i32>} : memref<128x64xf32, #tpu.memory_space<vmem>>, vector<1x16xf32>,
      %swap3A_426 = vector.shape_cast %swap3A_425 : vector<1x16xf32> to vector<16xf32>
      %swap3A_427 = vector.shape_cast %add3A_422 : vector<16xf32> to vector<1x16xf32>
      tpu.vector_store %arg9[%swap3A_423, %swap3A_424], %swap3A_427 {strides = array<i32>} : memref<128x64xf32, #tpu.memory_space<vmem>>, vector<1x16xf32>,
      %mul3A_428 = arith.constant 16 : i32
      %mul3A_429 = arith.muli %scan3A_21, %mul3A_428 : i32
      %add3A_430 = arith.constant 6 : i32
      %add3A_431 = arith.addi %mul3A_429, %add3A_430 : i32
      %slice3A_432 = vector.extract_strided_slice %select_n3A {offsets = [6], sizes = [1], strides = [1]} : vector<16xf32> to vector<1xf32>
      %squeeze3A_433 = vector.extract %slice3A_432[0] : f32 from vector<1xf32>
      %broadcast_in_dim3A_434 = vector.broadcast %squeeze3A_433 : f32 to vector<16xf32>
      %get3A_435 = arith.index_cast %add3A_431 : i32 to index
      %get3A_436 = arith.constant 0 : index
      %get3A_437 = tpu.vector_load %arg8[%get3A_435, %get3A_436] {strides = array<i32>} : memref<128x128xf32, #tpu.memory_space<vmem>>, vector<1x16xf32>,
      %get3A_438 = vector.shape_cast %get3A_437 : vector<1x16xf32> to vector<16xf32>
      %get3A_439 = arith.index_cast %add3A_431 : i32 to index
      %get3A_440 = arith.constant 0 : index
      %get3A_441 = tpu.vector_load %arg7[%get3A_439, %get3A_440] {strides = array<i32>} : memref<128x64xf32, #tpu.memory_space<vmem>>, vector<1x16xf32>,
      %get3A_442 = vector.shape_cast %get3A_441 : vector<1x16xf32> to vector<16xf32>
      %mul3A_443 = arith.mulf %get3A_442, %broadcast_in_dim3A_434 : vector<16xf32>
      %add3A_444 = arith.addf %get3A_438, %mul3A_443 : vector<16xf32>
      %swap3A_445 = arith.index_cast %add3A_431 : i32 to index
      %swap3A_446 = arith.constant 0 : index
      %swap3A_447 = tpu.vector_load %arg9[%swap3A_445, %swap3A_446] {strides = array<i32>} : memref<128x64xf32, #tpu.memory_space<vmem>>, vector<1x16xf32>,
      %swap3A_448 = vector.shape_cast %swap3A_447 : vector<1x16xf32> to vector<16xf32>
      %swap3A_449 = vector.shape_cast %add3A_444 : vector<16xf32> to vector<1x16xf32>
      tpu.vector_store %arg9[%swap3A_445, %swap3A_446], %swap3A_449 {strides = array<i32>} : memref<128x64xf32, #tpu.memory_space<vmem>>, vector<1x16xf32>,
      %get3A_450 = arith.index_cast %add3A_431 : i32 to index
      %get3A_451 = arith.constant 16 : index
      %get3A_452 = tpu.vector_load %arg8[%get3A_450, %get3A_451] {strides = array<i32>} : memref<128x128xf32, #tpu.memory_space<vmem>>, vector<1x16xf32>,
      %get3A_453 = vector.shape_cast %get3A_452 : vector<1x16xf32> to vector<16xf32>
      %get3A_454 = arith.index_cast %add3A_431 : i32 to index
      %get3A_455 = arith.constant 16 : index
      %get3A_456 = tpu.vector_load %arg7[%get3A_454, %get3A_455] {strides = array<i32>} : memref<128x64xf32, #tpu.memory_space<vmem>>, vector<1x16xf32>,
      %get3A_457 = vector.shape_cast %get3A_456 : vector<1x16xf32> to vector<16xf32>
      %mul3A_458 = arith.mulf %get3A_457, %broadcast_in_dim3A_434 : vector<16xf32>
      %add3A_459 = arith.addf %get3A_453, %mul3A_458 : vector<16xf32>
      %swap3A_460 = arith.index_cast %add3A_431 : i32 to index
      %swap3A_461 = arith.constant 16 : index
      %swap3A_462 = tpu.vector_load %arg9[%swap3A_460, %swap3A_461] {strides = array<i32>} : memref<128x64xf32, #tpu.memory_space<vmem>>, vector<1x16xf32>,
      %swap3A_463 = vector.shape_cast %swap3A_462 : vector<1x16xf32> to vector<16xf32>
      %swap3A_464 = vector.shape_cast %add3A_459 : vector<16xf32> to vector<1x16xf32>
      tpu.vector_store %arg9[%swap3A_460, %swap3A_461], %swap3A_464 {strides = array<i32>} : memref<128x64xf32, #tpu.memory_space<vmem>>, vector<1x16xf32>,
      %get3A_465 = arith.index_cast %add3A_431 : i32 to index
      %get3A_466 = arith.constant 32 : index
      %get3A_467 = tpu.vector_load %arg8[%get3A_465, %get3A_466] {strides = array<i32>} : memref<128x128xf32, #tpu.memory_space<vmem>>, vector<1x16xf32>,
      %get3A_468 = vector.shape_cast %get3A_467 : vector<1x16xf32> to vector<16xf32>
      %get3A_469 = arith.index_cast %add3A_431 : i32 to index
      %get3A_470 = arith.constant 32 : index
      %get3A_471 = tpu.vector_load %arg7[%get3A_469, %get3A_470] {strides = array<i32>} : memref<128x64xf32, #tpu.memory_space<vmem>>, vector<1x16xf32>,
      %get3A_472 = vector.shape_cast %get3A_471 : vector<1x16xf32> to vector<16xf32>
      %mul3A_473 = arith.mulf %get3A_472, %broadcast_in_dim3A_434 : vector<16xf32>
      %add3A_474 = arith.addf %get3A_468, %mul3A_473 : vector<16xf32>
      %swap3A_475 = arith.index_cast %add3A_431 : i32 to index
      %swap3A_476 = arith.constant 32 : index
      %swap3A_477 = tpu.vector_load %arg9[%swap3A_475, %swap3A_476] {strides = array<i32>} : memref<128x64xf32, #tpu.memory_space<vmem>>, vector<1x16xf32>,
      %swap3A_478 = vector.shape_cast %swap3A_477 : vector<1x16xf32> to vector<16xf32>
      %swap3A_479 = vector.shape_cast %add3A_474 : vector<16xf32> to vector<1x16xf32>
      tpu.vector_store %arg9[%swap3A_475, %swap3A_476], %swap3A_479 {strides = array<i32>} : memref<128x64xf32, #tpu.memory_space<vmem>>, vector<1x16xf32>,
      %get3A_480 = arith.index_cast %add3A_431 : i32 to index
      %get3A_481 = arith.constant 48 : index
      %get3A_482 = tpu.vector_load %arg8[%get3A_480, %get3A_481] {strides = array<i32>} : memref<128x128xf32, #tpu.memory_space<vmem>>, vector<1x16xf32>,
      %get3A_483 = vector.shape_cast %get3A_482 : vector<1x16xf32> to vector<16xf32>
      %get3A_484 = arith.index_cast %add3A_431 : i32 to index
      %get3A_485 = arith.constant 48 : index
      %get3A_486 = tpu.vector_load %arg7[%get3A_484, %get3A_485] {strides = array<i32>} : memref<128x64xf32, #tpu.memory_space<vmem>>, vector<1x16xf32>,
      %get3A_487 = vector.shape_cast %get3A_486 : vector<1x16xf32> to vector<16xf32>
      %mul3A_488 = arith.mulf %get3A_487, %broadcast_in_dim3A_434 : vector<16xf32>
      %add3A_489 = arith.addf %get3A_483, %mul3A_488 : vector<16xf32>
      %swap3A_490 = arith.index_cast %add3A_431 : i32 to index
      %swap3A_491 = arith.constant 48 : index
      %swap3A_492 = tpu.vector_load %arg9[%swap3A_490, %swap3A_491] {strides = array<i32>} : memref<128x64xf32, #tpu.memory_space<vmem>>, vector<1x16xf32>,
      %swap3A_493 = vector.shape_cast %swap3A_492 : vector<1x16xf32> to vector<16xf32>
      %swap3A_494 = vector.shape_cast %add3A_489 : vector<16xf32> to vector<1x16xf32>
      tpu.vector_store %arg9[%swap3A_490, %swap3A_491], %swap3A_494 {strides = array<i32>} : memref<128x64xf32, #tpu.memory_space<vmem>>, vector<1x16xf32>,
      %mul3A_495 = arith.constant 16 : i32
      %mul3A_496 = arith.muli %scan3A_21, %mul3A_495 : i32
      %add3A_497 = arith.constant 7 : i32
      %add3A_498 = arith.addi %mul3A_496, %add3A_497 : i32
      %slice3A_499 = vector.extract_strided_slice %select_n3A {offsets = [7], sizes = [1], strides = [1]} : vector<16xf32> to vector<1xf32>
      %squeeze3A_500 = vector.extract %slice3A_499[0] : f32 from vector<1xf32>
      %broadcast_in_dim3A_501 = vector.broadcast %squeeze3A_500 : f32 to vector<16xf32>
      %get3A_502 = arith.index_cast %add3A_498 : i32 to index
      %get3A_503 = arith.constant 0 : index
      %get3A_504 = tpu.vector_load %arg8[%get3A_502, %get3A_503] {strides = array<i32>} : memref<128x128xf32, #tpu.memory_space<vmem>>, vector<1x16xf32>,
      %get3A_505 = vector.shape_cast %get3A_504 : vector<1x16xf32> to vector<16xf32>
      %get3A_506 = arith.index_cast %add3A_498 : i32 to index
      %get3A_507 = arith.constant 0 : index
      %get3A_508 = tpu.vector_load %arg7[%get3A_506, %get3A_507] {strides = array<i32>} : memref<128x64xf32, #tpu.memory_space<vmem>>, vector<1x16xf32>,
      %get3A_509 = vector.shape_cast %get3A_508 : vector<1x16xf32> to vector<16xf32>
      %mul3A_510 = arith.mulf %get3A_509, %broadcast_in_dim3A_501 : vector<16xf32>
      %add3A_511 = arith.addf %get3A_505, %mul3A_510 : vector<16xf32>
      %swap3A_512 = arith.index_cast %add3A_498 : i32 to index
      %swap3A_513 = arith.constant 0 : index
      %swap3A_514 = tpu.vector_load %arg9[%swap3A_512, %swap3A_513] {strides = array<i32>} : memref<128x64xf32, #tpu.memory_space<vmem>>, vector<1x16xf32>,
      %swap3A_515 = vector.shape_cast %swap3A_514 : vector<1x16xf32> to vector<16xf32>
      %swap3A_516 = vector.shape_cast %add3A_511 : vector<16xf32> to vector<1x16xf32>
      tpu.vector_store %arg9[%swap3A_512, %swap3A_513], %swap3A_516 {strides = array<i32>} : memref<128x64xf32, #tpu.memory_space<vmem>>, vector<1x16xf32>,
      %get3A_517 = arith.index_cast %add3A_498 : i32 to index
      %get3A_518 = arith.constant 16 : index
      %get3A_519 = tpu.vector_load %arg8[%get3A_517, %get3A_518] {strides = array<i32>} : memref<128x128xf32, #tpu.memory_space<vmem>>, vector<1x16xf32>,
      %get3A_520 = vector.shape_cast %get3A_519 : vector<1x16xf32> to vector<16xf32>
      %get3A_521 = arith.index_cast %add3A_498 : i32 to index
      %get3A_522 = arith.constant 16 : index
      %get3A_523 = tpu.vector_load %arg7[%get3A_521, %get3A_522] {strides = array<i32>} : memref<128x64xf32, #tpu.memory_space<vmem>>, vector<1x16xf32>,
      %get3A_524 = vector.shape_cast %get3A_523 : vector<1x16xf32> to vector<16xf32>
      %mul3A_525 = arith.mulf %get3A_524, %broadcast_in_dim3A_501 : vector<16xf32>
      %add3A_526 = arith.addf %get3A_520, %mul3A_525 : vector<16xf32>
      %swap3A_527 = arith.index_cast %add3A_498 : i32 to index
      %swap3A_528 = arith.constant 16 : index
      %swap3A_529 = tpu.vector_load %arg9[%swap3A_527, %swap3A_528] {strides = array<i32>} : memref<128x64xf32, #tpu.memory_space<vmem>>, vector<1x16xf32>,
      %swap3A_530 = vector.shape_cast %swap3A_529 : vector<1x16xf32> to vector<16xf32>
      %swap3A_531 = vector.shape_cast %add3A_526 : vector<16xf32> to vector<1x16xf32>
      tpu.vector_store %arg9[%swap3A_527, %swap3A_528], %swap3A_531 {strides = array<i32>} : memref<128x64xf32, #tpu.memory_space<vmem>>, vector<1x16xf32>,
      %get3A_532 = arith.index_cast %add3A_498 : i32 to index
      %get3A_533 = arith.constant 32 : index
      %get3A_534 = tpu.vector_load %arg8[%get3A_532, %get3A_533] {strides = array<i32>} : memref<128x128xf32, #tpu.memory_space<vmem>>, vector<1x16xf32>,
      %get3A_535 = vector.shape_cast %get3A_534 : vector<1x16xf32> to vector<16xf32>
      %get3A_536 = arith.index_cast %add3A_498 : i32 to index
      %get3A_537 = arith.constant 32 : index
      %get3A_538 = tpu.vector_load %arg7[%get3A_536, %get3A_537] {strides = array<i32>} : memref<128x64xf32, #tpu.memory_space<vmem>>, vector<1x16xf32>,
      %get3A_539 = vector.shape_cast %get3A_538 : vector<1x16xf32> to vector<16xf32>
      %mul3A_540 = arith.mulf %get3A_539, %broadcast_in_dim3A_501 : vector<16xf32>
      %add3A_541 = arith.addf %get3A_535, %mul3A_540 : vector<16xf32>
      %swap3A_542 = arith.index_cast %add3A_498 : i32 to index
      %swap3A_543 = arith.constant 32 : index
      %swap3A_544 = tpu.vector_load %arg9[%swap3A_542, %swap3A_543] {strides = array<i32>} : memref<128x64xf32, #tpu.memory_space<vmem>>, vector<1x16xf32>,
      %swap3A_545 = vector.shape_cast %swap3A_544 : vector<1x16xf32> to vector<16xf32>
      %swap3A_546 = vector.shape_cast %add3A_541 : vector<16xf32> to vector<1x16xf32>
      tpu.vector_store %arg9[%swap3A_542, %swap3A_543], %swap3A_546 {strides = array<i32>} : memref<128x64xf32, #tpu.memory_space<vmem>>, vector<1x16xf32>,
      %get3A_547 = arith.index_cast %add3A_498 : i32 to index
      %get3A_548 = arith.constant 48 : index
      %get3A_549 = tpu.vector_load %arg8[%get3A_547, %get3A_548] {strides = array<i32>} : memref<128x128xf32, #tpu.memory_space<vmem>>, vector<1x16xf32>,
      %get3A_550 = vector.shape_cast %get3A_549 : vector<1x16xf32> to vector<16xf32>
      %get3A_551 = arith.index_cast %add3A_498 : i32 to index
      %get3A_552 = arith.constant 48 : index
      %get3A_553 = tpu.vector_load %arg7[%get3A_551, %get3A_552] {strides = array<i32>} : memref<128x64xf32, #tpu.memory_space<vmem>>, vector<1x16xf32>,
      %get3A_554 = vector.shape_cast %get3A_553 : vector<1x16xf32> to vector<16xf32>
      %mul3A_555 = arith.mulf %get3A_554, %broadcast_in_dim3A_501 : vector<16xf32>
      %add3A_556 = arith.addf %get3A_550, %mul3A_555 : vector<16xf32>
      %swap3A_557 = arith.index_cast %add3A_498 : i32 to index
      %swap3A_558 = arith.constant 48 : index
      %swap3A_559 = tpu.vector_load %arg9[%swap3A_557, %swap3A_558] {strides = array<i32>} : memref<128x64xf32, #tpu.memory_space<vmem>>, vector<1x16xf32>,
      %swap3A_560 = vector.shape_cast %swap3A_559 : vector<1x16xf32> to vector<16xf32>
      %swap3A_561 = vector.shape_cast %add3A_556 : vector<16xf32> to vector<1x16xf32>
      tpu.vector_store %arg9[%swap3A_557, %swap3A_558], %swap3A_561 {strides = array<i32>} : memref<128x64xf32, #tpu.memory_space<vmem>>, vector<1x16xf32>,
      %mul3A_562 = arith.constant 16 : i32
      %mul3A_563 = arith.muli %scan3A_21, %mul3A_562 : i32
      %add3A_564 = arith.constant 8 : i32
      %add3A_565 = arith.addi %mul3A_563, %add3A_564 : i32
      %slice3A_566 = vector.extract_strided_slice %select_n3A {offsets = [8], sizes = [1], strides = [1]} : vector<16xf32> to vector<1xf32>
      %squeeze3A_567 = vector.extract %slice3A_566[0] : f32 from vector<1xf32>
      %broadcast_in_dim3A_568 = vector.broadcast %squeeze3A_567 : f32 to vector<16xf32>
      %get3A_569 = arith.index_cast %add3A_565 : i32 to index
      %get3A_570 = arith.constant 0 : index
      %get3A_571 = tpu.vector_load %arg8[%get3A_569, %get3A_570] {strides = array<i32>} : memref<128x128xf32, #tpu.memory_space<vmem>>, vector<1x16xf32>,
      %get3A_572 = vector.shape_cast %get3A_571 : vector<1x16xf32> to vector<16xf32>
      %get3A_573 = arith.index_cast %add3A_565 : i32 to index
      %get3A_574 = arith.constant 0 : index
      %get3A_575 = tpu.vector_load %arg7[%get3A_573, %get3A_574] {strides = array<i32>} : memref<128x64xf32, #tpu.memory_space<vmem>>, vector<1x16xf32>,
      %get3A_576 = vector.shape_cast %get3A_575 : vector<1x16xf32> to vector<16xf32>
      %mul3A_577 = arith.mulf %get3A_576, %broadcast_in_dim3A_568 : vector<16xf32>
      %add3A_578 = arith.addf %get3A_572, %mul3A_577 : vector<16xf32>
      %swap3A_579 = arith.index_cast %add3A_565 : i32 to index
      %swap3A_580 = arith.constant 0 : index
      %swap3A_581 = tpu.vector_load %arg9[%swap3A_579, %swap3A_580] {strides = array<i32>} : memref<128x64xf32, #tpu.memory_space<vmem>>, vector<1x16xf32>,
      %swap3A_582 = vector.shape_cast %swap3A_581 : vector<1x16xf32> to vector<16xf32>
      %swap3A_583 = vector.shape_cast %add3A_578 : vector<16xf32> to vector<1x16xf32>
      tpu.vector_store %arg9[%swap3A_579, %swap3A_580], %swap3A_583 {strides = array<i32>} : memref<128x64xf32, #tpu.memory_space<vmem>>, vector<1x16xf32>,
      %get3A_584 = arith.index_cast %add3A_565 : i32 to index
      %get3A_585 = arith.constant 16 : index
      %get3A_586 = tpu.vector_load %arg8[%get3A_584, %get3A_585] {strides = array<i32>} : memref<128x128xf32, #tpu.memory_space<vmem>>, vector<1x16xf32>,
      %get3A_587 = vector.shape_cast %get3A_586 : vector<1x16xf32> to vector<16xf32>
      %get3A_588 = arith.index_cast %add3A_565 : i32 to index
      %get3A_589 = arith.constant 16 : index
      %get3A_590 = tpu.vector_load %arg7[%get3A_588, %get3A_589] {strides = array<i32>} : memref<128x64xf32, #tpu.memory_space<vmem>>, vector<1x16xf32>,
      %get3A_591 = vector.shape_cast %get3A_590 : vector<1x16xf32> to vector<16xf32>
      %mul3A_592 = arith.mulf %get3A_591, %broadcast_in_dim3A_568 : vector<16xf32>
      %add3A_593 = arith.addf %get3A_587, %mul3A_592 : vector<16xf32>
      %swap3A_594 = arith.index_cast %add3A_565 : i32 to index
      %swap3A_595 = arith.constant 16 : index
      %swap3A_596 = tpu.vector_load %arg9[%swap3A_594, %swap3A_595] {strides = array<i32>} : memref<128x64xf32, #tpu.memory_space<vmem>>, vector<1x16xf32>,
      %swap3A_597 = vector.shape_cast %swap3A_596 : vector<1x16xf32> to vector<16xf32>
      %swap3A_598 = vector.shape_cast %add3A_593 : vector<16xf32> to vector<1x16xf32>
      tpu.vector_store %arg9[%swap3A_594, %swap3A_595], %swap3A_598 {strides = array<i32>} : memref<128x64xf32, #tpu.memory_space<vmem>>, vector<1x16xf32>,
      %get3A_599 = arith.index_cast %add3A_565 : i32 to index
      %get3A_600 = arith.constant 32 : index
      %get3A_601 = tpu.vector_load %arg8[%get3A_599, %get3A_600] {strides = array<i32>} : memref<128x128xf32, #tpu.memory_space<vmem>>, vector<1x16xf32>,
      %get3A_602 = vector.shape_cast %get3A_601 : vector<1x16xf32> to vector<16xf32>
      %get3A_603 = arith.index_cast %add3A_565 : i32 to index
      %get3A_604 = arith.constant 32 : index
      %get3A_605 = tpu.vector_load %arg7[%get3A_603, %get3A_604] {strides = array<i32>} : memref<128x64xf32, #tpu.memory_space<vmem>>, vector<1x16xf32>,
      %get3A_606 = vector.shape_cast %get3A_605 : vector<1x16xf32> to vector<16xf32>
      %mul3A_607 = arith.mulf %get3A_606, %broadcast_in_dim3A_568 : vector<16xf32>
      %add3A_608 = arith.addf %get3A_602, %mul3A_607 : vector<16xf32>
      %swap3A_609 = arith.index_cast %add3A_565 : i32 to index
      %swap3A_610 = arith.constant 32 : index
      %swap3A_611 = tpu.vector_load %arg9[%swap3A_609, %swap3A_610] {strides = array<i32>} : memref<128x64xf32, #tpu.memory_space<vmem>>, vector<1x16xf32>,
      %swap3A_612 = vector.shape_cast %swap3A_611 : vector<1x16xf32> to vector<16xf32>
      %swap3A_613 = vector.shape_cast %add3A_608 : vector<16xf32> to vector<1x16xf32>
      tpu.vector_store %arg9[%swap3A_609, %swap3A_610], %swap3A_613 {strides = array<i32>} : memref<128x64xf32, #tpu.memory_space<vmem>>, vector<1x16xf32>,
      %get3A_614 = arith.index_cast %add3A_565 : i32 to index
      %get3A_615 = arith.constant 48 : index
      %get3A_616 = tpu.vector_load %arg8[%get3A_614, %get3A_615] {strides = array<i32>} : memref<128x128xf32, #tpu.memory_space<vmem>>, vector<1x16xf32>,
      %get3A_617 = vector.shape_cast %get3A_616 : vector<1x16xf32> to vector<16xf32>
      %get3A_618 = arith.index_cast %add3A_565 : i32 to index
      %get3A_619 = arith.constant 48 : index
      %get3A_620 = tpu.vector_load %arg7[%get3A_618, %get3A_619] {strides = array<i32>} : memref<128x64xf32, #tpu.memory_space<vmem>>, vector<1x16xf32>,
      %get3A_621 = vector.shape_cast %get3A_620 : vector<1x16xf32> to vector<16xf32>
      %mul3A_622 = arith.mulf %get3A_621, %broadcast_in_dim3A_568 : vector<16xf32>
      %add3A_623 = arith.addf %get3A_617, %mul3A_622 : vector<16xf32>
      %swap3A_624 = arith.index_cast %add3A_565 : i32 to index
      %swap3A_625 = arith.constant 48 : index
      %swap3A_626 = tpu.vector_load %arg9[%swap3A_624, %swap3A_625] {strides = array<i32>} : memref<128x64xf32, #tpu.memory_space<vmem>>, vector<1x16xf32>,
      %swap3A_627 = vector.shape_cast %swap3A_626 : vector<1x16xf32> to vector<16xf32>
      %swap3A_628 = vector.shape_cast %add3A_623 : vector<16xf32> to vector<1x16xf32>
      tpu.vector_store %arg9[%swap3A_624, %swap3A_625], %swap3A_628 {strides = array<i32>} : memref<128x64xf32, #tpu.memory_space<vmem>>, vector<1x16xf32>,
      %mul3A_629 = arith.constant 16 : i32
      %mul3A_630 = arith.muli %scan3A_21, %mul3A_629 : i32
      %add3A_631 = arith.constant 9 : i32
      %add3A_632 = arith.addi %mul3A_630, %add3A_631 : i32
      %slice3A_633 = vector.extract_strided_slice %select_n3A {offsets = [9], sizes = [1], strides = [1]} : vector<16xf32> to vector<1xf32>
      %squeeze3A_634 = vector.extract %slice3A_633[0] : f32 from vector<1xf32>
      %broadcast_in_dim3A_635 = vector.broadcast %squeeze3A_634 : f32 to vector<16xf32>
      %get3A_636 = arith.index_cast %add3A_632 : i32 to index
      %get3A_637 = arith.constant 0 : index
      %get3A_638 = tpu.vector_load %arg8[%get3A_636, %get3A_637] {strides = array<i32>} : memref<128x128xf32, #tpu.memory_space<vmem>>, vector<1x16xf32>,
      %get3A_639 = vector.shape_cast %get3A_638 : vector<1x16xf32> to vector<16xf32>
      %get3A_640 = arith.index_cast %add3A_632 : i32 to index
      %get3A_641 = arith.constant 0 : index
      %get3A_642 = tpu.vector_load %arg7[%get3A_640, %get3A_641] {strides = array<i32>} : memref<128x64xf32, #tpu.memory_space<vmem>>, vector<1x16xf32>,
      %get3A_643 = vector.shape_cast %get3A_642 : vector<1x16xf32> to vector<16xf32>
      %mul3A_644 = arith.mulf %get3A_643, %broadcast_in_dim3A_635 : vector<16xf32>
      %add3A_645 = arith.addf %get3A_639, %mul3A_644 : vector<16xf32>
      %swap3A_646 = arith.index_cast %add3A_632 : i32 to index
      %swap3A_647 = arith.constant 0 : index
      %swap3A_648 = tpu.vector_load %arg9[%swap3A_646, %swap3A_647] {strides = array<i32>} : memref<128x64xf32, #tpu.memory_space<vmem>>, vector<1x16xf32>,
      %swap3A_649 = vector.shape_cast %swap3A_648 : vector<1x16xf32> to vector<16xf32>
      %swap3A_650 = vector.shape_cast %add3A_645 : vector<16xf32> to vector<1x16xf32>
      tpu.vector_store %arg9[%swap3A_646, %swap3A_647], %swap3A_650 {strides = array<i32>} : memref<128x64xf32, #tpu.memory_space<vmem>>, vector<1x16xf32>,
      %get3A_651 = arith.index_cast %add3A_632 : i32 to index
      %get3A_652 = arith.constant 16 : index
      %get3A_653 = tpu.vector_load %arg8[%get3A_651, %get3A_652] {strides = array<i32>} : memref<128x128xf32, #tpu.memory_space<vmem>>, vector<1x16xf32>,
      %get3A_654 = vector.shape_cast %get3A_653 : vector<1x16xf32> to vector<16xf32>
      %get3A_655 = arith.index_cast %add3A_632 : i32 to index
      %get3A_656 = arith.constant 16 : index
      %get3A_657 = tpu.vector_load %arg7[%get3A_655, %get3A_656] {strides = array<i32>} : memref<128x64xf32, #tpu.memory_space<vmem>>, vector<1x16xf32>,
      %get3A_658 = vector.shape_cast %get3A_657 : vector<1x16xf32> to vector<16xf32>
      %mul3A_659 = arith.mulf %get3A_658, %broadcast_in_dim3A_635 : vector<16xf32>
      %add3A_660 = arith.addf %get3A_654, %mul3A_659 : vector<16xf32>
      %swap3A_661 = arith.index_cast %add3A_632 : i32 to index
      %swap3A_662 = arith.constant 16 : index
      %swap3A_663 = tpu.vector_load %arg9[%swap3A_661, %swap3A_662] {strides = array<i32>} : memref<128x64xf32, #tpu.memory_space<vmem>>, vector<1x16xf32>,
      %swap3A_664 = vector.shape_cast %swap3A_663 : vector<1x16xf32> to vector<16xf32>
      %swap3A_665 = vector.shape_cast %add3A_660 : vector<16xf32> to vector<1x16xf32>
      tpu.vector_store %arg9[%swap3A_661, %swap3A_662], %swap3A_665 {strides = array<i32>} : memref<128x64xf32, #tpu.memory_space<vmem>>, vector<1x16xf32>,
      %get3A_666 = arith.index_cast %add3A_632 : i32 to index
      %get3A_667 = arith.constant 32 : index
      %get3A_668 = tpu.vector_load %arg8[%get3A_666, %get3A_667] {strides = array<i32>} : memref<128x128xf32, #tpu.memory_space<vmem>>, vector<1x16xf32>,
      %get3A_669 = vector.shape_cast %get3A_668 : vector<1x16xf32> to vector<16xf32>
      %get3A_670 = arith.index_cast %add3A_632 : i32 to index
      %get3A_671 = arith.constant 32 : index
      %get3A_672 = tpu.vector_load %arg7[%get3A_670, %get3A_671] {strides = array<i32>} : memref<128x64xf32, #tpu.memory_space<vmem>>, vector<1x16xf32>,
      %get3A_673 = vector.shape_cast %get3A_672 : vector<1x16xf32> to vector<16xf32>
      %mul3A_674 = arith.mulf %get3A_673, %broadcast_in_dim3A_635 : vector<16xf32>
      %add3A_675 = arith.addf %get3A_669, %mul3A_674 : vector<16xf32>
      %swap3A_676 = arith.index_cast %add3A_632 : i32 to index
      %swap3A_677 = arith.constant 32 : index
      %swap3A_678 = tpu.vector_load %arg9[%swap3A_676, %swap3A_677] {strides = array<i32>} : memref<128x64xf32, #tpu.memory_space<vmem>>, vector<1x16xf32>,
      %swap3A_679 = vector.shape_cast %swap3A_678 : vector<1x16xf32> to vector<16xf32>
      %swap3A_680 = vector.shape_cast %add3A_675 : vector<16xf32> to vector<1x16xf32>
      tpu.vector_store %arg9[%swap3A_676, %swap3A_677], %swap3A_680 {strides = array<i32>} : memref<128x64xf32, #tpu.memory_space<vmem>>, vector<1x16xf32>,
      %get3A_681 = arith.index_cast %add3A_632 : i32 to index
      %get3A_682 = arith.constant 48 : index
      %get3A_683 = tpu.vector_load %arg8[%get3A_681, %get3A_682] {strides = array<i32>} : memref<128x128xf32, #tpu.memory_space<vmem>>, vector<1x16xf32>,
      %get3A_684 = vector.shape_cast %get3A_683 : vector<1x16xf32> to vector<16xf32>
      %get3A_685 = arith.index_cast %add3A_632 : i32 to index
      %get3A_686 = arith.constant 48 : index
      %get3A_687 = tpu.vector_load %arg7[%get3A_685, %get3A_686] {strides = array<i32>} : memref<128x64xf32, #tpu.memory_space<vmem>>, vector<1x16xf32>,
      %get3A_688 = vector.shape_cast %get3A_687 : vector<1x16xf32> to vector<16xf32>
      %mul3A_689 = arith.mulf %get3A_688, %broadcast_in_dim3A_635 : vector<16xf32>
      %add3A_690 = arith.addf %get3A_684, %mul3A_689 : vector<16xf32>
      %swap3A_691 = arith.index_cast %add3A_632 : i32 to index
      %swap3A_692 = arith.constant 48 : index
      %swap3A_693 = tpu.vector_load %arg9[%swap3A_691, %swap3A_692] {strides = array<i32>} : memref<128x64xf32, #tpu.memory_space<vmem>>, vector<1x16xf32>,
      %swap3A_694 = vector.shape_cast %swap3A_693 : vector<1x16xf32> to vector<16xf32>
      %swap3A_695 = vector.shape_cast %add3A_690 : vector<16xf32> to vector<1x16xf32>
      tpu.vector_store %arg9[%swap3A_691, %swap3A_692], %swap3A_695 {strides = array<i32>} : memref<128x64xf32, #tpu.memory_space<vmem>>, vector<1x16xf32>,
      %mul3A_696 = arith.constant 16 : i32
      %mul3A_697 = arith.muli %scan3A_21, %mul3A_696 : i32
      %add3A_698 = arith.constant 10 : i32
      %add3A_699 = arith.addi %mul3A_697, %add3A_698 : i32
      %slice3A_700 = vector.extract_strided_slice %select_n3A {offsets = [10], sizes = [1], strides = [1]} : vector<16xf32> to vector<1xf32>
      %squeeze3A_701 = vector.extract %slice3A_700[0] : f32 from vector<1xf32>
      %broadcast_in_dim3A_702 = vector.broadcast %squeeze3A_701 : f32 to vector<16xf32>
      %get3A_703 = arith.index_cast %add3A_699 : i32 to index
      %get3A_704 = arith.constant 0 : index
      %get3A_705 = tpu.vector_load %arg8[%get3A_703, %get3A_704] {strides = array<i32>} : memref<128x128xf32, #tpu.memory_space<vmem>>, vector<1x16xf32>,
      %get3A_706 = vector.shape_cast %get3A_705 : vector<1x16xf32> to vector<16xf32>
      %get3A_707 = arith.index_cast %add3A_699 : i32 to index
      %get3A_708 = arith.constant 0 : index
      %get3A_709 = tpu.vector_load %arg7[%get3A_707, %get3A_708] {strides = array<i32>} : memref<128x64xf32, #tpu.memory_space<vmem>>, vector<1x16xf32>,
      %get3A_710 = vector.shape_cast %get3A_709 : vector<1x16xf32> to vector<16xf32>
      %mul3A_711 = arith.mulf %get3A_710, %broadcast_in_dim3A_702 : vector<16xf32>
      %add3A_712 = arith.addf %get3A_706, %mul3A_711 : vector<16xf32>
      %swap3A_713 = arith.index_cast %add3A_699 : i32 to index
      %swap3A_714 = arith.constant 0 : index
      %swap3A_715 = tpu.vector_load %arg9[%swap3A_713, %swap3A_714] {strides = array<i32>} : memref<128x64xf32, #tpu.memory_space<vmem>>, vector<1x16xf32>,
      %swap3A_716 = vector.shape_cast %swap3A_715 : vector<1x16xf32> to vector<16xf32>
      %swap3A_717 = vector.shape_cast %add3A_712 : vector<16xf32> to vector<1x16xf32>
      tpu.vector_store %arg9[%swap3A_713, %swap3A_714], %swap3A_717 {strides = array<i32>} : memref<128x64xf32, #tpu.memory_space<vmem>>, vector<1x16xf32>,
      %get3A_718 = arith.index_cast %add3A_699 : i32 to index
      %get3A_719 = arith.constant 16 : index
      %get3A_720 = tpu.vector_load %arg8[%get3A_718, %get3A_719] {strides = array<i32>} : memref<128x128xf32, #tpu.memory_space<vmem>>, vector<1x16xf32>,
      %get3A_721 = vector.shape_cast %get3A_720 : vector<1x16xf32> to vector<16xf32>
      %get3A_722 = arith.index_cast %add3A_699 : i32 to index
      %get3A_723 = arith.constant 16 : index
      %get3A_724 = tpu.vector_load %arg7[%get3A_722, %get3A_723] {strides = array<i32>} : memref<128x64xf32, #tpu.memory_space<vmem>>, vector<1x16xf32>,
      %get3A_725 = vector.shape_cast %get3A_724 : vector<1x16xf32> to vector<16xf32>
      %mul3A_726 = arith.mulf %get3A_725, %broadcast_in_dim3A_702 : vector<16xf32>
      %add3A_727 = arith.addf %get3A_721, %mul3A_726 : vector<16xf32>
      %swap3A_728 = arith.index_cast %add3A_699 : i32 to index
      %swap3A_729 = arith.constant 16 : index
      %swap3A_730 = tpu.vector_load %arg9[%swap3A_728, %swap3A_729] {strides = array<i32>} : memref<128x64xf32, #tpu.memory_space<vmem>>, vector<1x16xf32>,
      %swap3A_731 = vector.shape_cast %swap3A_730 : vector<1x16xf32> to vector<16xf32>
      %swap3A_732 = vector.shape_cast %add3A_727 : vector<16xf32> to vector<1x16xf32>
      tpu.vector_store %arg9[%swap3A_728, %swap3A_729], %swap3A_732 {strides = array<i32>} : memref<128x64xf32, #tpu.memory_space<vmem>>, vector<1x16xf32>,
      %get3A_733 = arith.index_cast %add3A_699 : i32 to index
      %get3A_734 = arith.constant 32 : index
      %get3A_735 = tpu.vector_load %arg8[%get3A_733, %get3A_734] {strides = array<i32>} : memref<128x128xf32, #tpu.memory_space<vmem>>, vector<1x16xf32>,
      %get3A_736 = vector.shape_cast %get3A_735 : vector<1x16xf32> to vector<16xf32>
      %get3A_737 = arith.index_cast %add3A_699 : i32 to index
      %get3A_738 = arith.constant 32 : index
      %get3A_739 = tpu.vector_load %arg7[%get3A_737, %get3A_738] {strides = array<i32>} : memref<128x64xf32, #tpu.memory_space<vmem>>, vector<1x16xf32>,
      %get3A_740 = vector.shape_cast %get3A_739 : vector<1x16xf32> to vector<16xf32>
      %mul3A_741 = arith.mulf %get3A_740, %broadcast_in_dim3A_702 : vector<16xf32>
      %add3A_742 = arith.addf %get3A_736, %mul3A_741 : vector<16xf32>
      %swap3A_743 = arith.index_cast %add3A_699 : i32 to index
      %swap3A_744 = arith.constant 32 : index
      %swap3A_745 = tpu.vector_load %arg9[%swap3A_743, %swap3A_744] {strides = array<i32>} : memref<128x64xf32, #tpu.memory_space<vmem>>, vector<1x16xf32>,
      %swap3A_746 = vector.shape_cast %swap3A_745 : vector<1x16xf32> to vector<16xf32>
      %swap3A_747 = vector.shape_cast %add3A_742 : vector<16xf32> to vector<1x16xf32>
      tpu.vector_store %arg9[%swap3A_743, %swap3A_744], %swap3A_747 {strides = array<i32>} : memref<128x64xf32, #tpu.memory_space<vmem>>, vector<1x16xf32>,
      %get3A_748 = arith.index_cast %add3A_699 : i32 to index
      %get3A_749 = arith.constant 48 : index
      %get3A_750 = tpu.vector_load %arg8[%get3A_748, %get3A_749] {strides = array<i32>} : memref<128x128xf32, #tpu.memory_space<vmem>>, vector<1x16xf32>,
      %get3A_751 = vector.shape_cast %get3A_750 : vector<1x16xf32> to vector<16xf32>
      %get3A_752 = arith.index_cast %add3A_699 : i32 to index
      %get3A_753 = arith.constant 48 : index
      %get3A_754 = tpu.vector_load %arg7[%get3A_752, %get3A_753] {strides = array<i32>} : memref<128x64xf32, #tpu.memory_space<vmem>>, vector<1x16xf32>,
      %get3A_755 = vector.shape_cast %get3A_754 : vector<1x16xf32> to vector<16xf32>
      %mul3A_756 = arith.mulf %get3A_755, %broadcast_in_dim3A_702 : vector<16xf32>
      %add3A_757 = arith.addf %get3A_751, %mul3A_756 : vector<16xf32>
      %swap3A_758 = arith.index_cast %add3A_699 : i32 to index
      %swap3A_759 = arith.constant 48 : index
      %swap3A_760 = tpu.vector_load %arg9[%swap3A_758, %swap3A_759] {strides = array<i32>} : memref<128x64xf32, #tpu.memory_space<vmem>>, vector<1x16xf32>,
      %swap3A_761 = vector.shape_cast %swap3A_760 : vector<1x16xf32> to vector<16xf32>
      %swap3A_762 = vector.shape_cast %add3A_757 : vector<16xf32> to vector<1x16xf32>
      tpu.vector_store %arg9[%swap3A_758, %swap3A_759], %swap3A_762 {strides = array<i32>} : memref<128x64xf32, #tpu.memory_space<vmem>>, vector<1x16xf32>,
      %mul3A_763 = arith.constant 16 : i32
      %mul3A_764 = arith.muli %scan3A_21, %mul3A_763 : i32
      %add3A_765 = arith.constant 11 : i32
      %add3A_766 = arith.addi %mul3A_764, %add3A_765 : i32
      %slice3A_767 = vector.extract_strided_slice %select_n3A {offsets = [11], sizes = [1], strides = [1]} : vector<16xf32> to vector<1xf32>
      %squeeze3A_768 = vector.extract %slice3A_767[0] : f32 from vector<1xf32>
      %broadcast_in_dim3A_769 = vector.broadcast %squeeze3A_768 : f32 to vector<16xf32>
      %get3A_770 = arith.index_cast %add3A_766 : i32 to index
      %get3A_771 = arith.constant 0 : index
      %get3A_772 = tpu.vector_load %arg8[%get3A_770, %get3A_771] {strides = array<i32>} : memref<128x128xf32, #tpu.memory_space<vmem>>, vector<1x16xf32>,
      %get3A_773 = vector.shape_cast %get3A_772 : vector<1x16xf32> to vector<16xf32>
      %get3A_774 = arith.index_cast %add3A_766 : i32 to index
      %get3A_775 = arith.constant 0 : index
      %get3A_776 = tpu.vector_load %arg7[%get3A_774, %get3A_775] {strides = array<i32>} : memref<128x64xf32, #tpu.memory_space<vmem>>, vector<1x16xf32>,
      %get3A_777 = vector.shape_cast %get3A_776 : vector<1x16xf32> to vector<16xf32>
      %mul3A_778 = arith.mulf %get3A_777, %broadcast_in_dim3A_769 : vector<16xf32>
      %add3A_779 = arith.addf %get3A_773, %mul3A_778 : vector<16xf32>
      %swap3A_780 = arith.index_cast %add3A_766 : i32 to index
      %swap3A_781 = arith.constant 0 : index
      %swap3A_782 = tpu.vector_load %arg9[%swap3A_780, %swap3A_781] {strides = array<i32>} : memref<128x64xf32, #tpu.memory_space<vmem>>, vector<1x16xf32>,
      %swap3A_783 = vector.shape_cast %swap3A_782 : vector<1x16xf32> to vector<16xf32>
      %swap3A_784 = vector.shape_cast %add3A_779 : vector<16xf32> to vector<1x16xf32>
      tpu.vector_store %arg9[%swap3A_780, %swap3A_781], %swap3A_784 {strides = array<i32>} : memref<128x64xf32, #tpu.memory_space<vmem>>, vector<1x16xf32>,
      %get3A_785 = arith.index_cast %add3A_766 : i32 to index
      %get3A_786 = arith.constant 16 : index
      %get3A_787 = tpu.vector_load %arg8[%get3A_785, %get3A_786] {strides = array<i32>} : memref<128x128xf32, #tpu.memory_space<vmem>>, vector<1x16xf32>,
      %get3A_788 = vector.shape_cast %get3A_787 : vector<1x16xf32> to vector<16xf32>
      %get3A_789 = arith.index_cast %add3A_766 : i32 to index
      %get3A_790 = arith.constant 16 : index
      %get3A_791 = tpu.vector_load %arg7[%get3A_789, %get3A_790] {strides = array<i32>} : memref<128x64xf32, #tpu.memory_space<vmem>>, vector<1x16xf32>,
      %get3A_792 = vector.shape_cast %get3A_791 : vector<1x16xf32> to vector<16xf32>
      %mul3A_793 = arith.mulf %get3A_792, %broadcast_in_dim3A_769 : vector<16xf32>
      %add3A_794 = arith.addf %get3A_788, %mul3A_793 : vector<16xf32>
      %swap3A_795 = arith.index_cast %add3A_766 : i32 to index
      %swap3A_796 = arith.constant 16 : index
      %swap3A_797 = tpu.vector_load %arg9[%swap3A_795, %swap3A_796] {strides = array<i32>} : memref<128x64xf32, #tpu.memory_space<vmem>>, vector<1x16xf32>,
      %swap3A_798 = vector.shape_cast %swap3A_797 : vector<1x16xf32> to vector<16xf32>
      %swap3A_799 = vector.shape_cast %add3A_794 : vector<16xf32> to vector<1x16xf32>
      tpu.vector_store %arg9[%swap3A_795, %swap3A_796], %swap3A_799 {strides = array<i32>} : memref<128x64xf32, #tpu.memory_space<vmem>>, vector<1x16xf32>,
      %get3A_800 = arith.index_cast %add3A_766 : i32 to index
      %get3A_801 = arith.constant 32 : index
      %get3A_802 = tpu.vector_load %arg8[%get3A_800, %get3A_801] {strides = array<i32>} : memref<128x128xf32, #tpu.memory_space<vmem>>, vector<1x16xf32>,
      %get3A_803 = vector.shape_cast %get3A_802 : vector<1x16xf32> to vector<16xf32>
      %get3A_804 = arith.index_cast %add3A_766 : i32 to index
      %get3A_805 = arith.constant 32 : index
      %get3A_806 = tpu.vector_load %arg7[%get3A_804, %get3A_805] {strides = array<i32>} : memref<128x64xf32, #tpu.memory_space<vmem>>, vector<1x16xf32>,
      %get3A_807 = vector.shape_cast %get3A_806 : vector<1x16xf32> to vector<16xf32>
      %mul3A_808 = arith.mulf %get3A_807, %broadcast_in_dim3A_769 : vector<16xf32>
      %add3A_809 = arith.addf %get3A_803, %mul3A_808 : vector<16xf32>
      %swap3A_810 = arith.index_cast %add3A_766 : i32 to index
      %swap3A_811 = arith.constant 32 : index
      %swap3A_812 = tpu.vector_load %arg9[%swap3A_810, %swap3A_811] {strides = array<i32>} : memref<128x64xf32, #tpu.memory_space<vmem>>, vector<1x16xf32>,
      %swap3A_813 = vector.shape_cast %swap3A_812 : vector<1x16xf32> to vector<16xf32>
      %swap3A_814 = vector.shape_cast %add3A_809 : vector<16xf32> to vector<1x16xf32>
      tpu.vector_store %arg9[%swap3A_810, %swap3A_811], %swap3A_814 {strides = array<i32>} : memref<128x64xf32, #tpu.memory_space<vmem>>, vector<1x16xf32>,
      %get3A_815 = arith.index_cast %add3A_766 : i32 to index
      %get3A_816 = arith.constant 48 : index
      %get3A_817 = tpu.vector_load %arg8[%get3A_815, %get3A_816] {strides = array<i32>} : memref<128x128xf32, #tpu.memory_space<vmem>>, vector<1x16xf32>,
      %get3A_818 = vector.shape_cast %get3A_817 : vector<1x16xf32> to vector<16xf32>
      %get3A_819 = arith.index_cast %add3A_766 : i32 to index
      %get3A_820 = arith.constant 48 : index
      %get3A_821 = tpu.vector_load %arg7[%get3A_819, %get3A_820] {strides = array<i32>} : memref<128x64xf32, #tpu.memory_space<vmem>>, vector<1x16xf32>,
      %get3A_822 = vector.shape_cast %get3A_821 : vector<1x16xf32> to vector<16xf32>
      %mul3A_823 = arith.mulf %get3A_822, %broadcast_in_dim3A_769 : vector<16xf32>
      %add3A_824 = arith.addf %get3A_818, %mul3A_823 : vector<16xf32>
      %swap3A_825 = arith.index_cast %add3A_766 : i32 to index
      %swap3A_826 = arith.constant 48 : index
      %swap3A_827 = tpu.vector_load %arg9[%swap3A_825, %swap3A_826] {strides = array<i32>} : memref<128x64xf32, #tpu.memory_space<vmem>>, vector<1x16xf32>,
      %swap3A_828 = vector.shape_cast %swap3A_827 : vector<1x16xf32> to vector<16xf32>
      %swap3A_829 = vector.shape_cast %add3A_824 : vector<16xf32> to vector<1x16xf32>
      tpu.vector_store %arg9[%swap3A_825, %swap3A_826], %swap3A_829 {strides = array<i32>} : memref<128x64xf32, #tpu.memory_space<vmem>>, vector<1x16xf32>,
      %mul3A_830 = arith.constant 16 : i32
      %mul3A_831 = arith.muli %scan3A_21, %mul3A_830 : i32
      %add3A_832 = arith.constant 12 : i32
      %add3A_833 = arith.addi %mul3A_831, %add3A_832 : i32
      %slice3A_834 = vector.extract_strided_slice %select_n3A {offsets = [12], sizes = [1], strides = [1]} : vector<16xf32> to vector<1xf32>
      %squeeze3A_835 = vector.extract %slice3A_834[0] : f32 from vector<1xf32>
      %broadcast_in_dim3A_836 = vector.broadcast %squeeze3A_835 : f32 to vector<16xf32>
      %get3A_837 = arith.index_cast %add3A_833 : i32 to index
      %get3A_838 = arith.constant 0 : index
      %get3A_839 = tpu.vector_load %arg8[%get3A_837, %get3A_838] {strides = array<i32>} : memref<128x128xf32, #tpu.memory_space<vmem>>, vector<1x16xf32>,
      %get3A_840 = vector.shape_cast %get3A_839 : vector<1x16xf32> to vector<16xf32>
      %get3A_841 = arith.index_cast %add3A_833 : i32 to index
      %get3A_842 = arith.constant 0 : index
      %get3A_843 = tpu.vector_load %arg7[%get3A_841, %get3A_842] {strides = array<i32>} : memref<128x64xf32, #tpu.memory_space<vmem>>, vector<1x16xf32>,
      %get3A_844 = vector.shape_cast %get3A_843 : vector<1x16xf32> to vector<16xf32>
      %mul3A_845 = arith.mulf %get3A_844, %broadcast_in_dim3A_836 : vector<16xf32>
      %add3A_846 = arith.addf %get3A_840, %mul3A_845 : vector<16xf32>
      %swap3A_847 = arith.index_cast %add3A_833 : i32 to index
      %swap3A_848 = arith.constant 0 : index
      %swap3A_849 = tpu.vector_load %arg9[%swap3A_847, %swap3A_848] {strides = array<i32>} : memref<128x64xf32, #tpu.memory_space<vmem>>, vector<1x16xf32>,
      %swap3A_850 = vector.shape_cast %swap3A_849 : vector<1x16xf32> to vector<16xf32>
      %swap3A_851 = vector.shape_cast %add3A_846 : vector<16xf32> to vector<1x16xf32>
      tpu.vector_store %arg9[%swap3A_847, %swap3A_848], %swap3A_851 {strides = array<i32>} : memref<128x64xf32, #tpu.memory_space<vmem>>, vector<1x16xf32>,
      %get3A_852 = arith.index_cast %add3A_833 : i32 to index
      %get3A_853 = arith.constant 16 : index
      %get3A_854 = tpu.vector_load %arg8[%get3A_852, %get3A_853] {strides = array<i32>} : memref<128x128xf32, #tpu.memory_space<vmem>>, vector<1x16xf32>,
      %get3A_855 = vector.shape_cast %get3A_854 : vector<1x16xf32> to vector<16xf32>
      %get3A_856 = arith.index_cast %add3A_833 : i32 to index
      %get3A_857 = arith.constant 16 : index
      %get3A_858 = tpu.vector_load %arg7[%get3A_856, %get3A_857] {strides = array<i32>} : memref<128x64xf32, #tpu.memory_space<vmem>>, vector<1x16xf32>,
      %get3A_859 = vector.shape_cast %get3A_858 : vector<1x16xf32> to vector<16xf32>
      %mul3A_860 = arith.mulf %get3A_859, %broadcast_in_dim3A_836 : vector<16xf32>
      %add3A_861 = arith.addf %get3A_855, %mul3A_860 : vector<16xf32>
      %swap3A_862 = arith.index_cast %add3A_833 : i32 to index
      %swap3A_863 = arith.constant 16 : index
      %swap3A_864 = tpu.vector_load %arg9[%swap3A_862, %swap3A_863] {strides = array<i32>} : memref<128x64xf32, #tpu.memory_space<vmem>>, vector<1x16xf32>,
      %swap3A_865 = vector.shape_cast %swap3A_864 : vector<1x16xf32> to vector<16xf32>
      %swap3A_866 = vector.shape_cast %add3A_861 : vector<16xf32> to vector<1x16xf32>
      tpu.vector_store %arg9[%swap3A_862, %swap3A_863], %swap3A_866 {strides = array<i32>} : memref<128x64xf32, #tpu.memory_space<vmem>>, vector<1x16xf32>,
      %get3A_867 = arith.index_cast %add3A_833 : i32 to index
      %get3A_868 = arith.constant 32 : index
      %get3A_869 = tpu.vector_load %arg8[%get3A_867, %get3A_868] {strides = array<i32>} : memref<128x128xf32, #tpu.memory_space<vmem>>, vector<1x16xf32>,
      %get3A_870 = vector.shape_cast %get3A_869 : vector<1x16xf32> to vector<16xf32>
      %get3A_871 = arith.index_cast %add3A_833 : i32 to index
      %get3A_872 = arith.constant 32 : index
      %get3A_873 = tpu.vector_load %arg7[%get3A_871, %get3A_872] {strides = array<i32>} : memref<128x64xf32, #tpu.memory_space<vmem>>, vector<1x16xf32>,
      %get3A_874 = vector.shape_cast %get3A_873 : vector<1x16xf32> to vector<16xf32>
      %mul3A_875 = arith.mulf %get3A_874, %broadcast_in_dim3A_836 : vector<16xf32>
      %add3A_876 = arith.addf %get3A_870, %mul3A_875 : vector<16xf32>
      %swap3A_877 = arith.index_cast %add3A_833 : i32 to index
      %swap3A_878 = arith.constant 32 : index
      %swap3A_879 = tpu.vector_load %arg9[%swap3A_877, %swap3A_878] {strides = array<i32>} : memref<128x64xf32, #tpu.memory_space<vmem>>, vector<1x16xf32>,
      %swap3A_880 = vector.shape_cast %swap3A_879 : vector<1x16xf32> to vector<16xf32>
      %swap3A_881 = vector.shape_cast %add3A_876 : vector<16xf32> to vector<1x16xf32>
      tpu.vector_store %arg9[%swap3A_877, %swap3A_878], %swap3A_881 {strides = array<i32>} : memref<128x64xf32, #tpu.memory_space<vmem>>, vector<1x16xf32>,
      %get3A_882 = arith.index_cast %add3A_833 : i32 to index
      %get3A_883 = arith.constant 48 : index
      %get3A_884 = tpu.vector_load %arg8[%get3A_882, %get3A_883] {strides = array<i32>} : memref<128x128xf32, #tpu.memory_space<vmem>>, vector<1x16xf32>,
      %get3A_885 = vector.shape_cast %get3A_884 : vector<1x16xf32> to vector<16xf32>
      %get3A_886 = arith.index_cast %add3A_833 : i32 to index
      %get3A_887 = arith.constant 48 : index
      %get3A_888 = tpu.vector_load %arg7[%get3A_886, %get3A_887] {strides = array<i32>} : memref<128x64xf32, #tpu.memory_space<vmem>>, vector<1x16xf32>,
      %get3A_889 = vector.shape_cast %get3A_888 : vector<1x16xf32> to vector<16xf32>
      %mul3A_890 = arith.mulf %get3A_889, %broadcast_in_dim3A_836 : vector<16xf32>
      %add3A_891 = arith.addf %get3A_885, %mul3A_890 : vector<16xf32>
      %swap3A_892 = arith.index_cast %add3A_833 : i32 to index
      %swap3A_893 = arith.constant 48 : index
      %swap3A_894 = tpu.vector_load %arg9[%swap3A_892, %swap3A_893] {strides = array<i32>} : memref<128x64xf32, #tpu.memory_space<vmem>>, vector<1x16xf32>,
      %swap3A_895 = vector.shape_cast %swap3A_894 : vector<1x16xf32> to vector<16xf32>
      %swap3A_896 = vector.shape_cast %add3A_891 : vector<16xf32> to vector<1x16xf32>
      tpu.vector_store %arg9[%swap3A_892, %swap3A_893], %swap3A_896 {strides = array<i32>} : memref<128x64xf32, #tpu.memory_space<vmem>>, vector<1x16xf32>,
      %mul3A_897 = arith.constant 16 : i32
      %mul3A_898 = arith.muli %scan3A_21, %mul3A_897 : i32
      %add3A_899 = arith.constant 13 : i32
      %add3A_900 = arith.addi %mul3A_898, %add3A_899 : i32
      %slice3A_901 = vector.extract_strided_slice %select_n3A {offsets = [13], sizes = [1], strides = [1]} : vector<16xf32> to vector<1xf32>
      %squeeze3A_902 = vector.extract %slice3A_901[0] : f32 from vector<1xf32>
      %broadcast_in_dim3A_903 = vector.broadcast %squeeze3A_902 : f32 to vector<16xf32>
      %get3A_904 = arith.index_cast %add3A_900 : i32 to index
      %get3A_905 = arith.constant 0 : index
      %get3A_906 = tpu.vector_load %arg8[%get3A_904, %get3A_905] {strides = array<i32>} : memref<128x128xf32, #tpu.memory_space<vmem>>, vector<1x16xf32>,
      %get3A_907 = vector.shape_cast %get3A_906 : vector<1x16xf32> to vector<16xf32>
      %get3A_908 = arith.index_cast %add3A_900 : i32 to index
      %get3A_909 = arith.constant 0 : index
      %get3A_910 = tpu.vector_load %arg7[%get3A_908, %get3A_909] {strides = array<i32>} : memref<128x64xf32, #tpu.memory_space<vmem>>, vector<1x16xf32>,
      %get3A_911 = vector.shape_cast %get3A_910 : vector<1x16xf32> to vector<16xf32>
      %mul3A_912 = arith.mulf %get3A_911, %broadcast_in_dim3A_903 : vector<16xf32>
      %add3A_913 = arith.addf %get3A_907, %mul3A_912 : vector<16xf32>
      %swap3A_914 = arith.index_cast %add3A_900 : i32 to index
      %swap3A_915 = arith.constant 0 : index
      %swap3A_916 = tpu.vector_load %arg9[%swap3A_914, %swap3A_915] {strides = array<i32>} : memref<128x64xf32, #tpu.memory_space<vmem>>, vector<1x16xf32>,
      %swap3A_917 = vector.shape_cast %swap3A_916 : vector<1x16xf32> to vector<16xf32>
      %swap3A_918 = vector.shape_cast %add3A_913 : vector<16xf32> to vector<1x16xf32>
      tpu.vector_store %arg9[%swap3A_914, %swap3A_915], %swap3A_918 {strides = array<i32>} : memref<128x64xf32, #tpu.memory_space<vmem>>, vector<1x16xf32>,
      %get3A_919 = arith.index_cast %add3A_900 : i32 to index
      %get3A_920 = arith.constant 16 : index
      %get3A_921 = tpu.vector_load %arg8[%get3A_919, %get3A_920] {strides = array<i32>} : memref<128x128xf32, #tpu.memory_space<vmem>>, vector<1x16xf32>,
      %get3A_922 = vector.shape_cast %get3A_921 : vector<1x16xf32> to vector<16xf32>
      %get3A_923 = arith.index_cast %add3A_900 : i32 to index
      %get3A_924 = arith.constant 16 : index
      %get3A_925 = tpu.vector_load %arg7[%get3A_923, %get3A_924] {strides = array<i32>} : memref<128x64xf32, #tpu.memory_space<vmem>>, vector<1x16xf32>,
      %get3A_926 = vector.shape_cast %get3A_925 : vector<1x16xf32> to vector<16xf32>
      %mul3A_927 = arith.mulf %get3A_926, %broadcast_in_dim3A_903 : vector<16xf32>
      %add3A_928 = arith.addf %get3A_922, %mul3A_927 : vector<16xf32>
      %swap3A_929 = arith.index_cast %add3A_900 : i32 to index
      %swap3A_930 = arith.constant 16 : index
      %swap3A_931 = tpu.vector_load %arg9[%swap3A_929, %swap3A_930] {strides = array<i32>} : memref<128x64xf32, #tpu.memory_space<vmem>>, vector<1x16xf32>,
      %swap3A_932 = vector.shape_cast %swap3A_931 : vector<1x16xf32> to vector<16xf32>
      %swap3A_933 = vector.shape_cast %add3A_928 : vector<16xf32> to vector<1x16xf32>
      tpu.vector_store %arg9[%swap3A_929, %swap3A_930], %swap3A_933 {strides = array<i32>} : memref<128x64xf32, #tpu.memory_space<vmem>>, vector<1x16xf32>,
      %get3A_934 = arith.index_cast %add3A_900 : i32 to index
      %get3A_935 = arith.constant 32 : index
      %get3A_936 = tpu.vector_load %arg8[%get3A_934, %get3A_935] {strides = array<i32>} : memref<128x128xf32, #tpu.memory_space<vmem>>, vector<1x16xf32>,
      %get3A_937 = vector.shape_cast %get3A_936 : vector<1x16xf32> to vector<16xf32>
      %get3A_938 = arith.index_cast %add3A_900 : i32 to index
      %get3A_939 = arith.constant 32 : index
      %get3A_940 = tpu.vector_load %arg7[%get3A_938, %get3A_939] {strides = array<i32>} : memref<128x64xf32, #tpu.memory_space<vmem>>, vector<1x16xf32>,
      %get3A_941 = vector.shape_cast %get3A_940 : vector<1x16xf32> to vector<16xf32>
      %mul3A_942 = arith.mulf %get3A_941, %broadcast_in_dim3A_903 : vector<16xf32>
      %add3A_943 = arith.addf %get3A_937, %mul3A_942 : vector<16xf32>
      %swap3A_944 = arith.index_cast %add3A_900 : i32 to index
      %swap3A_945 = arith.constant 32 : index
      %swap3A_946 = tpu.vector_load %arg9[%swap3A_944, %swap3A_945] {strides = array<i32>} : memref<128x64xf32, #tpu.memory_space<vmem>>, vector<1x16xf32>,
      %swap3A_947 = vector.shape_cast %swap3A_946 : vector<1x16xf32> to vector<16xf32>
      %swap3A_948 = vector.shape_cast %add3A_943 : vector<16xf32> to vector<1x16xf32>
      tpu.vector_store %arg9[%swap3A_944, %swap3A_945], %swap3A_948 {strides = array<i32>} : memref<128x64xf32, #tpu.memory_space<vmem>>, vector<1x16xf32>,
      %get3A_949 = arith.index_cast %add3A_900 : i32 to index
      %get3A_950 = arith.constant 48 : index
      %get3A_951 = tpu.vector_load %arg8[%get3A_949, %get3A_950] {strides = array<i32>} : memref<128x128xf32, #tpu.memory_space<vmem>>, vector<1x16xf32>,
      %get3A_952 = vector.shape_cast %get3A_951 : vector<1x16xf32> to vector<16xf32>
      %get3A_953 = arith.index_cast %add3A_900 : i32 to index
      %get3A_954 = arith.constant 48 : index
      %get3A_955 = tpu.vector_load %arg7[%get3A_953, %get3A_954] {strides = array<i32>} : memref<128x64xf32, #tpu.memory_space<vmem>>, vector<1x16xf32>,
      %get3A_956 = vector.shape_cast %get3A_955 : vector<1x16xf32> to vector<16xf32>
      %mul3A_957 = arith.mulf %get3A_956, %broadcast_in_dim3A_903 : vector<16xf32>
      %add3A_958 = arith.addf %get3A_952, %mul3A_957 : vector<16xf32>
      %swap3A_959 = arith.index_cast %add3A_900 : i32 to index
      %swap3A_960 = arith.constant 48 : index
      %swap3A_961 = tpu.vector_load %arg9[%swap3A_959, %swap3A_960] {strides = array<i32>} : memref<128x64xf32, #tpu.memory_space<vmem>>, vector<1x16xf32>,
      %swap3A_962 = vector.shape_cast %swap3A_961 : vector<1x16xf32> to vector<16xf32>
      %swap3A_963 = vector.shape_cast %add3A_958 : vector<16xf32> to vector<1x16xf32>
      tpu.vector_store %arg9[%swap3A_959, %swap3A_960], %swap3A_963 {strides = array<i32>} : memref<128x64xf32, #tpu.memory_space<vmem>>, vector<1x16xf32>,
      %mul3A_964 = arith.constant 16 : i32
      %mul3A_965 = arith.muli %scan3A_21, %mul3A_964 : i32
      %add3A_966 = arith.constant 14 : i32
      %add3A_967 = arith.addi %mul3A_965, %add3A_966 : i32
      %slice3A_968 = vector.extract_strided_slice %select_n3A {offsets = [14], sizes = [1], strides = [1]} : vector<16xf32> to vector<1xf32>
      %squeeze3A_969 = vector.extract %slice3A_968[0] : f32 from vector<1xf32>
      %broadcast_in_dim3A_970 = vector.broadcast %squeeze3A_969 : f32 to vector<16xf32>
      %get3A_971 = arith.index_cast %add3A_967 : i32 to index
      %get3A_972 = arith.constant 0 : index
      %get3A_973 = tpu.vector_load %arg8[%get3A_971, %get3A_972] {strides = array<i32>} : memref<128x128xf32, #tpu.memory_space<vmem>>, vector<1x16xf32>,
      %get3A_974 = vector.shape_cast %get3A_973 : vector<1x16xf32> to vector<16xf32>
      %get3A_975 = arith.index_cast %add3A_967 : i32 to index
      %get3A_976 = arith.constant 0 : index
      %get3A_977 = tpu.vector_load %arg7[%get3A_975, %get3A_976] {strides = array<i32>} : memref<128x64xf32, #tpu.memory_space<vmem>>, vector<1x16xf32>,
      %get3A_978 = vector.shape_cast %get3A_977 : vector<1x16xf32> to vector<16xf32>
      %mul3A_979 = arith.mulf %get3A_978, %broadcast_in_dim3A_970 : vector<16xf32>
      %add3A_980 = arith.addf %get3A_974, %mul3A_979 : vector<16xf32>
      %swap3A_981 = arith.index_cast %add3A_967 : i32 to index
      %swap3A_982 = arith.constant 0 : index
      %swap3A_983 = tpu.vector_load %arg9[%swap3A_981, %swap3A_982] {strides = array<i32>} : memref<128x64xf32, #tpu.memory_space<vmem>>, vector<1x16xf32>,
      %swap3A_984 = vector.shape_cast %swap3A_983 : vector<1x16xf32> to vector<16xf32>
      %swap3A_985 = vector.shape_cast %add3A_980 : vector<16xf32> to vector<1x16xf32>
      tpu.vector_store %arg9[%swap3A_981, %swap3A_982], %swap3A_985 {strides = array<i32>} : memref<128x64xf32, #tpu.memory_space<vmem>>, vector<1x16xf32>,
      %get3A_986 = arith.index_cast %add3A_967 : i32 to index
      %get3A_987 = arith.constant 16 : index
      %get3A_988 = tpu.vector_load %arg8[%get3A_986, %get3A_987] {strides = array<i32>} : memref<128x128xf32, #tpu.memory_space<vmem>>, vector<1x16xf32>,
      %get3A_989 = vector.shape_cast %get3A_988 : vector<1x16xf32> to vector<16xf32>
      %get3A_990 = arith.index_cast %add3A_967 : i32 to index
      %get3A_991 = arith.constant 16 : index
      %get3A_992 = tpu.vector_load %arg7[%get3A_990, %get3A_991] {strides = array<i32>} : memref<128x64xf32, #tpu.memory_space<vmem>>, vector<1x16xf32>,
      %get3A_993 = vector.shape_cast %get3A_992 : vector<1x16xf32> to vector<16xf32>
      %mul3A_994 = arith.mulf %get3A_993, %broadcast_in_dim3A_970 : vector<16xf32>
      %add3A_995 = arith.addf %get3A_989, %mul3A_994 : vector<16xf32>
      %swap3A_996 = arith.index_cast %add3A_967 : i32 to index
      %swap3A_997 = arith.constant 16 : index
      %swap3A_998 = tpu.vector_load %arg9[%swap3A_996, %swap3A_997] {strides = array<i32>} : memref<128x64xf32, #tpu.memory_space<vmem>>, vector<1x16xf32>,
      %swap3A_999 = vector.shape_cast %swap3A_998 : vector<1x16xf32> to vector<16xf32>
      %swap3A_1000 = vector.shape_cast %add3A_995 : vector<16xf32> to vector<1x16xf32>
      tpu.vector_store %arg9[%swap3A_996, %swap3A_997], %swap3A_1000 {strides = array<i32>} : memref<128x64xf32, #tpu.memory_space<vmem>>, vector<1x16xf32>,
      %get3A_1001 = arith.index_cast %add3A_967 : i32 to index
      %get3A_1002 = arith.constant 32 : index
      %get3A_1003 = tpu.vector_load %arg8[%get3A_1001, %get3A_1002] {strides = array<i32>} : memref<128x128xf32, #tpu.memory_space<vmem>>, vector<1x16xf32>,
      %get3A_1004 = vector.shape_cast %get3A_1003 : vector<1x16xf32> to vector<16xf32>
      %get3A_1005 = arith.index_cast %add3A_967 : i32 to index
      %get3A_1006 = arith.constant 32 : index
      %get3A_1007 = tpu.vector_load %arg7[%get3A_1005, %get3A_1006] {strides = array<i32>} : memref<128x64xf32, #tpu.memory_space<vmem>>, vector<1x16xf32>,
      %get3A_1008 = vector.shape_cast %get3A_1007 : vector<1x16xf32> to vector<16xf32>
      %mul3A_1009 = arith.mulf %get3A_1008, %broadcast_in_dim3A_970 : vector<16xf32>
      %add3A_1010 = arith.addf %get3A_1004, %mul3A_1009 : vector<16xf32>
      %swap3A_1011 = arith.index_cast %add3A_967 : i32 to index
      %swap3A_1012 = arith.constant 32 : index
      %swap3A_1013 = tpu.vector_load %arg9[%swap3A_1011, %swap3A_1012] {strides = array<i32>} : memref<128x64xf32, #tpu.memory_space<vmem>>, vector<1x16xf32>,
      %swap3A_1014 = vector.shape_cast %swap3A_1013 : vector<1x16xf32> to vector<16xf32>
      %swap3A_1015 = vector.shape_cast %add3A_1010 : vector<16xf32> to vector<1x16xf32>
      tpu.vector_store %arg9[%swap3A_1011, %swap3A_1012], %swap3A_1015 {strides = array<i32>} : memref<128x64xf32, #tpu.memory_space<vmem>>, vector<1x16xf32>,
      %get3A_1016 = arith.index_cast %add3A_967 : i32 to index
      %get3A_1017 = arith.constant 48 : index
      %get3A_1018 = tpu.vector_load %arg8[%get3A_1016, %get3A_1017] {strides = array<i32>} : memref<128x128xf32, #tpu.memory_space<vmem>>, vector<1x16xf32>,
      %get3A_1019 = vector.shape_cast %get3A_1018 : vector<1x16xf32> to vector<16xf32>
      %get3A_1020 = arith.index_cast %add3A_967 : i32 to index
      %get3A_1021 = arith.constant 48 : index
      %get3A_1022 = tpu.vector_load %arg7[%get3A_1020, %get3A_1021] {strides = array<i32>} : memref<128x64xf32, #tpu.memory_space<vmem>>, vector<1x16xf32>,
      %get3A_1023 = vector.shape_cast %get3A_1022 : vector<1x16xf32> to vector<16xf32>
      %mul3A_1024 = arith.mulf %get3A_1023, %broadcast_in_dim3A_970 : vector<16xf32>
      %add3A_1025 = arith.addf %get3A_1019, %mul3A_1024 : vector<16xf32>
      %swap3A_1026 = arith.index_cast %add3A_967 : i32 to index
      %swap3A_1027 = arith.constant 48 : index
      %swap3A_1028 = tpu.vector_load %arg9[%swap3A_1026, %swap3A_1027] {strides = array<i32>} : memref<128x64xf32, #tpu.memory_space<vmem>>, vector<1x16xf32>,
      %swap3A_1029 = vector.shape_cast %swap3A_1028 : vector<1x16xf32> to vector<16xf32>
      %swap3A_1030 = vector.shape_cast %add3A_1025 : vector<16xf32> to vector<1x16xf32>
      tpu.vector_store %arg9[%swap3A_1026, %swap3A_1027], %swap3A_1030 {strides = array<i32>} : memref<128x64xf32, #tpu.memory_space<vmem>>, vector<1x16xf32>,
      %mul3A_1031 = arith.constant 16 : i32
      %mul3A_1032 = arith.muli %scan3A_21, %mul3A_1031 : i32
      %add3A_1033 = arith.constant 15 : i32
      %add3A_1034 = arith.addi %mul3A_1032, %add3A_1033 : i32
      %slice3A_1035 = vector.extract_strided_slice %select_n3A {offsets = [15], sizes = [1], strides = [1]} : vector<16xf32> to vector<1xf32>
      %squeeze3A_1036 = vector.extract %slice3A_1035[0] : f32 from vector<1xf32>
      %broadcast_in_dim3A_1037 = vector.broadcast %squeeze3A_1036 : f32 to vector<16xf32>
      %get3A_1038 = arith.index_cast %add3A_1034 : i32 to index
      %get3A_1039 = arith.constant 0 : index
      %get3A_1040 = tpu.vector_load %arg8[%get3A_1038, %get3A_1039] {strides = array<i32>} : memref<128x128xf32, #tpu.memory_space<vmem>>, vector<1x16xf32>,
      %get3A_1041 = vector.shape_cast %get3A_1040 : vector<1x16xf32> to vector<16xf32>
      %get3A_1042 = arith.index_cast %add3A_1034 : i32 to index
      %get3A_1043 = arith.constant 0 : index
      %get3A_1044 = tpu.vector_load %arg7[%get3A_1042, %get3A_1043] {strides = array<i32>} : memref<128x64xf32, #tpu.memory_space<vmem>>, vector<1x16xf32>,
      %get3A_1045 = vector.shape_cast %get3A_1044 : vector<1x16xf32> to vector<16xf32>
      %mul3A_1046 = arith.mulf %get3A_1045, %broadcast_in_dim3A_1037 : vector<16xf32>
      %add3A_1047 = arith.addf %get3A_1041, %mul3A_1046 : vector<16xf32>
      %swap3A_1048 = arith.index_cast %add3A_1034 : i32 to index
      %swap3A_1049 = arith.constant 0 : index
      %swap3A_1050 = tpu.vector_load %arg9[%swap3A_1048, %swap3A_1049] {strides = array<i32>} : memref<128x64xf32, #tpu.memory_space<vmem>>, vector<1x16xf32>,
      %swap3A_1051 = vector.shape_cast %swap3A_1050 : vector<1x16xf32> to vector<16xf32>
      %swap3A_1052 = vector.shape_cast %add3A_1047 : vector<16xf32> to vector<1x16xf32>
      tpu.vector_store %arg9[%swap3A_1048, %swap3A_1049], %swap3A_1052 {strides = array<i32>} : memref<128x64xf32, #tpu.memory_space<vmem>>, vector<1x16xf32>,
      %get3A_1053 = arith.index_cast %add3A_1034 : i32 to index
      %get3A_1054 = arith.constant 16 : index
      %get3A_1055 = tpu.vector_load %arg8[%get3A_1053, %get3A_1054] {strides = array<i32>} : memref<128x128xf32, #tpu.memory_space<vmem>>, vector<1x16xf32>,
      %get3A_1056 = vector.shape_cast %get3A_1055 : vector<1x16xf32> to vector<16xf32>
      %get3A_1057 = arith.index_cast %add3A_1034 : i32 to index
      %get3A_1058 = arith.constant 16 : index
      %get3A_1059 = tpu.vector_load %arg7[%get3A_1057, %get3A_1058] {strides = array<i32>} : memref<128x64xf32, #tpu.memory_space<vmem>>, vector<1x16xf32>,
      %get3A_1060 = vector.shape_cast %get3A_1059 : vector<1x16xf32> to vector<16xf32>
      %mul3A_1061 = arith.mulf %get3A_1060, %broadcast_in_dim3A_1037 : vector<16xf32>
      %add3A_1062 = arith.addf %get3A_1056, %mul3A_1061 : vector<16xf32>
      %swap3A_1063 = arith.index_cast %add3A_1034 : i32 to index
      %swap3A_1064 = arith.constant 16 : index
      %swap3A_1065 = tpu.vector_load %arg9[%swap3A_1063, %swap3A_1064] {strides = array<i32>} : memref<128x64xf32, #tpu.memory_space<vmem>>, vector<1x16xf32>,
      %swap3A_1066 = vector.shape_cast %swap3A_1065 : vector<1x16xf32> to vector<16xf32>
      %swap3A_1067 = vector.shape_cast %add3A_1062 : vector<16xf32> to vector<1x16xf32>
      tpu.vector_store %arg9[%swap3A_1063, %swap3A_1064], %swap3A_1067 {strides = array<i32>} : memref<128x64xf32, #tpu.memory_space<vmem>>, vector<1x16xf32>,
      %get3A_1068 = arith.index_cast %add3A_1034 : i32 to index
      %get3A_1069 = arith.constant 32 : index
      %get3A_1070 = tpu.vector_load %arg8[%get3A_1068, %get3A_1069] {strides = array<i32>} : memref<128x128xf32, #tpu.memory_space<vmem>>, vector<1x16xf32>,
      %get3A_1071 = vector.shape_cast %get3A_1070 : vector<1x16xf32> to vector<16xf32>
      %get3A_1072 = arith.index_cast %add3A_1034 : i32 to index
      %get3A_1073 = arith.constant 32 : index
      %get3A_1074 = tpu.vector_load %arg7[%get3A_1072, %get3A_1073] {strides = array<i32>} : memref<128x64xf32, #tpu.memory_space<vmem>>, vector<1x16xf32>,
      %get3A_1075 = vector.shape_cast %get3A_1074 : vector<1x16xf32> to vector<16xf32>
      %mul3A_1076 = arith.mulf %get3A_1075, %broadcast_in_dim3A_1037 : vector<16xf32>
      %add3A_1077 = arith.addf %get3A_1071, %mul3A_1076 : vector<16xf32>
      %swap3A_1078 = arith.index_cast %add3A_1034 : i32 to index
      %swap3A_1079 = arith.constant 32 : index
      %swap3A_1080 = tpu.vector_load %arg9[%swap3A_1078, %swap3A_1079] {strides = array<i32>} : memref<128x64xf32, #tpu.memory_space<vmem>>, vector<1x16xf32>,
      %swap3A_1081 = vector.shape_cast %swap3A_1080 : vector<1x16xf32> to vector<16xf32>
      %swap3A_1082 = vector.shape_cast %add3A_1077 : vector<16xf32> to vector<1x16xf32>
      tpu.vector_store %arg9[%swap3A_1078, %swap3A_1079], %swap3A_1082 {strides = array<i32>} : memref<128x64xf32, #tpu.memory_space<vmem>>, vector<1x16xf32>,
      %get3A_1083 = arith.index_cast %add3A_1034 : i32 to index
      %get3A_1084 = arith.constant 48 : index
      %get3A_1085 = tpu.vector_load %arg8[%get3A_1083, %get3A_1084] {strides = array<i32>} : memref<128x128xf32, #tpu.memory_space<vmem>>, vector<1x16xf32>,
      %get3A_1086 = vector.shape_cast %get3A_1085 : vector<1x16xf32> to vector<16xf32>
      %get3A_1087 = arith.index_cast %add3A_1034 : i32 to index
      %get3A_1088 = arith.constant 48 : index
      %get3A_1089 = tpu.vector_load %arg7[%get3A_1087, %get3A_1088] {strides = array<i32>} : memref<128x64xf32, #tpu.memory_space<vmem>>, vector<1x16xf32>,
      %get3A_1090 = vector.shape_cast %get3A_1089 : vector<1x16xf32> to vector<16xf32>
      %mul3A_1091 = arith.mulf %get3A_1090, %broadcast_in_dim3A_1037 : vector<16xf32>
      %add3A_1092 = arith.addf %get3A_1086, %mul3A_1091 : vector<16xf32>
      %swap3A_1093 = arith.index_cast %add3A_1034 : i32 to index
      %swap3A_1094 = arith.constant 48 : index
      %swap3A_1095 = tpu.vector_load %arg9[%swap3A_1093, %swap3A_1094] {strides = array<i32>} : memref<128x64xf32, #tpu.memory_space<vmem>>, vector<1x16xf32>,
      %swap3A_1096 = vector.shape_cast %swap3A_1095 : vector<1x16xf32> to vector<16xf32>
      %swap3A_1097 = vector.shape_cast %add3A_1092 : vector<16xf32> to vector<1x16xf32>
      tpu.vector_store %arg9[%swap3A_1093, %swap3A_1094], %swap3A_1097 {strides = array<i32>} : memref<128x64xf32, #tpu.memory_space<vmem>>, vector<1x16xf32>,
    }
    %scan3A_20 = arith.constant 8 : i32
    "tpu.region"() ({
      %run_scoped3A = tpu.sem_alloc : memref<!tpu.dma_semaphore, #tpu.memory_space<semaphore_mem>>
      %dma_start3A = arith.constant 0 : i32
      %dma_start3A_21 = tpu.memref_slice %arg5[%mul3A_2, %dma_start3A] : memref<4096x64xf32, #tpu.memory_space<hbm>> -> memref<128x64xf32, #tpu.memory_space<hbm>>
      %dma_start3A_22 = arith.constant 0 : i32
      %dma_start3A_23 = tpu.memref_slice %arg5[%mul3A_2, %dma_start3A_22] : memref<4096x64xf32, #tpu.memory_space<hbm>> -> memref<128x64xf32, #tpu.memory_space<hbm>>
      tpu.enqueue_dma source(%arg9 : memref<128x64xf32, #tpu.memory_space<vmem>>) target(%dma_start3A_23 : memref<128x64xf32, #tpu.memory_space<hbm>>) target_semaphore(%run_scoped3A : memref<!tpu.dma_semaphore, #tpu.memory_space<semaphore_mem>>)
      %dma_wait3A_24 = arith.constant 0 : i32
      %dma_wait3A_25 = tpu.memref_slice %arg5[%mul3A_2, %dma_wait3A_24] : memref<4096x64xf32, #tpu.memory_space<hbm>> -> memref<128x64xf32, #tpu.memory_space<hbm>>
      %dma_wait3A_26 = arith.constant 0 : i32
      %dma_wait3A_27 = tpu.memref_slice %arg5[%mul3A_2, %dma_wait3A_26] : memref<4096x64xf32, #tpu.memory_space<hbm>> -> memref<128x64xf32, #tpu.memory_space<hbm>>
      tpu.wait_dma2 semaphore(%run_scoped3A : memref<!tpu.dma_semaphore, #tpu.memory_space<semaphore_mem>>) src(%arg9 : memref<128x64xf32, #tpu.memory_space<vmem>>) dst(%dma_wait3A_27 : memref<128x64xf32, #tpu.memory_space<hbm>>)
      tpu.yield
    }) : () -> ()
    return
  }
}

#map = affine_map<(d0, d1) -> (0)>
#map1 = affine_map<(d0, d1) -> (0, 0)>
module attributes {stable_mosaic.version = 14 : i64} {
  func.func @_kernel_a(%arg0: i32, %arg1: i32, %arg2: memref<4096xi32, #tpu.memory_space<hbm>>, %arg3: memref<50x4096xi32, #tpu.memory_space<hbm>>, %arg4: memref<4096xi32, #tpu.memory_space<hbm>>, %arg5: memref<100000x64xf32, #tpu.memory_space<hbm>>, %arg6: memref<64xf32, #tpu.memory_space<hbm>>, %arg7: memref<4096x128xf32, #tpu.memory_space<hbm>>, %arg8: memref<4096xi32, #tpu.memory_space<hbm>>, %arg9: memref<128xi32, #tpu.memory_space<vmem>>, %arg10: memref<128xi32, #tpu.memory_space<vmem>>, %arg11: memref<50x128xi32, #tpu.memory_space<vmem>>, %arg12: memref<128xi32, #tpu.memory_space<vmem>>, %arg13: memref<128x64xf32, #tpu.memory_space<vmem>>, %arg14: memref<128x128xf32, #tpu.memory_space<vmem>>, %arg15: memref<64xf32, #tpu.memory_space<vmem>>, %arg16: memref<!tpu.dma_semaphore, #tpu.memory_space<semaphore_mem>>) attributes {dimension_semantics = [#tpu.dimension_semantics<core_parallel>, #tpu.dimension_semantics<subcore_parallel>], iteration_bounds = array<i64: 2, 16>, scalar_prefetch = 0 : i64, scratch_operands = 8 : i64, tpu.core_type = #tpu.core_type<sc_vector_subcore>, window_params = [{transform_indices = #map}, {transform_indices = #map1}, {transform_indices = #map}, {transform_indices = #map1}, {transform_indices = #map}, {transform_indices = #map1}, {transform_indices = #map}]} {
    %mul3A = arith.constant 2 : i32
    %mul3A_0 = arith.muli %arg1, %mul3A : i32
    %add3A = arith.addi %mul3A_0, %arg0 : i32
    %mul3A_1 = arith.constant 128 : i32
    %mul3A_2 = arith.muli %add3A, %mul3A_1 : i32
    "tpu.region"() ({
      %run_scoped3A = tpu.sem_alloc : memref<!tpu.dma_semaphore, #tpu.memory_space<semaphore_mem>>
      %dma_start3A = tpu.memref_slice %arg2[%mul3A_2] : memref<4096xi32, #tpu.memory_space<hbm>> -> memref<128xi32, #tpu.memory_space<hbm>>
      %dma_start3A_32 = tpu.memref_slice %arg2[%mul3A_2] : memref<4096xi32, #tpu.memory_space<hbm>> -> memref<128xi32, #tpu.memory_space<hbm>>
      tpu.enqueue_dma source(%dma_start3A_32 : memref<128xi32, #tpu.memory_space<hbm>>) target(%arg9 : memref<128xi32, #tpu.memory_space<vmem>>) target_semaphore(%run_scoped3A : memref<!tpu.dma_semaphore, #tpu.memory_space<semaphore_mem>>)
      %dma_wait3A_33 = tpu.memref_slice %arg2[%mul3A_2] : memref<4096xi32, #tpu.memory_space<hbm>> -> memref<128xi32, #tpu.memory_space<hbm>>
      %dma_wait3A_34 = tpu.memref_slice %arg2[%mul3A_2] : memref<4096xi32, #tpu.memory_space<hbm>> -> memref<128xi32, #tpu.memory_space<hbm>>
      tpu.wait_dma2 semaphore(%run_scoped3A : memref<!tpu.dma_semaphore, #tpu.memory_space<semaphore_mem>>) src(%dma_wait3A_34 : memref<128xi32, #tpu.memory_space<hbm>>) dst(%arg9 : memref<128xi32, #tpu.memory_space<vmem>>)
      tpu.yield
    }) : () -> ()
    "tpu.region"() ({
      %run_scoped3A = tpu.sem_alloc : memref<!tpu.dma_semaphore, #tpu.memory_space<semaphore_mem>>
      %dma_start3A = tpu.memref_slice %arg4[%mul3A_2] : memref<4096xi32, #tpu.memory_space<hbm>> -> memref<128xi32, #tpu.memory_space<hbm>>
      %dma_start3A_32 = tpu.memref_slice %arg4[%mul3A_2] : memref<4096xi32, #tpu.memory_space<hbm>> -> memref<128xi32, #tpu.memory_space<hbm>>
      tpu.enqueue_dma source(%dma_start3A_32 : memref<128xi32, #tpu.memory_space<hbm>>) target(%arg10 : memref<128xi32, #tpu.memory_space<vmem>>) target_semaphore(%run_scoped3A : memref<!tpu.dma_semaphore, #tpu.memory_space<semaphore_mem>>)
      %dma_wait3A_33 = tpu.memref_slice %arg4[%mul3A_2] : memref<4096xi32, #tpu.memory_space<hbm>> -> memref<128xi32, #tpu.memory_space<hbm>>
      %dma_wait3A_34 = tpu.memref_slice %arg4[%mul3A_2] : memref<4096xi32, #tpu.memory_space<hbm>> -> memref<128xi32, #tpu.memory_space<hbm>>
      tpu.wait_dma2 semaphore(%run_scoped3A : memref<!tpu.dma_semaphore, #tpu.memory_space<semaphore_mem>>) src(%dma_wait3A_34 : memref<128xi32, #tpu.memory_space<hbm>>) dst(%arg10 : memref<128xi32, #tpu.memory_space<vmem>>)
      tpu.yield
    }) : () -> ()
    "tpu.region"() ({
      %run_scoped3A = tpu.sem_alloc : memref<!tpu.dma_semaphore, #tpu.memory_space<semaphore_mem>>
      %dma_start3A = arith.constant 0 : i32
      %dma_start3A_32 = tpu.memref_slice %arg3[%dma_start3A, %mul3A_2] : memref<50x4096xi32, #tpu.memory_space<hbm>> -> memref<50x128xi32, #tpu.memory_space<hbm>>
      %dma_start3A_33 = arith.constant 0 : i32
      %dma_start3A_34 = tpu.memref_slice %arg3[%dma_start3A_33, %mul3A_2] : memref<50x4096xi32, #tpu.memory_space<hbm>> -> memref<50x128xi32, #tpu.memory_space<hbm>>
      tpu.enqueue_dma source(%dma_start3A_34 : memref<50x128xi32, #tpu.memory_space<hbm>>) target(%arg11 : memref<50x128xi32, #tpu.memory_space<vmem>>) target_semaphore(%run_scoped3A : memref<!tpu.dma_semaphore, #tpu.memory_space<semaphore_mem>>)
      %dma_wait3A_35 = arith.constant 0 : i32
      %dma_wait3A_36 = tpu.memref_slice %arg3[%dma_wait3A_35, %mul3A_2] : memref<50x4096xi32, #tpu.memory_space<hbm>> -> memref<50x128xi32, #tpu.memory_space<hbm>>
      %dma_wait3A_37 = arith.constant 0 : i32
      %dma_wait3A_38 = tpu.memref_slice %arg3[%dma_wait3A_37, %mul3A_2] : memref<50x4096xi32, #tpu.memory_space<hbm>> -> memref<50x128xi32, #tpu.memory_space<hbm>>
      tpu.wait_dma2 semaphore(%run_scoped3A : memref<!tpu.dma_semaphore, #tpu.memory_space<semaphore_mem>>) src(%dma_wait3A_38 : memref<50x128xi32, #tpu.memory_space<hbm>>) dst(%arg11 : memref<50x128xi32, #tpu.memory_space<vmem>>)
      tpu.yield
    }) : () -> ()
    "tpu.region"() ({
      %run_scoped3A = tpu.sem_alloc : memref<!tpu.dma_semaphore, #tpu.memory_space<semaphore_mem>>
      tpu.enqueue_dma source(%arg6 : memref<64xf32, #tpu.memory_space<hbm>>) target(%arg15 : memref<64xf32, #tpu.memory_space<vmem>>) target_semaphore(%run_scoped3A : memref<!tpu.dma_semaphore, #tpu.memory_space<semaphore_mem>>)
      tpu.wait_dma2 semaphore(%run_scoped3A : memref<!tpu.dma_semaphore, #tpu.memory_space<semaphore_mem>>) src(%arg6 : memref<64xf32, #tpu.memory_space<hbm>>) dst(%arg15 : memref<64xf32, #tpu.memory_space<vmem>>)
      tpu.yield
    }) : () -> ()
    %iota3A = tpu.iota {dimensions = array<i32: 0>} : vector<16xi32>
    %scan3A = arith.constant 0 : i32
    %scan3A_3 = arith.constant 0 : i32
    %scan3A_4 = arith.constant 8 : i32
    %scan3A_5 = arith.addi %scan3A_3, %scan3A_4 : i32
    %scan3A_6 = arith.constant 1 : i32
    scf.for %scan3A_32 = %scan3A_3 to %scan3A_5 step %scan3A_6  : i32 {
      %mul3A_33 = arith.constant 16 : i32
      %mul3A_34 = arith.muli %scan3A_32, %mul3A_33 : i32
      %get3A_35 = arith.index_cast %mul3A_34 : i32 to index
      %get3A_36 = tpu.vector_load %arg9[%get3A_35] {strides = array<i32>} : memref<128xi32, #tpu.memory_space<vmem>>, vector<16xi32>,
      %get3A_37 = vector.shape_cast %get3A_36 : vector<16xi32> to vector<16xi32>
      %get3A_38 = arith.index_cast %mul3A_34 : i32 to index
      %get3A_39 = tpu.vector_load %arg10[%get3A_38] {strides = array<i32>} : memref<128xi32, #tpu.memory_space<vmem>>, vector<16xi32>,
      %get3A_40 = vector.shape_cast %get3A_39 : vector<16xi32> to vector<16xi32>
      %broadcast_in_dim3A = arith.constant 0 : i32
      %broadcast_in_dim3A_41 = vector.broadcast %broadcast_in_dim3A : i32 to vector<16xi32>
      %slice3A = vector.extract_strided_slice %get3A_37 {offsets = [0], sizes = [1], strides = [1]} : vector<16xi32> to vector<1xi32>
      %squeeze3A = vector.extract %slice3A[0] : i32 from vector<1xi32>
      %add3A_42 = arith.constant 0 : i32
      %add3A_43 = arith.addi %mul3A_34, %add3A_42 : i32
      %dma_start3A = arith.constant 0 : i32
      %dma_start3A_44 = tpu.memref_slice %arg13[%add3A_43, %dma_start3A] : memref<128x64xf32, #tpu.memory_space<vmem>> -> memref<1x64xf32, #tpu.memory_space<vmem>>
      %dma_start3A_45 = tpu.memref_squeeze %dma_start3A_44 : memref<1x64xf32, #tpu.memory_space<vmem>> -> memref<64xf32, #tpu.memory_space<vmem>>
      %dma_start3A_46 = arith.constant 0 : i32
      %dma_start3A_47 = tpu.memref_slice %arg5[%squeeze3A, %dma_start3A_46] : memref<100000x64xf32, #tpu.memory_space<hbm>> -> memref<1x64xf32, #tpu.memory_space<hbm>>
      %dma_start3A_48 = tpu.memref_squeeze %dma_start3A_47 : memref<1x64xf32, #tpu.memory_space<hbm>> -> memref<64xf32, #tpu.memory_space<hbm>>
      %dma_start3A_49 = arith.constant 0 : i32
      %dma_start3A_50 = tpu.memref_slice %arg13[%add3A_43, %dma_start3A_49] : memref<128x64xf32, #tpu.memory_space<vmem>> -> memref<1x64xf32, #tpu.memory_space<vmem>>
      %dma_start3A_51 = tpu.memref_squeeze %dma_start3A_50 : memref<1x64xf32, #tpu.memory_space<vmem>> -> memref<64xf32, #tpu.memory_space<vmem>>
      %dma_start3A_52 = arith.constant 0 : i32
      %dma_start3A_53 = tpu.memref_slice %arg5[%squeeze3A, %dma_start3A_52] : memref<100000x64xf32, #tpu.memory_space<hbm>> -> memref<1x64xf32, #tpu.memory_space<hbm>>
      %dma_start3A_54 = tpu.memref_squeeze %dma_start3A_53 : memref<1x64xf32, #tpu.memory_space<hbm>> -> memref<64xf32, #tpu.memory_space<hbm>>
      tpu.enqueue_dma source(%dma_start3A_54 : memref<64xf32, #tpu.memory_space<hbm>>) target(%dma_start3A_51 : memref<64xf32, #tpu.memory_space<vmem>>) target_semaphore(%arg16 : memref<!tpu.dma_semaphore, #tpu.memory_space<semaphore_mem>>)
      %slice3A_55 = vector.extract_strided_slice %get3A_40 {offsets = [0], sizes = [1], strides = [1]} : vector<16xi32> to vector<1xi32>
      %squeeze3A_56 = vector.extract %slice3A_55[0] : i32 from vector<1xi32>
      %get3A_57 = arith.index_cast %squeeze3A_56 : i32 to index
      %get3A_58 = arith.index_cast %mul3A_34 : i32 to index
      %get3A_59 = tpu.vector_load %arg11[%get3A_57, %get3A_58] {strides = array<i32>} : memref<50x128xi32, #tpu.memory_space<vmem>>, vector<1x16xi32>,
      %get3A_60 = vector.shape_cast %get3A_59 : vector<1x16xi32> to vector<16xi32>
      %slice3A_61 = vector.extract_strided_slice %get3A_60 {offsets = [0], sizes = [1], strides = [1]} : vector<16xi32> to vector<1xi32>
      %squeeze3A_62 = vector.extract %slice3A_61[0] : i32 from vector<1xi32>
      %eq3A = arith.constant 0 : i32
      %eq3A_63 = vector.broadcast %eq3A : i32 to vector<16xi32>
      %eq3A_64 = arith.cmpi eq, %iota3A, %eq3A_63 : vector<16xi32>
      %broadcast_in_dim3A_65 = vector.broadcast %squeeze3A_62 : i32 to vector<16xi32>
      %select_n3A = arith.select %eq3A_64, %broadcast_in_dim3A_65, %broadcast_in_dim3A_41 : vector<16xi1>, vector<16xi32>
      %slice3A_66 = vector.extract_strided_slice %get3A_37 {offsets = [1], sizes = [1], strides = [1]} : vector<16xi32> to vector<1xi32>
      %squeeze3A_67 = vector.extract %slice3A_66[0] : i32 from vector<1xi32>
      %add3A_68 = arith.constant 1 : i32
      %add3A_69 = arith.addi %mul3A_34, %add3A_68 : i32
      %dma_start3A_70 = arith.constant 0 : i32
      %dma_start3A_71 = tpu.memref_slice %arg13[%add3A_69, %dma_start3A_70] : memref<128x64xf32, #tpu.memory_space<vmem>> -> memref<1x64xf32, #tpu.memory_space<vmem>>
      %dma_start3A_72 = tpu.memref_squeeze %dma_start3A_71 : memref<1x64xf32, #tpu.memory_space<vmem>> -> memref<64xf32, #tpu.memory_space<vmem>>
      %dma_start3A_73 = arith.constant 0 : i32
      %dma_start3A_74 = tpu.memref_slice %arg5[%squeeze3A_67, %dma_start3A_73] : memref<100000x64xf32, #tpu.memory_space<hbm>> -> memref<1x64xf32, #tpu.memory_space<hbm>>
      %dma_start3A_75 = tpu.memref_squeeze %dma_start3A_74 : memref<1x64xf32, #tpu.memory_space<hbm>> -> memref<64xf32, #tpu.memory_space<hbm>>
      %dma_start3A_76 = arith.constant 0 : i32
      %dma_start3A_77 = tpu.memref_slice %arg13[%add3A_69, %dma_start3A_76] : memref<128x64xf32, #tpu.memory_space<vmem>> -> memref<1x64xf32, #tpu.memory_space<vmem>>
      %dma_start3A_78 = tpu.memref_squeeze %dma_start3A_77 : memref<1x64xf32, #tpu.memory_space<vmem>> -> memref<64xf32, #tpu.memory_space<vmem>>
      %dma_start3A_79 = arith.constant 0 : i32
      %dma_start3A_80 = tpu.memref_slice %arg5[%squeeze3A_67, %dma_start3A_79] : memref<100000x64xf32, #tpu.memory_space<hbm>> -> memref<1x64xf32, #tpu.memory_space<hbm>>
      %dma_start3A_81 = tpu.memref_squeeze %dma_start3A_80 : memref<1x64xf32, #tpu.memory_space<hbm>> -> memref<64xf32, #tpu.memory_space<hbm>>
      tpu.enqueue_dma source(%dma_start3A_81 : memref<64xf32, #tpu.memory_space<hbm>>) target(%dma_start3A_78 : memref<64xf32, #tpu.memory_space<vmem>>) target_semaphore(%arg16 : memref<!tpu.dma_semaphore, #tpu.memory_space<semaphore_mem>>)
      %slice3A_82 = vector.extract_strided_slice %get3A_40 {offsets = [1], sizes = [1], strides = [1]} : vector<16xi32> to vector<1xi32>
      %squeeze3A_83 = vector.extract %slice3A_82[0] : i32 from vector<1xi32>
      %get3A_84 = arith.index_cast %squeeze3A_83 : i32 to index
      %get3A_85 = arith.index_cast %mul3A_34 : i32 to index
      %get3A_86 = tpu.vector_load %arg11[%get3A_84, %get3A_85] {strides = array<i32>} : memref<50x128xi32, #tpu.memory_space<vmem>>, vector<1x16xi32>,
      %get3A_87 = vector.shape_cast %get3A_86 : vector<1x16xi32> to vector<16xi32>
      %slice3A_88 = vector.extract_strided_slice %get3A_87 {offsets = [1], sizes = [1], strides = [1]} : vector<16xi32> to vector<1xi32>
      %squeeze3A_89 = vector.extract %slice3A_88[0] : i32 from vector<1xi32>
      %eq3A_90 = arith.constant 1 : i32
      %eq3A_91 = vector.broadcast %eq3A_90 : i32 to vector<16xi32>
      %eq3A_92 = arith.cmpi eq, %iota3A, %eq3A_91 : vector<16xi32>
      %broadcast_in_dim3A_93 = vector.broadcast %squeeze3A_89 : i32 to vector<16xi32>
      %select_n3A_94 = arith.select %eq3A_92, %broadcast_in_dim3A_93, %select_n3A : vector<16xi1>, vector<16xi32>
      %slice3A_95 = vector.extract_strided_slice %get3A_37 {offsets = [2], sizes = [1], strides = [1]} : vector<16xi32> to vector<1xi32>
      %squeeze3A_96 = vector.extract %slice3A_95[0] : i32 from vector<1xi32>
      %add3A_97 = arith.constant 2 : i32
      %add3A_98 = arith.addi %mul3A_34, %add3A_97 : i32
      %dma_start3A_99 = arith.constant 0 : i32
      %dma_start3A_100 = tpu.memref_slice %arg13[%add3A_98, %dma_start3A_99] : memref<128x64xf32, #tpu.memory_space<vmem>> -> memref<1x64xf32, #tpu.memory_space<vmem>>
      %dma_start3A_101 = tpu.memref_squeeze %dma_start3A_100 : memref<1x64xf32, #tpu.memory_space<vmem>> -> memref<64xf32, #tpu.memory_space<vmem>>
      %dma_start3A_102 = arith.constant 0 : i32
      %dma_start3A_103 = tpu.memref_slice %arg5[%squeeze3A_96, %dma_start3A_102] : memref<100000x64xf32, #tpu.memory_space<hbm>> -> memref<1x64xf32, #tpu.memory_space<hbm>>
      %dma_start3A_104 = tpu.memref_squeeze %dma_start3A_103 : memref<1x64xf32, #tpu.memory_space<hbm>> -> memref<64xf32, #tpu.memory_space<hbm>>
      %dma_start3A_105 = arith.constant 0 : i32
      %dma_start3A_106 = tpu.memref_slice %arg13[%add3A_98, %dma_start3A_105] : memref<128x64xf32, #tpu.memory_space<vmem>> -> memref<1x64xf32, #tpu.memory_space<vmem>>
      %dma_start3A_107 = tpu.memref_squeeze %dma_start3A_106 : memref<1x64xf32, #tpu.memory_space<vmem>> -> memref<64xf32, #tpu.memory_space<vmem>>
      %dma_start3A_108 = arith.constant 0 : i32
      %dma_start3A_109 = tpu.memref_slice %arg5[%squeeze3A_96, %dma_start3A_108] : memref<100000x64xf32, #tpu.memory_space<hbm>> -> memref<1x64xf32, #tpu.memory_space<hbm>>
      %dma_start3A_110 = tpu.memref_squeeze %dma_start3A_109 : memref<1x64xf32, #tpu.memory_space<hbm>> -> memref<64xf32, #tpu.memory_space<hbm>>
      tpu.enqueue_dma source(%dma_start3A_110 : memref<64xf32, #tpu.memory_space<hbm>>) target(%dma_start3A_107 : memref<64xf32, #tpu.memory_space<vmem>>) target_semaphore(%arg16 : memref<!tpu.dma_semaphore, #tpu.memory_space<semaphore_mem>>)
      %slice3A_111 = vector.extract_strided_slice %get3A_40 {offsets = [2], sizes = [1], strides = [1]} : vector<16xi32> to vector<1xi32>
      %squeeze3A_112 = vector.extract %slice3A_111[0] : i32 from vector<1xi32>
      %get3A_113 = arith.index_cast %squeeze3A_112 : i32 to index
      %get3A_114 = arith.index_cast %mul3A_34 : i32 to index
      %get3A_115 = tpu.vector_load %arg11[%get3A_113, %get3A_114] {strides = array<i32>} : memref<50x128xi32, #tpu.memory_space<vmem>>, vector<1x16xi32>,
      %get3A_116 = vector.shape_cast %get3A_115 : vector<1x16xi32> to vector<16xi32>
      %slice3A_117 = vector.extract_strided_slice %get3A_116 {offsets = [2], sizes = [1], strides = [1]} : vector<16xi32> to vector<1xi32>
      %squeeze3A_118 = vector.extract %slice3A_117[0] : i32 from vector<1xi32>
      %eq3A_119 = arith.constant 2 : i32
      %eq3A_120 = vector.broadcast %eq3A_119 : i32 to vector<16xi32>
      %eq3A_121 = arith.cmpi eq, %iota3A, %eq3A_120 : vector<16xi32>
      %broadcast_in_dim3A_122 = vector.broadcast %squeeze3A_118 : i32 to vector<16xi32>
      %select_n3A_123 = arith.select %eq3A_121, %broadcast_in_dim3A_122, %select_n3A_94 : vector<16xi1>, vector<16xi32>
      %slice3A_124 = vector.extract_strided_slice %get3A_37 {offsets = [3], sizes = [1], strides = [1]} : vector<16xi32> to vector<1xi32>
      %squeeze3A_125 = vector.extract %slice3A_124[0] : i32 from vector<1xi32>
      %add3A_126 = arith.constant 3 : i32
      %add3A_127 = arith.addi %mul3A_34, %add3A_126 : i32
      %dma_start3A_128 = arith.constant 0 : i32
      %dma_start3A_129 = tpu.memref_slice %arg13[%add3A_127, %dma_start3A_128] : memref<128x64xf32, #tpu.memory_space<vmem>> -> memref<1x64xf32, #tpu.memory_space<vmem>>
      %dma_start3A_130 = tpu.memref_squeeze %dma_start3A_129 : memref<1x64xf32, #tpu.memory_space<vmem>> -> memref<64xf32, #tpu.memory_space<vmem>>
      %dma_start3A_131 = arith.constant 0 : i32
      %dma_start3A_132 = tpu.memref_slice %arg5[%squeeze3A_125, %dma_start3A_131] : memref<100000x64xf32, #tpu.memory_space<hbm>> -> memref<1x64xf32, #tpu.memory_space<hbm>>
      %dma_start3A_133 = tpu.memref_squeeze %dma_start3A_132 : memref<1x64xf32, #tpu.memory_space<hbm>> -> memref<64xf32, #tpu.memory_space<hbm>>
      %dma_start3A_134 = arith.constant 0 : i32
      %dma_start3A_135 = tpu.memref_slice %arg13[%add3A_127, %dma_start3A_134] : memref<128x64xf32, #tpu.memory_space<vmem>> -> memref<1x64xf32, #tpu.memory_space<vmem>>
      %dma_start3A_136 = tpu.memref_squeeze %dma_start3A_135 : memref<1x64xf32, #tpu.memory_space<vmem>> -> memref<64xf32, #tpu.memory_space<vmem>>
      %dma_start3A_137 = arith.constant 0 : i32
      %dma_start3A_138 = tpu.memref_slice %arg5[%squeeze3A_125, %dma_start3A_137] : memref<100000x64xf32, #tpu.memory_space<hbm>> -> memref<1x64xf32, #tpu.memory_space<hbm>>
      %dma_start3A_139 = tpu.memref_squeeze %dma_start3A_138 : memref<1x64xf32, #tpu.memory_space<hbm>> -> memref<64xf32, #tpu.memory_space<hbm>>
      tpu.enqueue_dma source(%dma_start3A_139 : memref<64xf32, #tpu.memory_space<hbm>>) target(%dma_start3A_136 : memref<64xf32, #tpu.memory_space<vmem>>) target_semaphore(%arg16 : memref<!tpu.dma_semaphore, #tpu.memory_space<semaphore_mem>>)
      %slice3A_140 = vector.extract_strided_slice %get3A_40 {offsets = [3], sizes = [1], strides = [1]} : vector<16xi32> to vector<1xi32>
      %squeeze3A_141 = vector.extract %slice3A_140[0] : i32 from vector<1xi32>
      %get3A_142 = arith.index_cast %squeeze3A_141 : i32 to index
      %get3A_143 = arith.index_cast %mul3A_34 : i32 to index
      %get3A_144 = tpu.vector_load %arg11[%get3A_142, %get3A_143] {strides = array<i32>} : memref<50x128xi32, #tpu.memory_space<vmem>>, vector<1x16xi32>,
      %get3A_145 = vector.shape_cast %get3A_144 : vector<1x16xi32> to vector<16xi32>
      %slice3A_146 = vector.extract_strided_slice %get3A_145 {offsets = [3], sizes = [1], strides = [1]} : vector<16xi32> to vector<1xi32>
      %squeeze3A_147 = vector.extract %slice3A_146[0] : i32 from vector<1xi32>
      %eq3A_148 = arith.constant 3 : i32
      %eq3A_149 = vector.broadcast %eq3A_148 : i32 to vector<16xi32>
      %eq3A_150 = arith.cmpi eq, %iota3A, %eq3A_149 : vector<16xi32>
      %broadcast_in_dim3A_151 = vector.broadcast %squeeze3A_147 : i32 to vector<16xi32>
      %select_n3A_152 = arith.select %eq3A_150, %broadcast_in_dim3A_151, %select_n3A_123 : vector<16xi1>, vector<16xi32>
      %slice3A_153 = vector.extract_strided_slice %get3A_37 {offsets = [4], sizes = [1], strides = [1]} : vector<16xi32> to vector<1xi32>
      %squeeze3A_154 = vector.extract %slice3A_153[0] : i32 from vector<1xi32>
      %add3A_155 = arith.constant 4 : i32
      %add3A_156 = arith.addi %mul3A_34, %add3A_155 : i32
      %dma_start3A_157 = arith.constant 0 : i32
      %dma_start3A_158 = tpu.memref_slice %arg13[%add3A_156, %dma_start3A_157] : memref<128x64xf32, #tpu.memory_space<vmem>> -> memref<1x64xf32, #tpu.memory_space<vmem>>
      %dma_start3A_159 = tpu.memref_squeeze %dma_start3A_158 : memref<1x64xf32, #tpu.memory_space<vmem>> -> memref<64xf32, #tpu.memory_space<vmem>>
      %dma_start3A_160 = arith.constant 0 : i32
      %dma_start3A_161 = tpu.memref_slice %arg5[%squeeze3A_154, %dma_start3A_160] : memref<100000x64xf32, #tpu.memory_space<hbm>> -> memref<1x64xf32, #tpu.memory_space<hbm>>
      %dma_start3A_162 = tpu.memref_squeeze %dma_start3A_161 : memref<1x64xf32, #tpu.memory_space<hbm>> -> memref<64xf32, #tpu.memory_space<hbm>>
      %dma_start3A_163 = arith.constant 0 : i32
      %dma_start3A_164 = tpu.memref_slice %arg13[%add3A_156, %dma_start3A_163] : memref<128x64xf32, #tpu.memory_space<vmem>> -> memref<1x64xf32, #tpu.memory_space<vmem>>
      %dma_start3A_165 = tpu.memref_squeeze %dma_start3A_164 : memref<1x64xf32, #tpu.memory_space<vmem>> -> memref<64xf32, #tpu.memory_space<vmem>>
      %dma_start3A_166 = arith.constant 0 : i32
      %dma_start3A_167 = tpu.memref_slice %arg5[%squeeze3A_154, %dma_start3A_166] : memref<100000x64xf32, #tpu.memory_space<hbm>> -> memref<1x64xf32, #tpu.memory_space<hbm>>
      %dma_start3A_168 = tpu.memref_squeeze %dma_start3A_167 : memref<1x64xf32, #tpu.memory_space<hbm>> -> memref<64xf32, #tpu.memory_space<hbm>>
      tpu.enqueue_dma source(%dma_start3A_168 : memref<64xf32, #tpu.memory_space<hbm>>) target(%dma_start3A_165 : memref<64xf32, #tpu.memory_space<vmem>>) target_semaphore(%arg16 : memref<!tpu.dma_semaphore, #tpu.memory_space<semaphore_mem>>)
      %slice3A_169 = vector.extract_strided_slice %get3A_40 {offsets = [4], sizes = [1], strides = [1]} : vector<16xi32> to vector<1xi32>
      %squeeze3A_170 = vector.extract %slice3A_169[0] : i32 from vector<1xi32>
      %get3A_171 = arith.index_cast %squeeze3A_170 : i32 to index
      %get3A_172 = arith.index_cast %mul3A_34 : i32 to index
      %get3A_173 = tpu.vector_load %arg11[%get3A_171, %get3A_172] {strides = array<i32>} : memref<50x128xi32, #tpu.memory_space<vmem>>, vector<1x16xi32>,
      %get3A_174 = vector.shape_cast %get3A_173 : vector<1x16xi32> to vector<16xi32>
      %slice3A_175 = vector.extract_strided_slice %get3A_174 {offsets = [4], sizes = [1], strides = [1]} : vector<16xi32> to vector<1xi32>
      %squeeze3A_176 = vector.extract %slice3A_175[0] : i32 from vector<1xi32>
      %eq3A_177 = arith.constant 4 : i32
      %eq3A_178 = vector.broadcast %eq3A_177 : i32 to vector<16xi32>
      %eq3A_179 = arith.cmpi eq, %iota3A, %eq3A_178 : vector<16xi32>
      %broadcast_in_dim3A_180 = vector.broadcast %squeeze3A_176 : i32 to vector<16xi32>
      %select_n3A_181 = arith.select %eq3A_179, %broadcast_in_dim3A_180, %select_n3A_152 : vector<16xi1>, vector<16xi32>
      %slice3A_182 = vector.extract_strided_slice %get3A_37 {offsets = [5], sizes = [1], strides = [1]} : vector<16xi32> to vector<1xi32>
      %squeeze3A_183 = vector.extract %slice3A_182[0] : i32 from vector<1xi32>
      %add3A_184 = arith.constant 5 : i32
      %add3A_185 = arith.addi %mul3A_34, %add3A_184 : i32
      %dma_start3A_186 = arith.constant 0 : i32
      %dma_start3A_187 = tpu.memref_slice %arg13[%add3A_185, %dma_start3A_186] : memref<128x64xf32, #tpu.memory_space<vmem>> -> memref<1x64xf32, #tpu.memory_space<vmem>>
      %dma_start3A_188 = tpu.memref_squeeze %dma_start3A_187 : memref<1x64xf32, #tpu.memory_space<vmem>> -> memref<64xf32, #tpu.memory_space<vmem>>
      %dma_start3A_189 = arith.constant 0 : i32
      %dma_start3A_190 = tpu.memref_slice %arg5[%squeeze3A_183, %dma_start3A_189] : memref<100000x64xf32, #tpu.memory_space<hbm>> -> memref<1x64xf32, #tpu.memory_space<hbm>>
      %dma_start3A_191 = tpu.memref_squeeze %dma_start3A_190 : memref<1x64xf32, #tpu.memory_space<hbm>> -> memref<64xf32, #tpu.memory_space<hbm>>
      %dma_start3A_192 = arith.constant 0 : i32
      %dma_start3A_193 = tpu.memref_slice %arg13[%add3A_185, %dma_start3A_192] : memref<128x64xf32, #tpu.memory_space<vmem>> -> memref<1x64xf32, #tpu.memory_space<vmem>>
      %dma_start3A_194 = tpu.memref_squeeze %dma_start3A_193 : memref<1x64xf32, #tpu.memory_space<vmem>> -> memref<64xf32, #tpu.memory_space<vmem>>
      %dma_start3A_195 = arith.constant 0 : i32
      %dma_start3A_196 = tpu.memref_slice %arg5[%squeeze3A_183, %dma_start3A_195] : memref<100000x64xf32, #tpu.memory_space<hbm>> -> memref<1x64xf32, #tpu.memory_space<hbm>>
      %dma_start3A_197 = tpu.memref_squeeze %dma_start3A_196 : memref<1x64xf32, #tpu.memory_space<hbm>> -> memref<64xf32, #tpu.memory_space<hbm>>
      tpu.enqueue_dma source(%dma_start3A_197 : memref<64xf32, #tpu.memory_space<hbm>>) target(%dma_start3A_194 : memref<64xf32, #tpu.memory_space<vmem>>) target_semaphore(%arg16 : memref<!tpu.dma_semaphore, #tpu.memory_space<semaphore_mem>>)
      %slice3A_198 = vector.extract_strided_slice %get3A_40 {offsets = [5], sizes = [1], strides = [1]} : vector<16xi32> to vector<1xi32>
      %squeeze3A_199 = vector.extract %slice3A_198[0] : i32 from vector<1xi32>
      %get3A_200 = arith.index_cast %squeeze3A_199 : i32 to index
      %get3A_201 = arith.index_cast %mul3A_34 : i32 to index
      %get3A_202 = tpu.vector_load %arg11[%get3A_200, %get3A_201] {strides = array<i32>} : memref<50x128xi32, #tpu.memory_space<vmem>>, vector<1x16xi32>,
      %get3A_203 = vector.shape_cast %get3A_202 : vector<1x16xi32> to vector<16xi32>
      %slice3A_204 = vector.extract_strided_slice %get3A_203 {offsets = [5], sizes = [1], strides = [1]} : vector<16xi32> to vector<1xi32>
      %squeeze3A_205 = vector.extract %slice3A_204[0] : i32 from vector<1xi32>
      %eq3A_206 = arith.constant 5 : i32
      %eq3A_207 = vector.broadcast %eq3A_206 : i32 to vector<16xi32>
      %eq3A_208 = arith.cmpi eq, %iota3A, %eq3A_207 : vector<16xi32>
      %broadcast_in_dim3A_209 = vector.broadcast %squeeze3A_205 : i32 to vector<16xi32>
      %select_n3A_210 = arith.select %eq3A_208, %broadcast_in_dim3A_209, %select_n3A_181 : vector<16xi1>, vector<16xi32>
      %slice3A_211 = vector.extract_strided_slice %get3A_37 {offsets = [6], sizes = [1], strides = [1]} : vector<16xi32> to vector<1xi32>
      %squeeze3A_212 = vector.extract %slice3A_211[0] : i32 from vector<1xi32>
      %add3A_213 = arith.constant 6 : i32
      %add3A_214 = arith.addi %mul3A_34, %add3A_213 : i32
      %dma_start3A_215 = arith.constant 0 : i32
      %dma_start3A_216 = tpu.memref_slice %arg13[%add3A_214, %dma_start3A_215] : memref<128x64xf32, #tpu.memory_space<vmem>> -> memref<1x64xf32, #tpu.memory_space<vmem>>
      %dma_start3A_217 = tpu.memref_squeeze %dma_start3A_216 : memref<1x64xf32, #tpu.memory_space<vmem>> -> memref<64xf32, #tpu.memory_space<vmem>>
      %dma_start3A_218 = arith.constant 0 : i32
      %dma_start3A_219 = tpu.memref_slice %arg5[%squeeze3A_212, %dma_start3A_218] : memref<100000x64xf32, #tpu.memory_space<hbm>> -> memref<1x64xf32, #tpu.memory_space<hbm>>
      %dma_start3A_220 = tpu.memref_squeeze %dma_start3A_219 : memref<1x64xf32, #tpu.memory_space<hbm>> -> memref<64xf32, #tpu.memory_space<hbm>>
      %dma_start3A_221 = arith.constant 0 : i32
      %dma_start3A_222 = tpu.memref_slice %arg13[%add3A_214, %dma_start3A_221] : memref<128x64xf32, #tpu.memory_space<vmem>> -> memref<1x64xf32, #tpu.memory_space<vmem>>
      %dma_start3A_223 = tpu.memref_squeeze %dma_start3A_222 : memref<1x64xf32, #tpu.memory_space<vmem>> -> memref<64xf32, #tpu.memory_space<vmem>>
      %dma_start3A_224 = arith.constant 0 : i32
      %dma_start3A_225 = tpu.memref_slice %arg5[%squeeze3A_212, %dma_start3A_224] : memref<100000x64xf32, #tpu.memory_space<hbm>> -> memref<1x64xf32, #tpu.memory_space<hbm>>
      %dma_start3A_226 = tpu.memref_squeeze %dma_start3A_225 : memref<1x64xf32, #tpu.memory_space<hbm>> -> memref<64xf32, #tpu.memory_space<hbm>>
      tpu.enqueue_dma source(%dma_start3A_226 : memref<64xf32, #tpu.memory_space<hbm>>) target(%dma_start3A_223 : memref<64xf32, #tpu.memory_space<vmem>>) target_semaphore(%arg16 : memref<!tpu.dma_semaphore, #tpu.memory_space<semaphore_mem>>)
      %slice3A_227 = vector.extract_strided_slice %get3A_40 {offsets = [6], sizes = [1], strides = [1]} : vector<16xi32> to vector<1xi32>
      %squeeze3A_228 = vector.extract %slice3A_227[0] : i32 from vector<1xi32>
      %get3A_229 = arith.index_cast %squeeze3A_228 : i32 to index
      %get3A_230 = arith.index_cast %mul3A_34 : i32 to index
      %get3A_231 = tpu.vector_load %arg11[%get3A_229, %get3A_230] {strides = array<i32>} : memref<50x128xi32, #tpu.memory_space<vmem>>, vector<1x16xi32>,
      %get3A_232 = vector.shape_cast %get3A_231 : vector<1x16xi32> to vector<16xi32>
      %slice3A_233 = vector.extract_strided_slice %get3A_232 {offsets = [6], sizes = [1], strides = [1]} : vector<16xi32> to vector<1xi32>
      %squeeze3A_234 = vector.extract %slice3A_233[0] : i32 from vector<1xi32>
      %eq3A_235 = arith.constant 6 : i32
      %eq3A_236 = vector.broadcast %eq3A_235 : i32 to vector<16xi32>
      %eq3A_237 = arith.cmpi eq, %iota3A, %eq3A_236 : vector<16xi32>
      %broadcast_in_dim3A_238 = vector.broadcast %squeeze3A_234 : i32 to vector<16xi32>
      %select_n3A_239 = arith.select %eq3A_237, %broadcast_in_dim3A_238, %select_n3A_210 : vector<16xi1>, vector<16xi32>
      %slice3A_240 = vector.extract_strided_slice %get3A_37 {offsets = [7], sizes = [1], strides = [1]} : vector<16xi32> to vector<1xi32>
      %squeeze3A_241 = vector.extract %slice3A_240[0] : i32 from vector<1xi32>
      %add3A_242 = arith.constant 7 : i32
      %add3A_243 = arith.addi %mul3A_34, %add3A_242 : i32
      %dma_start3A_244 = arith.constant 0 : i32
      %dma_start3A_245 = tpu.memref_slice %arg13[%add3A_243, %dma_start3A_244] : memref<128x64xf32, #tpu.memory_space<vmem>> -> memref<1x64xf32, #tpu.memory_space<vmem>>
      %dma_start3A_246 = tpu.memref_squeeze %dma_start3A_245 : memref<1x64xf32, #tpu.memory_space<vmem>> -> memref<64xf32, #tpu.memory_space<vmem>>
      %dma_start3A_247 = arith.constant 0 : i32
      %dma_start3A_248 = tpu.memref_slice %arg5[%squeeze3A_241, %dma_start3A_247] : memref<100000x64xf32, #tpu.memory_space<hbm>> -> memref<1x64xf32, #tpu.memory_space<hbm>>
      %dma_start3A_249 = tpu.memref_squeeze %dma_start3A_248 : memref<1x64xf32, #tpu.memory_space<hbm>> -> memref<64xf32, #tpu.memory_space<hbm>>
      %dma_start3A_250 = arith.constant 0 : i32
      %dma_start3A_251 = tpu.memref_slice %arg13[%add3A_243, %dma_start3A_250] : memref<128x64xf32, #tpu.memory_space<vmem>> -> memref<1x64xf32, #tpu.memory_space<vmem>>
      %dma_start3A_252 = tpu.memref_squeeze %dma_start3A_251 : memref<1x64xf32, #tpu.memory_space<vmem>> -> memref<64xf32, #tpu.memory_space<vmem>>
      %dma_start3A_253 = arith.constant 0 : i32
      %dma_start3A_254 = tpu.memref_slice %arg5[%squeeze3A_241, %dma_start3A_253] : memref<100000x64xf32, #tpu.memory_space<hbm>> -> memref<1x64xf32, #tpu.memory_space<hbm>>
      %dma_start3A_255 = tpu.memref_squeeze %dma_start3A_254 : memref<1x64xf32, #tpu.memory_space<hbm>> -> memref<64xf32, #tpu.memory_space<hbm>>
      tpu.enqueue_dma source(%dma_start3A_255 : memref<64xf32, #tpu.memory_space<hbm>>) target(%dma_start3A_252 : memref<64xf32, #tpu.memory_space<vmem>>) target_semaphore(%arg16 : memref<!tpu.dma_semaphore, #tpu.memory_space<semaphore_mem>>)
      %slice3A_256 = vector.extract_strided_slice %get3A_40 {offsets = [7], sizes = [1], strides = [1]} : vector<16xi32> to vector<1xi32>
      %squeeze3A_257 = vector.extract %slice3A_256[0] : i32 from vector<1xi32>
      %get3A_258 = arith.index_cast %squeeze3A_257 : i32 to index
      %get3A_259 = arith.index_cast %mul3A_34 : i32 to index
      %get3A_260 = tpu.vector_load %arg11[%get3A_258, %get3A_259] {strides = array<i32>} : memref<50x128xi32, #tpu.memory_space<vmem>>, vector<1x16xi32>,
      %get3A_261 = vector.shape_cast %get3A_260 : vector<1x16xi32> to vector<16xi32>
      %slice3A_262 = vector.extract_strided_slice %get3A_261 {offsets = [7], sizes = [1], strides = [1]} : vector<16xi32> to vector<1xi32>
      %squeeze3A_263 = vector.extract %slice3A_262[0] : i32 from vector<1xi32>
      %eq3A_264 = arith.constant 7 : i32
      %eq3A_265 = vector.broadcast %eq3A_264 : i32 to vector<16xi32>
      %eq3A_266 = arith.cmpi eq, %iota3A, %eq3A_265 : vector<16xi32>
      %broadcast_in_dim3A_267 = vector.broadcast %squeeze3A_263 : i32 to vector<16xi32>
      %select_n3A_268 = arith.select %eq3A_266, %broadcast_in_dim3A_267, %select_n3A_239 : vector<16xi1>, vector<16xi32>
      %slice3A_269 = vector.extract_strided_slice %get3A_37 {offsets = [8], sizes = [1], strides = [1]} : vector<16xi32> to vector<1xi32>
      %squeeze3A_270 = vector.extract %slice3A_269[0] : i32 from vector<1xi32>
      %add3A_271 = arith.constant 8 : i32
      %add3A_272 = arith.addi %mul3A_34, %add3A_271 : i32
      %dma_start3A_273 = arith.constant 0 : i32
      %dma_start3A_274 = tpu.memref_slice %arg13[%add3A_272, %dma_start3A_273] : memref<128x64xf32, #tpu.memory_space<vmem>> -> memref<1x64xf32, #tpu.memory_space<vmem>>
      %dma_start3A_275 = tpu.memref_squeeze %dma_start3A_274 : memref<1x64xf32, #tpu.memory_space<vmem>> -> memref<64xf32, #tpu.memory_space<vmem>>
      %dma_start3A_276 = arith.constant 0 : i32
      %dma_start3A_277 = tpu.memref_slice %arg5[%squeeze3A_270, %dma_start3A_276] : memref<100000x64xf32, #tpu.memory_space<hbm>> -> memref<1x64xf32, #tpu.memory_space<hbm>>
      %dma_start3A_278 = tpu.memref_squeeze %dma_start3A_277 : memref<1x64xf32, #tpu.memory_space<hbm>> -> memref<64xf32, #tpu.memory_space<hbm>>
      %dma_start3A_279 = arith.constant 0 : i32
      %dma_start3A_280 = tpu.memref_slice %arg13[%add3A_272, %dma_start3A_279] : memref<128x64xf32, #tpu.memory_space<vmem>> -> memref<1x64xf32, #tpu.memory_space<vmem>>
      %dma_start3A_281 = tpu.memref_squeeze %dma_start3A_280 : memref<1x64xf32, #tpu.memory_space<vmem>> -> memref<64xf32, #tpu.memory_space<vmem>>
      %dma_start3A_282 = arith.constant 0 : i32
      %dma_start3A_283 = tpu.memref_slice %arg5[%squeeze3A_270, %dma_start3A_282] : memref<100000x64xf32, #tpu.memory_space<hbm>> -> memref<1x64xf32, #tpu.memory_space<hbm>>
      %dma_start3A_284 = tpu.memref_squeeze %dma_start3A_283 : memref<1x64xf32, #tpu.memory_space<hbm>> -> memref<64xf32, #tpu.memory_space<hbm>>
      tpu.enqueue_dma source(%dma_start3A_284 : memref<64xf32, #tpu.memory_space<hbm>>) target(%dma_start3A_281 : memref<64xf32, #tpu.memory_space<vmem>>) target_semaphore(%arg16 : memref<!tpu.dma_semaphore, #tpu.memory_space<semaphore_mem>>)
      %slice3A_285 = vector.extract_strided_slice %get3A_40 {offsets = [8], sizes = [1], strides = [1]} : vector<16xi32> to vector<1xi32>
      %squeeze3A_286 = vector.extract %slice3A_285[0] : i32 from vector<1xi32>
      %get3A_287 = arith.index_cast %squeeze3A_286 : i32 to index
      %get3A_288 = arith.index_cast %mul3A_34 : i32 to index
      %get3A_289 = tpu.vector_load %arg11[%get3A_287, %get3A_288] {strides = array<i32>} : memref<50x128xi32, #tpu.memory_space<vmem>>, vector<1x16xi32>,
      %get3A_290 = vector.shape_cast %get3A_289 : vector<1x16xi32> to vector<16xi32>
      %slice3A_291 = vector.extract_strided_slice %get3A_290 {offsets = [8], sizes = [1], strides = [1]} : vector<16xi32> to vector<1xi32>
      %squeeze3A_292 = vector.extract %slice3A_291[0] : i32 from vector<1xi32>
      %eq3A_293 = arith.constant 8 : i32
      %eq3A_294 = vector.broadcast %eq3A_293 : i32 to vector<16xi32>
      %eq3A_295 = arith.cmpi eq, %iota3A, %eq3A_294 : vector<16xi32>
      %broadcast_in_dim3A_296 = vector.broadcast %squeeze3A_292 : i32 to vector<16xi32>
      %select_n3A_297 = arith.select %eq3A_295, %broadcast_in_dim3A_296, %select_n3A_268 : vector<16xi1>, vector<16xi32>
      %slice3A_298 = vector.extract_strided_slice %get3A_37 {offsets = [9], sizes = [1], strides = [1]} : vector<16xi32> to vector<1xi32>
      %squeeze3A_299 = vector.extract %slice3A_298[0] : i32 from vector<1xi32>
      %add3A_300 = arith.constant 9 : i32
      %add3A_301 = arith.addi %mul3A_34, %add3A_300 : i32
      %dma_start3A_302 = arith.constant 0 : i32
      %dma_start3A_303 = tpu.memref_slice %arg13[%add3A_301, %dma_start3A_302] : memref<128x64xf32, #tpu.memory_space<vmem>> -> memref<1x64xf32, #tpu.memory_space<vmem>>
      %dma_start3A_304 = tpu.memref_squeeze %dma_start3A_303 : memref<1x64xf32, #tpu.memory_space<vmem>> -> memref<64xf32, #tpu.memory_space<vmem>>
      %dma_start3A_305 = arith.constant 0 : i32
      %dma_start3A_306 = tpu.memref_slice %arg5[%squeeze3A_299, %dma_start3A_305] : memref<100000x64xf32, #tpu.memory_space<hbm>> -> memref<1x64xf32, #tpu.memory_space<hbm>>
      %dma_start3A_307 = tpu.memref_squeeze %dma_start3A_306 : memref<1x64xf32, #tpu.memory_space<hbm>> -> memref<64xf32, #tpu.memory_space<hbm>>
      %dma_start3A_308 = arith.constant 0 : i32
      %dma_start3A_309 = tpu.memref_slice %arg13[%add3A_301, %dma_start3A_308] : memref<128x64xf32, #tpu.memory_space<vmem>> -> memref<1x64xf32, #tpu.memory_space<vmem>>
      %dma_start3A_310 = tpu.memref_squeeze %dma_start3A_309 : memref<1x64xf32, #tpu.memory_space<vmem>> -> memref<64xf32, #tpu.memory_space<vmem>>
      %dma_start3A_311 = arith.constant 0 : i32
      %dma_start3A_312 = tpu.memref_slice %arg5[%squeeze3A_299, %dma_start3A_311] : memref<100000x64xf32, #tpu.memory_space<hbm>> -> memref<1x64xf32, #tpu.memory_space<hbm>>
      %dma_start3A_313 = tpu.memref_squeeze %dma_start3A_312 : memref<1x64xf32, #tpu.memory_space<hbm>> -> memref<64xf32, #tpu.memory_space<hbm>>
      tpu.enqueue_dma source(%dma_start3A_313 : memref<64xf32, #tpu.memory_space<hbm>>) target(%dma_start3A_310 : memref<64xf32, #tpu.memory_space<vmem>>) target_semaphore(%arg16 : memref<!tpu.dma_semaphore, #tpu.memory_space<semaphore_mem>>)
      %slice3A_314 = vector.extract_strided_slice %get3A_40 {offsets = [9], sizes = [1], strides = [1]} : vector<16xi32> to vector<1xi32>
      %squeeze3A_315 = vector.extract %slice3A_314[0] : i32 from vector<1xi32>
      %get3A_316 = arith.index_cast %squeeze3A_315 : i32 to index
      %get3A_317 = arith.index_cast %mul3A_34 : i32 to index
      %get3A_318 = tpu.vector_load %arg11[%get3A_316, %get3A_317] {strides = array<i32>} : memref<50x128xi32, #tpu.memory_space<vmem>>, vector<1x16xi32>,
      %get3A_319 = vector.shape_cast %get3A_318 : vector<1x16xi32> to vector<16xi32>
      %slice3A_320 = vector.extract_strided_slice %get3A_319 {offsets = [9], sizes = [1], strides = [1]} : vector<16xi32> to vector<1xi32>
      %squeeze3A_321 = vector.extract %slice3A_320[0] : i32 from vector<1xi32>
      %eq3A_322 = arith.constant 9 : i32
      %eq3A_323 = vector.broadcast %eq3A_322 : i32 to vector<16xi32>
      %eq3A_324 = arith.cmpi eq, %iota3A, %eq3A_323 : vector<16xi32>
      %broadcast_in_dim3A_325 = vector.broadcast %squeeze3A_321 : i32 to vector<16xi32>
      %select_n3A_326 = arith.select %eq3A_324, %broadcast_in_dim3A_325, %select_n3A_297 : vector<16xi1>, vector<16xi32>
      %slice3A_327 = vector.extract_strided_slice %get3A_37 {offsets = [10], sizes = [1], strides = [1]} : vector<16xi32> to vector<1xi32>
      %squeeze3A_328 = vector.extract %slice3A_327[0] : i32 from vector<1xi32>
      %add3A_329 = arith.constant 10 : i32
      %add3A_330 = arith.addi %mul3A_34, %add3A_329 : i32
      %dma_start3A_331 = arith.constant 0 : i32
      %dma_start3A_332 = tpu.memref_slice %arg13[%add3A_330, %dma_start3A_331] : memref<128x64xf32, #tpu.memory_space<vmem>> -> memref<1x64xf32, #tpu.memory_space<vmem>>
      %dma_start3A_333 = tpu.memref_squeeze %dma_start3A_332 : memref<1x64xf32, #tpu.memory_space<vmem>> -> memref<64xf32, #tpu.memory_space<vmem>>
      %dma_start3A_334 = arith.constant 0 : i32
      %dma_start3A_335 = tpu.memref_slice %arg5[%squeeze3A_328, %dma_start3A_334] : memref<100000x64xf32, #tpu.memory_space<hbm>> -> memref<1x64xf32, #tpu.memory_space<hbm>>
      %dma_start3A_336 = tpu.memref_squeeze %dma_start3A_335 : memref<1x64xf32, #tpu.memory_space<hbm>> -> memref<64xf32, #tpu.memory_space<hbm>>
      %dma_start3A_337 = arith.constant 0 : i32
      %dma_start3A_338 = tpu.memref_slice %arg13[%add3A_330, %dma_start3A_337] : memref<128x64xf32, #tpu.memory_space<vmem>> -> memref<1x64xf32, #tpu.memory_space<vmem>>
      %dma_start3A_339 = tpu.memref_squeeze %dma_start3A_338 : memref<1x64xf32, #tpu.memory_space<vmem>> -> memref<64xf32, #tpu.memory_space<vmem>>
      %dma_start3A_340 = arith.constant 0 : i32
      %dma_start3A_341 = tpu.memref_slice %arg5[%squeeze3A_328, %dma_start3A_340] : memref<100000x64xf32, #tpu.memory_space<hbm>> -> memref<1x64xf32, #tpu.memory_space<hbm>>
      %dma_start3A_342 = tpu.memref_squeeze %dma_start3A_341 : memref<1x64xf32, #tpu.memory_space<hbm>> -> memref<64xf32, #tpu.memory_space<hbm>>
      tpu.enqueue_dma source(%dma_start3A_342 : memref<64xf32, #tpu.memory_space<hbm>>) target(%dma_start3A_339 : memref<64xf32, #tpu.memory_space<vmem>>) target_semaphore(%arg16 : memref<!tpu.dma_semaphore, #tpu.memory_space<semaphore_mem>>)
      %slice3A_343 = vector.extract_strided_slice %get3A_40 {offsets = [10], sizes = [1], strides = [1]} : vector<16xi32> to vector<1xi32>
      %squeeze3A_344 = vector.extract %slice3A_343[0] : i32 from vector<1xi32>
      %get3A_345 = arith.index_cast %squeeze3A_344 : i32 to index
      %get3A_346 = arith.index_cast %mul3A_34 : i32 to index
      %get3A_347 = tpu.vector_load %arg11[%get3A_345, %get3A_346] {strides = array<i32>} : memref<50x128xi32, #tpu.memory_space<vmem>>, vector<1x16xi32>,
      %get3A_348 = vector.shape_cast %get3A_347 : vector<1x16xi32> to vector<16xi32>
      %slice3A_349 = vector.extract_strided_slice %get3A_348 {offsets = [10], sizes = [1], strides = [1]} : vector<16xi32> to vector<1xi32>
      %squeeze3A_350 = vector.extract %slice3A_349[0] : i32 from vector<1xi32>
      %eq3A_351 = arith.constant 10 : i32
      %eq3A_352 = vector.broadcast %eq3A_351 : i32 to vector<16xi32>
      %eq3A_353 = arith.cmpi eq, %iota3A, %eq3A_352 : vector<16xi32>
      %broadcast_in_dim3A_354 = vector.broadcast %squeeze3A_350 : i32 to vector<16xi32>
      %select_n3A_355 = arith.select %eq3A_353, %broadcast_in_dim3A_354, %select_n3A_326 : vector<16xi1>, vector<16xi32>
      %slice3A_356 = vector.extract_strided_slice %get3A_37 {offsets = [11], sizes = [1], strides = [1]} : vector<16xi32> to vector<1xi32>
      %squeeze3A_357 = vector.extract %slice3A_356[0] : i32 from vector<1xi32>
      %add3A_358 = arith.constant 11 : i32
      %add3A_359 = arith.addi %mul3A_34, %add3A_358 : i32
      %dma_start3A_360 = arith.constant 0 : i32
      %dma_start3A_361 = tpu.memref_slice %arg13[%add3A_359, %dma_start3A_360] : memref<128x64xf32, #tpu.memory_space<vmem>> -> memref<1x64xf32, #tpu.memory_space<vmem>>
      %dma_start3A_362 = tpu.memref_squeeze %dma_start3A_361 : memref<1x64xf32, #tpu.memory_space<vmem>> -> memref<64xf32, #tpu.memory_space<vmem>>
      %dma_start3A_363 = arith.constant 0 : i32
      %dma_start3A_364 = tpu.memref_slice %arg5[%squeeze3A_357, %dma_start3A_363] : memref<100000x64xf32, #tpu.memory_space<hbm>> -> memref<1x64xf32, #tpu.memory_space<hbm>>
      %dma_start3A_365 = tpu.memref_squeeze %dma_start3A_364 : memref<1x64xf32, #tpu.memory_space<hbm>> -> memref<64xf32, #tpu.memory_space<hbm>>
      %dma_start3A_366 = arith.constant 0 : i32
      %dma_start3A_367 = tpu.memref_slice %arg13[%add3A_359, %dma_start3A_366] : memref<128x64xf32, #tpu.memory_space<vmem>> -> memref<1x64xf32, #tpu.memory_space<vmem>>
      %dma_start3A_368 = tpu.memref_squeeze %dma_start3A_367 : memref<1x64xf32, #tpu.memory_space<vmem>> -> memref<64xf32, #tpu.memory_space<vmem>>
      %dma_start3A_369 = arith.constant 0 : i32
      %dma_start3A_370 = tpu.memref_slice %arg5[%squeeze3A_357, %dma_start3A_369] : memref<100000x64xf32, #tpu.memory_space<hbm>> -> memref<1x64xf32, #tpu.memory_space<hbm>>
      %dma_start3A_371 = tpu.memref_squeeze %dma_start3A_370 : memref<1x64xf32, #tpu.memory_space<hbm>> -> memref<64xf32, #tpu.memory_space<hbm>>
      tpu.enqueue_dma source(%dma_start3A_371 : memref<64xf32, #tpu.memory_space<hbm>>) target(%dma_start3A_368 : memref<64xf32, #tpu.memory_space<vmem>>) target_semaphore(%arg16 : memref<!tpu.dma_semaphore, #tpu.memory_space<semaphore_mem>>)
      %slice3A_372 = vector.extract_strided_slice %get3A_40 {offsets = [11], sizes = [1], strides = [1]} : vector<16xi32> to vector<1xi32>
      %squeeze3A_373 = vector.extract %slice3A_372[0] : i32 from vector<1xi32>
      %get3A_374 = arith.index_cast %squeeze3A_373 : i32 to index
      %get3A_375 = arith.index_cast %mul3A_34 : i32 to index
      %get3A_376 = tpu.vector_load %arg11[%get3A_374, %get3A_375] {strides = array<i32>} : memref<50x128xi32, #tpu.memory_space<vmem>>, vector<1x16xi32>,
      %get3A_377 = vector.shape_cast %get3A_376 : vector<1x16xi32> to vector<16xi32>
      %slice3A_378 = vector.extract_strided_slice %get3A_377 {offsets = [11], sizes = [1], strides = [1]} : vector<16xi32> to vector<1xi32>
      %squeeze3A_379 = vector.extract %slice3A_378[0] : i32 from vector<1xi32>
      %eq3A_380 = arith.constant 11 : i32
      %eq3A_381 = vector.broadcast %eq3A_380 : i32 to vector<16xi32>
      %eq3A_382 = arith.cmpi eq, %iota3A, %eq3A_381 : vector<16xi32>
      %broadcast_in_dim3A_383 = vector.broadcast %squeeze3A_379 : i32 to vector<16xi32>
      %select_n3A_384 = arith.select %eq3A_382, %broadcast_in_dim3A_383, %select_n3A_355 : vector<16xi1>, vector<16xi32>
      %slice3A_385 = vector.extract_strided_slice %get3A_37 {offsets = [12], sizes = [1], strides = [1]} : vector<16xi32> to vector<1xi32>
      %squeeze3A_386 = vector.extract %slice3A_385[0] : i32 from vector<1xi32>
      %add3A_387 = arith.constant 12 : i32
      %add3A_388 = arith.addi %mul3A_34, %add3A_387 : i32
      %dma_start3A_389 = arith.constant 0 : i32
      %dma_start3A_390 = tpu.memref_slice %arg13[%add3A_388, %dma_start3A_389] : memref<128x64xf32, #tpu.memory_space<vmem>> -> memref<1x64xf32, #tpu.memory_space<vmem>>
      %dma_start3A_391 = tpu.memref_squeeze %dma_start3A_390 : memref<1x64xf32, #tpu.memory_space<vmem>> -> memref<64xf32, #tpu.memory_space<vmem>>
      %dma_start3A_392 = arith.constant 0 : i32
      %dma_start3A_393 = tpu.memref_slice %arg5[%squeeze3A_386, %dma_start3A_392] : memref<100000x64xf32, #tpu.memory_space<hbm>> -> memref<1x64xf32, #tpu.memory_space<hbm>>
      %dma_start3A_394 = tpu.memref_squeeze %dma_start3A_393 : memref<1x64xf32, #tpu.memory_space<hbm>> -> memref<64xf32, #tpu.memory_space<hbm>>
      %dma_start3A_395 = arith.constant 0 : i32
      %dma_start3A_396 = tpu.memref_slice %arg13[%add3A_388, %dma_start3A_395] : memref<128x64xf32, #tpu.memory_space<vmem>> -> memref<1x64xf32, #tpu.memory_space<vmem>>
      %dma_start3A_397 = tpu.memref_squeeze %dma_start3A_396 : memref<1x64xf32, #tpu.memory_space<vmem>> -> memref<64xf32, #tpu.memory_space<vmem>>
      %dma_start3A_398 = arith.constant 0 : i32
      %dma_start3A_399 = tpu.memref_slice %arg5[%squeeze3A_386, %dma_start3A_398] : memref<100000x64xf32, #tpu.memory_space<hbm>> -> memref<1x64xf32, #tpu.memory_space<hbm>>
      %dma_start3A_400 = tpu.memref_squeeze %dma_start3A_399 : memref<1x64xf32, #tpu.memory_space<hbm>> -> memref<64xf32, #tpu.memory_space<hbm>>
      tpu.enqueue_dma source(%dma_start3A_400 : memref<64xf32, #tpu.memory_space<hbm>>) target(%dma_start3A_397 : memref<64xf32, #tpu.memory_space<vmem>>) target_semaphore(%arg16 : memref<!tpu.dma_semaphore, #tpu.memory_space<semaphore_mem>>)
      %slice3A_401 = vector.extract_strided_slice %get3A_40 {offsets = [12], sizes = [1], strides = [1]} : vector<16xi32> to vector<1xi32>
      %squeeze3A_402 = vector.extract %slice3A_401[0] : i32 from vector<1xi32>
      %get3A_403 = arith.index_cast %squeeze3A_402 : i32 to index
      %get3A_404 = arith.index_cast %mul3A_34 : i32 to index
      %get3A_405 = tpu.vector_load %arg11[%get3A_403, %get3A_404] {strides = array<i32>} : memref<50x128xi32, #tpu.memory_space<vmem>>, vector<1x16xi32>,
      %get3A_406 = vector.shape_cast %get3A_405 : vector<1x16xi32> to vector<16xi32>
      %slice3A_407 = vector.extract_strided_slice %get3A_406 {offsets = [12], sizes = [1], strides = [1]} : vector<16xi32> to vector<1xi32>
      %squeeze3A_408 = vector.extract %slice3A_407[0] : i32 from vector<1xi32>
      %eq3A_409 = arith.constant 12 : i32
      %eq3A_410 = vector.broadcast %eq3A_409 : i32 to vector<16xi32>
      %eq3A_411 = arith.cmpi eq, %iota3A, %eq3A_410 : vector<16xi32>
      %broadcast_in_dim3A_412 = vector.broadcast %squeeze3A_408 : i32 to vector<16xi32>
      %select_n3A_413 = arith.select %eq3A_411, %broadcast_in_dim3A_412, %select_n3A_384 : vector<16xi1>, vector<16xi32>
      %slice3A_414 = vector.extract_strided_slice %get3A_37 {offsets = [13], sizes = [1], strides = [1]} : vector<16xi32> to vector<1xi32>
      %squeeze3A_415 = vector.extract %slice3A_414[0] : i32 from vector<1xi32>
      %add3A_416 = arith.constant 13 : i32
      %add3A_417 = arith.addi %mul3A_34, %add3A_416 : i32
      %dma_start3A_418 = arith.constant 0 : i32
      %dma_start3A_419 = tpu.memref_slice %arg13[%add3A_417, %dma_start3A_418] : memref<128x64xf32, #tpu.memory_space<vmem>> -> memref<1x64xf32, #tpu.memory_space<vmem>>
      %dma_start3A_420 = tpu.memref_squeeze %dma_start3A_419 : memref<1x64xf32, #tpu.memory_space<vmem>> -> memref<64xf32, #tpu.memory_space<vmem>>
      %dma_start3A_421 = arith.constant 0 : i32
      %dma_start3A_422 = tpu.memref_slice %arg5[%squeeze3A_415, %dma_start3A_421] : memref<100000x64xf32, #tpu.memory_space<hbm>> -> memref<1x64xf32, #tpu.memory_space<hbm>>
      %dma_start3A_423 = tpu.memref_squeeze %dma_start3A_422 : memref<1x64xf32, #tpu.memory_space<hbm>> -> memref<64xf32, #tpu.memory_space<hbm>>
      %dma_start3A_424 = arith.constant 0 : i32
      %dma_start3A_425 = tpu.memref_slice %arg13[%add3A_417, %dma_start3A_424] : memref<128x64xf32, #tpu.memory_space<vmem>> -> memref<1x64xf32, #tpu.memory_space<vmem>>
      %dma_start3A_426 = tpu.memref_squeeze %dma_start3A_425 : memref<1x64xf32, #tpu.memory_space<vmem>> -> memref<64xf32, #tpu.memory_space<vmem>>
      %dma_start3A_427 = arith.constant 0 : i32
      %dma_start3A_428 = tpu.memref_slice %arg5[%squeeze3A_415, %dma_start3A_427] : memref<100000x64xf32, #tpu.memory_space<hbm>> -> memref<1x64xf32, #tpu.memory_space<hbm>>
      %dma_start3A_429 = tpu.memref_squeeze %dma_start3A_428 : memref<1x64xf32, #tpu.memory_space<hbm>> -> memref<64xf32, #tpu.memory_space<hbm>>
      tpu.enqueue_dma source(%dma_start3A_429 : memref<64xf32, #tpu.memory_space<hbm>>) target(%dma_start3A_426 : memref<64xf32, #tpu.memory_space<vmem>>) target_semaphore(%arg16 : memref<!tpu.dma_semaphore, #tpu.memory_space<semaphore_mem>>)
      %slice3A_430 = vector.extract_strided_slice %get3A_40 {offsets = [13], sizes = [1], strides = [1]} : vector<16xi32> to vector<1xi32>
      %squeeze3A_431 = vector.extract %slice3A_430[0] : i32 from vector<1xi32>
      %get3A_432 = arith.index_cast %squeeze3A_431 : i32 to index
      %get3A_433 = arith.index_cast %mul3A_34 : i32 to index
      %get3A_434 = tpu.vector_load %arg11[%get3A_432, %get3A_433] {strides = array<i32>} : memref<50x128xi32, #tpu.memory_space<vmem>>, vector<1x16xi32>,
      %get3A_435 = vector.shape_cast %get3A_434 : vector<1x16xi32> to vector<16xi32>
      %slice3A_436 = vector.extract_strided_slice %get3A_435 {offsets = [13], sizes = [1], strides = [1]} : vector<16xi32> to vector<1xi32>
      %squeeze3A_437 = vector.extract %slice3A_436[0] : i32 from vector<1xi32>
      %eq3A_438 = arith.constant 13 : i32
      %eq3A_439 = vector.broadcast %eq3A_438 : i32 to vector<16xi32>
      %eq3A_440 = arith.cmpi eq, %iota3A, %eq3A_439 : vector<16xi32>
      %broadcast_in_dim3A_441 = vector.broadcast %squeeze3A_437 : i32 to vector<16xi32>
      %select_n3A_442 = arith.select %eq3A_440, %broadcast_in_dim3A_441, %select_n3A_413 : vector<16xi1>, vector<16xi32>
      %slice3A_443 = vector.extract_strided_slice %get3A_37 {offsets = [14], sizes = [1], strides = [1]} : vector<16xi32> to vector<1xi32>
      %squeeze3A_444 = vector.extract %slice3A_443[0] : i32 from vector<1xi32>
      %add3A_445 = arith.constant 14 : i32
      %add3A_446 = arith.addi %mul3A_34, %add3A_445 : i32
      %dma_start3A_447 = arith.constant 0 : i32
      %dma_start3A_448 = tpu.memref_slice %arg13[%add3A_446, %dma_start3A_447] : memref<128x64xf32, #tpu.memory_space<vmem>> -> memref<1x64xf32, #tpu.memory_space<vmem>>
      %dma_start3A_449 = tpu.memref_squeeze %dma_start3A_448 : memref<1x64xf32, #tpu.memory_space<vmem>> -> memref<64xf32, #tpu.memory_space<vmem>>
      %dma_start3A_450 = arith.constant 0 : i32
      %dma_start3A_451 = tpu.memref_slice %arg5[%squeeze3A_444, %dma_start3A_450] : memref<100000x64xf32, #tpu.memory_space<hbm>> -> memref<1x64xf32, #tpu.memory_space<hbm>>
      %dma_start3A_452 = tpu.memref_squeeze %dma_start3A_451 : memref<1x64xf32, #tpu.memory_space<hbm>> -> memref<64xf32, #tpu.memory_space<hbm>>
      %dma_start3A_453 = arith.constant 0 : i32
      %dma_start3A_454 = tpu.memref_slice %arg13[%add3A_446, %dma_start3A_453] : memref<128x64xf32, #tpu.memory_space<vmem>> -> memref<1x64xf32, #tpu.memory_space<vmem>>
      %dma_start3A_455 = tpu.memref_squeeze %dma_start3A_454 : memref<1x64xf32, #tpu.memory_space<vmem>> -> memref<64xf32, #tpu.memory_space<vmem>>
      %dma_start3A_456 = arith.constant 0 : i32
      %dma_start3A_457 = tpu.memref_slice %arg5[%squeeze3A_444, %dma_start3A_456] : memref<100000x64xf32, #tpu.memory_space<hbm>> -> memref<1x64xf32, #tpu.memory_space<hbm>>
      %dma_start3A_458 = tpu.memref_squeeze %dma_start3A_457 : memref<1x64xf32, #tpu.memory_space<hbm>> -> memref<64xf32, #tpu.memory_space<hbm>>
      tpu.enqueue_dma source(%dma_start3A_458 : memref<64xf32, #tpu.memory_space<hbm>>) target(%dma_start3A_455 : memref<64xf32, #tpu.memory_space<vmem>>) target_semaphore(%arg16 : memref<!tpu.dma_semaphore, #tpu.memory_space<semaphore_mem>>)
      %slice3A_459 = vector.extract_strided_slice %get3A_40 {offsets = [14], sizes = [1], strides = [1]} : vector<16xi32> to vector<1xi32>
      %squeeze3A_460 = vector.extract %slice3A_459[0] : i32 from vector<1xi32>
      %get3A_461 = arith.index_cast %squeeze3A_460 : i32 to index
      %get3A_462 = arith.index_cast %mul3A_34 : i32 to index
      %get3A_463 = tpu.vector_load %arg11[%get3A_461, %get3A_462] {strides = array<i32>} : memref<50x128xi32, #tpu.memory_space<vmem>>, vector<1x16xi32>,
      %get3A_464 = vector.shape_cast %get3A_463 : vector<1x16xi32> to vector<16xi32>
      %slice3A_465 = vector.extract_strided_slice %get3A_464 {offsets = [14], sizes = [1], strides = [1]} : vector<16xi32> to vector<1xi32>
      %squeeze3A_466 = vector.extract %slice3A_465[0] : i32 from vector<1xi32>
      %eq3A_467 = arith.constant 14 : i32
      %eq3A_468 = vector.broadcast %eq3A_467 : i32 to vector<16xi32>
      %eq3A_469 = arith.cmpi eq, %iota3A, %eq3A_468 : vector<16xi32>
      %broadcast_in_dim3A_470 = vector.broadcast %squeeze3A_466 : i32 to vector<16xi32>
      %select_n3A_471 = arith.select %eq3A_469, %broadcast_in_dim3A_470, %select_n3A_442 : vector<16xi1>, vector<16xi32>
      %slice3A_472 = vector.extract_strided_slice %get3A_37 {offsets = [15], sizes = [1], strides = [1]} : vector<16xi32> to vector<1xi32>
      %squeeze3A_473 = vector.extract %slice3A_472[0] : i32 from vector<1xi32>
      %add3A_474 = arith.constant 15 : i32
      %add3A_475 = arith.addi %mul3A_34, %add3A_474 : i32
      %dma_start3A_476 = arith.constant 0 : i32
      %dma_start3A_477 = tpu.memref_slice %arg13[%add3A_475, %dma_start3A_476] : memref<128x64xf32, #tpu.memory_space<vmem>> -> memref<1x64xf32, #tpu.memory_space<vmem>>
      %dma_start3A_478 = tpu.memref_squeeze %dma_start3A_477 : memref<1x64xf32, #tpu.memory_space<vmem>> -> memref<64xf32, #tpu.memory_space<vmem>>
      %dma_start3A_479 = arith.constant 0 : i32
      %dma_start3A_480 = tpu.memref_slice %arg5[%squeeze3A_473, %dma_start3A_479] : memref<100000x64xf32, #tpu.memory_space<hbm>> -> memref<1x64xf32, #tpu.memory_space<hbm>>
      %dma_start3A_481 = tpu.memref_squeeze %dma_start3A_480 : memref<1x64xf32, #tpu.memory_space<hbm>> -> memref<64xf32, #tpu.memory_space<hbm>>
      %dma_start3A_482 = arith.constant 0 : i32
      %dma_start3A_483 = tpu.memref_slice %arg13[%add3A_475, %dma_start3A_482] : memref<128x64xf32, #tpu.memory_space<vmem>> -> memref<1x64xf32, #tpu.memory_space<vmem>>
      %dma_start3A_484 = tpu.memref_squeeze %dma_start3A_483 : memref<1x64xf32, #tpu.memory_space<vmem>> -> memref<64xf32, #tpu.memory_space<vmem>>
      %dma_start3A_485 = arith.constant 0 : i32
      %dma_start3A_486 = tpu.memref_slice %arg5[%squeeze3A_473, %dma_start3A_485] : memref<100000x64xf32, #tpu.memory_space<hbm>> -> memref<1x64xf32, #tpu.memory_space<hbm>>
      %dma_start3A_487 = tpu.memref_squeeze %dma_start3A_486 : memref<1x64xf32, #tpu.memory_space<hbm>> -> memref<64xf32, #tpu.memory_space<hbm>>
      tpu.enqueue_dma source(%dma_start3A_487 : memref<64xf32, #tpu.memory_space<hbm>>) target(%dma_start3A_484 : memref<64xf32, #tpu.memory_space<vmem>>) target_semaphore(%arg16 : memref<!tpu.dma_semaphore, #tpu.memory_space<semaphore_mem>>)
      %slice3A_488 = vector.extract_strided_slice %get3A_40 {offsets = [15], sizes = [1], strides = [1]} : vector<16xi32> to vector<1xi32>
      %squeeze3A_489 = vector.extract %slice3A_488[0] : i32 from vector<1xi32>
      %get3A_490 = arith.index_cast %squeeze3A_489 : i32 to index
      %get3A_491 = arith.index_cast %mul3A_34 : i32 to index
      %get3A_492 = tpu.vector_load %arg11[%get3A_490, %get3A_491] {strides = array<i32>} : memref<50x128xi32, #tpu.memory_space<vmem>>, vector<1x16xi32>,
      %get3A_493 = vector.shape_cast %get3A_492 : vector<1x16xi32> to vector<16xi32>
      %slice3A_494 = vector.extract_strided_slice %get3A_493 {offsets = [15], sizes = [1], strides = [1]} : vector<16xi32> to vector<1xi32>
      %squeeze3A_495 = vector.extract %slice3A_494[0] : i32 from vector<1xi32>
      %eq3A_496 = arith.constant 15 : i32
      %eq3A_497 = vector.broadcast %eq3A_496 : i32 to vector<16xi32>
      %eq3A_498 = arith.cmpi eq, %iota3A, %eq3A_497 : vector<16xi32>
      %broadcast_in_dim3A_499 = vector.broadcast %squeeze3A_495 : i32 to vector<16xi32>
      %select_n3A_500 = arith.select %eq3A_498, %broadcast_in_dim3A_499, %select_n3A_471 : vector<16xi1>, vector<16xi32>
      %swap3A = arith.index_cast %mul3A_34 : i32 to index
      %swap3A_501 = tpu.vector_load %arg12[%swap3A] {strides = array<i32>} : memref<128xi32, #tpu.memory_space<vmem>>, vector<16xi32>,
      %swap3A_502 = vector.shape_cast %swap3A_501 : vector<16xi32> to vector<16xi32>
      %swap3A_503 = vector.shape_cast %select_n3A_500 : vector<16xi32> to vector<16xi32>
      tpu.vector_store %arg12[%swap3A], %swap3A_503 {strides = array<i32>} : memref<128xi32, #tpu.memory_space<vmem>>, vector<16xi32>,
    }
    %scan3A_7 = arith.constant 8 : i32
    "tpu.region"() ({
      %run_scoped3A = tpu.sem_alloc : memref<!tpu.dma_semaphore, #tpu.memory_space<semaphore_mem>>
      %dma_start3A = tpu.memref_slice %arg8[%mul3A_2] : memref<4096xi32, #tpu.memory_space<hbm>> -> memref<128xi32, #tpu.memory_space<hbm>>
      %dma_start3A_32 = tpu.memref_slice %arg8[%mul3A_2] : memref<4096xi32, #tpu.memory_space<hbm>> -> memref<128xi32, #tpu.memory_space<hbm>>
      tpu.enqueue_dma source(%arg12 : memref<128xi32, #tpu.memory_space<vmem>>) target(%dma_start3A_32 : memref<128xi32, #tpu.memory_space<hbm>>) target_semaphore(%run_scoped3A : memref<!tpu.dma_semaphore, #tpu.memory_space<semaphore_mem>>)
      %dma_wait3A_33 = tpu.memref_slice %arg8[%mul3A_2] : memref<4096xi32, #tpu.memory_space<hbm>> -> memref<128xi32, #tpu.memory_space<hbm>>
      %dma_wait3A_34 = tpu.memref_slice %arg8[%mul3A_2] : memref<4096xi32, #tpu.memory_space<hbm>> -> memref<128xi32, #tpu.memory_space<hbm>>
      tpu.wait_dma2 semaphore(%run_scoped3A : memref<!tpu.dma_semaphore, #tpu.memory_space<semaphore_mem>>) src(%arg12 : memref<128xi32, #tpu.memory_space<vmem>>) dst(%dma_wait3A_34 : memref<128xi32, #tpu.memory_space<hbm>>)
      tpu.yield
    }) : () -> ()
    %dma_wait3A = arith.constant 0 : i32
    %dma_wait3A_8 = arith.constant 0 : i32
    %dma_wait3A_9 = tpu.memref_slice %arg5[%dma_wait3A, %dma_wait3A_8] : memref<100000x64xf32, #tpu.memory_space<hbm>> -> memref<128x64xf32, #tpu.memory_space<hbm>>
    %dma_wait3A_10 = arith.constant 0 : i32
    %dma_wait3A_11 = arith.constant 0 : i32
    %dma_wait3A_12 = tpu.memref_slice %arg5[%dma_wait3A_10, %dma_wait3A_11] : memref<100000x64xf32, #tpu.memory_space<hbm>> -> memref<128x64xf32, #tpu.memory_space<hbm>>
    tpu.wait_dma2 semaphore(%arg16 : memref<!tpu.dma_semaphore, #tpu.memory_space<semaphore_mem>>) src(%dma_wait3A_12 : memref<128x64xf32, #tpu.memory_space<hbm>>) dst(%arg13 : memref<128x64xf32, #tpu.memory_space<vmem>>)
    %get3A = arith.constant 0 : index
    %get3A_13 = tpu.vector_load %arg15[%get3A] {strides = array<i32>} : memref<64xf32, #tpu.memory_space<vmem>>, vector<16xf32>,
    %get3A_14 = vector.shape_cast %get3A_13 : vector<16xf32> to vector<16xf32>
    %get3A_15 = arith.constant 16 : index
    %get3A_16 = tpu.vector_load %arg15[%get3A_15] {strides = array<i32>} : memref<64xf32, #tpu.memory_space<vmem>>, vector<16xf32>,
    %get3A_17 = vector.shape_cast %get3A_16 : vector<16xf32> to vector<16xf32>
    %get3A_18 = arith.constant 32 : index
    %get3A_19 = tpu.vector_load %arg15[%get3A_18] {strides = array<i32>} : memref<64xf32, #tpu.memory_space<vmem>>, vector<16xf32>,
    %get3A_20 = vector.shape_cast %get3A_19 : vector<16xf32> to vector<16xf32>
    %get3A_21 = arith.constant 48 : index
    %get3A_22 = tpu.vector_load %arg15[%get3A_21] {strides = array<i32>} : memref<64xf32, #tpu.memory_space<vmem>>, vector<16xf32>,
    %get3A_23 = vector.shape_cast %get3A_22 : vector<16xf32> to vector<16xf32>
    %scan3A_24 = arith.constant 0 : i32
    %scan3A_25 = arith.constant 1.000000e+00 : f32
    %scan3A_26 = arith.constant 0.000000e+00 : f32
    %scan3A_27 = arith.constant 0 : i32
    %scan3A_28 = arith.constant 8 : i32
    %scan3A_29 = arith.addi %scan3A_27, %scan3A_28 : i32
    %scan3A_30 = arith.constant 1 : i32
    scf.for %scan3A_32 = %scan3A_27 to %scan3A_29 step %scan3A_30  : i32 {
      %mul3A_33 = arith.constant 16 : i32
      %mul3A_34 = arith.muli %scan3A_32, %mul3A_33 : i32
      %get3A_35 = arith.index_cast %mul3A_34 : i32 to index
      %get3A_36 = tpu.vector_load %arg9[%get3A_35] {strides = array<i32>} : memref<128xi32, #tpu.memory_space<vmem>>, vector<16xi32>,
      %get3A_37 = vector.shape_cast %get3A_36 : vector<16xi32> to vector<16xi32>
      %ne3A = arith.constant 0 : i32
      %ne3A_38 = vector.broadcast %ne3A : i32 to vector<16xi32>
      %ne3A_39 = arith.cmpi ne, %get3A_37, %ne3A_38 : vector<16xi32>
      %broadcast_in_dim3A = vector.broadcast %scan3A_25 : f32 to vector<16xf32>
      %broadcast_in_dim3A_40 = vector.broadcast %scan3A_26 : f32 to vector<16xf32>
      %select_n3A = arith.select %ne3A_39, %broadcast_in_dim3A, %broadcast_in_dim3A_40 : vector<16xi1>, vector<16xf32>
      %mul3A_41 = arith.constant 16 : i32
      %mul3A_42 = arith.muli %scan3A_32, %mul3A_41 : i32
      %add3A_43 = arith.constant 0 : i32
      %add3A_44 = arith.addi %mul3A_42, %add3A_43 : i32
      %slice3A = vector.extract_strided_slice %select_n3A {offsets = [0], sizes = [1], strides = [1]} : vector<16xf32> to vector<1xf32>
      %squeeze3A = vector.extract %slice3A[0] : f32 from vector<1xf32>
      %broadcast_in_dim3A_45 = vector.broadcast %squeeze3A : f32 to vector<16xf32>
      %get3A_46 = arith.index_cast %add3A_44 : i32 to index
      %get3A_47 = arith.constant 0 : index
      %get3A_48 = tpu.vector_load %arg13[%get3A_46, %get3A_47] {strides = array<i32>} : memref<128x64xf32, #tpu.memory_space<vmem>>, vector<1x16xf32>,
      %get3A_49 = vector.shape_cast %get3A_48 : vector<1x16xf32> to vector<16xf32>
      %mul3A_50 = arith.mulf %get3A_49, %broadcast_in_dim3A_45 : vector<16xf32>
      %add3A_51 = arith.addf %mul3A_50, %get3A_14 : vector<16xf32>
      %swap3A = arith.index_cast %add3A_44 : i32 to index
      %swap3A_52 = arith.constant 0 : index
      %swap3A_53 = tpu.vector_load %arg14[%swap3A, %swap3A_52] {strides = array<i32>} : memref<128x128xf32, #tpu.memory_space<vmem>>, vector<1x16xf32>,
      %swap3A_54 = vector.shape_cast %swap3A_53 : vector<1x16xf32> to vector<16xf32>
      %swap3A_55 = vector.shape_cast %add3A_51 : vector<16xf32> to vector<1x16xf32>
      tpu.vector_store %arg14[%swap3A, %swap3A_52], %swap3A_55 {strides = array<i32>} : memref<128x128xf32, #tpu.memory_space<vmem>>, vector<1x16xf32>,
      %get3A_56 = arith.index_cast %add3A_44 : i32 to index
      %get3A_57 = arith.constant 16 : index
      %get3A_58 = tpu.vector_load %arg13[%get3A_56, %get3A_57] {strides = array<i32>} : memref<128x64xf32, #tpu.memory_space<vmem>>, vector<1x16xf32>,
      %get3A_59 = vector.shape_cast %get3A_58 : vector<1x16xf32> to vector<16xf32>
      %mul3A_60 = arith.mulf %get3A_59, %broadcast_in_dim3A_45 : vector<16xf32>
      %add3A_61 = arith.addf %mul3A_60, %get3A_17 : vector<16xf32>
      %swap3A_62 = arith.index_cast %add3A_44 : i32 to index
      %swap3A_63 = arith.constant 16 : index
      %swap3A_64 = tpu.vector_load %arg14[%swap3A_62, %swap3A_63] {strides = array<i32>} : memref<128x128xf32, #tpu.memory_space<vmem>>, vector<1x16xf32>,
      %swap3A_65 = vector.shape_cast %swap3A_64 : vector<1x16xf32> to vector<16xf32>
      %swap3A_66 = vector.shape_cast %add3A_61 : vector<16xf32> to vector<1x16xf32>
      tpu.vector_store %arg14[%swap3A_62, %swap3A_63], %swap3A_66 {strides = array<i32>} : memref<128x128xf32, #tpu.memory_space<vmem>>, vector<1x16xf32>,
      %get3A_67 = arith.index_cast %add3A_44 : i32 to index
      %get3A_68 = arith.constant 32 : index
      %get3A_69 = tpu.vector_load %arg13[%get3A_67, %get3A_68] {strides = array<i32>} : memref<128x64xf32, #tpu.memory_space<vmem>>, vector<1x16xf32>,
      %get3A_70 = vector.shape_cast %get3A_69 : vector<1x16xf32> to vector<16xf32>
      %mul3A_71 = arith.mulf %get3A_70, %broadcast_in_dim3A_45 : vector<16xf32>
      %add3A_72 = arith.addf %mul3A_71, %get3A_20 : vector<16xf32>
      %swap3A_73 = arith.index_cast %add3A_44 : i32 to index
      %swap3A_74 = arith.constant 32 : index
      %swap3A_75 = tpu.vector_load %arg14[%swap3A_73, %swap3A_74] {strides = array<i32>} : memref<128x128xf32, #tpu.memory_space<vmem>>, vector<1x16xf32>,
      %swap3A_76 = vector.shape_cast %swap3A_75 : vector<1x16xf32> to vector<16xf32>
      %swap3A_77 = vector.shape_cast %add3A_72 : vector<16xf32> to vector<1x16xf32>
      tpu.vector_store %arg14[%swap3A_73, %swap3A_74], %swap3A_77 {strides = array<i32>} : memref<128x128xf32, #tpu.memory_space<vmem>>, vector<1x16xf32>,
      %get3A_78 = arith.index_cast %add3A_44 : i32 to index
      %get3A_79 = arith.constant 48 : index
      %get3A_80 = tpu.vector_load %arg13[%get3A_78, %get3A_79] {strides = array<i32>} : memref<128x64xf32, #tpu.memory_space<vmem>>, vector<1x16xf32>,
      %get3A_81 = vector.shape_cast %get3A_80 : vector<1x16xf32> to vector<16xf32>
      %mul3A_82 = arith.mulf %get3A_81, %broadcast_in_dim3A_45 : vector<16xf32>
      %add3A_83 = arith.addf %mul3A_82, %get3A_23 : vector<16xf32>
      %swap3A_84 = arith.index_cast %add3A_44 : i32 to index
      %swap3A_85 = arith.constant 48 : index
      %swap3A_86 = tpu.vector_load %arg14[%swap3A_84, %swap3A_85] {strides = array<i32>} : memref<128x128xf32, #tpu.memory_space<vmem>>, vector<1x16xf32>,
      %swap3A_87 = vector.shape_cast %swap3A_86 : vector<1x16xf32> to vector<16xf32>
      %swap3A_88 = vector.shape_cast %add3A_83 : vector<16xf32> to vector<1x16xf32>
      tpu.vector_store %arg14[%swap3A_84, %swap3A_85], %swap3A_88 {strides = array<i32>} : memref<128x128xf32, #tpu.memory_space<vmem>>, vector<1x16xf32>,
      %mul3A_89 = arith.constant 16 : i32
      %mul3A_90 = arith.muli %scan3A_32, %mul3A_89 : i32
      %add3A_91 = arith.constant 1 : i32
      %add3A_92 = arith.addi %mul3A_90, %add3A_91 : i32
      %slice3A_93 = vector.extract_strided_slice %select_n3A {offsets = [1], sizes = [1], strides = [1]} : vector<16xf32> to vector<1xf32>
      %squeeze3A_94 = vector.extract %slice3A_93[0] : f32 from vector<1xf32>
      %broadcast_in_dim3A_95 = vector.broadcast %squeeze3A_94 : f32 to vector<16xf32>
      %get3A_96 = arith.index_cast %add3A_92 : i32 to index
      %get3A_97 = arith.constant 0 : index
      %get3A_98 = tpu.vector_load %arg13[%get3A_96, %get3A_97] {strides = array<i32>} : memref<128x64xf32, #tpu.memory_space<vmem>>, vector<1x16xf32>,
      %get3A_99 = vector.shape_cast %get3A_98 : vector<1x16xf32> to vector<16xf32>
      %mul3A_100 = arith.mulf %get3A_99, %broadcast_in_dim3A_95 : vector<16xf32>
      %add3A_101 = arith.addf %mul3A_100, %get3A_14 : vector<16xf32>
      %swap3A_102 = arith.index_cast %add3A_92 : i32 to index
      %swap3A_103 = arith.constant 0 : index
      %swap3A_104 = tpu.vector_load %arg14[%swap3A_102, %swap3A_103] {strides = array<i32>} : memref<128x128xf32, #tpu.memory_space<vmem>>, vector<1x16xf32>,
      %swap3A_105 = vector.shape_cast %swap3A_104 : vector<1x16xf32> to vector<16xf32>
      %swap3A_106 = vector.shape_cast %add3A_101 : vector<16xf32> to vector<1x16xf32>
      tpu.vector_store %arg14[%swap3A_102, %swap3A_103], %swap3A_106 {strides = array<i32>} : memref<128x128xf32, #tpu.memory_space<vmem>>, vector<1x16xf32>,
      %get3A_107 = arith.index_cast %add3A_92 : i32 to index
      %get3A_108 = arith.constant 16 : index
      %get3A_109 = tpu.vector_load %arg13[%get3A_107, %get3A_108] {strides = array<i32>} : memref<128x64xf32, #tpu.memory_space<vmem>>, vector<1x16xf32>,
      %get3A_110 = vector.shape_cast %get3A_109 : vector<1x16xf32> to vector<16xf32>
      %mul3A_111 = arith.mulf %get3A_110, %broadcast_in_dim3A_95 : vector<16xf32>
      %add3A_112 = arith.addf %mul3A_111, %get3A_17 : vector<16xf32>
      %swap3A_113 = arith.index_cast %add3A_92 : i32 to index
      %swap3A_114 = arith.constant 16 : index
      %swap3A_115 = tpu.vector_load %arg14[%swap3A_113, %swap3A_114] {strides = array<i32>} : memref<128x128xf32, #tpu.memory_space<vmem>>, vector<1x16xf32>,
      %swap3A_116 = vector.shape_cast %swap3A_115 : vector<1x16xf32> to vector<16xf32>
      %swap3A_117 = vector.shape_cast %add3A_112 : vector<16xf32> to vector<1x16xf32>
      tpu.vector_store %arg14[%swap3A_113, %swap3A_114], %swap3A_117 {strides = array<i32>} : memref<128x128xf32, #tpu.memory_space<vmem>>, vector<1x16xf32>,
      %get3A_118 = arith.index_cast %add3A_92 : i32 to index
      %get3A_119 = arith.constant 32 : index
      %get3A_120 = tpu.vector_load %arg13[%get3A_118, %get3A_119] {strides = array<i32>} : memref<128x64xf32, #tpu.memory_space<vmem>>, vector<1x16xf32>,
      %get3A_121 = vector.shape_cast %get3A_120 : vector<1x16xf32> to vector<16xf32>
      %mul3A_122 = arith.mulf %get3A_121, %broadcast_in_dim3A_95 : vector<16xf32>
      %add3A_123 = arith.addf %mul3A_122, %get3A_20 : vector<16xf32>
      %swap3A_124 = arith.index_cast %add3A_92 : i32 to index
      %swap3A_125 = arith.constant 32 : index
      %swap3A_126 = tpu.vector_load %arg14[%swap3A_124, %swap3A_125] {strides = array<i32>} : memref<128x128xf32, #tpu.memory_space<vmem>>, vector<1x16xf32>,
      %swap3A_127 = vector.shape_cast %swap3A_126 : vector<1x16xf32> to vector<16xf32>
      %swap3A_128 = vector.shape_cast %add3A_123 : vector<16xf32> to vector<1x16xf32>
      tpu.vector_store %arg14[%swap3A_124, %swap3A_125], %swap3A_128 {strides = array<i32>} : memref<128x128xf32, #tpu.memory_space<vmem>>, vector<1x16xf32>,
      %get3A_129 = arith.index_cast %add3A_92 : i32 to index
      %get3A_130 = arith.constant 48 : index
      %get3A_131 = tpu.vector_load %arg13[%get3A_129, %get3A_130] {strides = array<i32>} : memref<128x64xf32, #tpu.memory_space<vmem>>, vector<1x16xf32>,
      %get3A_132 = vector.shape_cast %get3A_131 : vector<1x16xf32> to vector<16xf32>
      %mul3A_133 = arith.mulf %get3A_132, %broadcast_in_dim3A_95 : vector<16xf32>
      %add3A_134 = arith.addf %mul3A_133, %get3A_23 : vector<16xf32>
      %swap3A_135 = arith.index_cast %add3A_92 : i32 to index
      %swap3A_136 = arith.constant 48 : index
      %swap3A_137 = tpu.vector_load %arg14[%swap3A_135, %swap3A_136] {strides = array<i32>} : memref<128x128xf32, #tpu.memory_space<vmem>>, vector<1x16xf32>,
      %swap3A_138 = vector.shape_cast %swap3A_137 : vector<1x16xf32> to vector<16xf32>
      %swap3A_139 = vector.shape_cast %add3A_134 : vector<16xf32> to vector<1x16xf32>
      tpu.vector_store %arg14[%swap3A_135, %swap3A_136], %swap3A_139 {strides = array<i32>} : memref<128x128xf32, #tpu.memory_space<vmem>>, vector<1x16xf32>,
      %mul3A_140 = arith.constant 16 : i32
      %mul3A_141 = arith.muli %scan3A_32, %mul3A_140 : i32
      %add3A_142 = arith.constant 2 : i32
      %add3A_143 = arith.addi %mul3A_141, %add3A_142 : i32
      %slice3A_144 = vector.extract_strided_slice %select_n3A {offsets = [2], sizes = [1], strides = [1]} : vector<16xf32> to vector<1xf32>
      %squeeze3A_145 = vector.extract %slice3A_144[0] : f32 from vector<1xf32>
      %broadcast_in_dim3A_146 = vector.broadcast %squeeze3A_145 : f32 to vector<16xf32>
      %get3A_147 = arith.index_cast %add3A_143 : i32 to index
      %get3A_148 = arith.constant 0 : index
      %get3A_149 = tpu.vector_load %arg13[%get3A_147, %get3A_148] {strides = array<i32>} : memref<128x64xf32, #tpu.memory_space<vmem>>, vector<1x16xf32>,
      %get3A_150 = vector.shape_cast %get3A_149 : vector<1x16xf32> to vector<16xf32>
      %mul3A_151 = arith.mulf %get3A_150, %broadcast_in_dim3A_146 : vector<16xf32>
      %add3A_152 = arith.addf %mul3A_151, %get3A_14 : vector<16xf32>
      %swap3A_153 = arith.index_cast %add3A_143 : i32 to index
      %swap3A_154 = arith.constant 0 : index
      %swap3A_155 = tpu.vector_load %arg14[%swap3A_153, %swap3A_154] {strides = array<i32>} : memref<128x128xf32, #tpu.memory_space<vmem>>, vector<1x16xf32>,
      %swap3A_156 = vector.shape_cast %swap3A_155 : vector<1x16xf32> to vector<16xf32>
      %swap3A_157 = vector.shape_cast %add3A_152 : vector<16xf32> to vector<1x16xf32>
      tpu.vector_store %arg14[%swap3A_153, %swap3A_154], %swap3A_157 {strides = array<i32>} : memref<128x128xf32, #tpu.memory_space<vmem>>, vector<1x16xf32>,
      %get3A_158 = arith.index_cast %add3A_143 : i32 to index
      %get3A_159 = arith.constant 16 : index
      %get3A_160 = tpu.vector_load %arg13[%get3A_158, %get3A_159] {strides = array<i32>} : memref<128x64xf32, #tpu.memory_space<vmem>>, vector<1x16xf32>,
      %get3A_161 = vector.shape_cast %get3A_160 : vector<1x16xf32> to vector<16xf32>
      %mul3A_162 = arith.mulf %get3A_161, %broadcast_in_dim3A_146 : vector<16xf32>
      %add3A_163 = arith.addf %mul3A_162, %get3A_17 : vector<16xf32>
      %swap3A_164 = arith.index_cast %add3A_143 : i32 to index
      %swap3A_165 = arith.constant 16 : index
      %swap3A_166 = tpu.vector_load %arg14[%swap3A_164, %swap3A_165] {strides = array<i32>} : memref<128x128xf32, #tpu.memory_space<vmem>>, vector<1x16xf32>,
      %swap3A_167 = vector.shape_cast %swap3A_166 : vector<1x16xf32> to vector<16xf32>
      %swap3A_168 = vector.shape_cast %add3A_163 : vector<16xf32> to vector<1x16xf32>
      tpu.vector_store %arg14[%swap3A_164, %swap3A_165], %swap3A_168 {strides = array<i32>} : memref<128x128xf32, #tpu.memory_space<vmem>>, vector<1x16xf32>,
      %get3A_169 = arith.index_cast %add3A_143 : i32 to index
      %get3A_170 = arith.constant 32 : index
      %get3A_171 = tpu.vector_load %arg13[%get3A_169, %get3A_170] {strides = array<i32>} : memref<128x64xf32, #tpu.memory_space<vmem>>, vector<1x16xf32>,
      %get3A_172 = vector.shape_cast %get3A_171 : vector<1x16xf32> to vector<16xf32>
      %mul3A_173 = arith.mulf %get3A_172, %broadcast_in_dim3A_146 : vector<16xf32>
      %add3A_174 = arith.addf %mul3A_173, %get3A_20 : vector<16xf32>
      %swap3A_175 = arith.index_cast %add3A_143 : i32 to index
      %swap3A_176 = arith.constant 32 : index
      %swap3A_177 = tpu.vector_load %arg14[%swap3A_175, %swap3A_176] {strides = array<i32>} : memref<128x128xf32, #tpu.memory_space<vmem>>, vector<1x16xf32>,
      %swap3A_178 = vector.shape_cast %swap3A_177 : vector<1x16xf32> to vector<16xf32>
      %swap3A_179 = vector.shape_cast %add3A_174 : vector<16xf32> to vector<1x16xf32>
      tpu.vector_store %arg14[%swap3A_175, %swap3A_176], %swap3A_179 {strides = array<i32>} : memref<128x128xf32, #tpu.memory_space<vmem>>, vector<1x16xf32>,
      %get3A_180 = arith.index_cast %add3A_143 : i32 to index
      %get3A_181 = arith.constant 48 : index
      %get3A_182 = tpu.vector_load %arg13[%get3A_180, %get3A_181] {strides = array<i32>} : memref<128x64xf32, #tpu.memory_space<vmem>>, vector<1x16xf32>,
      %get3A_183 = vector.shape_cast %get3A_182 : vector<1x16xf32> to vector<16xf32>
      %mul3A_184 = arith.mulf %get3A_183, %broadcast_in_dim3A_146 : vector<16xf32>
      %add3A_185 = arith.addf %mul3A_184, %get3A_23 : vector<16xf32>
      %swap3A_186 = arith.index_cast %add3A_143 : i32 to index
      %swap3A_187 = arith.constant 48 : index
      %swap3A_188 = tpu.vector_load %arg14[%swap3A_186, %swap3A_187] {strides = array<i32>} : memref<128x128xf32, #tpu.memory_space<vmem>>, vector<1x16xf32>,
      %swap3A_189 = vector.shape_cast %swap3A_188 : vector<1x16xf32> to vector<16xf32>
      %swap3A_190 = vector.shape_cast %add3A_185 : vector<16xf32> to vector<1x16xf32>
      tpu.vector_store %arg14[%swap3A_186, %swap3A_187], %swap3A_190 {strides = array<i32>} : memref<128x128xf32, #tpu.memory_space<vmem>>, vector<1x16xf32>,
      %mul3A_191 = arith.constant 16 : i32
      %mul3A_192 = arith.muli %scan3A_32, %mul3A_191 : i32
      %add3A_193 = arith.constant 3 : i32
      %add3A_194 = arith.addi %mul3A_192, %add3A_193 : i32
      %slice3A_195 = vector.extract_strided_slice %select_n3A {offsets = [3], sizes = [1], strides = [1]} : vector<16xf32> to vector<1xf32>
      %squeeze3A_196 = vector.extract %slice3A_195[0] : f32 from vector<1xf32>
      %broadcast_in_dim3A_197 = vector.broadcast %squeeze3A_196 : f32 to vector<16xf32>
      %get3A_198 = arith.index_cast %add3A_194 : i32 to index
      %get3A_199 = arith.constant 0 : index
      %get3A_200 = tpu.vector_load %arg13[%get3A_198, %get3A_199] {strides = array<i32>} : memref<128x64xf32, #tpu.memory_space<vmem>>, vector<1x16xf32>,
      %get3A_201 = vector.shape_cast %get3A_200 : vector<1x16xf32> to vector<16xf32>
      %mul3A_202 = arith.mulf %get3A_201, %broadcast_in_dim3A_197 : vector<16xf32>
      %add3A_203 = arith.addf %mul3A_202, %get3A_14 : vector<16xf32>
      %swap3A_204 = arith.index_cast %add3A_194 : i32 to index
      %swap3A_205 = arith.constant 0 : index
      %swap3A_206 = tpu.vector_load %arg14[%swap3A_204, %swap3A_205] {strides = array<i32>} : memref<128x128xf32, #tpu.memory_space<vmem>>, vector<1x16xf32>,
      %swap3A_207 = vector.shape_cast %swap3A_206 : vector<1x16xf32> to vector<16xf32>
      %swap3A_208 = vector.shape_cast %add3A_203 : vector<16xf32> to vector<1x16xf32>
      tpu.vector_store %arg14[%swap3A_204, %swap3A_205], %swap3A_208 {strides = array<i32>} : memref<128x128xf32, #tpu.memory_space<vmem>>, vector<1x16xf32>,
      %get3A_209 = arith.index_cast %add3A_194 : i32 to index
      %get3A_210 = arith.constant 16 : index
      %get3A_211 = tpu.vector_load %arg13[%get3A_209, %get3A_210] {strides = array<i32>} : memref<128x64xf32, #tpu.memory_space<vmem>>, vector<1x16xf32>,
      %get3A_212 = vector.shape_cast %get3A_211 : vector<1x16xf32> to vector<16xf32>
      %mul3A_213 = arith.mulf %get3A_212, %broadcast_in_dim3A_197 : vector<16xf32>
      %add3A_214 = arith.addf %mul3A_213, %get3A_17 : vector<16xf32>
      %swap3A_215 = arith.index_cast %add3A_194 : i32 to index
      %swap3A_216 = arith.constant 16 : index
      %swap3A_217 = tpu.vector_load %arg14[%swap3A_215, %swap3A_216] {strides = array<i32>} : memref<128x128xf32, #tpu.memory_space<vmem>>, vector<1x16xf32>,
      %swap3A_218 = vector.shape_cast %swap3A_217 : vector<1x16xf32> to vector<16xf32>
      %swap3A_219 = vector.shape_cast %add3A_214 : vector<16xf32> to vector<1x16xf32>
      tpu.vector_store %arg14[%swap3A_215, %swap3A_216], %swap3A_219 {strides = array<i32>} : memref<128x128xf32, #tpu.memory_space<vmem>>, vector<1x16xf32>,
      %get3A_220 = arith.index_cast %add3A_194 : i32 to index
      %get3A_221 = arith.constant 32 : index
      %get3A_222 = tpu.vector_load %arg13[%get3A_220, %get3A_221] {strides = array<i32>} : memref<128x64xf32, #tpu.memory_space<vmem>>, vector<1x16xf32>,
      %get3A_223 = vector.shape_cast %get3A_222 : vector<1x16xf32> to vector<16xf32>
      %mul3A_224 = arith.mulf %get3A_223, %broadcast_in_dim3A_197 : vector<16xf32>
      %add3A_225 = arith.addf %mul3A_224, %get3A_20 : vector<16xf32>
      %swap3A_226 = arith.index_cast %add3A_194 : i32 to index
      %swap3A_227 = arith.constant 32 : index
      %swap3A_228 = tpu.vector_load %arg14[%swap3A_226, %swap3A_227] {strides = array<i32>} : memref<128x128xf32, #tpu.memory_space<vmem>>, vector<1x16xf32>,
      %swap3A_229 = vector.shape_cast %swap3A_228 : vector<1x16xf32> to vector<16xf32>
      %swap3A_230 = vector.shape_cast %add3A_225 : vector<16xf32> to vector<1x16xf32>
      tpu.vector_store %arg14[%swap3A_226, %swap3A_227], %swap3A_230 {strides = array<i32>} : memref<128x128xf32, #tpu.memory_space<vmem>>, vector<1x16xf32>,
      %get3A_231 = arith.index_cast %add3A_194 : i32 to index
      %get3A_232 = arith.constant 48 : index
      %get3A_233 = tpu.vector_load %arg13[%get3A_231, %get3A_232] {strides = array<i32>} : memref<128x64xf32, #tpu.memory_space<vmem>>, vector<1x16xf32>,
      %get3A_234 = vector.shape_cast %get3A_233 : vector<1x16xf32> to vector<16xf32>
      %mul3A_235 = arith.mulf %get3A_234, %broadcast_in_dim3A_197 : vector<16xf32>
      %add3A_236 = arith.addf %mul3A_235, %get3A_23 : vector<16xf32>
      %swap3A_237 = arith.index_cast %add3A_194 : i32 to index
      %swap3A_238 = arith.constant 48 : index
      %swap3A_239 = tpu.vector_load %arg14[%swap3A_237, %swap3A_238] {strides = array<i32>} : memref<128x128xf32, #tpu.memory_space<vmem>>, vector<1x16xf32>,
      %swap3A_240 = vector.shape_cast %swap3A_239 : vector<1x16xf32> to vector<16xf32>
      %swap3A_241 = vector.shape_cast %add3A_236 : vector<16xf32> to vector<1x16xf32>
      tpu.vector_store %arg14[%swap3A_237, %swap3A_238], %swap3A_241 {strides = array<i32>} : memref<128x128xf32, #tpu.memory_space<vmem>>, vector<1x16xf32>,
      %mul3A_242 = arith.constant 16 : i32
      %mul3A_243 = arith.muli %scan3A_32, %mul3A_242 : i32
      %add3A_244 = arith.constant 4 : i32
      %add3A_245 = arith.addi %mul3A_243, %add3A_244 : i32
      %slice3A_246 = vector.extract_strided_slice %select_n3A {offsets = [4], sizes = [1], strides = [1]} : vector<16xf32> to vector<1xf32>
      %squeeze3A_247 = vector.extract %slice3A_246[0] : f32 from vector<1xf32>
      %broadcast_in_dim3A_248 = vector.broadcast %squeeze3A_247 : f32 to vector<16xf32>
      %get3A_249 = arith.index_cast %add3A_245 : i32 to index
      %get3A_250 = arith.constant 0 : index
      %get3A_251 = tpu.vector_load %arg13[%get3A_249, %get3A_250] {strides = array<i32>} : memref<128x64xf32, #tpu.memory_space<vmem>>, vector<1x16xf32>,
      %get3A_252 = vector.shape_cast %get3A_251 : vector<1x16xf32> to vector<16xf32>
      %mul3A_253 = arith.mulf %get3A_252, %broadcast_in_dim3A_248 : vector<16xf32>
      %add3A_254 = arith.addf %mul3A_253, %get3A_14 : vector<16xf32>
      %swap3A_255 = arith.index_cast %add3A_245 : i32 to index
      %swap3A_256 = arith.constant 0 : index
      %swap3A_257 = tpu.vector_load %arg14[%swap3A_255, %swap3A_256] {strides = array<i32>} : memref<128x128xf32, #tpu.memory_space<vmem>>, vector<1x16xf32>,
      %swap3A_258 = vector.shape_cast %swap3A_257 : vector<1x16xf32> to vector<16xf32>
      %swap3A_259 = vector.shape_cast %add3A_254 : vector<16xf32> to vector<1x16xf32>
      tpu.vector_store %arg14[%swap3A_255, %swap3A_256], %swap3A_259 {strides = array<i32>} : memref<128x128xf32, #tpu.memory_space<vmem>>, vector<1x16xf32>,
      %get3A_260 = arith.index_cast %add3A_245 : i32 to index
      %get3A_261 = arith.constant 16 : index
      %get3A_262 = tpu.vector_load %arg13[%get3A_260, %get3A_261] {strides = array<i32>} : memref<128x64xf32, #tpu.memory_space<vmem>>, vector<1x16xf32>,
      %get3A_263 = vector.shape_cast %get3A_262 : vector<1x16xf32> to vector<16xf32>
      %mul3A_264 = arith.mulf %get3A_263, %broadcast_in_dim3A_248 : vector<16xf32>
      %add3A_265 = arith.addf %mul3A_264, %get3A_17 : vector<16xf32>
      %swap3A_266 = arith.index_cast %add3A_245 : i32 to index
      %swap3A_267 = arith.constant 16 : index
      %swap3A_268 = tpu.vector_load %arg14[%swap3A_266, %swap3A_267] {strides = array<i32>} : memref<128x128xf32, #tpu.memory_space<vmem>>, vector<1x16xf32>,
      %swap3A_269 = vector.shape_cast %swap3A_268 : vector<1x16xf32> to vector<16xf32>
      %swap3A_270 = vector.shape_cast %add3A_265 : vector<16xf32> to vector<1x16xf32>
      tpu.vector_store %arg14[%swap3A_266, %swap3A_267], %swap3A_270 {strides = array<i32>} : memref<128x128xf32, #tpu.memory_space<vmem>>, vector<1x16xf32>,
      %get3A_271 = arith.index_cast %add3A_245 : i32 to index
      %get3A_272 = arith.constant 32 : index
      %get3A_273 = tpu.vector_load %arg13[%get3A_271, %get3A_272] {strides = array<i32>} : memref<128x64xf32, #tpu.memory_space<vmem>>, vector<1x16xf32>,
      %get3A_274 = vector.shape_cast %get3A_273 : vector<1x16xf32> to vector<16xf32>
      %mul3A_275 = arith.mulf %get3A_274, %broadcast_in_dim3A_248 : vector<16xf32>
      %add3A_276 = arith.addf %mul3A_275, %get3A_20 : vector<16xf32>
      %swap3A_277 = arith.index_cast %add3A_245 : i32 to index
      %swap3A_278 = arith.constant 32 : index
      %swap3A_279 = tpu.vector_load %arg14[%swap3A_277, %swap3A_278] {strides = array<i32>} : memref<128x128xf32, #tpu.memory_space<vmem>>, vector<1x16xf32>,
      %swap3A_280 = vector.shape_cast %swap3A_279 : vector<1x16xf32> to vector<16xf32>
      %swap3A_281 = vector.shape_cast %add3A_276 : vector<16xf32> to vector<1x16xf32>
      tpu.vector_store %arg14[%swap3A_277, %swap3A_278], %swap3A_281 {strides = array<i32>} : memref<128x128xf32, #tpu.memory_space<vmem>>, vector<1x16xf32>,
      %get3A_282 = arith.index_cast %add3A_245 : i32 to index
      %get3A_283 = arith.constant 48 : index
      %get3A_284 = tpu.vector_load %arg13[%get3A_282, %get3A_283] {strides = array<i32>} : memref<128x64xf32, #tpu.memory_space<vmem>>, vector<1x16xf32>,
      %get3A_285 = vector.shape_cast %get3A_284 : vector<1x16xf32> to vector<16xf32>
      %mul3A_286 = arith.mulf %get3A_285, %broadcast_in_dim3A_248 : vector<16xf32>
      %add3A_287 = arith.addf %mul3A_286, %get3A_23 : vector<16xf32>
      %swap3A_288 = arith.index_cast %add3A_245 : i32 to index
      %swap3A_289 = arith.constant 48 : index
      %swap3A_290 = tpu.vector_load %arg14[%swap3A_288, %swap3A_289] {strides = array<i32>} : memref<128x128xf32, #tpu.memory_space<vmem>>, vector<1x16xf32>,
      %swap3A_291 = vector.shape_cast %swap3A_290 : vector<1x16xf32> to vector<16xf32>
      %swap3A_292 = vector.shape_cast %add3A_287 : vector<16xf32> to vector<1x16xf32>
      tpu.vector_store %arg14[%swap3A_288, %swap3A_289], %swap3A_292 {strides = array<i32>} : memref<128x128xf32, #tpu.memory_space<vmem>>, vector<1x16xf32>,
      %mul3A_293 = arith.constant 16 : i32
      %mul3A_294 = arith.muli %scan3A_32, %mul3A_293 : i32
      %add3A_295 = arith.constant 5 : i32
      %add3A_296 = arith.addi %mul3A_294, %add3A_295 : i32
      %slice3A_297 = vector.extract_strided_slice %select_n3A {offsets = [5], sizes = [1], strides = [1]} : vector<16xf32> to vector<1xf32>
      %squeeze3A_298 = vector.extract %slice3A_297[0] : f32 from vector<1xf32>
      %broadcast_in_dim3A_299 = vector.broadcast %squeeze3A_298 : f32 to vector<16xf32>
      %get3A_300 = arith.index_cast %add3A_296 : i32 to index
      %get3A_301 = arith.constant 0 : index
      %get3A_302 = tpu.vector_load %arg13[%get3A_300, %get3A_301] {strides = array<i32>} : memref<128x64xf32, #tpu.memory_space<vmem>>, vector<1x16xf32>,
      %get3A_303 = vector.shape_cast %get3A_302 : vector<1x16xf32> to vector<16xf32>
      %mul3A_304 = arith.mulf %get3A_303, %broadcast_in_dim3A_299 : vector<16xf32>
      %add3A_305 = arith.addf %mul3A_304, %get3A_14 : vector<16xf32>
      %swap3A_306 = arith.index_cast %add3A_296 : i32 to index
      %swap3A_307 = arith.constant 0 : index
      %swap3A_308 = tpu.vector_load %arg14[%swap3A_306, %swap3A_307] {strides = array<i32>} : memref<128x128xf32, #tpu.memory_space<vmem>>, vector<1x16xf32>,
      %swap3A_309 = vector.shape_cast %swap3A_308 : vector<1x16xf32> to vector<16xf32>
      %swap3A_310 = vector.shape_cast %add3A_305 : vector<16xf32> to vector<1x16xf32>
      tpu.vector_store %arg14[%swap3A_306, %swap3A_307], %swap3A_310 {strides = array<i32>} : memref<128x128xf32, #tpu.memory_space<vmem>>, vector<1x16xf32>,
      %get3A_311 = arith.index_cast %add3A_296 : i32 to index
      %get3A_312 = arith.constant 16 : index
      %get3A_313 = tpu.vector_load %arg13[%get3A_311, %get3A_312] {strides = array<i32>} : memref<128x64xf32, #tpu.memory_space<vmem>>, vector<1x16xf32>,
      %get3A_314 = vector.shape_cast %get3A_313 : vector<1x16xf32> to vector<16xf32>
      %mul3A_315 = arith.mulf %get3A_314, %broadcast_in_dim3A_299 : vector<16xf32>
      %add3A_316 = arith.addf %mul3A_315, %get3A_17 : vector<16xf32>
      %swap3A_317 = arith.index_cast %add3A_296 : i32 to index
      %swap3A_318 = arith.constant 16 : index
      %swap3A_319 = tpu.vector_load %arg14[%swap3A_317, %swap3A_318] {strides = array<i32>} : memref<128x128xf32, #tpu.memory_space<vmem>>, vector<1x16xf32>,
      %swap3A_320 = vector.shape_cast %swap3A_319 : vector<1x16xf32> to vector<16xf32>
      %swap3A_321 = vector.shape_cast %add3A_316 : vector<16xf32> to vector<1x16xf32>
      tpu.vector_store %arg14[%swap3A_317, %swap3A_318], %swap3A_321 {strides = array<i32>} : memref<128x128xf32, #tpu.memory_space<vmem>>, vector<1x16xf32>,
      %get3A_322 = arith.index_cast %add3A_296 : i32 to index
      %get3A_323 = arith.constant 32 : index
      %get3A_324 = tpu.vector_load %arg13[%get3A_322, %get3A_323] {strides = array<i32>} : memref<128x64xf32, #tpu.memory_space<vmem>>, vector<1x16xf32>,
      %get3A_325 = vector.shape_cast %get3A_324 : vector<1x16xf32> to vector<16xf32>
      %mul3A_326 = arith.mulf %get3A_325, %broadcast_in_dim3A_299 : vector<16xf32>
      %add3A_327 = arith.addf %mul3A_326, %get3A_20 : vector<16xf32>
      %swap3A_328 = arith.index_cast %add3A_296 : i32 to index
      %swap3A_329 = arith.constant 32 : index
      %swap3A_330 = tpu.vector_load %arg14[%swap3A_328, %swap3A_329] {strides = array<i32>} : memref<128x128xf32, #tpu.memory_space<vmem>>, vector<1x16xf32>,
      %swap3A_331 = vector.shape_cast %swap3A_330 : vector<1x16xf32> to vector<16xf32>
      %swap3A_332 = vector.shape_cast %add3A_327 : vector<16xf32> to vector<1x16xf32>
      tpu.vector_store %arg14[%swap3A_328, %swap3A_329], %swap3A_332 {strides = array<i32>} : memref<128x128xf32, #tpu.memory_space<vmem>>, vector<1x16xf32>,
      %get3A_333 = arith.index_cast %add3A_296 : i32 to index
      %get3A_334 = arith.constant 48 : index
      %get3A_335 = tpu.vector_load %arg13[%get3A_333, %get3A_334] {strides = array<i32>} : memref<128x64xf32, #tpu.memory_space<vmem>>, vector<1x16xf32>,
      %get3A_336 = vector.shape_cast %get3A_335 : vector<1x16xf32> to vector<16xf32>
      %mul3A_337 = arith.mulf %get3A_336, %broadcast_in_dim3A_299 : vector<16xf32>
      %add3A_338 = arith.addf %mul3A_337, %get3A_23 : vector<16xf32>
      %swap3A_339 = arith.index_cast %add3A_296 : i32 to index
      %swap3A_340 = arith.constant 48 : index
      %swap3A_341 = tpu.vector_load %arg14[%swap3A_339, %swap3A_340] {strides = array<i32>} : memref<128x128xf32, #tpu.memory_space<vmem>>, vector<1x16xf32>,
      %swap3A_342 = vector.shape_cast %swap3A_341 : vector<1x16xf32> to vector<16xf32>
      %swap3A_343 = vector.shape_cast %add3A_338 : vector<16xf32> to vector<1x16xf32>
      tpu.vector_store %arg14[%swap3A_339, %swap3A_340], %swap3A_343 {strides = array<i32>} : memref<128x128xf32, #tpu.memory_space<vmem>>, vector<1x16xf32>,
      %mul3A_344 = arith.constant 16 : i32
      %mul3A_345 = arith.muli %scan3A_32, %mul3A_344 : i32
      %add3A_346 = arith.constant 6 : i32
      %add3A_347 = arith.addi %mul3A_345, %add3A_346 : i32
      %slice3A_348 = vector.extract_strided_slice %select_n3A {offsets = [6], sizes = [1], strides = [1]} : vector<16xf32> to vector<1xf32>
      %squeeze3A_349 = vector.extract %slice3A_348[0] : f32 from vector<1xf32>
      %broadcast_in_dim3A_350 = vector.broadcast %squeeze3A_349 : f32 to vector<16xf32>
      %get3A_351 = arith.index_cast %add3A_347 : i32 to index
      %get3A_352 = arith.constant 0 : index
      %get3A_353 = tpu.vector_load %arg13[%get3A_351, %get3A_352] {strides = array<i32>} : memref<128x64xf32, #tpu.memory_space<vmem>>, vector<1x16xf32>,
      %get3A_354 = vector.shape_cast %get3A_353 : vector<1x16xf32> to vector<16xf32>
      %mul3A_355 = arith.mulf %get3A_354, %broadcast_in_dim3A_350 : vector<16xf32>
      %add3A_356 = arith.addf %mul3A_355, %get3A_14 : vector<16xf32>
      %swap3A_357 = arith.index_cast %add3A_347 : i32 to index
      %swap3A_358 = arith.constant 0 : index
      %swap3A_359 = tpu.vector_load %arg14[%swap3A_357, %swap3A_358] {strides = array<i32>} : memref<128x128xf32, #tpu.memory_space<vmem>>, vector<1x16xf32>,
      %swap3A_360 = vector.shape_cast %swap3A_359 : vector<1x16xf32> to vector<16xf32>
      %swap3A_361 = vector.shape_cast %add3A_356 : vector<16xf32> to vector<1x16xf32>
      tpu.vector_store %arg14[%swap3A_357, %swap3A_358], %swap3A_361 {strides = array<i32>} : memref<128x128xf32, #tpu.memory_space<vmem>>, vector<1x16xf32>,
      %get3A_362 = arith.index_cast %add3A_347 : i32 to index
      %get3A_363 = arith.constant 16 : index
      %get3A_364 = tpu.vector_load %arg13[%get3A_362, %get3A_363] {strides = array<i32>} : memref<128x64xf32, #tpu.memory_space<vmem>>, vector<1x16xf32>,
      %get3A_365 = vector.shape_cast %get3A_364 : vector<1x16xf32> to vector<16xf32>
      %mul3A_366 = arith.mulf %get3A_365, %broadcast_in_dim3A_350 : vector<16xf32>
      %add3A_367 = arith.addf %mul3A_366, %get3A_17 : vector<16xf32>
      %swap3A_368 = arith.index_cast %add3A_347 : i32 to index
      %swap3A_369 = arith.constant 16 : index
      %swap3A_370 = tpu.vector_load %arg14[%swap3A_368, %swap3A_369] {strides = array<i32>} : memref<128x128xf32, #tpu.memory_space<vmem>>, vector<1x16xf32>,
      %swap3A_371 = vector.shape_cast %swap3A_370 : vector<1x16xf32> to vector<16xf32>
      %swap3A_372 = vector.shape_cast %add3A_367 : vector<16xf32> to vector<1x16xf32>
      tpu.vector_store %arg14[%swap3A_368, %swap3A_369], %swap3A_372 {strides = array<i32>} : memref<128x128xf32, #tpu.memory_space<vmem>>, vector<1x16xf32>,
      %get3A_373 = arith.index_cast %add3A_347 : i32 to index
      %get3A_374 = arith.constant 32 : index
      %get3A_375 = tpu.vector_load %arg13[%get3A_373, %get3A_374] {strides = array<i32>} : memref<128x64xf32, #tpu.memory_space<vmem>>, vector<1x16xf32>,
      %get3A_376 = vector.shape_cast %get3A_375 : vector<1x16xf32> to vector<16xf32>
      %mul3A_377 = arith.mulf %get3A_376, %broadcast_in_dim3A_350 : vector<16xf32>
      %add3A_378 = arith.addf %mul3A_377, %get3A_20 : vector<16xf32>
      %swap3A_379 = arith.index_cast %add3A_347 : i32 to index
      %swap3A_380 = arith.constant 32 : index
      %swap3A_381 = tpu.vector_load %arg14[%swap3A_379, %swap3A_380] {strides = array<i32>} : memref<128x128xf32, #tpu.memory_space<vmem>>, vector<1x16xf32>,
      %swap3A_382 = vector.shape_cast %swap3A_381 : vector<1x16xf32> to vector<16xf32>
      %swap3A_383 = vector.shape_cast %add3A_378 : vector<16xf32> to vector<1x16xf32>
      tpu.vector_store %arg14[%swap3A_379, %swap3A_380], %swap3A_383 {strides = array<i32>} : memref<128x128xf32, #tpu.memory_space<vmem>>, vector<1x16xf32>,
      %get3A_384 = arith.index_cast %add3A_347 : i32 to index
      %get3A_385 = arith.constant 48 : index
      %get3A_386 = tpu.vector_load %arg13[%get3A_384, %get3A_385] {strides = array<i32>} : memref<128x64xf32, #tpu.memory_space<vmem>>, vector<1x16xf32>,
      %get3A_387 = vector.shape_cast %get3A_386 : vector<1x16xf32> to vector<16xf32>
      %mul3A_388 = arith.mulf %get3A_387, %broadcast_in_dim3A_350 : vector<16xf32>
      %add3A_389 = arith.addf %mul3A_388, %get3A_23 : vector<16xf32>
      %swap3A_390 = arith.index_cast %add3A_347 : i32 to index
      %swap3A_391 = arith.constant 48 : index
      %swap3A_392 = tpu.vector_load %arg14[%swap3A_390, %swap3A_391] {strides = array<i32>} : memref<128x128xf32, #tpu.memory_space<vmem>>, vector<1x16xf32>,
      %swap3A_393 = vector.shape_cast %swap3A_392 : vector<1x16xf32> to vector<16xf32>
      %swap3A_394 = vector.shape_cast %add3A_389 : vector<16xf32> to vector<1x16xf32>
      tpu.vector_store %arg14[%swap3A_390, %swap3A_391], %swap3A_394 {strides = array<i32>} : memref<128x128xf32, #tpu.memory_space<vmem>>, vector<1x16xf32>,
      %mul3A_395 = arith.constant 16 : i32
      %mul3A_396 = arith.muli %scan3A_32, %mul3A_395 : i32
      %add3A_397 = arith.constant 7 : i32
      %add3A_398 = arith.addi %mul3A_396, %add3A_397 : i32
      %slice3A_399 = vector.extract_strided_slice %select_n3A {offsets = [7], sizes = [1], strides = [1]} : vector<16xf32> to vector<1xf32>
      %squeeze3A_400 = vector.extract %slice3A_399[0] : f32 from vector<1xf32>
      %broadcast_in_dim3A_401 = vector.broadcast %squeeze3A_400 : f32 to vector<16xf32>
      %get3A_402 = arith.index_cast %add3A_398 : i32 to index
      %get3A_403 = arith.constant 0 : index
      %get3A_404 = tpu.vector_load %arg13[%get3A_402, %get3A_403] {strides = array<i32>} : memref<128x64xf32, #tpu.memory_space<vmem>>, vector<1x16xf32>,
      %get3A_405 = vector.shape_cast %get3A_404 : vector<1x16xf32> to vector<16xf32>
      %mul3A_406 = arith.mulf %get3A_405, %broadcast_in_dim3A_401 : vector<16xf32>
      %add3A_407 = arith.addf %mul3A_406, %get3A_14 : vector<16xf32>
      %swap3A_408 = arith.index_cast %add3A_398 : i32 to index
      %swap3A_409 = arith.constant 0 : index
      %swap3A_410 = tpu.vector_load %arg14[%swap3A_408, %swap3A_409] {strides = array<i32>} : memref<128x128xf32, #tpu.memory_space<vmem>>, vector<1x16xf32>,
      %swap3A_411 = vector.shape_cast %swap3A_410 : vector<1x16xf32> to vector<16xf32>
      %swap3A_412 = vector.shape_cast %add3A_407 : vector<16xf32> to vector<1x16xf32>
      tpu.vector_store %arg14[%swap3A_408, %swap3A_409], %swap3A_412 {strides = array<i32>} : memref<128x128xf32, #tpu.memory_space<vmem>>, vector<1x16xf32>,
      %get3A_413 = arith.index_cast %add3A_398 : i32 to index
      %get3A_414 = arith.constant 16 : index
      %get3A_415 = tpu.vector_load %arg13[%get3A_413, %get3A_414] {strides = array<i32>} : memref<128x64xf32, #tpu.memory_space<vmem>>, vector<1x16xf32>,
      %get3A_416 = vector.shape_cast %get3A_415 : vector<1x16xf32> to vector<16xf32>
      %mul3A_417 = arith.mulf %get3A_416, %broadcast_in_dim3A_401 : vector<16xf32>
      %add3A_418 = arith.addf %mul3A_417, %get3A_17 : vector<16xf32>
      %swap3A_419 = arith.index_cast %add3A_398 : i32 to index
      %swap3A_420 = arith.constant 16 : index
      %swap3A_421 = tpu.vector_load %arg14[%swap3A_419, %swap3A_420] {strides = array<i32>} : memref<128x128xf32, #tpu.memory_space<vmem>>, vector<1x16xf32>,
      %swap3A_422 = vector.shape_cast %swap3A_421 : vector<1x16xf32> to vector<16xf32>
      %swap3A_423 = vector.shape_cast %add3A_418 : vector<16xf32> to vector<1x16xf32>
      tpu.vector_store %arg14[%swap3A_419, %swap3A_420], %swap3A_423 {strides = array<i32>} : memref<128x128xf32, #tpu.memory_space<vmem>>, vector<1x16xf32>,
      %get3A_424 = arith.index_cast %add3A_398 : i32 to index
      %get3A_425 = arith.constant 32 : index
      %get3A_426 = tpu.vector_load %arg13[%get3A_424, %get3A_425] {strides = array<i32>} : memref<128x64xf32, #tpu.memory_space<vmem>>, vector<1x16xf32>,
      %get3A_427 = vector.shape_cast %get3A_426 : vector<1x16xf32> to vector<16xf32>
      %mul3A_428 = arith.mulf %get3A_427, %broadcast_in_dim3A_401 : vector<16xf32>
      %add3A_429 = arith.addf %mul3A_428, %get3A_20 : vector<16xf32>
      %swap3A_430 = arith.index_cast %add3A_398 : i32 to index
      %swap3A_431 = arith.constant 32 : index
      %swap3A_432 = tpu.vector_load %arg14[%swap3A_430, %swap3A_431] {strides = array<i32>} : memref<128x128xf32, #tpu.memory_space<vmem>>, vector<1x16xf32>,
      %swap3A_433 = vector.shape_cast %swap3A_432 : vector<1x16xf32> to vector<16xf32>
      %swap3A_434 = vector.shape_cast %add3A_429 : vector<16xf32> to vector<1x16xf32>
      tpu.vector_store %arg14[%swap3A_430, %swap3A_431], %swap3A_434 {strides = array<i32>} : memref<128x128xf32, #tpu.memory_space<vmem>>, vector<1x16xf32>,
      %get3A_435 = arith.index_cast %add3A_398 : i32 to index
      %get3A_436 = arith.constant 48 : index
      %get3A_437 = tpu.vector_load %arg13[%get3A_435, %get3A_436] {strides = array<i32>} : memref<128x64xf32, #tpu.memory_space<vmem>>, vector<1x16xf32>,
      %get3A_438 = vector.shape_cast %get3A_437 : vector<1x16xf32> to vector<16xf32>
      %mul3A_439 = arith.mulf %get3A_438, %broadcast_in_dim3A_401 : vector<16xf32>
      %add3A_440 = arith.addf %mul3A_439, %get3A_23 : vector<16xf32>
      %swap3A_441 = arith.index_cast %add3A_398 : i32 to index
      %swap3A_442 = arith.constant 48 : index
      %swap3A_443 = tpu.vector_load %arg14[%swap3A_441, %swap3A_442] {strides = array<i32>} : memref<128x128xf32, #tpu.memory_space<vmem>>, vector<1x16xf32>,
      %swap3A_444 = vector.shape_cast %swap3A_443 : vector<1x16xf32> to vector<16xf32>
      %swap3A_445 = vector.shape_cast %add3A_440 : vector<16xf32> to vector<1x16xf32>
      tpu.vector_store %arg14[%swap3A_441, %swap3A_442], %swap3A_445 {strides = array<i32>} : memref<128x128xf32, #tpu.memory_space<vmem>>, vector<1x16xf32>,
      %mul3A_446 = arith.constant 16 : i32
      %mul3A_447 = arith.muli %scan3A_32, %mul3A_446 : i32
      %add3A_448 = arith.constant 8 : i32
      %add3A_449 = arith.addi %mul3A_447, %add3A_448 : i32
      %slice3A_450 = vector.extract_strided_slice %select_n3A {offsets = [8], sizes = [1], strides = [1]} : vector<16xf32> to vector<1xf32>
      %squeeze3A_451 = vector.extract %slice3A_450[0] : f32 from vector<1xf32>
      %broadcast_in_dim3A_452 = vector.broadcast %squeeze3A_451 : f32 to vector<16xf32>
      %get3A_453 = arith.index_cast %add3A_449 : i32 to index
      %get3A_454 = arith.constant 0 : index
      %get3A_455 = tpu.vector_load %arg13[%get3A_453, %get3A_454] {strides = array<i32>} : memref<128x64xf32, #tpu.memory_space<vmem>>, vector<1x16xf32>,
      %get3A_456 = vector.shape_cast %get3A_455 : vector<1x16xf32> to vector<16xf32>
      %mul3A_457 = arith.mulf %get3A_456, %broadcast_in_dim3A_452 : vector<16xf32>
      %add3A_458 = arith.addf %mul3A_457, %get3A_14 : vector<16xf32>
      %swap3A_459 = arith.index_cast %add3A_449 : i32 to index
      %swap3A_460 = arith.constant 0 : index
      %swap3A_461 = tpu.vector_load %arg14[%swap3A_459, %swap3A_460] {strides = array<i32>} : memref<128x128xf32, #tpu.memory_space<vmem>>, vector<1x16xf32>,
      %swap3A_462 = vector.shape_cast %swap3A_461 : vector<1x16xf32> to vector<16xf32>
      %swap3A_463 = vector.shape_cast %add3A_458 : vector<16xf32> to vector<1x16xf32>
      tpu.vector_store %arg14[%swap3A_459, %swap3A_460], %swap3A_463 {strides = array<i32>} : memref<128x128xf32, #tpu.memory_space<vmem>>, vector<1x16xf32>,
      %get3A_464 = arith.index_cast %add3A_449 : i32 to index
      %get3A_465 = arith.constant 16 : index
      %get3A_466 = tpu.vector_load %arg13[%get3A_464, %get3A_465] {strides = array<i32>} : memref<128x64xf32, #tpu.memory_space<vmem>>, vector<1x16xf32>,
      %get3A_467 = vector.shape_cast %get3A_466 : vector<1x16xf32> to vector<16xf32>
      %mul3A_468 = arith.mulf %get3A_467, %broadcast_in_dim3A_452 : vector<16xf32>
      %add3A_469 = arith.addf %mul3A_468, %get3A_17 : vector<16xf32>
      %swap3A_470 = arith.index_cast %add3A_449 : i32 to index
      %swap3A_471 = arith.constant 16 : index
      %swap3A_472 = tpu.vector_load %arg14[%swap3A_470, %swap3A_471] {strides = array<i32>} : memref<128x128xf32, #tpu.memory_space<vmem>>, vector<1x16xf32>,
      %swap3A_473 = vector.shape_cast %swap3A_472 : vector<1x16xf32> to vector<16xf32>
      %swap3A_474 = vector.shape_cast %add3A_469 : vector<16xf32> to vector<1x16xf32>
      tpu.vector_store %arg14[%swap3A_470, %swap3A_471], %swap3A_474 {strides = array<i32>} : memref<128x128xf32, #tpu.memory_space<vmem>>, vector<1x16xf32>,
      %get3A_475 = arith.index_cast %add3A_449 : i32 to index
      %get3A_476 = arith.constant 32 : index
      %get3A_477 = tpu.vector_load %arg13[%get3A_475, %get3A_476] {strides = array<i32>} : memref<128x64xf32, #tpu.memory_space<vmem>>, vector<1x16xf32>,
      %get3A_478 = vector.shape_cast %get3A_477 : vector<1x16xf32> to vector<16xf32>
      %mul3A_479 = arith.mulf %get3A_478, %broadcast_in_dim3A_452 : vector<16xf32>
      %add3A_480 = arith.addf %mul3A_479, %get3A_20 : vector<16xf32>
      %swap3A_481 = arith.index_cast %add3A_449 : i32 to index
      %swap3A_482 = arith.constant 32 : index
      %swap3A_483 = tpu.vector_load %arg14[%swap3A_481, %swap3A_482] {strides = array<i32>} : memref<128x128xf32, #tpu.memory_space<vmem>>, vector<1x16xf32>,
      %swap3A_484 = vector.shape_cast %swap3A_483 : vector<1x16xf32> to vector<16xf32>
      %swap3A_485 = vector.shape_cast %add3A_480 : vector<16xf32> to vector<1x16xf32>
      tpu.vector_store %arg14[%swap3A_481, %swap3A_482], %swap3A_485 {strides = array<i32>} : memref<128x128xf32, #tpu.memory_space<vmem>>, vector<1x16xf32>,
      %get3A_486 = arith.index_cast %add3A_449 : i32 to index
      %get3A_487 = arith.constant 48 : index
      %get3A_488 = tpu.vector_load %arg13[%get3A_486, %get3A_487] {strides = array<i32>} : memref<128x64xf32, #tpu.memory_space<vmem>>, vector<1x16xf32>,
      %get3A_489 = vector.shape_cast %get3A_488 : vector<1x16xf32> to vector<16xf32>
      %mul3A_490 = arith.mulf %get3A_489, %broadcast_in_dim3A_452 : vector<16xf32>
      %add3A_491 = arith.addf %mul3A_490, %get3A_23 : vector<16xf32>
      %swap3A_492 = arith.index_cast %add3A_449 : i32 to index
      %swap3A_493 = arith.constant 48 : index
      %swap3A_494 = tpu.vector_load %arg14[%swap3A_492, %swap3A_493] {strides = array<i32>} : memref<128x128xf32, #tpu.memory_space<vmem>>, vector<1x16xf32>,
      %swap3A_495 = vector.shape_cast %swap3A_494 : vector<1x16xf32> to vector<16xf32>
      %swap3A_496 = vector.shape_cast %add3A_491 : vector<16xf32> to vector<1x16xf32>
      tpu.vector_store %arg14[%swap3A_492, %swap3A_493], %swap3A_496 {strides = array<i32>} : memref<128x128xf32, #tpu.memory_space<vmem>>, vector<1x16xf32>,
      %mul3A_497 = arith.constant 16 : i32
      %mul3A_498 = arith.muli %scan3A_32, %mul3A_497 : i32
      %add3A_499 = arith.constant 9 : i32
      %add3A_500 = arith.addi %mul3A_498, %add3A_499 : i32
      %slice3A_501 = vector.extract_strided_slice %select_n3A {offsets = [9], sizes = [1], strides = [1]} : vector<16xf32> to vector<1xf32>
      %squeeze3A_502 = vector.extract %slice3A_501[0] : f32 from vector<1xf32>
      %broadcast_in_dim3A_503 = vector.broadcast %squeeze3A_502 : f32 to vector<16xf32>
      %get3A_504 = arith.index_cast %add3A_500 : i32 to index
      %get3A_505 = arith.constant 0 : index
      %get3A_506 = tpu.vector_load %arg13[%get3A_504, %get3A_505] {strides = array<i32>} : memref<128x64xf32, #tpu.memory_space<vmem>>, vector<1x16xf32>,
      %get3A_507 = vector.shape_cast %get3A_506 : vector<1x16xf32> to vector<16xf32>
      %mul3A_508 = arith.mulf %get3A_507, %broadcast_in_dim3A_503 : vector<16xf32>
      %add3A_509 = arith.addf %mul3A_508, %get3A_14 : vector<16xf32>
      %swap3A_510 = arith.index_cast %add3A_500 : i32 to index
      %swap3A_511 = arith.constant 0 : index
      %swap3A_512 = tpu.vector_load %arg14[%swap3A_510, %swap3A_511] {strides = array<i32>} : memref<128x128xf32, #tpu.memory_space<vmem>>, vector<1x16xf32>,
      %swap3A_513 = vector.shape_cast %swap3A_512 : vector<1x16xf32> to vector<16xf32>
      %swap3A_514 = vector.shape_cast %add3A_509 : vector<16xf32> to vector<1x16xf32>
      tpu.vector_store %arg14[%swap3A_510, %swap3A_511], %swap3A_514 {strides = array<i32>} : memref<128x128xf32, #tpu.memory_space<vmem>>, vector<1x16xf32>,
      %get3A_515 = arith.index_cast %add3A_500 : i32 to index
      %get3A_516 = arith.constant 16 : index
      %get3A_517 = tpu.vector_load %arg13[%get3A_515, %get3A_516] {strides = array<i32>} : memref<128x64xf32, #tpu.memory_space<vmem>>, vector<1x16xf32>,
      %get3A_518 = vector.shape_cast %get3A_517 : vector<1x16xf32> to vector<16xf32>
      %mul3A_519 = arith.mulf %get3A_518, %broadcast_in_dim3A_503 : vector<16xf32>
      %add3A_520 = arith.addf %mul3A_519, %get3A_17 : vector<16xf32>
      %swap3A_521 = arith.index_cast %add3A_500 : i32 to index
      %swap3A_522 = arith.constant 16 : index
      %swap3A_523 = tpu.vector_load %arg14[%swap3A_521, %swap3A_522] {strides = array<i32>} : memref<128x128xf32, #tpu.memory_space<vmem>>, vector<1x16xf32>,
      %swap3A_524 = vector.shape_cast %swap3A_523 : vector<1x16xf32> to vector<16xf32>
      %swap3A_525 = vector.shape_cast %add3A_520 : vector<16xf32> to vector<1x16xf32>
      tpu.vector_store %arg14[%swap3A_521, %swap3A_522], %swap3A_525 {strides = array<i32>} : memref<128x128xf32, #tpu.memory_space<vmem>>, vector<1x16xf32>,
      %get3A_526 = arith.index_cast %add3A_500 : i32 to index
      %get3A_527 = arith.constant 32 : index
      %get3A_528 = tpu.vector_load %arg13[%get3A_526, %get3A_527] {strides = array<i32>} : memref<128x64xf32, #tpu.memory_space<vmem>>, vector<1x16xf32>,
      %get3A_529 = vector.shape_cast %get3A_528 : vector<1x16xf32> to vector<16xf32>
      %mul3A_530 = arith.mulf %get3A_529, %broadcast_in_dim3A_503 : vector<16xf32>
      %add3A_531 = arith.addf %mul3A_530, %get3A_20 : vector<16xf32>
      %swap3A_532 = arith.index_cast %add3A_500 : i32 to index
      %swap3A_533 = arith.constant 32 : index
      %swap3A_534 = tpu.vector_load %arg14[%swap3A_532, %swap3A_533] {strides = array<i32>} : memref<128x128xf32, #tpu.memory_space<vmem>>, vector<1x16xf32>,
      %swap3A_535 = vector.shape_cast %swap3A_534 : vector<1x16xf32> to vector<16xf32>
      %swap3A_536 = vector.shape_cast %add3A_531 : vector<16xf32> to vector<1x16xf32>
      tpu.vector_store %arg14[%swap3A_532, %swap3A_533], %swap3A_536 {strides = array<i32>} : memref<128x128xf32, #tpu.memory_space<vmem>>, vector<1x16xf32>,
      %get3A_537 = arith.index_cast %add3A_500 : i32 to index
      %get3A_538 = arith.constant 48 : index
      %get3A_539 = tpu.vector_load %arg13[%get3A_537, %get3A_538] {strides = array<i32>} : memref<128x64xf32, #tpu.memory_space<vmem>>, vector<1x16xf32>,
      %get3A_540 = vector.shape_cast %get3A_539 : vector<1x16xf32> to vector<16xf32>
      %mul3A_541 = arith.mulf %get3A_540, %broadcast_in_dim3A_503 : vector<16xf32>
      %add3A_542 = arith.addf %mul3A_541, %get3A_23 : vector<16xf32>
      %swap3A_543 = arith.index_cast %add3A_500 : i32 to index
      %swap3A_544 = arith.constant 48 : index
      %swap3A_545 = tpu.vector_load %arg14[%swap3A_543, %swap3A_544] {strides = array<i32>} : memref<128x128xf32, #tpu.memory_space<vmem>>, vector<1x16xf32>,
      %swap3A_546 = vector.shape_cast %swap3A_545 : vector<1x16xf32> to vector<16xf32>
      %swap3A_547 = vector.shape_cast %add3A_542 : vector<16xf32> to vector<1x16xf32>
      tpu.vector_store %arg14[%swap3A_543, %swap3A_544], %swap3A_547 {strides = array<i32>} : memref<128x128xf32, #tpu.memory_space<vmem>>, vector<1x16xf32>,
      %mul3A_548 = arith.constant 16 : i32
      %mul3A_549 = arith.muli %scan3A_32, %mul3A_548 : i32
      %add3A_550 = arith.constant 10 : i32
      %add3A_551 = arith.addi %mul3A_549, %add3A_550 : i32
      %slice3A_552 = vector.extract_strided_slice %select_n3A {offsets = [10], sizes = [1], strides = [1]} : vector<16xf32> to vector<1xf32>
      %squeeze3A_553 = vector.extract %slice3A_552[0] : f32 from vector<1xf32>
      %broadcast_in_dim3A_554 = vector.broadcast %squeeze3A_553 : f32 to vector<16xf32>
      %get3A_555 = arith.index_cast %add3A_551 : i32 to index
      %get3A_556 = arith.constant 0 : index
      %get3A_557 = tpu.vector_load %arg13[%get3A_555, %get3A_556] {strides = array<i32>} : memref<128x64xf32, #tpu.memory_space<vmem>>, vector<1x16xf32>,
      %get3A_558 = vector.shape_cast %get3A_557 : vector<1x16xf32> to vector<16xf32>
      %mul3A_559 = arith.mulf %get3A_558, %broadcast_in_dim3A_554 : vector<16xf32>
      %add3A_560 = arith.addf %mul3A_559, %get3A_14 : vector<16xf32>
      %swap3A_561 = arith.index_cast %add3A_551 : i32 to index
      %swap3A_562 = arith.constant 0 : index
      %swap3A_563 = tpu.vector_load %arg14[%swap3A_561, %swap3A_562] {strides = array<i32>} : memref<128x128xf32, #tpu.memory_space<vmem>>, vector<1x16xf32>,
      %swap3A_564 = vector.shape_cast %swap3A_563 : vector<1x16xf32> to vector<16xf32>
      %swap3A_565 = vector.shape_cast %add3A_560 : vector<16xf32> to vector<1x16xf32>
      tpu.vector_store %arg14[%swap3A_561, %swap3A_562], %swap3A_565 {strides = array<i32>} : memref<128x128xf32, #tpu.memory_space<vmem>>, vector<1x16xf32>,
      %get3A_566 = arith.index_cast %add3A_551 : i32 to index
      %get3A_567 = arith.constant 16 : index
      %get3A_568 = tpu.vector_load %arg13[%get3A_566, %get3A_567] {strides = array<i32>} : memref<128x64xf32, #tpu.memory_space<vmem>>, vector<1x16xf32>,
      %get3A_569 = vector.shape_cast %get3A_568 : vector<1x16xf32> to vector<16xf32>
      %mul3A_570 = arith.mulf %get3A_569, %broadcast_in_dim3A_554 : vector<16xf32>
      %add3A_571 = arith.addf %mul3A_570, %get3A_17 : vector<16xf32>
      %swap3A_572 = arith.index_cast %add3A_551 : i32 to index
      %swap3A_573 = arith.constant 16 : index
      %swap3A_574 = tpu.vector_load %arg14[%swap3A_572, %swap3A_573] {strides = array<i32>} : memref<128x128xf32, #tpu.memory_space<vmem>>, vector<1x16xf32>,
      %swap3A_575 = vector.shape_cast %swap3A_574 : vector<1x16xf32> to vector<16xf32>
      %swap3A_576 = vector.shape_cast %add3A_571 : vector<16xf32> to vector<1x16xf32>
      tpu.vector_store %arg14[%swap3A_572, %swap3A_573], %swap3A_576 {strides = array<i32>} : memref<128x128xf32, #tpu.memory_space<vmem>>, vector<1x16xf32>,
      %get3A_577 = arith.index_cast %add3A_551 : i32 to index
      %get3A_578 = arith.constant 32 : index
      %get3A_579 = tpu.vector_load %arg13[%get3A_577, %get3A_578] {strides = array<i32>} : memref<128x64xf32, #tpu.memory_space<vmem>>, vector<1x16xf32>,
      %get3A_580 = vector.shape_cast %get3A_579 : vector<1x16xf32> to vector<16xf32>
      %mul3A_581 = arith.mulf %get3A_580, %broadcast_in_dim3A_554 : vector<16xf32>
      %add3A_582 = arith.addf %mul3A_581, %get3A_20 : vector<16xf32>
      %swap3A_583 = arith.index_cast %add3A_551 : i32 to index
      %swap3A_584 = arith.constant 32 : index
      %swap3A_585 = tpu.vector_load %arg14[%swap3A_583, %swap3A_584] {strides = array<i32>} : memref<128x128xf32, #tpu.memory_space<vmem>>, vector<1x16xf32>,
      %swap3A_586 = vector.shape_cast %swap3A_585 : vector<1x16xf32> to vector<16xf32>
      %swap3A_587 = vector.shape_cast %add3A_582 : vector<16xf32> to vector<1x16xf32>
      tpu.vector_store %arg14[%swap3A_583, %swap3A_584], %swap3A_587 {strides = array<i32>} : memref<128x128xf32, #tpu.memory_space<vmem>>, vector<1x16xf32>,
      %get3A_588 = arith.index_cast %add3A_551 : i32 to index
      %get3A_589 = arith.constant 48 : index
      %get3A_590 = tpu.vector_load %arg13[%get3A_588, %get3A_589] {strides = array<i32>} : memref<128x64xf32, #tpu.memory_space<vmem>>, vector<1x16xf32>,
      %get3A_591 = vector.shape_cast %get3A_590 : vector<1x16xf32> to vector<16xf32>
      %mul3A_592 = arith.mulf %get3A_591, %broadcast_in_dim3A_554 : vector<16xf32>
      %add3A_593 = arith.addf %mul3A_592, %get3A_23 : vector<16xf32>
      %swap3A_594 = arith.index_cast %add3A_551 : i32 to index
      %swap3A_595 = arith.constant 48 : index
      %swap3A_596 = tpu.vector_load %arg14[%swap3A_594, %swap3A_595] {strides = array<i32>} : memref<128x128xf32, #tpu.memory_space<vmem>>, vector<1x16xf32>,
      %swap3A_597 = vector.shape_cast %swap3A_596 : vector<1x16xf32> to vector<16xf32>
      %swap3A_598 = vector.shape_cast %add3A_593 : vector<16xf32> to vector<1x16xf32>
      tpu.vector_store %arg14[%swap3A_594, %swap3A_595], %swap3A_598 {strides = array<i32>} : memref<128x128xf32, #tpu.memory_space<vmem>>, vector<1x16xf32>,
      %mul3A_599 = arith.constant 16 : i32
      %mul3A_600 = arith.muli %scan3A_32, %mul3A_599 : i32
      %add3A_601 = arith.constant 11 : i32
      %add3A_602 = arith.addi %mul3A_600, %add3A_601 : i32
      %slice3A_603 = vector.extract_strided_slice %select_n3A {offsets = [11], sizes = [1], strides = [1]} : vector<16xf32> to vector<1xf32>
      %squeeze3A_604 = vector.extract %slice3A_603[0] : f32 from vector<1xf32>
      %broadcast_in_dim3A_605 = vector.broadcast %squeeze3A_604 : f32 to vector<16xf32>
      %get3A_606 = arith.index_cast %add3A_602 : i32 to index
      %get3A_607 = arith.constant 0 : index
      %get3A_608 = tpu.vector_load %arg13[%get3A_606, %get3A_607] {strides = array<i32>} : memref<128x64xf32, #tpu.memory_space<vmem>>, vector<1x16xf32>,
      %get3A_609 = vector.shape_cast %get3A_608 : vector<1x16xf32> to vector<16xf32>
      %mul3A_610 = arith.mulf %get3A_609, %broadcast_in_dim3A_605 : vector<16xf32>
      %add3A_611 = arith.addf %mul3A_610, %get3A_14 : vector<16xf32>
      %swap3A_612 = arith.index_cast %add3A_602 : i32 to index
      %swap3A_613 = arith.constant 0 : index
      %swap3A_614 = tpu.vector_load %arg14[%swap3A_612, %swap3A_613] {strides = array<i32>} : memref<128x128xf32, #tpu.memory_space<vmem>>, vector<1x16xf32>,
      %swap3A_615 = vector.shape_cast %swap3A_614 : vector<1x16xf32> to vector<16xf32>
      %swap3A_616 = vector.shape_cast %add3A_611 : vector<16xf32> to vector<1x16xf32>
      tpu.vector_store %arg14[%swap3A_612, %swap3A_613], %swap3A_616 {strides = array<i32>} : memref<128x128xf32, #tpu.memory_space<vmem>>, vector<1x16xf32>,
      %get3A_617 = arith.index_cast %add3A_602 : i32 to index
      %get3A_618 = arith.constant 16 : index
      %get3A_619 = tpu.vector_load %arg13[%get3A_617, %get3A_618] {strides = array<i32>} : memref<128x64xf32, #tpu.memory_space<vmem>>, vector<1x16xf32>,
      %get3A_620 = vector.shape_cast %get3A_619 : vector<1x16xf32> to vector<16xf32>
      %mul3A_621 = arith.mulf %get3A_620, %broadcast_in_dim3A_605 : vector<16xf32>
      %add3A_622 = arith.addf %mul3A_621, %get3A_17 : vector<16xf32>
      %swap3A_623 = arith.index_cast %add3A_602 : i32 to index
      %swap3A_624 = arith.constant 16 : index
      %swap3A_625 = tpu.vector_load %arg14[%swap3A_623, %swap3A_624] {strides = array<i32>} : memref<128x128xf32, #tpu.memory_space<vmem>>, vector<1x16xf32>,
      %swap3A_626 = vector.shape_cast %swap3A_625 : vector<1x16xf32> to vector<16xf32>
      %swap3A_627 = vector.shape_cast %add3A_622 : vector<16xf32> to vector<1x16xf32>
      tpu.vector_store %arg14[%swap3A_623, %swap3A_624], %swap3A_627 {strides = array<i32>} : memref<128x128xf32, #tpu.memory_space<vmem>>, vector<1x16xf32>,
      %get3A_628 = arith.index_cast %add3A_602 : i32 to index
      %get3A_629 = arith.constant 32 : index
      %get3A_630 = tpu.vector_load %arg13[%get3A_628, %get3A_629] {strides = array<i32>} : memref<128x64xf32, #tpu.memory_space<vmem>>, vector<1x16xf32>,
      %get3A_631 = vector.shape_cast %get3A_630 : vector<1x16xf32> to vector<16xf32>
      %mul3A_632 = arith.mulf %get3A_631, %broadcast_in_dim3A_605 : vector<16xf32>
      %add3A_633 = arith.addf %mul3A_632, %get3A_20 : vector<16xf32>
      %swap3A_634 = arith.index_cast %add3A_602 : i32 to index
      %swap3A_635 = arith.constant 32 : index
      %swap3A_636 = tpu.vector_load %arg14[%swap3A_634, %swap3A_635] {strides = array<i32>} : memref<128x128xf32, #tpu.memory_space<vmem>>, vector<1x16xf32>,
      %swap3A_637 = vector.shape_cast %swap3A_636 : vector<1x16xf32> to vector<16xf32>
      %swap3A_638 = vector.shape_cast %add3A_633 : vector<16xf32> to vector<1x16xf32>
      tpu.vector_store %arg14[%swap3A_634, %swap3A_635], %swap3A_638 {strides = array<i32>} : memref<128x128xf32, #tpu.memory_space<vmem>>, vector<1x16xf32>,
      %get3A_639 = arith.index_cast %add3A_602 : i32 to index
      %get3A_640 = arith.constant 48 : index
      %get3A_641 = tpu.vector_load %arg13[%get3A_639, %get3A_640] {strides = array<i32>} : memref<128x64xf32, #tpu.memory_space<vmem>>, vector<1x16xf32>,
      %get3A_642 = vector.shape_cast %get3A_641 : vector<1x16xf32> to vector<16xf32>
      %mul3A_643 = arith.mulf %get3A_642, %broadcast_in_dim3A_605 : vector<16xf32>
      %add3A_644 = arith.addf %mul3A_643, %get3A_23 : vector<16xf32>
      %swap3A_645 = arith.index_cast %add3A_602 : i32 to index
      %swap3A_646 = arith.constant 48 : index
      %swap3A_647 = tpu.vector_load %arg14[%swap3A_645, %swap3A_646] {strides = array<i32>} : memref<128x128xf32, #tpu.memory_space<vmem>>, vector<1x16xf32>,
      %swap3A_648 = vector.shape_cast %swap3A_647 : vector<1x16xf32> to vector<16xf32>
      %swap3A_649 = vector.shape_cast %add3A_644 : vector<16xf32> to vector<1x16xf32>
      tpu.vector_store %arg14[%swap3A_645, %swap3A_646], %swap3A_649 {strides = array<i32>} : memref<128x128xf32, #tpu.memory_space<vmem>>, vector<1x16xf32>,
      %mul3A_650 = arith.constant 16 : i32
      %mul3A_651 = arith.muli %scan3A_32, %mul3A_650 : i32
      %add3A_652 = arith.constant 12 : i32
      %add3A_653 = arith.addi %mul3A_651, %add3A_652 : i32
      %slice3A_654 = vector.extract_strided_slice %select_n3A {offsets = [12], sizes = [1], strides = [1]} : vector<16xf32> to vector<1xf32>
      %squeeze3A_655 = vector.extract %slice3A_654[0] : f32 from vector<1xf32>
      %broadcast_in_dim3A_656 = vector.broadcast %squeeze3A_655 : f32 to vector<16xf32>
      %get3A_657 = arith.index_cast %add3A_653 : i32 to index
      %get3A_658 = arith.constant 0 : index
      %get3A_659 = tpu.vector_load %arg13[%get3A_657, %get3A_658] {strides = array<i32>} : memref<128x64xf32, #tpu.memory_space<vmem>>, vector<1x16xf32>,
      %get3A_660 = vector.shape_cast %get3A_659 : vector<1x16xf32> to vector<16xf32>
      %mul3A_661 = arith.mulf %get3A_660, %broadcast_in_dim3A_656 : vector<16xf32>
      %add3A_662 = arith.addf %mul3A_661, %get3A_14 : vector<16xf32>
      %swap3A_663 = arith.index_cast %add3A_653 : i32 to index
      %swap3A_664 = arith.constant 0 : index
      %swap3A_665 = tpu.vector_load %arg14[%swap3A_663, %swap3A_664] {strides = array<i32>} : memref<128x128xf32, #tpu.memory_space<vmem>>, vector<1x16xf32>,
      %swap3A_666 = vector.shape_cast %swap3A_665 : vector<1x16xf32> to vector<16xf32>
      %swap3A_667 = vector.shape_cast %add3A_662 : vector<16xf32> to vector<1x16xf32>
      tpu.vector_store %arg14[%swap3A_663, %swap3A_664], %swap3A_667 {strides = array<i32>} : memref<128x128xf32, #tpu.memory_space<vmem>>, vector<1x16xf32>,
      %get3A_668 = arith.index_cast %add3A_653 : i32 to index
      %get3A_669 = arith.constant 16 : index
      %get3A_670 = tpu.vector_load %arg13[%get3A_668, %get3A_669] {strides = array<i32>} : memref<128x64xf32, #tpu.memory_space<vmem>>, vector<1x16xf32>,
      %get3A_671 = vector.shape_cast %get3A_670 : vector<1x16xf32> to vector<16xf32>
      %mul3A_672 = arith.mulf %get3A_671, %broadcast_in_dim3A_656 : vector<16xf32>
      %add3A_673 = arith.addf %mul3A_672, %get3A_17 : vector<16xf32>
      %swap3A_674 = arith.index_cast %add3A_653 : i32 to index
      %swap3A_675 = arith.constant 16 : index
      %swap3A_676 = tpu.vector_load %arg14[%swap3A_674, %swap3A_675] {strides = array<i32>} : memref<128x128xf32, #tpu.memory_space<vmem>>, vector<1x16xf32>,
      %swap3A_677 = vector.shape_cast %swap3A_676 : vector<1x16xf32> to vector<16xf32>
      %swap3A_678 = vector.shape_cast %add3A_673 : vector<16xf32> to vector<1x16xf32>
      tpu.vector_store %arg14[%swap3A_674, %swap3A_675], %swap3A_678 {strides = array<i32>} : memref<128x128xf32, #tpu.memory_space<vmem>>, vector<1x16xf32>,
      %get3A_679 = arith.index_cast %add3A_653 : i32 to index
      %get3A_680 = arith.constant 32 : index
      %get3A_681 = tpu.vector_load %arg13[%get3A_679, %get3A_680] {strides = array<i32>} : memref<128x64xf32, #tpu.memory_space<vmem>>, vector<1x16xf32>,
      %get3A_682 = vector.shape_cast %get3A_681 : vector<1x16xf32> to vector<16xf32>
      %mul3A_683 = arith.mulf %get3A_682, %broadcast_in_dim3A_656 : vector<16xf32>
      %add3A_684 = arith.addf %mul3A_683, %get3A_20 : vector<16xf32>
      %swap3A_685 = arith.index_cast %add3A_653 : i32 to index
      %swap3A_686 = arith.constant 32 : index
      %swap3A_687 = tpu.vector_load %arg14[%swap3A_685, %swap3A_686] {strides = array<i32>} : memref<128x128xf32, #tpu.memory_space<vmem>>, vector<1x16xf32>,
      %swap3A_688 = vector.shape_cast %swap3A_687 : vector<1x16xf32> to vector<16xf32>
      %swap3A_689 = vector.shape_cast %add3A_684 : vector<16xf32> to vector<1x16xf32>
      tpu.vector_store %arg14[%swap3A_685, %swap3A_686], %swap3A_689 {strides = array<i32>} : memref<128x128xf32, #tpu.memory_space<vmem>>, vector<1x16xf32>,
      %get3A_690 = arith.index_cast %add3A_653 : i32 to index
      %get3A_691 = arith.constant 48 : index
      %get3A_692 = tpu.vector_load %arg13[%get3A_690, %get3A_691] {strides = array<i32>} : memref<128x64xf32, #tpu.memory_space<vmem>>, vector<1x16xf32>,
      %get3A_693 = vector.shape_cast %get3A_692 : vector<1x16xf32> to vector<16xf32>
      %mul3A_694 = arith.mulf %get3A_693, %broadcast_in_dim3A_656 : vector<16xf32>
      %add3A_695 = arith.addf %mul3A_694, %get3A_23 : vector<16xf32>
      %swap3A_696 = arith.index_cast %add3A_653 : i32 to index
      %swap3A_697 = arith.constant 48 : index
      %swap3A_698 = tpu.vector_load %arg14[%swap3A_696, %swap3A_697] {strides = array<i32>} : memref<128x128xf32, #tpu.memory_space<vmem>>, vector<1x16xf32>,
      %swap3A_699 = vector.shape_cast %swap3A_698 : vector<1x16xf32> to vector<16xf32>
      %swap3A_700 = vector.shape_cast %add3A_695 : vector<16xf32> to vector<1x16xf32>
      tpu.vector_store %arg14[%swap3A_696, %swap3A_697], %swap3A_700 {strides = array<i32>} : memref<128x128xf32, #tpu.memory_space<vmem>>, vector<1x16xf32>,
      %mul3A_701 = arith.constant 16 : i32
      %mul3A_702 = arith.muli %scan3A_32, %mul3A_701 : i32
      %add3A_703 = arith.constant 13 : i32
      %add3A_704 = arith.addi %mul3A_702, %add3A_703 : i32
      %slice3A_705 = vector.extract_strided_slice %select_n3A {offsets = [13], sizes = [1], strides = [1]} : vector<16xf32> to vector<1xf32>
      %squeeze3A_706 = vector.extract %slice3A_705[0] : f32 from vector<1xf32>
      %broadcast_in_dim3A_707 = vector.broadcast %squeeze3A_706 : f32 to vector<16xf32>
      %get3A_708 = arith.index_cast %add3A_704 : i32 to index
      %get3A_709 = arith.constant 0 : index
      %get3A_710 = tpu.vector_load %arg13[%get3A_708, %get3A_709] {strides = array<i32>} : memref<128x64xf32, #tpu.memory_space<vmem>>, vector<1x16xf32>,
      %get3A_711 = vector.shape_cast %get3A_710 : vector<1x16xf32> to vector<16xf32>
      %mul3A_712 = arith.mulf %get3A_711, %broadcast_in_dim3A_707 : vector<16xf32>
      %add3A_713 = arith.addf %mul3A_712, %get3A_14 : vector<16xf32>
      %swap3A_714 = arith.index_cast %add3A_704 : i32 to index
      %swap3A_715 = arith.constant 0 : index
      %swap3A_716 = tpu.vector_load %arg14[%swap3A_714, %swap3A_715] {strides = array<i32>} : memref<128x128xf32, #tpu.memory_space<vmem>>, vector<1x16xf32>,
      %swap3A_717 = vector.shape_cast %swap3A_716 : vector<1x16xf32> to vector<16xf32>
      %swap3A_718 = vector.shape_cast %add3A_713 : vector<16xf32> to vector<1x16xf32>
      tpu.vector_store %arg14[%swap3A_714, %swap3A_715], %swap3A_718 {strides = array<i32>} : memref<128x128xf32, #tpu.memory_space<vmem>>, vector<1x16xf32>,
      %get3A_719 = arith.index_cast %add3A_704 : i32 to index
      %get3A_720 = arith.constant 16 : index
      %get3A_721 = tpu.vector_load %arg13[%get3A_719, %get3A_720] {strides = array<i32>} : memref<128x64xf32, #tpu.memory_space<vmem>>, vector<1x16xf32>,
      %get3A_722 = vector.shape_cast %get3A_721 : vector<1x16xf32> to vector<16xf32>
      %mul3A_723 = arith.mulf %get3A_722, %broadcast_in_dim3A_707 : vector<16xf32>
      %add3A_724 = arith.addf %mul3A_723, %get3A_17 : vector<16xf32>
      %swap3A_725 = arith.index_cast %add3A_704 : i32 to index
      %swap3A_726 = arith.constant 16 : index
      %swap3A_727 = tpu.vector_load %arg14[%swap3A_725, %swap3A_726] {strides = array<i32>} : memref<128x128xf32, #tpu.memory_space<vmem>>, vector<1x16xf32>,
      %swap3A_728 = vector.shape_cast %swap3A_727 : vector<1x16xf32> to vector<16xf32>
      %swap3A_729 = vector.shape_cast %add3A_724 : vector<16xf32> to vector<1x16xf32>
      tpu.vector_store %arg14[%swap3A_725, %swap3A_726], %swap3A_729 {strides = array<i32>} : memref<128x128xf32, #tpu.memory_space<vmem>>, vector<1x16xf32>,
      %get3A_730 = arith.index_cast %add3A_704 : i32 to index
      %get3A_731 = arith.constant 32 : index
      %get3A_732 = tpu.vector_load %arg13[%get3A_730, %get3A_731] {strides = array<i32>} : memref<128x64xf32, #tpu.memory_space<vmem>>, vector<1x16xf32>,
      %get3A_733 = vector.shape_cast %get3A_732 : vector<1x16xf32> to vector<16xf32>
      %mul3A_734 = arith.mulf %get3A_733, %broadcast_in_dim3A_707 : vector<16xf32>
      %add3A_735 = arith.addf %mul3A_734, %get3A_20 : vector<16xf32>
      %swap3A_736 = arith.index_cast %add3A_704 : i32 to index
      %swap3A_737 = arith.constant 32 : index
      %swap3A_738 = tpu.vector_load %arg14[%swap3A_736, %swap3A_737] {strides = array<i32>} : memref<128x128xf32, #tpu.memory_space<vmem>>, vector<1x16xf32>,
      %swap3A_739 = vector.shape_cast %swap3A_738 : vector<1x16xf32> to vector<16xf32>
      %swap3A_740 = vector.shape_cast %add3A_735 : vector<16xf32> to vector<1x16xf32>
      tpu.vector_store %arg14[%swap3A_736, %swap3A_737], %swap3A_740 {strides = array<i32>} : memref<128x128xf32, #tpu.memory_space<vmem>>, vector<1x16xf32>,
      %get3A_741 = arith.index_cast %add3A_704 : i32 to index
      %get3A_742 = arith.constant 48 : index
      %get3A_743 = tpu.vector_load %arg13[%get3A_741, %get3A_742] {strides = array<i32>} : memref<128x64xf32, #tpu.memory_space<vmem>>, vector<1x16xf32>,
      %get3A_744 = vector.shape_cast %get3A_743 : vector<1x16xf32> to vector<16xf32>
      %mul3A_745 = arith.mulf %get3A_744, %broadcast_in_dim3A_707 : vector<16xf32>
      %add3A_746 = arith.addf %mul3A_745, %get3A_23 : vector<16xf32>
      %swap3A_747 = arith.index_cast %add3A_704 : i32 to index
      %swap3A_748 = arith.constant 48 : index
      %swap3A_749 = tpu.vector_load %arg14[%swap3A_747, %swap3A_748] {strides = array<i32>} : memref<128x128xf32, #tpu.memory_space<vmem>>, vector<1x16xf32>,
      %swap3A_750 = vector.shape_cast %swap3A_749 : vector<1x16xf32> to vector<16xf32>
      %swap3A_751 = vector.shape_cast %add3A_746 : vector<16xf32> to vector<1x16xf32>
      tpu.vector_store %arg14[%swap3A_747, %swap3A_748], %swap3A_751 {strides = array<i32>} : memref<128x128xf32, #tpu.memory_space<vmem>>, vector<1x16xf32>,
      %mul3A_752 = arith.constant 16 : i32
      %mul3A_753 = arith.muli %scan3A_32, %mul3A_752 : i32
      %add3A_754 = arith.constant 14 : i32
      %add3A_755 = arith.addi %mul3A_753, %add3A_754 : i32
      %slice3A_756 = vector.extract_strided_slice %select_n3A {offsets = [14], sizes = [1], strides = [1]} : vector<16xf32> to vector<1xf32>
      %squeeze3A_757 = vector.extract %slice3A_756[0] : f32 from vector<1xf32>
      %broadcast_in_dim3A_758 = vector.broadcast %squeeze3A_757 : f32 to vector<16xf32>
      %get3A_759 = arith.index_cast %add3A_755 : i32 to index
      %get3A_760 = arith.constant 0 : index
      %get3A_761 = tpu.vector_load %arg13[%get3A_759, %get3A_760] {strides = array<i32>} : memref<128x64xf32, #tpu.memory_space<vmem>>, vector<1x16xf32>,
      %get3A_762 = vector.shape_cast %get3A_761 : vector<1x16xf32> to vector<16xf32>
      %mul3A_763 = arith.mulf %get3A_762, %broadcast_in_dim3A_758 : vector<16xf32>
      %add3A_764 = arith.addf %mul3A_763, %get3A_14 : vector<16xf32>
      %swap3A_765 = arith.index_cast %add3A_755 : i32 to index
      %swap3A_766 = arith.constant 0 : index
      %swap3A_767 = tpu.vector_load %arg14[%swap3A_765, %swap3A_766] {strides = array<i32>} : memref<128x128xf32, #tpu.memory_space<vmem>>, vector<1x16xf32>,
      %swap3A_768 = vector.shape_cast %swap3A_767 : vector<1x16xf32> to vector<16xf32>
      %swap3A_769 = vector.shape_cast %add3A_764 : vector<16xf32> to vector<1x16xf32>
      tpu.vector_store %arg14[%swap3A_765, %swap3A_766], %swap3A_769 {strides = array<i32>} : memref<128x128xf32, #tpu.memory_space<vmem>>, vector<1x16xf32>,
      %get3A_770 = arith.index_cast %add3A_755 : i32 to index
      %get3A_771 = arith.constant 16 : index
      %get3A_772 = tpu.vector_load %arg13[%get3A_770, %get3A_771] {strides = array<i32>} : memref<128x64xf32, #tpu.memory_space<vmem>>, vector<1x16xf32>,
      %get3A_773 = vector.shape_cast %get3A_772 : vector<1x16xf32> to vector<16xf32>
      %mul3A_774 = arith.mulf %get3A_773, %broadcast_in_dim3A_758 : vector<16xf32>
      %add3A_775 = arith.addf %mul3A_774, %get3A_17 : vector<16xf32>
      %swap3A_776 = arith.index_cast %add3A_755 : i32 to index
      %swap3A_777 = arith.constant 16 : index
      %swap3A_778 = tpu.vector_load %arg14[%swap3A_776, %swap3A_777] {strides = array<i32>} : memref<128x128xf32, #tpu.memory_space<vmem>>, vector<1x16xf32>,
      %swap3A_779 = vector.shape_cast %swap3A_778 : vector<1x16xf32> to vector<16xf32>
      %swap3A_780 = vector.shape_cast %add3A_775 : vector<16xf32> to vector<1x16xf32>
      tpu.vector_store %arg14[%swap3A_776, %swap3A_777], %swap3A_780 {strides = array<i32>} : memref<128x128xf32, #tpu.memory_space<vmem>>, vector<1x16xf32>,
      %get3A_781 = arith.index_cast %add3A_755 : i32 to index
      %get3A_782 = arith.constant 32 : index
      %get3A_783 = tpu.vector_load %arg13[%get3A_781, %get3A_782] {strides = array<i32>} : memref<128x64xf32, #tpu.memory_space<vmem>>, vector<1x16xf32>,
      %get3A_784 = vector.shape_cast %get3A_783 : vector<1x16xf32> to vector<16xf32>
      %mul3A_785 = arith.mulf %get3A_784, %broadcast_in_dim3A_758 : vector<16xf32>
      %add3A_786 = arith.addf %mul3A_785, %get3A_20 : vector<16xf32>
      %swap3A_787 = arith.index_cast %add3A_755 : i32 to index
      %swap3A_788 = arith.constant 32 : index
      %swap3A_789 = tpu.vector_load %arg14[%swap3A_787, %swap3A_788] {strides = array<i32>} : memref<128x128xf32, #tpu.memory_space<vmem>>, vector<1x16xf32>,
      %swap3A_790 = vector.shape_cast %swap3A_789 : vector<1x16xf32> to vector<16xf32>
      %swap3A_791 = vector.shape_cast %add3A_786 : vector<16xf32> to vector<1x16xf32>
      tpu.vector_store %arg14[%swap3A_787, %swap3A_788], %swap3A_791 {strides = array<i32>} : memref<128x128xf32, #tpu.memory_space<vmem>>, vector<1x16xf32>,
      %get3A_792 = arith.index_cast %add3A_755 : i32 to index
      %get3A_793 = arith.constant 48 : index
      %get3A_794 = tpu.vector_load %arg13[%get3A_792, %get3A_793] {strides = array<i32>} : memref<128x64xf32, #tpu.memory_space<vmem>>, vector<1x16xf32>,
      %get3A_795 = vector.shape_cast %get3A_794 : vector<1x16xf32> to vector<16xf32>
      %mul3A_796 = arith.mulf %get3A_795, %broadcast_in_dim3A_758 : vector<16xf32>
      %add3A_797 = arith.addf %mul3A_796, %get3A_23 : vector<16xf32>
      %swap3A_798 = arith.index_cast %add3A_755 : i32 to index
      %swap3A_799 = arith.constant 48 : index
      %swap3A_800 = tpu.vector_load %arg14[%swap3A_798, %swap3A_799] {strides = array<i32>} : memref<128x128xf32, #tpu.memory_space<vmem>>, vector<1x16xf32>,
      %swap3A_801 = vector.shape_cast %swap3A_800 : vector<1x16xf32> to vector<16xf32>
      %swap3A_802 = vector.shape_cast %add3A_797 : vector<16xf32> to vector<1x16xf32>
      tpu.vector_store %arg14[%swap3A_798, %swap3A_799], %swap3A_802 {strides = array<i32>} : memref<128x128xf32, #tpu.memory_space<vmem>>, vector<1x16xf32>,
      %mul3A_803 = arith.constant 16 : i32
      %mul3A_804 = arith.muli %scan3A_32, %mul3A_803 : i32
      %add3A_805 = arith.constant 15 : i32
      %add3A_806 = arith.addi %mul3A_804, %add3A_805 : i32
      %slice3A_807 = vector.extract_strided_slice %select_n3A {offsets = [15], sizes = [1], strides = [1]} : vector<16xf32> to vector<1xf32>
      %squeeze3A_808 = vector.extract %slice3A_807[0] : f32 from vector<1xf32>
      %broadcast_in_dim3A_809 = vector.broadcast %squeeze3A_808 : f32 to vector<16xf32>
      %get3A_810 = arith.index_cast %add3A_806 : i32 to index
      %get3A_811 = arith.constant 0 : index
      %get3A_812 = tpu.vector_load %arg13[%get3A_810, %get3A_811] {strides = array<i32>} : memref<128x64xf32, #tpu.memory_space<vmem>>, vector<1x16xf32>,
      %get3A_813 = vector.shape_cast %get3A_812 : vector<1x16xf32> to vector<16xf32>
      %mul3A_814 = arith.mulf %get3A_813, %broadcast_in_dim3A_809 : vector<16xf32>
      %add3A_815 = arith.addf %mul3A_814, %get3A_14 : vector<16xf32>
      %swap3A_816 = arith.index_cast %add3A_806 : i32 to index
      %swap3A_817 = arith.constant 0 : index
      %swap3A_818 = tpu.vector_load %arg14[%swap3A_816, %swap3A_817] {strides = array<i32>} : memref<128x128xf32, #tpu.memory_space<vmem>>, vector<1x16xf32>,
      %swap3A_819 = vector.shape_cast %swap3A_818 : vector<1x16xf32> to vector<16xf32>
      %swap3A_820 = vector.shape_cast %add3A_815 : vector<16xf32> to vector<1x16xf32>
      tpu.vector_store %arg14[%swap3A_816, %swap3A_817], %swap3A_820 {strides = array<i32>} : memref<128x128xf32, #tpu.memory_space<vmem>>, vector<1x16xf32>,
      %get3A_821 = arith.index_cast %add3A_806 : i32 to index
      %get3A_822 = arith.constant 16 : index
      %get3A_823 = tpu.vector_load %arg13[%get3A_821, %get3A_822] {strides = array<i32>} : memref<128x64xf32, #tpu.memory_space<vmem>>, vector<1x16xf32>,
      %get3A_824 = vector.shape_cast %get3A_823 : vector<1x16xf32> to vector<16xf32>
      %mul3A_825 = arith.mulf %get3A_824, %broadcast_in_dim3A_809 : vector<16xf32>
      %add3A_826 = arith.addf %mul3A_825, %get3A_17 : vector<16xf32>
      %swap3A_827 = arith.index_cast %add3A_806 : i32 to index
      %swap3A_828 = arith.constant 16 : index
      %swap3A_829 = tpu.vector_load %arg14[%swap3A_827, %swap3A_828] {strides = array<i32>} : memref<128x128xf32, #tpu.memory_space<vmem>>, vector<1x16xf32>,
      %swap3A_830 = vector.shape_cast %swap3A_829 : vector<1x16xf32> to vector<16xf32>
      %swap3A_831 = vector.shape_cast %add3A_826 : vector<16xf32> to vector<1x16xf32>
      tpu.vector_store %arg14[%swap3A_827, %swap3A_828], %swap3A_831 {strides = array<i32>} : memref<128x128xf32, #tpu.memory_space<vmem>>, vector<1x16xf32>,
      %get3A_832 = arith.index_cast %add3A_806 : i32 to index
      %get3A_833 = arith.constant 32 : index
      %get3A_834 = tpu.vector_load %arg13[%get3A_832, %get3A_833] {strides = array<i32>} : memref<128x64xf32, #tpu.memory_space<vmem>>, vector<1x16xf32>,
      %get3A_835 = vector.shape_cast %get3A_834 : vector<1x16xf32> to vector<16xf32>
      %mul3A_836 = arith.mulf %get3A_835, %broadcast_in_dim3A_809 : vector<16xf32>
      %add3A_837 = arith.addf %mul3A_836, %get3A_20 : vector<16xf32>
      %swap3A_838 = arith.index_cast %add3A_806 : i32 to index
      %swap3A_839 = arith.constant 32 : index
      %swap3A_840 = tpu.vector_load %arg14[%swap3A_838, %swap3A_839] {strides = array<i32>} : memref<128x128xf32, #tpu.memory_space<vmem>>, vector<1x16xf32>,
      %swap3A_841 = vector.shape_cast %swap3A_840 : vector<1x16xf32> to vector<16xf32>
      %swap3A_842 = vector.shape_cast %add3A_837 : vector<16xf32> to vector<1x16xf32>
      tpu.vector_store %arg14[%swap3A_838, %swap3A_839], %swap3A_842 {strides = array<i32>} : memref<128x128xf32, #tpu.memory_space<vmem>>, vector<1x16xf32>,
      %get3A_843 = arith.index_cast %add3A_806 : i32 to index
      %get3A_844 = arith.constant 48 : index
      %get3A_845 = tpu.vector_load %arg13[%get3A_843, %get3A_844] {strides = array<i32>} : memref<128x64xf32, #tpu.memory_space<vmem>>, vector<1x16xf32>,
      %get3A_846 = vector.shape_cast %get3A_845 : vector<1x16xf32> to vector<16xf32>
      %mul3A_847 = arith.mulf %get3A_846, %broadcast_in_dim3A_809 : vector<16xf32>
      %add3A_848 = arith.addf %mul3A_847, %get3A_23 : vector<16xf32>
      %swap3A_849 = arith.index_cast %add3A_806 : i32 to index
      %swap3A_850 = arith.constant 48 : index
      %swap3A_851 = tpu.vector_load %arg14[%swap3A_849, %swap3A_850] {strides = array<i32>} : memref<128x128xf32, #tpu.memory_space<vmem>>, vector<1x16xf32>,
      %swap3A_852 = vector.shape_cast %swap3A_851 : vector<1x16xf32> to vector<16xf32>
      %swap3A_853 = vector.shape_cast %add3A_848 : vector<16xf32> to vector<1x16xf32>
      tpu.vector_store %arg14[%swap3A_849, %swap3A_850], %swap3A_853 {strides = array<i32>} : memref<128x128xf32, #tpu.memory_space<vmem>>, vector<1x16xf32>,
    }
    %scan3A_31 = arith.constant 8 : i32
    "tpu.region"() ({
      %run_scoped3A = tpu.sem_alloc : memref<!tpu.dma_semaphore, #tpu.memory_space<semaphore_mem>>
      %dma_start3A = arith.constant 0 : i32
      %dma_start3A_32 = tpu.memref_slice %arg7[%mul3A_2, %dma_start3A] : memref<4096x128xf32, #tpu.memory_space<hbm>> -> memref<128x128xf32, #tpu.memory_space<hbm>>
      %dma_start3A_33 = arith.constant 0 : i32
      %dma_start3A_34 = tpu.memref_slice %arg7[%mul3A_2, %dma_start3A_33] : memref<4096x128xf32, #tpu.memory_space<hbm>> -> memref<128x128xf32, #tpu.memory_space<hbm>>
      tpu.enqueue_dma source(%arg14 : memref<128x128xf32, #tpu.memory_space<vmem>>) target(%dma_start3A_34 : memref<128x128xf32, #tpu.memory_space<hbm>>) target_semaphore(%run_scoped3A : memref<!tpu.dma_semaphore, #tpu.memory_space<semaphore_mem>>)
      %dma_wait3A_35 = arith.constant 0 : i32
      %dma_wait3A_36 = tpu.memref_slice %arg7[%mul3A_2, %dma_wait3A_35] : memref<4096x128xf32, #tpu.memory_space<hbm>> -> memref<128x128xf32, #tpu.memory_space<hbm>>
      %dma_wait3A_37 = arith.constant 0 : i32
      %dma_wait3A_38 = tpu.memref_slice %arg7[%mul3A_2, %dma_wait3A_37] : memref<4096x128xf32, #tpu.memory_space<hbm>> -> memref<128x128xf32, #tpu.memory_space<hbm>>
      tpu.wait_dma2 semaphore(%run_scoped3A : memref<!tpu.dma_semaphore, #tpu.memory_space<semaphore_mem>>) src(%arg14 : memref<128x128xf32, #tpu.memory_space<vmem>>) dst(%dma_wait3A_38 : memref<128x128xf32, #tpu.memory_space<hbm>>)
      tpu.yield
    }) : () -> ()
    return
  }
}

</mosaic_0001>

<sc_bundles>
// kernel: _run.4.cloned.1.call-start
scs
__scs_entry_jumppad:
0x0: {  	(pc) =	sbr.rel $0x88, $3  }
0x1: {  	(tag) =	ssettag $0x0;
	lr =	simm.s32 $0x1  }
0x2: {  	[smem:$0x3F9B] =	sst lr;
	_ =	strace $0xD0000000  }
0x3: {  	_ = 	snop  }
0x4: {  	_ = 	snop  }
0x5: {  	_ = 	snop  }
0x6: {  	_ = 	snop  }
0x7: {  	_ = 	snop  }
__scs_overlays_trampoline_lowered:
0x8: {  	[smem:$0x3FAA] =	sst s0  }
0x9: {  	[smem:$0x3FAB] =	sst s1  }
0xa: {  	[smem:$0x3FAC] =	sst s2  }
0xb: {  	[smem:$0x3FAD] =	sst s3  }
0xc: {  	[smem:$0x3FAE] =	sst s4  }
0xd: {  	[smem:$0x3FAF] =	sst s5  }
0xe: {  	[smem:$0x3FB0] =	sst s6  }
0xf: {  	[smem:$0x3FB1] =	sst s7  }
0x10: {  	[smem:$0x3FB2] =	sst s8  }
0x11: {  	[smem:$0x3FB3] =	sst s9;
	s0 =	simm.s32 @!p0 $0x0  }
0x12: {  	s1 =	sld [smem:$0x3F99];
	s0 =	simm.s32 @p0 $0x1  }
0x13: {  	[smem:$0x3FB4] =	sst s0;
	s0 =	simm.s32 @!p1 $0x0  }
0x14: {  	s2 =	sld [smem:$0x3F98];
	s0 =	simm.s32 @p1 $0x1  }
0x15: {  	[smem:$0x3FB5] =	sst s0;
	s0 =	simm.s32 @!p2 $0x0  }
0x16: {  	s3 =	sld [smem:$0x3FDB];
	s0 =	simm.s32 @p2 $0x1  }
0x17: {  	s4 =	simm.s32 $0x1BF5;
	[smem:$0x3FB7] =	sst s0  }
0x18: {  	s0 =	sld [smem:$0x3F9A];
	_ =	swait.ge [sflag:s4], $0x0  }
0x19: {  	s7 =	sld [smem:$0x3F9B]  }
0x1a: {  	s8 =	sadd.s32 $0xFFFFE003, lr  }
0x1b: {  	s9 =	sadd.s32 $0xFFFFFEF7, lr;
	s5 =	simm.s32 $0xFFFFFFFF;
	p2 =	slt.u32 s8, $0xFFFFF086  }
0x1c: {  	p1 =	slt.u32 s9, $0xF7A;
	s5 =	simm.s32 @!p2 $0x0  }
0x1d: {  	s5 =	simm.s32 @p1 $0x1;
	p0 =	seq.s32 s7, s2  }
0x1e: {  	s7 =	smul.u32 @!p0 $0xF7A, s2;
	p2 =	seq.s32 @!p0 s5, $0x0  }
0x1f: {  	s9 =	smul.u32 $0xF7A, s1;
	s8 =	simm.s32 @!p0 $0x1BF5;
	p2 =	por !p2, p0  }
0x20: {  	[sflag:s8] =	ssyncset.s32 @!p0 $0xFFFFF086;
	s6 =	sadd.s32 @!p0 s3, s7;
	s7 =	simm.s32 @!p0 $0x108  }
0x21: {  	s3 =	sadd.s32 s3, s9;
	s6 =	sadd.s32 @!p0 $0x88, s6;
	s7 =	simm.s32 @p2 $0x1082  }
0x22: {  	[simem:s7], [sflag:s8] =	dma.local @!p0 [hbm:s6], $0xF7A  }
0x23: {  	s9 =	sor.u32 $0xD0000000, s2;
	s6 =	simm.s32 $0x108;
	_ =	swait.ge @!p0 [sflag:s8], $0x0  }
0x24: {  	s3 =	sadd.s32 $0x88, s3;
	s6 =	simm.s32 @!p1 $0x1082;
	[sflag:s4] =	ssyncset.s32 $0xFFFFF086  }
0x25: {  	[simem:s6], [sflag:s4] =	dma.local [hbm:s3], $0xF7A  }
0x26: {  	[smem:$0x3F9B] =	sst s1;
	(tag) =	ssettag s2;
	_ =	strace s9  }
0x27: {  	s1 =	sld [smem:$0x3FAB]  }
0x28: {  	s2 =	sld [smem:$0x3FAC]  }
0x29: {  	s4 =	sld [smem:$0x3FAE]  }
0x2a: {  	p0 =	seq.s32 s5, $0x0;
	s5 =	sld [smem:$0x3FAF]  }
0x2b: {  	s6 =	sld [smem:$0x3FB0]  }
0x2c: {  	s7 =	sld [smem:$0x3FB1]  }
0x2d: {  	s3 =	simm.s32 $0x108;
	s8 =	sld [smem:$0x3FB2]  }
0x2e: {  	s3 =	simm.s32 @!p0 $0x1082;
	s9 =	sld [smem:$0x3FB3]  }
0x2f: {  	lr =	sadd.s32 s0, s3;
	s0 =	sld [smem:$0x3FAA]  }
0x30: {  	s3 =	sld [smem:$0x3FAD]  }
0x31: {  	[smem:$0x3FB6] =	sst s10  }
0x32: {  	s10 =	sld [smem:$0x3FB4];
	_ =	sdelay $0x3  }
0x33: {  	p0 =	seq.s32 s10, $0x1;
	s10 =	sld [smem:$0x3FB6];
	_ =	sdelay $0x3  }
0x34: {  	[smem:$0x3FB6] =	sst s10  }
0x35: {  	s10 =	sld [smem:$0x3FB5];
	_ =	sdelay $0x3  }
0x36: {  	p1 =	seq.s32 s10, $0x1;
	s10 =	sld [smem:$0x3FB6];
	_ =	sdelay $0x3  }
0x37: {  	[smem:$0x3FB6] =	sst s10  }
0x38: {  	s10 =	sld [smem:$0x3FB7]  }
0x39: {  	_ = 	snop;
	(pc) =	sbr.ind lr, $3  }
0x3a: {  	_ = 	snop  }
0x3b: {  	_ = 	snop  }
0x3c: {  	p2 =	seq.s32 s10, $0x1;
	s10 =	sld [smem:$0x3FB6]  }
0x3d: {  	_ =	shalt  }
0x3e: {  	_ =	shalt  }
0x3f: {  	_ =	shalt  }
0x40: {  	_ =	shalt  }
0x41: {  	_ =	shalt  }
0x42: {  	_ =	shalt  }
0x43: {  	_ =	shalt  }
0x44: {  	_ =	shalt  }
0x45: {  	_ =	shalt  }
0x46: {  	_ =	shalt  }
0x47: {  	_ =	shalt  }
0x48: {  	_ =	shalt  }
0x49: {  	_ =	shalt  }
0x4a: {  	_ =	shalt  }
0x4b: {  	_ =	shalt  }
0x4c: {  	_ =	shalt  }
0x4d: {  	_ =	shalt  }
0x4e: {  	_ =	shalt  }
0x4f: {  	_ =	shalt  }
0x50: {  	_ =	shalt  }
0x51: {  	_ =	shalt  }
0x52: {  	_ =	shalt  }
0x53: {  	_ =	shalt  }
0x54: {  	_ =	shalt  }
0x55: {  	_ =	shalt  }
0x56: {  	_ =	shalt  }
0x57: {  	_ =	shalt  }
0x58: {  	_ =	shalt  }
0x59: {  	_ =	shalt  }
0x5a: {  	_ =	shalt  }
0x5b: {  	_ =	shalt  }
0x5c: {  	_ =	shalt  }
0x5d: {  	_ =	shalt  }
0x5e: {  	_ =	shalt  }
0x5f: {  	_ =	shalt  }
0x60: {  	_ =	shalt  }
0x61: {  	_ =	shalt  }
0x62: {  	_ =	shalt  }
0x63: {  	_ =	shalt  }
0x64: {  	_ =	shalt  }
0x65: {  	_ =	shalt  }
0x66: {  	_ =	shalt  }
0x67: {  	_ =	shalt  }
0x68: {  	_ =	shalt  }
0x69: {  	_ =	shalt  }
0x6a: {  	_ =	shalt  }
0x6b: {  	_ =	shalt  }
0x6c: {  	_ =	shalt  }
0x6d: {  	_ =	shalt  }
0x6e: {  	_ =	shalt  }
0x6f: {  	_ =	shalt  }
0x70: {  	_ =	shalt  }
0x71: {  	_ =	shalt  }
0x72: {  	_ =	shalt  }
0x73: {  	_ =	shalt  }
0x74: {  	_ =	shalt  }
0x75: {  	_ =	shalt  }
0x76: {  	_ =	shalt  }
0x77: {  	_ =	shalt  }
0x78: {  	_ =	shalt  }
0x79: {  	_ =	shalt  }
0x7a: {  	_ =	shalt  }
0x7b: {  	_ =	shalt  }
0x7c: {  	_ =	shalt  }
0x7d: {  	_ =	shalt  }
0x7e: {  	_ =	shalt  }
0x7f: {  	_ =	shalt  }
0x80: {  	_ =	shalt  }
0x81: {  	_ =	shalt  }
0x82: {  	_ =	shalt  }
0x83: {  	_ =	shalt  }
0x84: {  	_ =	shalt  }
0x85: {  	_ =	shalt  }
0x86: {  	_ =	shalt  }
0x87: {  	_ =	shalt  }
.Lfunc_end0:
.L_simem_size_0:
called_computation_lowered:
.L_overlay_start_0:
0x88: {  	s2 =	sld [smem:$0x3FD9]  }
0x89: {  	s3 =	sld [smem:$0x3FFE];
	_ =	sdelay $0x1  }
0x8a: {  	s1 =	srdreg.scid  }
0x8b: {  	s0 =	sand.u32 $0x1, s1  }
0x8c: {  	s17 =	sshll.u32 s0, $0xA;
	s2 =	sadd.s32 s3, s2  }
0x8d: {  	s2 =	sadd.s32 s2, s17  }
0x8e: {  	[smem:$0x3FC2] =	sst s2  }
0x8f: {  	_ = 	snop  }
0x90: {  	s2 =	sld [smem:$0x3FC9]  }
0x91: {  	s18 =	sld [smem:$0x3FC8]  }
0x92: {  	s4 =	sld [smem:$0x3FC7]  }
0x93: {  	s5 =	sld [smem:$0x3FC4]  }
0x94: {  	s6 =	sld [smem:$0x3FD0];
	(tm) =	ssettm $0x1  }
0x95: {  	s7 =	sld [smem:$0x3FFB];
	_ =	sdelay $0x3  }
0x96: {  	_ =	strace s7  }
0x97: {  	s7 =	sld [smem:$0x3FFC];
	_ =	sdelay $0x3  }
0x98: {  	_ =	strace s7  }
0x99: {  	s7 =	sld [smem:$0x3FFD];
	_ =	sdelay $0x3  }
0x9a: {  	_ =	strace s7  }
0x9b: {  	_ =	strace $0x8FFFFFFF  }
0x9c: {  	s19 =	sld [smem:$0x3FDB];
	_ =	sdelay $0x1  }
0x9d: {  	s8 =	simm.s32 $_scs_section_size  }
0x9e: {  	s9 =	simm.s32 $_size__tile_overlayer_lowered;
	s10 =	simm.s32 $_tile_overlayer_lowered  }
0x9f: {  	s22 =	simm.s32 $0x1BFF;
	s21 =	sshll.u32 s10, $0x1;
	s7 =	sadd.s32 s8, s19  }
0xa0: {  	s11 =	simm.s32 $0x0;
	s20 =	sshll.u32 s9, $0x1;
	s9 =	sadd.s32 s21, s7  }
0xa1: {  	[timem:s11], [sflag:s22] =	dma.local [hbm:s9], s20  }
0xa2: {  	_ =	swait.ge [sflag:s22], s20  }
0xa3: {  	s8 =	ssub.s32 $0x0, s20;
	[sflag:s22] =	ssyncset.done $0x0  }
0xa4: {  	[sflag:s22] =	ssyncadd.s32 s8;
	_ =	sdelay $0x1  }
0xa5: {  	s23 =	simm.s32 $0x1B8B  }
0xa6: {  	_ =	swait.ge [sflag:s23], $0x1  }
0xa7: {  	[sflag:s23] =	ssyncset.done $0x0  }
0xa8: {  	s25 =	simm.s32 $0x1B8E;
	s24 =	sld [smem:$0x3FFE];
	[sflag:s23] =	ssyncadd.s32 $0xFFFFFFFF  }
0xa9: {  	s26 =	simm.s32 $execute0_lowered;
	[smem:$0x3FD2] =	sst s25  }
0xaa: {  	s9 =	sshll.u32 s26, $0x1;
	_ =	strace $0x80000046;
	[dreg:$0x1] =	wrdreg $0xFFFFFFFF  }
0xab: {  	s28 =	simm.s32 $_size_execute0_lowered;
	s7 =	sadd.s32 s7, s9;
	[dreg:$0x0] =	wrdreg $0x0  }
0xac: {  	s9 =	sshll.u32 s28, $0x1;
	[dreg:$0x2] =	wrdreg s7  }
0xad: {  	[dreg:$0x3] =	wrdreg s9  }
0xae: {  	[dreg:$0x4] =	wrdreg $0xC0  }
0xaf: {  	_ =	task [dreg:s11], $0x5FFFF  }
0xb0: {  	[dreg:$0x1] =	wrdreg $0xFFFFFFFF  }
0xb1: {  	[dreg:$0x0] =	wrdreg $0x60  }
0xb2: {  	[dreg:$0x2] =	wrdreg s2  }
0xb3: {  	[dreg:$0x3] =	wrdreg s18  }
0xb4: {  	[dreg:$0x4] =	wrdreg s4  }
0xb5: {  	[dreg:$0x5] =	wrdreg s24  }
0xb6: {  	[dreg:$0x6] =	wrdreg s5  }
0xb7: {  	[dreg:$0x7] =	wrdreg s6  }
0xb8: {  	[dreg:$0x8] =	wrdreg $0x9  }
0xb9: {  	_ =	task.clear_ibuf [dreg:s11], $0x9FFFF;
	_ =	strace $0x90000046  }
0xba: {  	s29 =	simm.s32 $0x9;
	_ =	strace $0x80000048  }
0xbb: {  	_ =	swait.ge [sflag:s29], $0x1  }
0xbc: {  	[sflag:s29] =	ssyncadd.s32 $0xFFFFFFFF  }
0xbd: {  	_ =	strace $0x90000048  }
0xbe: {  	_ =	sfence  }
0xbf: {  	s30 =	sld [smem:$0x0];
	_ =	sdelay $0x2  }
0xc0: {  	s31 =	sshll.u32 s1, $0xD;
	s1 =	sshrl.u32 s1, $0x2  }
0xc1: {  	s3 =	sand.u32 $0x4000, s31;
	s1 =	sadd.s32 s1, s30  }
0xc2: {  	s0 =	sor.u32 s3, s0;
	s1 =	sshll.u32 s1, $0x11  }
0xc3: {  	s0 =	sor.u32 s1, s0  }
0xc4: {  	s0 =	sadd.s32 $0x8F2B, s0  }
0xc5: {  	[sflag:s0] =	ssyncadd.remote.s32 $0x1  }
0xc6: {  	_ =	sfence.sel $0xFFFF  }
0xc7: {  	[dreg:$0x0] =	wrdreg $0xFFFFFFFF;
	(pc) =	sbr.abs _section_cstart, $3  }
0xc8: {  	[dreg:$0x1] =	wrdreg $0xFFFFFFFF  }
0xc9: {  	_ =	task.clear_ibuf [dreg:s11], $0x2FFFF;
	_ =	strace $0x9FFFFFFF  }
0xca: {  	(tm) =	ssettm $0x7FFFFFFF  }
0xcb: {  	_ =	shalt  }
tec
execute0_lowered:
.L_overlay_start_1:
0x0: {  	(tag) =	ssettag $0x1  }
0x1: {  	s0 =	rddreg [dreg:$0x0]  }
0x2: {  	s1 =	rddreg [dreg:$0x1]  }
0x3: {  	s2 =	rddreg [dreg:$0x2]  }
0x4: {  	s5 =	rddreg [dreg:$0x3];
	s4 =	srdreg.scid  }
0x5: {  	s3 =	simm.s32 $0x0;
	s6 =	stileid.u32;
	s4 =	sand.u32 $0x1, s4  }
0x6: {  	[smem:$0x7FF] =	sst s3;
	s6 =	sshll.u32 s6, $0x8;
	s7 =	sshll.u32 s4, $0x7  }
0x7: {  	s8 =	rddreg [dreg:$0x5];
	_ =	strace $0x80000047;
	s7 =	sor.u32 s7, s6  }
0x8: {  	s25 =	ssub.s32 $0x2, s4;
	s11 =	sshrl.u32 s7, $0x3;
	s28 =	sadd.s32 s1, s7  }
0x9: {  	s10 =	sshrl.u32 s25, $0x1;
	s0 =	sadd.s32 s0, s11;
	[dreg:$0x9] =	wrdreg s28  }
0xa: {  	vm0 =	vmmov $0x1;
	s9 =	sshll.u32 s7, $0x4;
	s26 =	sadd.s32 s2, s11;
	[dreg:$0x7] =	wrdreg s0  }
0xb: {  	vm1 =	vmmov $0x3;
	vm2 =	vmmov $0x7;
	vm3 =	vmmov $0xf;
	s10 =	ssub.s32 s25, s10;
	s29 =	sadd.s32 s8, s11;
	[dreg:$0x8] =	wrdreg s26  }
0xc: {  	vm4 =	vmmov $0x1f;
	vm5 =	vmmov $0x3f;
	vm6 =	vmmov $0x7f;
	s9 =	sadd.s32 s9, s5;
	s31 =	smax.u32 s10, $0x1;
	[dreg:$0xa] =	wrdreg s29  }
0xd: {  	vm7 =	vmmov $0xff;
	vm8 =	vmmov $0x1ff;
	vm9 =	vmmov $0x3ff;
	s30 =	sadd.s32 $0x189200, s9;
	[dreg:$0xc] =	wrdreg s31  }
0xe: {  	vm10 =	vmmov $0x7ff;
	vm11 =	vmmov $0xfff;
	vm12 =	vmmov $0x1fff;
	s22 =	simm.s32 $0x0;
	s0 =	sadd.s32 $0x6000, s28;
	[dreg:$0xb] =	wrdreg s30  }
0xf: {  	vm13 =	vmmov $0x3fff;
	vm14 =	vmmov $0x7fff;
	v0 =	vimm.f32 $1.000000000e+00;
	s4 =	sadd.s32 $0x2800, s5;
	s11 =	simm.s32 $0x2;
	[dreg:$0xd] =	wrdreg s0  }
.LBB2_1:
0x10: {  	s0 =	rddreg [dreg:$0x7]  }
0x11: {  	[tilespmem:s3], [sflag:$0x2] =	stream.linear.gather [hbm4b:s0+s3], $0x80, $0x38;
	[tilespmem:$0x9E00] =	vst v63  }
0x12: {  	_ =	swait.ge [sflag:s11], $0x80  }
0x13: {  	[sflag:s11] =	ssyncset.done $0x0  }
0x14: {  	s1 =	simm.s32 $0x80;
	s9 =	rddreg [dreg:$0x8];
	[sflag:s11] =	ssyncadd.s32 $0xFFFFFF80  }
0x15: {  	[tilespmem:s1], [sflag:$0x2] =	stream.linear.gather [hbm4b:s9+s3], $0x80, $0x38;
	[tilespmem:$0x9E00] =	vst v63  }
0x16: {  	_ =	swait.ge [sflag:s11], $0x80  }
0x17: {  	s12 =	simm.s32 $0x400;
	s2 =	simm.s32 $0x8000;
	[sflag:s11] =	ssyncset.done $0x0  }
0x18: {  	s5 =	simm.s32 $0x100;
	s10 =	rddreg [dreg:$0x9];
	[sflag:s11] =	ssyncadd.s32 $0xFFFFFF80  }
0x19: {  	[tilespmem:s5], [sflag:$0x2] =	stream.strided.gather [hbm4b:s10+s12], $0x1800, s2, s12, $0x38;
	[tilespmem:$0x9E00] =	vst v63  }
0x1a: {  	s14 =	simm.s32 $0x1900;
	s13 =	rddreg [dreg:$0xd]  }
0x1b: {  	[tilespmem:s14], [sflag:$0x2] =	stream.linear.gather [hbm4b:s13+s3], $0x100, $0x38;
	[tilespmem:$0x9E00] =	vst v63  }
0x1c: {  	_ =	swait.ge [sflag:s11], $0x1900  }
0x1d: {  	[sflag:s11] =	ssyncset.done $0x0  }
0x1e: {  	[sflag:s11] =	ssyncadd.s32 $0xFFFFE700  }
0x1f: {  	s16 =	simm.s32 $0x9D80;
	s15 =	rddreg [dreg:$0x4]  }
0x20: {  	[tilespmem:s16], [sflag:$0x2] =	stream.linear.gather [hbm4b:s15+s3], $0x80, $0x38;
	[tilespmem:$0x9E00] =	vst v63  }
0x21: {  	_ =	swait.ge [sflag:s11], $0x80  }
0x22: {  	[sflag:s11] =	ssyncset.done $0x0  }
0x23: {  	s23 =	simm.s32 $0x0;
	[sflag:s11] =	ssyncadd.s32 $0xFFFFFF80  }
0x24: {  	v1 =	vld [tilespmem:s23+$0x0];
	_ =	sdelay $0x3  }
0x25: {  	v3 =	vld [tilespmem:s23+$0x80]  }
0x26: {  	v2 =	vshll.u32 v1, $0x4  }
0x27: {  	(v2sf) =	vpush v2, $0x8  }
0x28: {  	(v2sf) =	vpush v2, $0x7  }
0x29: {  	(v2sf) =	vpush v2, $0x6  }
0x2a: {  	v1 =	vshll.u32 v3, $0x9;
	(v2sf) =	vpush v2, $0x5  }
0x2b: {  	v1 =	vshra.s32 v1, $0x2  }
0x2c: {  	v1 =	vadd.s32 s23, v1;
	(v2sf) =	vpush v2, $0x4  }
0x2d: {  	v1 =	vadd.s32 $0x100, v1;
	(v2sf) =	vpush v2, $0x2  }
0x2e: {  	(v2sf) =	vpush v1, $0x0  }
0x2f: {  	(v2sf) =	vpush v2, $0x1  }
0x30: {  	(v2sf) =	vpush v2, $0x0  }
0x31: {  	(v2sf) =	vpush v2, $0xD;
	_ =	sdelay $0x1  }
0x32: {  	(v2sf) =	vpush v2, $0x3  }
0x33: {  	(v2sf) =	vpush v1, $0x1  }
0x34: {  	(v2sf) =	vpush v1, $0x4  }
0x35: {  	(v2sf) =	vpush v2, $0x9;
	s17 =	spop (v2sf)  }
0x36: {  	(v2sf) =	vpush v2, $0xA;
	s18 =	spop (v2sf)  }
0x37: {  	s19 =	spop (v2sf);
	(v2sf) =	vpush v2, $0xB  }
0x38: {  	s12 =	spop (v2sf);
	(v2sf) =	vpush v2, $0xC;
	_ =	sdelay $0x1  }
0x39: {  	s25 =	simm.s32 $0x2500;
	s13 =	spop (v2sf);
	(v2sf) =	vpush v2, $0xF  }
0x3a: {  	s26 =	simm.s32 $0x40;
	s29 =	sand.u32 $0x1FFFFFF0, s17;
	s20 =	spop (v2sf)  }
0x3b: {  	s30 =	sand.u32 $0x1FFFFFF0, s18;
	s31 =	sand.u32 $0x1FFFFFF0, s19;
	(v2sf) =	vpush v1, $0x2;
	s17 =	spop (v2sf)  }
0x3c: {  	s2 =	sand.u32 $0x1FFFFFF0, s12;
	s1 =	sand.u32 $0x1FFFFFF0, s13;
	s21 =	spop (v2sf)  }
0x3d: {  	s13 =	sand.u32 $0x1FFFFFF0, s20;
	(v2sf) =	vpush v1, $0x3;
	s21 =	sand.u32 $0x1FFFFFF0, s21;
	s24 =	spop (v2sf)  }
0x3e: {  	(v2sf) =	vpush v1, $0x9;
	s15 =	sand.u32 $0x1FFFFFF0, s24;
	s28 =	spop (v2sf);
	s24 =	simm.s32 $0x2500  }
.LBB2_2:
0x3f: {  	p0 =	sne.s32 s26, $0x1C0  }
0x40: {  	s25 =	sadd.s32 $0x800, s25;
	s12 =	spop (v2sf);
	s0 =	smov.u32 s26  }
0x41: {  	s26 =	sadd.s32 $0x40, s26;
	s5 =	sand.u32 $0x1FFFFFF0, s12;
	s6 =	spop (v2sf);
	(v2sf) =	vpush v1, $0x5  }
0x42: {  	s12 =	sadd.s32 $0xFFFFFE80, s24;
	s8 =	spop (v2sf)  }
0x43: {  	s9 =	sadd.s32 $0xFFFFF980, s24;
	s14 =	sadd.s32 $0xFFFFFD80, s24;
	(v2sf) =	vpush v1, $0x6;
	s18 =	spop (v2sf)  }
0x44: {  	s10 =	sadd.s32 $0xFFFFF900, s24;
	s19 =	sand.u32 $0x1FFFFFF0, s18;
	s18 =	spop (v2sf)  }
0x45: {  	s16 =	sadd.s32 $0xFFFFF880, s24;
	s18 =	sand.u32 $0x1FFFFFF0, s18;
	(v2sf) =	vpush v1, $0x7;
	s7 =	spop (v2sf)  }
0x46: {  	s20 =	sadd.s32 s4, s15;
	s15 =	sand.u32 $0x1FFFFFF0, s7;
	s7 =	spop (v2sf)  }
0x47: {  	[tilespmem:s16], [sflag:$0x1] =	stream.linear.gather [hbm4b:s20+s3], $0x80, $0x38;
	(v2sf) =	vpush v1, $0x8;
	[tilespmem:$0x9E00] =	vst v63  }
0x48: {  	s16 =	sadd.s32 s4, s21;
	v3 =	vld [tilespmem:s17+$0x0];
	s17 =	sand.u32 $0x1FFFFFF0, s7;
	s7 =	spop (v2sf)  }
0x49: {  	[tilespmem:s10], [sflag:$0x1] =	stream.linear.gather [hbm4b:s16+s3], $0x80, $0x38;
	(v2sf) =	vpush v2, $0xE;
	[tilespmem:$0x9E00] =	vst v63  }
0x4a: {  	v2 =	vld [tilespmem:s6+$0x0];
	s6 =	sadd.s32 s4, s13;
	s13 =	sand.u32 $0x1FFFFFF0, s7;
	s7 =	spop (v2sf)  }
0x4b: {  	[tilespmem:s9], [sflag:$0x1] =	stream.linear.gather [hbm4b:s6+s3], $0x80, $0x38;
	(v2sf) =	vpush v1, $0xA;
	[tilespmem:$0x9E00] =	vst v63  }
0x4c: {  	s5 =	sadd.s32 s4, s5;
	s6 =	sadd.s32 $0xFFFFFA00, s24;
	v4 =	vld [tilespmem:s7+$0x0];
	s7 =	spop (v2sf)  }
0x4d: {  	[tilespmem:s6], [sflag:$0x1] =	stream.linear.gather [hbm4b:s5+s3], $0x80, $0x38;
	(v2sf) =	vpush v1, $0xB;
	[tilespmem:$0x9E00] =	vst v63  }
0x4e: {  	s1 =	sadd.s32 s4, s1;
	s5 =	sadd.s32 $0xFFFFFA80, s24;
	v5 =	vld [tilespmem:s7+$0x0];
	s6 =	spop (v2sf)  }
0x4f: {  	[tilespmem:s5], [sflag:$0x1] =	stream.linear.gather [hbm4b:s1+s3], $0x80, $0x38;
	v2 =	vsel vm0, v3, v2;
	(v2sf) =	vpush v1, $0xC;
	[tilespmem:$0x9E00] =	vst v63  }
0x50: {  	s2 =	sadd.s32 s4, s2;
	s1 =	sadd.s32 $0xFFFFFB00, s24;
	v3 =	vld [tilespmem:s8+$0x0];
	s5 =	spop (v2sf)  }
0x51: {  	[tilespmem:s1], [sflag:$0x1] =	stream.linear.gather [hbm4b:s2+s3], $0x80, $0x38;
	(v2sf) =	vpush v1, $0xD;
	[tilespmem:$0x9E00] =	vst v63  }
0x52: {  	s1 =	sadd.s32 $0xFFFFFB80, s24;
	s2 =	sadd.s32 s4, s31;
	v6 =	vld [tilespmem:s5+$0x0];
	s5 =	spop (v2sf)  }
0x53: {  	[tilespmem:s1], [sflag:$0x1] =	stream.linear.gather [hbm4b:s2+s3], $0x80, $0x38;
	(v2sf) =	vpush v1, $0xE;
	[tilespmem:$0x9E00] =	vst v63  }
0x54: {  	s1 =	sadd.s32 $0xFFFFFC00, s24;
	s2 =	sadd.s32 s4, s30;
	v7 =	vld [tilespmem:s5+$0x0];
	s5 =	spop (v2sf)  }
0x55: {  	[tilespmem:s1], [sflag:$0x1] =	stream.linear.gather [hbm4b:s2+s3], $0x80, $0x38;
	[tilespmem:$0x9E00] =	vst v63  }
0x56: {  	s1 =	sadd.s32 $0xFFFFFC80, s24;
	s2 =	sadd.s32 s4, s29;
	v8 =	vld [tilespmem:s5+$0x0];
	s5 =	spop (v2sf)  }
0x57: {  	[tilespmem:s1], [sflag:$0x1] =	stream.linear.gather [hbm4b:s2+s3], $0x80, $0x38;
	[tilespmem:$0x9E00] =	vst v63  }
0x58: {  	s1 =	sadd.s32 $0xFFFFFD00, s24;
	s2 =	sadd.s32 s4, s19;
	v9 =	vld [tilespmem:s5+$0x0];
	s5 =	spop (v2sf);
	(v2sf) =	vpush v1, $0xF  }
0x59: {  	[tilespmem:s1], [sflag:$0x1] =	stream.linear.gather [hbm4b:s2+s3], $0x80, $0x38;
	[tilespmem:$0x9E00] =	vst v63  }
0x5a: {  	s1 =	sadd.s32 s4, s18;
	s2 =	sand.u32 $0x1FFFFFF0, s5;
	v1 =	vld [tilespmem:s6+$0x0];
	s5 =	spop (v2sf)  }
0x5b: {  	[tilespmem:s14], [sflag:$0x1] =	stream.linear.gather [hbm4b:s1+s3], $0x80, $0x38;
	[tilespmem:$0x9E00] =	vst v63  }
0x5c: {  	s1 =	sadd.s32 $0xFFFFFE00, s24;
	v10 =	vld [tilespmem:s5+$0x0];
	s5 =	sadd.s32 s4, s15;
	s6 =	spop (v2sf)  }
0x5d: {  	[tilespmem:s1], [sflag:$0x1] =	stream.linear.gather [hbm4b:s5+s3], $0x80, $0x38;
	[tilespmem:$0x9E00] =	vst v63  }
0x5e: {  	s1 =	sadd.s32 s4, s17;
	s5 =	sand.u32 $0x1FFFFFF0, s28;
	v11 =	vld [tilespmem:s6+$0x0];
	s6 =	spop (v2sf)  }
0x5f: {  	[tilespmem:s12], [sflag:$0x1] =	stream.linear.gather [hbm4b:s1+s3], $0x80, $0x38;
	[tilespmem:$0x9E00] =	vst v63  }
0x60: {  	v2 =	vsel vm1, v2, v4;
	s5 =	sadd.s32 s4, s5;
	s1 =	sadd.s32 $0xFFFFFF00, s24;
	v12 =	vld [tilespmem:s6+$0x0];
	s6 =	spop (v2sf)  }
0x61: {  	v2 =	vsel vm2, v2, v5;
	[tilespmem:s1], [sflag:$0x1] =	stream.linear.gather [hbm4b:s5+s3], $0x80, $0x38;
	[tilespmem:$0x9E00] =	vst v63  }
0x62: {  	v2 =	vsel vm3, v2, v3;
	s2 =	sadd.s32 s4, s2;
	s1 =	sadd.s32 $0xFFFFFF80, s24;
	v4 =	vld [tilespmem:s6+$0x0];
	s5 =	spop (v2sf)  }
0x63: {  	v2 =	vsel vm4, v2, v6;
	[tilespmem:s1], [sflag:$0x1] =	stream.linear.gather [hbm4b:s2+s3], $0x80, $0x38;
	[tilespmem:$0x9E00] =	vst v63  }
0x64: {  	s0 =	sshra.s32 s0, $0x2;
	v2 =	vsel vm5, v2, v7;
	s1 =	sadd.s32 s4, s13;
	v3 =	vld [tilespmem:s5+$0x0]  }
0x65: {  	v2 =	vsel vm6, v2, v8;
	[tilespmem:s24], [sflag:$0x1] =	stream.linear.gather [hbm4b:s1+s3], $0x80, $0x38;
	[tilespmem:$0x9E00] =	vst v63  }
0x66: {  	v2 =	vsel vm7, v2, v9;
	s24 =	smov.u32 s25;
	v5 =	vld [tilespmem:s0+$0x0]  }
0x67: {  	v1 =	vsel vm8, v2, v1;
	v6 =	vld [tilespmem:s0+$0x80];
	s1 =	spop (v2sf)  }
0x68: {  	v1 =	vsel vm9, v1, v10;
	v7 =	vld [tilespmem:s1+$0x0]  }
0x69: {  	v1 =	vsel vm10, v1, v11  }
0x6a: {  	v1 =	vsel vm11, v1, v12  }
0x6b: {  	v1 =	vsel vm12, v1, v4;
	v2 =	vshll.u32 v5, $0x4  }
0x6c: {  	v1 =	vsel vm13, v1, v3;
	v4 =	vshll.u32 v6, $0x9;
	(v2sf) =	vpush v2, $0x8  }
0x6d: {  	v3 =	vshra.s32 v4, $0x2;
	(v2sf) =	vpush v2, $0x7;
	v1 =	vsel vm14, v1, v7  }
0x6e: {  	v3 =	vadd.s32 s0, v3;
	(v2sf) =	vpush v2, $0x6;
	[tilespmem:s23+$0x1D00] =	vst v1;
	s23 =	smov.u32 s0  }
0x6f: {  	v1 =	vadd.s32 $0x100, v3;
	(v2sf) =	vpush v2, $0x5  }
0x70: {  	(v2sf) =	vpush v2, $0x4  }
0x71: {  	(v2sf) =	vpush v2, $0x2  }
0x72: {  	(v2sf) =	vpush v1, $0x0  }
0x73: {  	(v2sf) =	vpush v2, $0x1  }
0x74: {  	(v2sf) =	vpush v2, $0x0  }
0x75: {  	(v2sf) =	vpush v2, $0xD  }
0x76: {  	(v2sf) =	vpush v2, $0x3  }
0x77: {  	(v2sf) =	vpush v1, $0x1  }
0x78: {  	(v2sf) =	vpush v1, $0x4  }
0x79: {  	(v2sf) =	vpush v2, $0x9  }
0x7a: {  	(v2sf) =	vpush v2, $0xA  }
0x7b: {  	s0 =	spop (v2sf);
	(v2sf) =	vpush v2, $0xB  }
0x7c: {  	s29 =	sand.u32 $0x1FFFFFF0, s0;
	s0 =	spop (v2sf);
	(v2sf) =	vpush v2, $0xC  }
0x7d: {  	s30 =	sand.u32 $0x1FFFFFF0, s0;
	s0 =	spop (v2sf)  }
0x7e: {  	s31 =	sand.u32 $0x1FFFFFF0, s0;
	s0 =	spop (v2sf);
	(v2sf) =	vpush v2, $0xF  }
0x7f: {  	s2 =	sand.u32 $0x1FFFFFF0, s0;
	s0 =	spop (v2sf)  }
.Ltmp0:
0x80: {  	s1 =	sand.u32 $0x1FFFFFF0, s0;
	s0 =	spop (v2sf);
	(v2sf) =	vpush v1, $0x2;
	(pc) =	sbr.rel @p0 .LBB2_2-.Ltmp0, $4  }
0x81: {  	s13 =	sand.u32 $0x1FFFFFF0, s0;
	s17 =	spop (v2sf)  }
0x82: {  	s0 =	spop (v2sf);
	(v2sf) =	vpush v1, $0x3  }
0x83: {  	s21 =	sand.u32 $0x1FFFFFF0, s0;
	s0 =	spop (v2sf)  }
0x84: {  	s15 =	sand.u32 $0x1FFFFFF0, s0;
	(v2sf) =	vpush v1, $0x9;
	s28 =	spop (v2sf)  }
0x85: {  	s5 =	spop (v2sf)  }
0x86: {  	s7 =	sadd.s32 $0xFFFFF880, s24;
	s8 =	sadd.s32 s4, s15;
	s0 =	spop (v2sf)  }
0x87: {  	[tilespmem:s7], [sflag:$0x1] =	stream.linear.gather [hbm4b:s8+s3], $0x80, $0x38;
	[tilespmem:$0x9E00] =	vst v63  }
0x88: {  	s6 =	spop (v2sf)  }
0x89: {  	s7 =	spop (v2sf)  }
0x8a: {  	(v2sf) =	vpush v1, $0x5;
	s9 =	spop (v2sf)  }
0x8b: {  	s8 =	spop (v2sf);
	(v2sf) =	vpush v1, $0x6  }
0x8c: {  	s18 =	sadd.s32 $0xFFFFF900, s24;
	s10 =	sadd.s32 s4, s21  }
0x8d: {  	v3 =	vld [tilespmem:s17+$0x0];
	[tilespmem:s18], [sflag:$0x1] =	stream.linear.gather [hbm4b:s10+s3], $0x80, $0x38  }
0x8e: {  	s12 =	spop (v2sf)  }
0x8f: {  	v4 =	vld [tilespmem:s0+$0x0];
	s0 =	spop (v2sf);
	(v2sf) =	vpush v1, $0x7;
	_ =	sdelay $0x1  }
0x90: {  	s21 =	spop (v2sf);
	(v2sf) =	vpush v1, $0x8  }
0x91: {  	s19 =	sadd.s32 $0xFFFFF980, s24;
	s26 =	spop (v2sf)  }
0x92: {  	s20 =	sadd.s32 s4, s13;
	s5 =	sand.u32 $0x1FFFFFF0, s5;
	s14 =	spop (v2sf);
	(v2sf) =	vpush v2, $0xE  }
0x93: {  	[tilespmem:s19], [sflag:$0x1] =	stream.linear.gather [hbm4b:s20+s3], $0x80, $0x38;
	[tilespmem:$0x9E00] =	vst v63  }
0x94: {  	s25 =	sadd.s32 $0xFFFFFA00, s24;
	s5 =	sadd.s32 s4, s5  }
0x95: {  	v5 =	vld [tilespmem:s21+$0x0];
	[tilespmem:s25], [sflag:$0x1] =	stream.linear.gather [hbm4b:s5+s3], $0x80, $0x38  }
0x96: {  	s1 =	sadd.s32 s4, s1;
	s10 =	sadd.s32 $0xFFFFFA80, s24  }
0x97: {  	v6 =	vld [tilespmem:s26+$0x0];
	[tilespmem:s10], [sflag:$0x1] =	stream.linear.gather [hbm4b:s1+s3], $0x80, $0x38;
	(v2sf) =	vpush v1, $0xA  }
0x98: {  	s13 =	sadd.s32 $0xFFFFFB00, s24;
	s2 =	sadd.s32 s4, s2;
	s15 =	spop (v2sf)  }
0x99: {  	s16 =	sadd.s32 $0xFFFFFB80, s24;
	s17 =	sadd.s32 s4, s31;
	s18 =	spop (v2sf);
	(v2sf) =	vpush v1, $0xB  }
0x9a: {  	v7 =	vld [tilespmem:s6+$0x0];
	[tilespmem:s13], [sflag:$0x1] =	stream.linear.gather [hbm4b:s2+s3], $0x80, $0x38  }
0x9b: {  	s31 =	sadd.s32 $0xFFFFFD00, s24;
	s19 =	sadd.s32 $0xFFFFFC00, s24;
	s20 =	sadd.s32 s4, s30;
	(v2sf) =	vpush v1, $0xC  }
0x9c: {  	v2 =	vld [tilespmem:s15+$0x0];
	[tilespmem:s16], [sflag:$0x1] =	stream.linear.gather [hbm4b:s17+s3], $0x80, $0x38  }
0x9d: {  	s0 =	sand.u32 $0x1FFFFFF0, s0;
	s25 =	sadd.s32 $0xFFFFFC80, s24;
	s21 =	spop (v2sf);
	(v2sf) =	vpush v1, $0xD  }
0x9e: {  	v8 =	vld [tilespmem:s18+$0x0];
	[tilespmem:s19], [sflag:$0x1] =	stream.linear.gather [hbm4b:s20+s3], $0x80, $0x38  }
0x9f: {  	s26 =	sadd.s32 s4, s29;
	s29 =	sand.u32 $0x1FFFFFF0, s7;
	s30 =	spop (v2sf);
	(v2sf) =	vpush v1, $0xE  }
0xa0: {  	v9 =	vld [tilespmem:s21+$0x0];
	[tilespmem:s25], [sflag:$0x1] =	stream.linear.gather [hbm4b:s26+s3], $0x80, $0x38  }
0xa1: {  	s7 =	sadd.s32 $0xFFFFFD80, s24;
	s6 =	sand.u32 $0x1FFFFFF0, s9;
	s9 =	spop (v2sf);
	(v2sf) =	vpush v1, $0xF  }
0xa2: {  	s10 =	sand.u32 $0x1FFFFFF0, s8;
	s2 =	sadd.s32 s4, s29;
	s15 =	sand.u32 $0x1FFFFFF0, s12  }
0xa3: {  	v10 =	vld [tilespmem:s30+$0x0];
	[tilespmem:s31], [sflag:$0x1] =	stream.linear.gather [hbm4b:s2+s3], $0x80, $0x38  }
0xa4: {  	s17 =	sadd.s32 $0xFFFFFE80, s24;
	s18 =	sand.u32 $0x1FFFFFF0, s28;
	s2 =	sadd.s32 s4, s6  }
0xa5: {  	v11 =	vld [tilespmem:s14+$0x0];
	[tilespmem:s7], [sflag:$0x1] =	stream.linear.gather [hbm4b:s2+s3], $0x80, $0x38  }
0xa6: {  	s14 =	sadd.s32 $0xFFFFFE00, s24;
	s2 =	sadd.s32 s4, s10;
	s13 =	spop (v2sf)  }
0xa7: {  	v1 =	vld [tilespmem:s13+$0x0];
	[tilespmem:s14], [sflag:$0x1] =	stream.linear.gather [hbm4b:s2+s3], $0x80, $0x38  }
0xa8: {  	v3 =	vsel vm0, v3, v4;
	s20 =	sadd.s32 $0xFFFFFF00, s24;
	s2 =	sadd.s32 s4, s15;
	s16 =	spop (v2sf)  }
0xa9: {  	v3 =	vsel vm1, v3, v5;
	v12 =	vld [tilespmem:s16+$0x0];
	[tilespmem:s17], [sflag:$0x1] =	stream.linear.gather [hbm4b:s2+s3], $0x80, $0x38  }
0xaa: {  	v3 =	vsel vm2, v3, v6;
	s1 =	sand.u32 $0x1FFFFFF0, s9;
	s19 =	spop (v2sf);
	s2 =	sadd.s32 s4, s18  }
0xab: {  	v3 =	vsel vm3, v3, v7;
	v4 =	vld [tilespmem:s19+$0x0];
	[tilespmem:s20], [sflag:$0x1] =	stream.linear.gather [hbm4b:s2+s3], $0x80, $0x38  }
0xac: {  	s25 =	sadd.s32 $0xFFFFFF80, s24;
	v2 =	vsel vm4, v3, v2;
	s1 =	sadd.s32 s4, s1;
	s21 =	spop (v2sf)  }
0xad: {  	v2 =	vsel vm5, v2, v8;
	v5 =	vld [tilespmem:s21+$0x0];
	[tilespmem:s25], [sflag:$0x1] =	stream.linear.gather [hbm4b:s1+s3], $0x80, $0x38  }
0xae: {  	s0 =	sadd.s32 s4, s0;
	v2 =	vsel vm6, v2, v9;
	s26 =	spop (v2sf)  }
0xaf: {  	v2 =	vsel vm7, v2, v10;
	v3 =	vld [tilespmem:s26+$0x0];
	[tilespmem:s24], [sflag:$0x1] =	stream.linear.gather [hbm4b:s0+s3], $0x80, $0x38  }
0xb0: {  	v2 =	vsel vm8, v2, v11;
	s28 =	spop (v2sf)  }
0xb1: {  	v1 =	vsel vm9, v2, v1;
	v2 =	vld [tilespmem:s28+$0x0]  }
0xb2: {  	v1 =	vsel vm10, v1, v12  }
0xb3: {  	v1 =	vsel vm11, v1, v4  }
0xb4: {  	v1 =	vsel vm12, v1, v5  }
0xb5: {  	v1 =	vsel vm13, v1, v3  }
0xb6: {  	v1 =	vsel vm14, v1, v2  }
0xb7: {  	s29 =	rddreg [dreg:$0xa];
	s30 =	simm.s32 $0x1D00;
	s24 =	simm.s32 $0x0;
	[tilespmem:s23+$0x1D00] =	vst v1  }
0xb8: {  	[hbm4b:s29+s24] =	stream.linear.scatter [tilespmem:s30], [sflag:$0x2], $0x80, $0x38;
	[tilespmem:$0x9E00] =	vst v63  }
0xb9: {  	_ =	swait.ge [sflag:s11], $0x80  }
0xba: {  	[sflag:s11] =	ssyncset.done $0x0  }
0xbb: {  	s31 =	simm.s32 $0x1;
	[sflag:s11] =	ssyncadd.s32 $0xFFFFFF80  }
0xbc: {  	_ =	swait.ge [sflag:s31], $0x4000  }
0xbd: {  	[sflag:s31] =	ssyncset.done $0x0  }
0xbe: {  	[sflag:s31] =	ssyncadd.s32 $0xFFFFC000  }
0xbf: {  	v4 =	vld [tilespmem:$0x9D80]  }
0xc0: {  	v3 =	vld [tilespmem:$0x9D90]  }
0xc1: {  	v2 =	vld [tilespmem:$0x9DA0]  }
0xc2: {  	s23 =	simm.s32 $0x0;
	v1 =	vld [tilespmem:$0x9DB0]  }
0xc3: {  	v15 =	vld [tilespmem:s23+$0x1D80]  }
0xc4: {  	v16 =	vld [tilespmem:s23+$0x1D90]  }
0xc5: {  	v14 =	vld [tilespmem:s23+$0x1DA0]  }
0xc6: {  	v13 =	vld [tilespmem:s23+$0x1DB0]  }
0xc7: {  	v12 =	vld [tilespmem:s23+$0x1E00]  }
0xc8: {  	v11 =	vld [tilespmem:s23+$0x1E10]  }
0xc9: {  	v10 =	vld [tilespmem:s23+$0x1E20]  }
0xca: {  	v9 =	vld [tilespmem:s23+$0x1E30]  }
0xcb: {  	v8 =	vld [tilespmem:s23+$0x1E80]  }
0xcc: {  	v7 =	vld [tilespmem:s23+$0x1E90]  }
0xcd: {  	v6 =	vld [tilespmem:s23+$0x1EA0]  }
0xce: {  	s25 =	simm.s32 $0x2000;
	v5 =	vld [tilespmem:s24+$0x0]  }
.LBB2_4:
0xcf: {  	p0 =	sne.s32 s25, $0xE000;
	v17 =	vld [tilespmem:s23+$0x1EB0]  }
0xd0: {  	v18 =	vld [tilespmem:s23+$0x1F00]  }
0xd1: {  	v19 =	vld [tilespmem:s23+$0x1F10]  }
0xd2: {  	v20 =	vld [tilespmem:s23+$0x1F20]  }
0xd3: {  	vm15 =	veq.s32 v5, $0x0;
	v21 =	vld [tilespmem:s23+$0x1F30]  }
0xd4: {  	v5 =	vsel vm15, $0x0, v0;
	v22 =	vld [tilespmem:s23+$0x1F80]  }
0xd5: {  	v23 =	vbroadcast v5, $0x0;
	v24 =	vbroadcast v5, $0x1;
	v25 =	vld [tilespmem:s23+$0x1F90]  }
0xd6: {  	v26 =	vbroadcast v5, $0x2;
	v27 =	vbroadcast v5, $0x3;
	v28 =	vld [tilespmem:s23+$0x1FA0]  }
0xd7: {  	v15 =	vmul.f32 v23, v15;
	v16 =	vmul.f32 v23, v16;
	v29 =	vld [tilespmem:s23+$0x1FB0]  }
0xd8: {  	v14 =	vmul.f32 v14, v23;
	v13 =	vmul.f32 v13, v23;
	v23 =	vld [tilespmem:s23+$0x2000]  }
0xd9: {  	v12 =	vmul.f32 v12, v24;
	v15 =	vadd.f32 v15, v4;
	v16 =	vadd.f32 v16, v3;
	v30 =	vld [tilespmem:s23+$0x2010]  }
0xda: {  	v11 =	vmul.f32 v11, v24;
	v14 =	vadd.f32 v14, v2;
	v13 =	vadd.f32 v13, v1;
	v31 =	vld [tilespmem:s23+$0x2020]  }
0xdb: {  	v10 =	vmul.f32 v10, v24;
	v9 =	vmul.f32 v9, v24;
	v12 =	vadd.f32 v12, v4;
	[tilespmem:s23+$0x5D80] =	vst v15;
	v15 =	vld [tilespmem:s23+$0x2030]  }
0xdc: {  	v8 =	vmul.f32 v8, v26;
	v7 =	vmul.f32 v7, v26;
	v11 =	vadd.f32 v11, v3;
	[tilespmem:s23+$0x5D90] =	vst v16;
	v16 =	vld [tilespmem:s23+$0x2080]  }
0xdd: {  	v6 =	vmul.f32 v6, v26;
	v10 =	vadd.f32 v10, v2;
	v9 =	vadd.f32 v9, v1;
	[tilespmem:s23+$0x5DA0] =	vst v14;
	v14 =	vld [tilespmem:s23+$0x2090]  }
0xde: {  	v8 =	vadd.f32 v8, v4;
	v7 =	vadd.f32 v7, v3;
	[tilespmem:s23+$0x5DB0] =	vst v13;
	v13 =	vmul.f32 v17, v26;
	v17 =	vld [tilespmem:s23+$0x20A0]  }
0xdf: {  	v6 =	vadd.f32 v6, v2;
	[tilespmem:s23+$0x5E00] =	vst v12;
	v12 =	vmul.f32 v18, v27;
	v18 =	vmul.f32 v19, v27;
	v19 =	vld [tilespmem:s23+$0x20B0]  }
0xe0: {  	[tilespmem:s23+$0x5E10] =	vst v11;
	v11 =	vadd.f32 v13, v1;
	v13 =	vmul.f32 v20, v27;
	v20 =	vmul.f32 v21, v27;
	v21 =	vld [tilespmem:s23+$0x2100]  }
0xe1: {  	[tilespmem:s23+$0x5E20] =	vst v10;
	v10 =	vadd.f32 v12, v4;
	v12 =	vadd.f32 v18, v3;
	v18 =	vbroadcast v5, $0x4;
	v24 =	vld [tilespmem:s23+$0x2110]  }
0xe2: {  	[tilespmem:s23+$0x5E30] =	vst v9;
	v9 =	vadd.f32 v13, v2;
	v13 =	vadd.f32 v20, v1;
	v20 =	vbroadcast v5, $0x5;
	v26 =	vld [tilespmem:s23+$0x2120]  }
0xe3: {  	[tilespmem:s23+$0x5E80] =	vst v8;
	v8 =	vmul.f32 v22, v18;
	v22 =	vmul.f32 v25, v18;
	v25 =	vld [tilespmem:s23+$0x2130]  }
0xe4: {  	[tilespmem:s23+$0x5E90] =	vst v7;
	v7 =	vmul.f32 v28, v18;
	v18 =	vmul.f32 v29, v18;
	v27 =	vld [tilespmem:s23+$0x2180]  }
0xe5: {  	[tilespmem:s23+$0x5EA0] =	vst v6;
	v6 =	vadd.f32 v8, v4;
	v8 =	vadd.f32 v22, v3;
	v22 =	vmul.f32 v23, v20;
	v23 =	vld [tilespmem:s23+$0x2190]  }
0xe6: {  	[tilespmem:s23+$0x5EB0] =	vst v11;
	v7 =	vadd.f32 v7, v2;
	v11 =	vadd.f32 v18, v1;
	v18 =	vmul.f32 v30, v20;
	v28 =	vld [tilespmem:s23+$0x21A0]  }
0xe7: {  	v15 =	vmul.f32 v15, v20;
	[tilespmem:s23+$0x5F00] =	vst v10;
	v10 =	vadd.f32 v22, v4;
	v22 =	vmul.f32 v31, v20;
	v20 =	vld [tilespmem:s23+$0x21B0]  }
0xe8: {  	v29 =	vbroadcast v5, $0x7;
	[tilespmem:s23+$0x5F10] =	vst v12;
	v12 =	vadd.f32 v18, v3;
	v18 =	vbroadcast v5, $0x6;
	v30 =	vld [tilespmem:s23+$0x2200]  }
0xe9: {  	v15 =	vadd.f32 v15, v1;
	[tilespmem:s23+$0x5F20] =	vst v9;
	v9 =	vadd.f32 v22, v2;
	v22 =	vbroadcast v5, $0x8;
	v31 =	vld [tilespmem:s23+$0x2210]  }
0xea: {  	[tilespmem:s23+$0x5F30] =	vst v13;
	v13 =	vmul.f32 v16, v18;
	v14 =	vmul.f32 v14, v18;
	v16 =	vld [tilespmem:s23+$0x2220]  }
0xeb: {  	[tilespmem:s23+$0x5F80] =	vst v6;
	v6 =	vmul.f32 v17, v18;
	v17 =	vmul.f32 v19, v18;
	v18 =	vld [tilespmem:s23+$0x2230]  }
0xec: {  	[tilespmem:s23+$0x5F90] =	vst v8;
	v8 =	vadd.f32 v13, v4;
	v13 =	vadd.f32 v14, v3;
	v14 =	vmul.f32 v21, v29;
	v19 =	vld [tilespmem:s23+$0x2280]  }
0xed: {  	[tilespmem:s23+$0x5FA0] =	vst v7;
	v6 =	vadd.f32 v6, v2;
	v7 =	vadd.f32 v17, v1;
	v17 =	vmul.f32 v24, v29;
	v21 =	vld [tilespmem:s23+$0x2290]  }
0xee: {  	v24 =	vmul.f32 v25, v29;
	[tilespmem:s23+$0x5FB0] =	vst v11;
	v11 =	vadd.f32 v14, v4;
	v14 =	vmul.f32 v26, v29;
	v25 =	vld [tilespmem:s23+$0x22A0]  }
0xef: {  	v23 =	vmul.f32 v23, v22;
	[tilespmem:s23+$0x6000] =	vst v10;
	v10 =	vadd.f32 v17, v3;
	v17 =	vmul.f32 v27, v22;
	v26 =	vld [tilespmem:s23+$0x22B0]  }
0xf0: {  	[tilespmem:s23+$0x6010] =	vst v12;
	v12 =	vadd.f32 v14, v2;
	v14 =	vadd.f32 v24, v1;
	v24 =	vmul.f32 v28, v22;
	v27 =	vld [tilespmem:s23+$0x2300]  }
0xf1: {  	v20 =	vmul.f32 v20, v22;
	[tilespmem:s23+$0x6020] =	vst v9;
	v9 =	vadd.f32 v17, v4;
	v17 =	vadd.f32 v23, v3;
	v22 =	vld [tilespmem:s23+$0x2310]  }
0xf2: {  	v23 =	vbroadcast v5, $0x9;
	[tilespmem:s23+$0x6030] =	vst v15;
	v15 =	vadd.f32 v24, v2;
	v24 =	vbroadcast v5, $0xA;
	v28 =	vld [tilespmem:s23+$0x2320]  }
0xf3: {  	v32 =	vbroadcast v5, $0xC;
	[tilespmem:s23+$0x6080] =	vst v8;
	v8 =	vadd.f32 v20, v1;
	v20 =	vbroadcast v5, $0xB;
	v29 =	vld [tilespmem:s23+$0x2330]  }
0xf4: {  	[tilespmem:s23+$0x6090] =	vst v13;
	v13 =	vmul.f32 v30, v23;
	v30 =	vmul.f32 v31, v23;
	v31 =	vld [tilespmem:s23+$0x2380]  }
0xf5: {  	[tilespmem:s23+$0x60A0] =	vst v6;
	v6 =	vmul.f32 v16, v23;
	v16 =	vmul.f32 v18, v23;
	v18 =	vld [tilespmem:s23+$0x2390]  }
0xf6: {  	v19 =	vmul.f32 v19, v24;
	[tilespmem:s23+$0x60B0] =	vst v7;
	v7 =	vadd.f32 v13, v4;
	v13 =	vadd.f32 v30, v3;
	v23 =	vld [tilespmem:s23+$0x23A0]  }
0xf7: {  	[tilespmem:s23+$0x6100] =	vst v11;
	v6 =	vadd.f32 v6, v2;
	v11 =	vadd.f32 v16, v1;
	v16 =	vmul.f32 v21, v24;
	v21 =	vld [tilespmem:s23+$0x23B0]  }
0xf8: {  	[tilespmem:s23+$0x6110] =	vst v10;
	v10 =	vadd.f32 v19, v4;
	v19 =	vmul.f32 v25, v24;
	v24 =	vmul.f32 v26, v24;
	v25 =	vld [tilespmem:s23+$0x2400]  }
0xf9: {  	v22 =	vmul.f32 v22, v20;
	[tilespmem:s23+$0x6120] =	vst v12;
	v12 =	vadd.f32 v16, v3;
	v16 =	vmul.f32 v27, v20;
	v26 =	vld [tilespmem:s23+$0x2410]  }
0xfa: {  	[tilespmem:s23+$0x6130] =	vst v14;
	v14 =	vadd.f32 v19, v2;
	v19 =	vadd.f32 v24, v1;
	v24 =	vmul.f32 v28, v20;
	v27 =	vld [tilespmem:s23+$0x2420]  }
0xfb: {  	v20 =	vmul.f32 v29, v20;
	[tilespmem:s23+$0x6180] =	vst v9;
	v9 =	vadd.f32 v16, v4;
	v16 =	vadd.f32 v22, v3;
	v22 =	vld [tilespmem:s23+$0x2430]  }
0xfc: {  	v18 =	vmul.f32 v18, v32;
	[tilespmem:s23+$0x6190] =	vst v17;
	v17 =	vadd.f32 v24, v2;
	v24 =	vmul.f32 v31, v32;
	v28 =	vld [tilespmem:s23+$0x2480]  }
0xfd: {  	v21 =	vmul.f32 v21, v32;
	[tilespmem:s23+$0x61A0] =	vst v15;
	v15 =	vadd.f32 v20, v1;
	v20 =	vmul.f32 v23, v32;
	v23 =	vld [tilespmem:s23+$0x2490]  }
0xfe: {  	v18 =	vadd.f32 v18, v3;
	[tilespmem:s23+$0x61B0] =	vst v8;
	v8 =	vadd.f32 v24, v4;
	v24 =	vbroadcast v5, $0xD;
	v29 =	vld [tilespmem:s23+$0x24A0]  }
0xff: {  	[tilespmem:s23+$0x6200] =	vst v7;
	v7 =	vadd.f32 v20, v2;
	v20 =	vadd.f32 v21, v1;
	v21 =	vbroadcast v5, $0xE;
	v30 =	vld [tilespmem:s23+$0x24B0]  }
0x100: {  	[tilespmem:s23+$0x6210] =	vst v13;
	v13 =	vmul.f32 v25, v24;
	v25 =	vmul.f32 v26, v24;
	v26 =	vld [tilespmem:s23+$0x2500]  }
0x101: {  	v22 =	vmul.f32 v22, v24;
	[tilespmem:s23+$0x6220] =	vst v6;
	v6 =	vmul.f32 v27, v24;
	v24 =	vld [tilespmem:s23+$0x2510]  }
0x102: {  	[tilespmem:s23+$0x6230] =	vst v11;
	v11 =	vadd.f32 v13, v4;
	v13 =	vadd.f32 v25, v3;
	v25 =	vmul.f32 v28, v21;
	v27 =	vld [tilespmem:s23+$0x2520]  }
0x103: {  	[tilespmem:s23+$0x6280] =	vst v10;
	v6 =	vadd.f32 v6, v2;
	v10 =	vadd.f32 v22, v1;
	v22 =	vmul.f32 v23, v21;
	v23 =	vld [tilespmem:s23+$0x2530]  }
0x104: {  	[tilespmem:s23+$0x6290] =	vst v12;
	v12 =	vadd.f32 v25, v4;
	v25 =	vmul.f32 v29, v21;
	v21 =	vmul.f32 v30, v21  }
0x105: {  	v5 =	vbroadcast v5, $0xF;
	[tilespmem:s23+$0x62A0] =	vst v14;
	v22 =	vadd.f32 v22, v3  }
0x106: {  	[tilespmem:s23+$0x62B0] =	vst v19;
	v19 =	vadd.f32 v25, v2;
	v21 =	vadd.f32 v21, v1  }
0x107: {  	v14 =	vmul.f32 v24, v5;
	[tilespmem:s23+$0x6300] =	vst v9;
	v9 =	vmul.f32 v26, v5  }
0x108: {  	[tilespmem:s23+$0x6310] =	vst v16;
	v16 =	vmul.f32 v27, v5;
	v5 =	vmul.f32 v23, v5  }
0x109: {  	v23 =	vadd.f32 v14, v3;
	[tilespmem:s23+$0x6320] =	vst v17;
	v17 =	vadd.f32 v9, v4  }
0x10a: {  	[tilespmem:s23+$0x6330] =	vst v15;
	v24 =	vadd.f32 v16, v2;
	v5 =	vadd.f32 v5, v1  }
0x10b: {  	[tilespmem:s23+$0x6380] =	vst v8  }
0x10c: {  	[tilespmem:s23+$0x6390] =	vst v18  }
0x10d: {  	[tilespmem:s23+$0x63A0] =	vst v7  }
0x10e: {  	[tilespmem:s23+$0x63B0] =	vst v20  }
0x10f: {  	s0 =	sshra.s32 s25, $0x2;
	[tilespmem:s23+$0x6400] =	vst v11  }
0x110: {  	v15 =	vld [tilespmem:s0+$0x1D80];
	[tilespmem:s23+$0x6410] =	vst v13  }
0x111: {  	v16 =	vld [tilespmem:s0+$0x1D90];
	[tilespmem:s23+$0x6420] =	vst v6  }
0x112: {  	v14 =	vld [tilespmem:s0+$0x1DA0];
	[tilespmem:s23+$0x6430] =	vst v10  }
0x113: {  	v13 =	vld [tilespmem:s0+$0x1DB0];
	[tilespmem:s23+$0x6480] =	vst v12  }
0x114: {  	v12 =	vld [tilespmem:s0+$0x1E00];
	[tilespmem:s23+$0x6490] =	vst v22  }
0x115: {  	v11 =	vld [tilespmem:s0+$0x1E10];
	[tilespmem:s23+$0x64A0] =	vst v19  }
0x116: {  	v10 =	vld [tilespmem:s0+$0x1E20];
	[tilespmem:s23+$0x64B0] =	vst v21  }
.Ltmp1:
0x117: {  	v9 =	vld [tilespmem:s0+$0x1E30];
	[tilespmem:s23+$0x6500] =	vst v17;
	(pc) =	sbr.rel @p0 .LBB2_4-.Ltmp1, $4  }
0x118: {  	v8 =	vld [tilespmem:s0+$0x1E80];
	[tilespmem:s23+$0x6510] =	vst v23  }
0x119: {  	v7 =	vld [tilespmem:s0+$0x1E90];
	[tilespmem:s23+$0x6520] =	vst v24  }
0x11a: {  	s24 =	sadd.s32 $0x10, s24;
	v6 =	vld [tilespmem:s0+$0x1EA0];
	[tilespmem:s23+$0x6530] =	vst v5;
	s23 =	smov.u32 s0  }
0x11b: {  	s25 =	sadd.s32 $0x2000, s25;
	v5 =	vld [tilespmem:s24+$0x0]  }
0x11c: {  	_ =	sdelay $0x3  }
0x11d: {  	vm15 =	veq.s32 v5, $0x0  }
0x11e: {  	v5 =	vsel vm15, $0x0, v0  }
0x11f: {  	v23 =	vbroadcast v5, $0x0;
	_ =	sdelay $0x1  }
0x120: {  	v15 =	vmul.f32 v23, v15  }
0x121: {  	v16 =	vmul.f32 v23, v16  }
0x122: {  	v30 =	vbroadcast v5, $0x1;
	v14 =	vmul.f32 v14, v23;
	v15 =	vadd.f32 v15, v4  }
0x123: {  	v13 =	vmul.f32 v13, v23;
	v16 =	vadd.f32 v16, v3  }
0x124: {  	v12 =	vmul.f32 v12, v30;
	v14 =	vadd.f32 v14, v2;
	[tilespmem:s23+$0x5D80] =	vst v15  }
0x125: {  	v17 =	vld [tilespmem:s23+$0x1EB0];
	v11 =	vmul.f32 v11, v30;
	v13 =	vadd.f32 v13, v1;
	[tilespmem:s23+$0x5D90] =	vst v16  }
0x126: {  	v18 =	vld [tilespmem:s23+$0x1F00];
	v63 =	vbroadcast v5, $0x2;
	v10 =	vmul.f32 v10, v30;
	v12 =	vadd.f32 v12, v4;
	[tilespmem:s23+$0x5DA0] =	vst v14  }
0x127: {  	v19 =	vld [tilespmem:s23+$0x1F10];
	v9 =	vmul.f32 v9, v30;
	v11 =	vadd.f32 v11, v3;
	[tilespmem:s23+$0x5DB0] =	vst v13  }
0x128: {  	v20 =	vld [tilespmem:s23+$0x1F20];
	v8 =	vmul.f32 v8, v63;
	v10 =	vadd.f32 v10, v2;
	[tilespmem:s23+$0x5E00] =	vst v12  }
0x129: {  	v21 =	vld [tilespmem:s23+$0x1F30];
	v7 =	vmul.f32 v7, v63;
	v9 =	vadd.f32 v9, v1;
	[tilespmem:s23+$0x5E10] =	vst v11  }
0x12a: {  	v22 =	vld [tilespmem:s23+$0x1F80];
	v37 =	vbroadcast v5, $0x3;
	v6 =	vmul.f32 v6, v63;
	v8 =	vadd.f32 v8, v4;
	[tilespmem:s23+$0x5E20] =	vst v10  }
0x12b: {  	v24 =	vld [tilespmem:s23+$0x1F90];
	v17 =	vmul.f32 v17, v63;
	v7 =	vadd.f32 v7, v3;
	[tilespmem:s23+$0x5E30] =	vst v9  }
0x12c: {  	v25 =	vld [tilespmem:s23+$0x1FA0];
	v18 =	vmul.f32 v18, v37;
	v6 =	vadd.f32 v6, v2;
	[tilespmem:s23+$0x5E80] =	vst v8  }
0x12d: {  	v26 =	vld [tilespmem:s23+$0x1FB0];
	v19 =	vmul.f32 v19, v37;
	v17 =	vadd.f32 v17, v1;
	[tilespmem:s23+$0x5E90] =	vst v7  }
0x12e: {  	v27 =	vld [tilespmem:s23+$0x2000];
	v42 =	vbroadcast v5, $0x4;
	v20 =	vmul.f32 v20, v37;
	v18 =	vadd.f32 v18, v4;
	[tilespmem:s23+$0x5EA0] =	vst v6  }
0x12f: {  	v28 =	vld [tilespmem:s23+$0x2010];
	v21 =	vmul.f32 v21, v37;
	v19 =	vadd.f32 v19, v3;
	[tilespmem:s23+$0x5EB0] =	vst v17  }
0x130: {  	v29 =	vld [tilespmem:s23+$0x2020];
	v22 =	vmul.f32 v22, v42;
	v20 =	vadd.f32 v20, v2;
	[tilespmem:s23+$0x5F00] =	vst v18  }
0x131: {  	v58 =	vld [tilespmem:s23+$0x2030];
	v24 =	vmul.f32 v24, v42;
	v21 =	vadd.f32 v21, v1;
	[tilespmem:s23+$0x5F10] =	vst v19  }
0x132: {  	v59 =	vld [tilespmem:s23+$0x2080];
	v47 =	vbroadcast v5, $0x5;
	v25 =	vmul.f32 v25, v42;
	v22 =	vadd.f32 v22, v4;
	[tilespmem:s23+$0x5F20] =	vst v20  }
0x133: {  	v60 =	vld [tilespmem:s23+$0x2090];
	v23 =	vmul.f32 v26, v42;
	v24 =	vadd.f32 v24, v3;
	[tilespmem:s23+$0x5F30] =	vst v21  }
0x134: {  	v61 =	vld [tilespmem:s23+$0x20A0];
	v49 =	vmul.f32 v27, v47;
	v25 =	vadd.f32 v25, v2;
	[tilespmem:s23+$0x5F80] =	vst v22  }
0x135: {  	v62 =	vld [tilespmem:s23+$0x20B0];
	v51 =	vmul.f32 v28, v47;
	v23 =	vadd.f32 v23, v1;
	[tilespmem:s23+$0x5F90] =	vst v24  }
0x136: {  	v33 =	vld [tilespmem:s23+$0x2100];
	v55 =	vbroadcast v5, $0x6;
	v53 =	vmul.f32 v29, v47;
	v26 =	vadd.f32 v49, v4;
	[tilespmem:s23+$0x5FA0] =	vst v25  }
0x137: {  	v34 =	vld [tilespmem:s23+$0x2110];
	v27 =	vadd.f32 v51, v3;
	[tilespmem:s23+$0x5FB0] =	vst v23;
	v15 =	vmul.f32 v58, v47  }
0x138: {  	v35 =	vld [tilespmem:s23+$0x2120];
	v28 =	vadd.f32 v53, v2;
	[tilespmem:s23+$0x6000] =	vst v26;
	v16 =	vmul.f32 v59, v55  }
0x139: {  	v36 =	vld [tilespmem:s23+$0x2130];
	[tilespmem:s23+$0x6010] =	vst v27;
	v14 =	vmul.f32 v60, v55;
	v15 =	vadd.f32 v15, v1  }
0x13a: {  	v38 =	vld [tilespmem:s23+$0x2180];
	[tilespmem:s23+$0x6020] =	vst v28;
	v13 =	vmul.f32 v61, v55;
	v60 =	vbroadcast v5, $0x7;
	v16 =	vadd.f32 v16, v4  }
0x13b: {  	v39 =	vld [tilespmem:s23+$0x2190];
	v12 =	vmul.f32 v62, v55;
	v14 =	vadd.f32 v14, v3;
	[tilespmem:s23+$0x6030] =	vst v15  }
0x13c: {  	v40 =	vld [tilespmem:s23+$0x21A0];
	v13 =	vadd.f32 v13, v2;
	v11 =	vmul.f32 v33, v60;
	[tilespmem:s23+$0x6080] =	vst v16  }
0x13d: {  	v41 =	vld [tilespmem:s23+$0x21B0];
	v12 =	vadd.f32 v12, v1;
	v10 =	vmul.f32 v34, v60;
	[tilespmem:s23+$0x6090] =	vst v14  }
0x13e: {  	v43 =	vld [tilespmem:s23+$0x2200];
	v9 =	vmul.f32 v35, v60;
	v34 =	vbroadcast v5, $0x8;
	[tilespmem:s23+$0x60A0] =	vst v13;
	v11 =	vadd.f32 v11, v4  }
0x13f: {  	v63 =	vld [tilespmem:s23+$0x23A0];
	v8 =	vmul.f32 v36, v60;
	[tilespmem:s23+$0x60B0] =	vst v12;
	v10 =	vadd.f32 v10, v3  }
0x140: {  	v58 =	vld [tilespmem:s23+$0x2320];
	v9 =	vadd.f32 v9, v2;
	v7 =	vmul.f32 v38, v34;
	[tilespmem:s23+$0x6100] =	vst v11  }
0x141: {  	v59 =	vld [tilespmem:s23+$0x2330];
	v8 =	vadd.f32 v8, v1;
	v6 =	vmul.f32 v39, v34;
	[tilespmem:s23+$0x6110] =	vst v10  }
0x142: {  	v51 =	vbroadcast v5, $0xC;
	v61 =	vld [tilespmem:s23+$0x2380];
	v17 =	vmul.f32 v40, v34;
	[tilespmem:s23+$0x6120] =	vst v9;
	v7 =	vadd.f32 v7, v4  }
0x143: {  	v62 =	vld [tilespmem:s23+$0x2390];
	v47 =	vbroadcast v5, $0xB;
	v18 =	vmul.f32 v41, v34;
	[tilespmem:s23+$0x6130] =	vst v8;
	v6 =	vadd.f32 v6, v3  }
0x144: {  	v44 =	vld [tilespmem:s23+$0x2210];
	v12 =	vmul.f32 v63, v51;
	v17 =	vadd.f32 v17, v2;
	[tilespmem:s23+$0x6180] =	vst v7  }
0x145: {  	v45 =	vld [tilespmem:s23+$0x2220];
	v15 =	vmul.f32 v58, v47;
	v18 =	vadd.f32 v18, v1;
	[tilespmem:s23+$0x6190] =	vst v6  }
0x146: {  	v46 =	vld [tilespmem:s23+$0x2230];
	v16 =	vmul.f32 v59, v47;
	v12 =	vadd.f32 v12, v2;
	[tilespmem:s23+$0x61A0] =	vst v17  }
0x147: {  	v52 =	vld [tilespmem:s23+$0x22A0];
	v39 =	vbroadcast v5, $0x9;
	v14 =	vmul.f32 v61, v51;
	v15 =	vadd.f32 v15, v2;
	[tilespmem:s23+$0x61B0] =	vst v18  }
0x148: {  	v57 =	vld [tilespmem:s23+$0x2310];
	v13 =	vmul.f32 v62, v51;
	v16 =	vadd.f32 v16, v1;
	[tilespmem:s23+$0x63A0] =	vst v12  }
0x149: {  	v37 =	vld [tilespmem:s23+$0x2420];
	v19 =	vmul.f32 v43, v39;
	v14 =	vadd.f32 v14, v4;
	[tilespmem:s23+$0x6320] =	vst v15  }
0x14a: {  	v33 =	vld [tilespmem:s23+$0x23B0];
	v20 =	vmul.f32 v44, v39;
	v13 =	vadd.f32 v13, v3;
	[tilespmem:s23+$0x6330] =	vst v16  }
0x14b: {  	v35 =	vld [tilespmem:s23+$0x2400];
	v21 =	vmul.f32 v45, v39;
	v19 =	vadd.f32 v19, v4;
	[tilespmem:s23+$0x6380] =	vst v14  }
0x14c: {  	v53 =	vbroadcast v5, $0xD;
	v36 =	vld [tilespmem:s23+$0x2410];
	v22 =	vmul.f32 v46, v39;
	v20 =	vadd.f32 v20, v3;
	[tilespmem:s23+$0x6390] =	vst v13  }
0x14d: {  	v48 =	vld [tilespmem:s23+$0x2280];
	v28 =	vmul.f32 v57, v47;
	v44 =	vbroadcast v5, $0xA;
	v21 =	vadd.f32 v21, v2;
	[tilespmem:s23+$0x6200] =	vst v19  }
0x14e: {  	v50 =	vld [tilespmem:s23+$0x2290];
	v8 =	vmul.f32 v37, v53;
	v22 =	vadd.f32 v22, v1;
	[tilespmem:s23+$0x6210] =	vst v20  }
0x14f: {  	v11 =	vmul.f32 v33, v51;
	v23 =	vmul.f32 v52, v44;
	v52 =	vadd.f32 v28, v3;
	[tilespmem:s23+$0x6220] =	vst v21  }
0x150: {  	v54 =	vld [tilespmem:s23+$0x22B0];
	v10 =	vmul.f32 v35, v53;
	v8 =	vadd.f32 v8, v2;
	[tilespmem:s23+$0x6230] =	vst v22  }
0x151: {  	v38 =	vld [tilespmem:s23+$0x2430];
	v9 =	vmul.f32 v36, v53;
	v11 =	vadd.f32 v11, v1;
	[tilespmem:s23+$0x6310] =	vst v52  }
0x152: {  	v56 =	vld [tilespmem:s23+$0x2300];
	v24 =	vmul.f32 v48, v44;
	v10 =	vadd.f32 v10, v4;
	[tilespmem:s23+$0x6420] =	vst v8  }
0x153: {  	v40 =	vld [tilespmem:s23+$0x2480];
	v25 =	vmul.f32 v50, v44;
	v9 =	vadd.f32 v9, v3;
	[tilespmem:s23+$0x63B0] =	vst v11  }
0x154: {  	v41 =	vld [tilespmem:s23+$0x2490];
	v24 =	vadd.f32 v24, v4;
	[tilespmem:s23+$0x6400] =	vst v10  }
0x155: {  	v42 =	vld [tilespmem:s23+$0x24A0];
	v26 =	vmul.f32 v54, v44;
	v25 =	vadd.f32 v25, v3;
	[tilespmem:s23+$0x6410] =	vst v9  }
0x156: {  	v43 =	vld [tilespmem:s23+$0x24B0];
	v54 =	vbroadcast v5, $0xE;
	v7 =	vmul.f32 v38, v53;
	v23 =	vadd.f32 v23, v2;
	[tilespmem:s23+$0x6280] =	vst v24  }
0x157: {  	v49 =	vmul.f32 v56, v47;
	v45 =	vld [tilespmem:s23+$0x2500];
	v26 =	vadd.f32 v26, v1;
	[tilespmem:s23+$0x6290] =	vst v25  }
0x158: {  	v46 =	vld [tilespmem:s23+$0x2510];
	v6 =	vmul.f32 v40, v54;
	v7 =	vadd.f32 v7, v1;
	[tilespmem:s23+$0x62A0] =	vst v23  }
0x159: {  	v48 =	vld [tilespmem:s23+$0x2520];
	v55 =	vmul.f32 v41, v54;
	v24 =	vadd.f32 v49, v4;
	[tilespmem:s23+$0x62B0] =	vst v26  }
0x15a: {  	v50 =	vld [tilespmem:s23+$0x2530];
	v5 =	vbroadcast v5, $0xF;
	v56 =	vmul.f32 v42, v54;
	v6 =	vadd.f32 v6, v4;
	[tilespmem:s23+$0x6430] =	vst v7  }
0x15b: {  	v57 =	vmul.f32 v43, v54;
	v10 =	vadd.f32 v55, v3;
	[tilespmem:s23+$0x6300] =	vst v24  }
0x15c: {  	v59 =	vmul.f32 v45, v5;
	v58 =	vadd.f32 v56, v2;
	[tilespmem:s23+$0x6480] =	vst v6  }
0x15d: {  	v61 =	vmul.f32 v46, v5;
	v60 =	vadd.f32 v57, v1;
	[tilespmem:s23+$0x6490] =	vst v10  }
0x15e: {  	v62 =	vmul.f32 v48, v5;
	v63 =	vadd.f32 v59, v4;
	[tilespmem:s23+$0x64A0] =	vst v58  }
0x15f: {  	v5 =	vmul.f32 v50, v5;
	v3 =	vadd.f32 v61, v3;
	[tilespmem:s23+$0x64B0] =	vst v60  }
0x160: {  	v2 =	vadd.f32 v62, v2;
	[tilespmem:s23+$0x6500] =	vst v63  }
0x161: {  	v1 =	vadd.f32 v5, v1;
	[tilespmem:s23+$0x6510] =	vst v3  }
0x162: {  	[tilespmem:s23+$0x6520] =	vst v2  }
0x163: {  	s0 =	rddreg [dreg:$0xb];
	s1 =	simm.s32 $0x5D80;
	[tilespmem:s23+$0x6530] =	vst v1  }
0x164: {  	[hbm4b:s0+s3] =	stream.linear.scatter [tilespmem:s1], [sflag:$0x2], $0x4000, $0x38;
	[tilespmem:$0x9E00] =	vst v63  }
0x165: {  	_ =	swait.ge [sflag:s11], $0x4000  }
0x166: {  	s22 =	sadd.s32 $0x1, s22;
	s31 =	rddreg [dreg:$0xc]  }
0x167: {  	p0 =	sne.s32 s22, s31  }
.Ltmp2:
0x168: {  	_ = 	snop;
	(pc) =	sbr.rel @p0 .LBB2_1-.Ltmp2, $3  }
0x169: {  	_ =	sdelay $0x1  }
0x16a: {  	[sflag:s11] =	ssyncset.done $0x0  }
0x16b: {  	[sflag:s11] =	ssyncadd.s32 $0xFFFFC000  }
0x16c: {  	_ =	sfence.sel $0x180000  }
0x16d: {  	[bflag:$0x0] =	sbarrier.arrive $0xFFFF  }
0x16e: {  	_ =	strace $0x90000047  }
0x16f: {  	s0 =	stileid.u32;
	[bflag:$0x2] =	sbarrier.arrive $0xFFFF  }
0x170: {  	p0 =	sne.s32 s0, $0x0;
	s0 =	rddreg [dreg:$0x6]  }
0x171: {  	s0 =	sadd.s32 @!p0 $0x100000, s0  }
0x172: {  	[sflag:s0] =	ssyncadd.tile.s32 @!p0 $0x1;
	_ =	shalt  }
.Lfunc_end2:
_tile_overlayer_lowered:
.L_overlay_start_2:
0x173: {  	(tag) =	ssettag $0x2  }
0x174: {  	s0 =	rddreg [dreg:$0x0];
	s2 =	stileid.u32  }
0x175: {  	s1 =	rddreg [dreg:$0x1];
	p0 =	sne.s32 s2, $0x0  }
0x176: {  	s3 =	rddreg [dreg:$0x2];
	[bflag:$0x3] =	sbarrier.arrive $0xFFFF;
	s2 =	simm.s32 @!p0 $0x1C02  }
0x177: {  	[timem:s3], [sflag:s2] =	dma.local @!p0 [hbm:s0], s1  }
0x178: {  	s0 =	simm.s32 @!p0 $0x2  }
0x179: {  	_ =	swait.ge @!p0 [sflag:s0], s1  }
0x17a: {  	s1 =	ssub.s32 @!p0 $0x0, s1;
	[sflag:s0] =	ssyncset.done @!p0 $0x0  }
0x17b: {  	[sflag:s0] =	ssyncadd.s32 @!p0 s1  }
0x17c: {  	[bflag:$0x3] =	sbarrier.arrive $0xFFFF  }
0x17d: {  	_ =	shalt  }

// kernel: _run.7.cloned.1.call-start
scs
__scs_entry_jumppad:
0x0: {  	(pc) =	sbr.rel $0x88, $3  }
0x1: {  	(tag) =	ssettag $0x0;
	lr =	simm.s32 $0x1  }
0x2: {  	[smem:$0x3F9B] =	sst lr;
	_ =	strace $0xD0000000  }
0x3: {  	_ = 	snop  }
0x4: {  	_ = 	snop  }
0x5: {  	_ = 	snop  }
0x6: {  	_ = 	snop  }
0x7: {  	_ = 	snop  }
__scs_overlays_trampoline_lowered:
0x8: {  	[smem:$0x3FAA] =	sst s0  }
0x9: {  	[smem:$0x3FAB] =	sst s1  }
0xa: {  	[smem:$0x3FAC] =	sst s2  }
0xb: {  	[smem:$0x3FAD] =	sst s3  }
0xc: {  	[smem:$0x3FAE] =	sst s4  }
0xd: {  	[smem:$0x3FAF] =	sst s5  }
0xe: {  	[smem:$0x3FB0] =	sst s6  }
0xf: {  	[smem:$0x3FB1] =	sst s7  }
0x10: {  	[smem:$0x3FB2] =	sst s8  }
0x11: {  	[smem:$0x3FB3] =	sst s9;
	s0 =	simm.s32 @!p0 $0x0  }
0x12: {  	s1 =	sld [smem:$0x3F99];
	s0 =	simm.s32 @p0 $0x1  }
0x13: {  	[smem:$0x3FB4] =	sst s0;
	s0 =	simm.s32 @!p1 $0x0  }
0x14: {  	s2 =	sld [smem:$0x3F98];
	s0 =	simm.s32 @p1 $0x1  }
0x15: {  	[smem:$0x3FB5] =	sst s0;
	s0 =	simm.s32 @!p2 $0x0  }
0x16: {  	s3 =	sld [smem:$0x3FDB];
	s0 =	simm.s32 @p2 $0x1  }
0x17: {  	s4 =	simm.s32 $0x1BF5;
	[smem:$0x3FB7] =	sst s0  }
0x18: {  	s0 =	sld [smem:$0x3F9A];
	_ =	swait.ge [sflag:s4], $0x0  }
0x19: {  	s7 =	sld [smem:$0x3F9B]  }
0x1a: {  	s8 =	sadd.s32 $0xFFFFE003, lr  }
0x1b: {  	s9 =	sadd.s32 $0xFFFFFEF7, lr;
	s5 =	simm.s32 $0xFFFFFFFF;
	p2 =	slt.u32 s8, $0xFFFFF086  }
0x1c: {  	p1 =	slt.u32 s9, $0xF7A;
	s5 =	simm.s32 @!p2 $0x0  }
0x1d: {  	s5 =	simm.s32 @p1 $0x1;
	p0 =	seq.s32 s7, s2  }
0x1e: {  	s7 =	smul.u32 @!p0 $0xF7A, s2;
	p2 =	seq.s32 @!p0 s5, $0x0  }
0x1f: {  	s9 =	smul.u32 $0xF7A, s1;
	s8 =	simm.s32 @!p0 $0x1BF5;
	p2 =	por !p2, p0  }
0x20: {  	[sflag:s8] =	ssyncset.s32 @!p0 $0xFFFFF086;
	s6 =	sadd.s32 @!p0 s3, s7;
	s7 =	simm.s32 @!p0 $0x108  }
0x21: {  	s3 =	sadd.s32 s3, s9;
	s6 =	sadd.s32 @!p0 $0x88, s6;
	s7 =	simm.s32 @p2 $0x1082  }
0x22: {  	[simem:s7], [sflag:s8] =	dma.local @!p0 [hbm:s6], $0xF7A  }
0x23: {  	s9 =	sor.u32 $0xD0000000, s2;
	s6 =	simm.s32 $0x108;
	_ =	swait.ge @!p0 [sflag:s8], $0x0  }
0x24: {  	s3 =	sadd.s32 $0x88, s3;
	s6 =	simm.s32 @!p1 $0x1082;
	[sflag:s4] =	ssyncset.s32 $0xFFFFF086  }
0x25: {  	[simem:s6], [sflag:s4] =	dma.local [hbm:s3], $0xF7A  }
0x26: {  	[smem:$0x3F9B] =	sst s1;
	(tag) =	ssettag s2;
	_ =	strace s9  }
0x27: {  	s1 =	sld [smem:$0x3FAB]  }
0x28: {  	s2 =	sld [smem:$0x3FAC]  }
0x29: {  	s4 =	sld [smem:$0x3FAE]  }
0x2a: {  	p0 =	seq.s32 s5, $0x0;
	s5 =	sld [smem:$0x3FAF]  }
0x2b: {  	s6 =	sld [smem:$0x3FB0]  }
0x2c: {  	s7 =	sld [smem:$0x3FB1]  }
0x2d: {  	s3 =	simm.s32 $0x108;
	s8 =	sld [smem:$0x3FB2]  }
0x2e: {  	s3 =	simm.s32 @!p0 $0x1082;
	s9 =	sld [smem:$0x3FB3]  }
0x2f: {  	lr =	sadd.s32 s0, s3;
	s0 =	sld [smem:$0x3FAA]  }
0x30: {  	s3 =	sld [smem:$0x3FAD]  }
0x31: {  	[smem:$0x3FB6] =	sst s10  }
0x32: {  	s10 =	sld [smem:$0x3FB4];
	_ =	sdelay $0x3  }
0x33: {  	p0 =	seq.s32 s10, $0x1;
	s10 =	sld [smem:$0x3FB6];
	_ =	sdelay $0x3  }
0x34: {  	[smem:$0x3FB6] =	sst s10  }
0x35: {  	s10 =	sld [smem:$0x3FB5];
	_ =	sdelay $0x3  }
0x36: {  	p1 =	seq.s32 s10, $0x1;
	s10 =	sld [smem:$0x3FB6];
	_ =	sdelay $0x3  }
0x37: {  	[smem:$0x3FB6] =	sst s10  }
0x38: {  	s10 =	sld [smem:$0x3FB7]  }
0x39: {  	_ = 	snop;
	(pc) =	sbr.ind lr, $3  }
0x3a: {  	_ = 	snop  }
0x3b: {  	_ = 	snop  }
0x3c: {  	p2 =	seq.s32 s10, $0x1;
	s10 =	sld [smem:$0x3FB6]  }
0x3d: {  	_ =	shalt  }
0x3e: {  	_ =	shalt  }
0x3f: {  	_ =	shalt  }
0x40: {  	_ =	shalt  }
0x41: {  	_ =	shalt  }
0x42: {  	_ =	shalt  }
0x43: {  	_ =	shalt  }
0x44: {  	_ =	shalt  }
0x45: {  	_ =	shalt  }
0x46: {  	_ =	shalt  }
0x47: {  	_ =	shalt  }
0x48: {  	_ =	shalt  }
0x49: {  	_ =	shalt  }
0x4a: {  	_ =	shalt  }
0x4b: {  	_ =	shalt  }
0x4c: {  	_ =	shalt  }
0x4d: {  	_ =	shalt  }
0x4e: {  	_ =	shalt  }
0x4f: {  	_ =	shalt  }
0x50: {  	_ =	shalt  }
0x51: {  	_ =	shalt  }
0x52: {  	_ =	shalt  }
0x53: {  	_ =	shalt  }
0x54: {  	_ =	shalt  }
0x55: {  	_ =	shalt  }
0x56: {  	_ =	shalt  }
0x57: {  	_ =	shalt  }
0x58: {  	_ =	shalt  }
0x59: {  	_ =	shalt  }
0x5a: {  	_ =	shalt  }
0x5b: {  	_ =	shalt  }
0x5c: {  	_ =	shalt  }
0x5d: {  	_ =	shalt  }
0x5e: {  	_ =	shalt  }
0x5f: {  	_ =	shalt  }
0x60: {  	_ =	shalt  }
0x61: {  	_ =	shalt  }
0x62: {  	_ =	shalt  }
0x63: {  	_ =	shalt  }
0x64: {  	_ =	shalt  }
0x65: {  	_ =	shalt  }
0x66: {  	_ =	shalt  }
0x67: {  	_ =	shalt  }
0x68: {  	_ =	shalt  }
0x69: {  	_ =	shalt  }
0x6a: {  	_ =	shalt  }
0x6b: {  	_ =	shalt  }
0x6c: {  	_ =	shalt  }
0x6d: {  	_ =	shalt  }
0x6e: {  	_ =	shalt  }
0x6f: {  	_ =	shalt  }
0x70: {  	_ =	shalt  }
0x71: {  	_ =	shalt  }
0x72: {  	_ =	shalt  }
0x73: {  	_ =	shalt  }
0x74: {  	_ =	shalt  }
0x75: {  	_ =	shalt  }
0x76: {  	_ =	shalt  }
0x77: {  	_ =	shalt  }
0x78: {  	_ =	shalt  }
0x79: {  	_ =	shalt  }
0x7a: {  	_ =	shalt  }
0x7b: {  	_ =	shalt  }
0x7c: {  	_ =	shalt  }
0x7d: {  	_ =	shalt  }
0x7e: {  	_ =	shalt  }
0x7f: {  	_ =	shalt  }
0x80: {  	_ =	shalt  }
0x81: {  	_ =	shalt  }
0x82: {  	_ =	shalt  }
0x83: {  	_ =	shalt  }
0x84: {  	_ =	shalt  }
0x85: {  	_ =	shalt  }
0x86: {  	_ =	shalt  }
0x87: {  	_ =	shalt  }
.Lfunc_end0:
.L_simem_size_0:
called_computation.1_lowered:
.L_overlay_start_0:
0x88: {  	s2 =	sld [smem:$0x3FD9]  }
0x89: {  	s3 =	sld [smem:$0x3FFE];
	_ =	sdelay $0x1  }
0x8a: {  	s1 =	srdreg.scid  }
0x8b: {  	s0 =	sand.u32 $0x1, s1  }
0x8c: {  	s17 =	sshll.u32 s0, $0xA;
	s2 =	sadd.s32 s3, s2  }
0x8d: {  	s2 =	sadd.s32 s2, s17  }
0x8e: {  	[smem:$0x3FC2] =	sst s2  }
0x8f: {  	_ = 	snop  }
0x90: {  	s2 =	sld [smem:$0x3FD0];
	(tm) =	ssettm $0x1  }
0x91: {  	s18 =	sld [smem:$0x3FFB];
	_ =	sdelay $0x3  }
0x92: {  	_ =	strace s18  }
0x93: {  	s3 =	sld [smem:$0x3FFC];
	_ =	sdelay $0x3  }
0x94: {  	_ =	strace s3  }
0x95: {  	s3 =	sld [smem:$0x3FFD];
	_ =	sdelay $0x3  }
0x96: {  	_ =	strace s3  }
0x97: {  	_ =	strace $0x8FFFFFFF  }
0x98: {  	s19 =	sld [smem:$0x3FDB];
	_ =	sdelay $0x1  }
0x99: {  	s4 =	simm.s32 $_scs_section_size  }
0x9a: {  	s5 =	simm.s32 $_size__tile_overlayer_lowered;
	s6 =	simm.s32 $_tile_overlayer_lowered  }
0x9b: {  	s22 =	simm.s32 $0x1BFF;
	s21 =	sshll.u32 s6, $0x1;
	s3 =	sadd.s32 s4, s19  }
0x9c: {  	s7 =	simm.s32 $0x0;
	s20 =	sshll.u32 s5, $0x1;
	s5 =	sadd.s32 s21, s3  }
0x9d: {  	[timem:s7], [sflag:s22] =	dma.local [hbm:s5], s20  }
0x9e: {  	_ =	swait.ge [sflag:s22], s20  }
0x9f: {  	s4 =	ssub.s32 $0x0, s20;
	[sflag:s22] =	ssyncset.done $0x0  }
0xa0: {  	[sflag:s22] =	ssyncadd.s32 s4;
	_ =	sdelay $0x1  }
0xa1: {  	s23 =	simm.s32 $0x1B8B  }
0xa2: {  	_ =	swait.ge [sflag:s23], $0x1  }
0xa3: {  	[sflag:s23] =	ssyncset.done $0x0  }
0xa4: {  	s25 =	simm.s32 $0x1B8E;
	s24 =	sld [smem:$0x3FFE];
	[sflag:s23] =	ssyncadd.s32 $0xFFFFFFFF  }
0xa5: {  	s26 =	simm.s32 $execute0_lowered;
	[smem:$0x3FD2] =	sst s25  }
0xa6: {  	s5 =	sshll.u32 s26, $0x1;
	_ =	strace $0x80000049;
	[dreg:$0x1] =	wrdreg $0xFFFFFFFF  }
0xa7: {  	s28 =	simm.s32 $_size_execute0_lowered;
	s3 =	sadd.s32 s3, s5;
	[dreg:$0x0] =	wrdreg $0x0  }
0xa8: {  	s5 =	sshll.u32 s28, $0x1;
	[dreg:$0x2] =	wrdreg s3  }
0xa9: {  	[dreg:$0x3] =	wrdreg s5  }
0xaa: {  	[dreg:$0x4] =	wrdreg $0xC0  }
0xab: {  	_ =	task [dreg:s7], $0x5FFFF  }
0xac: {  	[dreg:$0x1] =	wrdreg $0xFFFFFFFF  }
0xad: {  	[dreg:$0x0] =	wrdreg $0x60  }
0xae: {  	[dreg:$0x2] =	wrdreg s2  }
0xaf: {  	[dreg:$0x3] =	wrdreg s24  }
0xb0: {  	[dreg:$0x4] =	wrdreg $0x9  }
0xb1: {  	_ =	task.clear_ibuf [dreg:s7], $0x5FFFF;
	_ =	strace $0x90000049  }
0xb2: {  	s29 =	simm.s32 $0x9;
	_ =	strace $0x8000004B  }
0xb3: {  	_ =	swait.ge [sflag:s29], $0x1  }
0xb4: {  	[sflag:s29] =	ssyncadd.s32 $0xFFFFFFFF  }
0xb5: {  	_ =	strace $0x9000004B  }
0xb6: {  	_ =	sfence  }
0xb7: {  	s30 =	sld [smem:$0x0];
	_ =	sdelay $0x2  }
0xb8: {  	s31 =	sshll.u32 s1, $0xD;
	s1 =	sshrl.u32 s1, $0x2  }
0xb9: {  	s3 =	sand.u32 $0x4000, s31;
	s1 =	sadd.s32 s1, s30  }
0xba: {  	s0 =	sor.u32 s3, s0;
	s1 =	sshll.u32 s1, $0x11  }
0xbb: {  	s0 =	sor.u32 s1, s0  }
0xbc: {  	s0 =	sadd.s32 $0x8F2B, s0  }
0xbd: {  	[sflag:s0] =	ssyncadd.remote.s32 $0x1  }
0xbe: {  	_ =	sfence.sel $0xFFFF  }
0xbf: {  	[dreg:$0x0] =	wrdreg $0xFFFFFFFF;
	(pc) =	sbr.abs _section_cstart, $3  }
0xc0: {  	[dreg:$0x1] =	wrdreg $0xFFFFFFFF  }
0xc1: {  	_ =	task.clear_ibuf [dreg:s7], $0x2FFFF;
	_ =	strace $0x9FFFFFFF  }
0xc2: {  	(tm) =	ssettm $0x7FFFFFFF  }
0xc3: {  	_ =	shalt  }
tec
execute0_lowered:
.L_overlay_start_1:
0x0: {  	(tag) =	ssettag $0x1  }
0x1: {  	s4 =	rddreg [dreg:$0x0]  }
0x2: {  	s5 =	rddreg [dreg:$0x1];
	s3 =	srdreg.scid  }
0x3: {  	s2 =	simm.s32 $0x0;
	s0 =	stileid.u32;
	s10 =	simm.s32 $0x1  }
0x4: {  	s11 =	simm.s32 $0x8080;
	s12 =	simm.s32 $0x0;
	s3 =	sand.u32 $0x1, s3  }
0x5: {  	[smem:$0x7FF] =	sst s2;
	s6 =	sshll.u32 s0, $0x8;
	s7 =	sshll.u32 s3, $0x7  }
0x6: {  	_ =	strace $0x8000004A;
	s30 =	ssub.s32 $0x2, s3;
	s6 =	sor.u32 s7, s6  }
0x7: {  	s3 =	sadd.s32 $0x199200, s5;
	s9 =	sshrl.u32 s30, $0x1;
	s8 =	sshll.u32 s6, $0x4  }
0x8: {  	s7 =	ssub.s32 s30, s9;
	s31 =	sshrl.u32 s6, $0x3;
	s9 =	simm.s32 $0x4080  }
0x9: {  	s8 =	sadd.s32 s8, s5;
	s4 =	sadd.s32 s4, s31;
	s7 =	smax.u32 s7, $0x1  }
0xa: {  	s5 =	sadd.s32 $0x189200, s8;
	s6 =	sadd.s32 $0x2800, s8;
	s8 =	simm.s32 $0x2  }
.LBB2_1:
0xb: {  	[tilespmem:s2], [sflag:$0x2] =	stream.linear.gather [hbm4b:s4+s2], $0x80, $0x38;
	[tilespmem:$0xC080] =	vst v63  }
0xc: {  	_ =	swait.ge [sflag:s8], $0x80  }
0xd: {  	[sflag:s8] =	ssyncset.done $0x0  }
0xe: {  	[sflag:s8] =	ssyncadd.s32 $0xFFFFFF80  }
0xf: {  	v0 =	vld [tilespmem:s2+$0x0];
	_ =	sdelay $0x4  }
0x10: {  	v1 =	vshll.u32 v0, $0x4  }
0x11: {  	(v2sf) =	vpush v1, $0x0  }
0x12: {  	(v2sf) =	vpush v1, $0x1  }
0x13: {  	(v2sf) =	vpush v1, $0x2;
	_ =	sdelay $0x1  }
0x14: {  	(v2sf) =	vpush v1, $0x4;
	_ =	sdelay $0x1  }
0x15: {  	(v2sf) =	vpush v1, $0x3  }
0x16: {  	(v2sf) =	vpush v1, $0x5  }
0x17: {  	s14 =	simm.s32 $0x2000;
	s13 =	simm.s32 $0x0;
	s15 =	simm.s32 $0x0;
	(v2sf) =	vpush v1, $0x6  }
.LBB2_2:
0x18: {  	p0 =	sne.s32 s14, $0xE000  }
0x19: {  	s25 =	sadd.s32 $0x100, s13;
	s19 =	sadd.s32 $0x600, s13;
	s16 =	smov.u32 s14  }
0x1a: {  	s14 =	sadd.s32 $0x2000, s14;
	s22 =	sadd.s32 $0x400, s13;
	s17 =	sadd.s32 $0x680, s13;
	(v2sf) =	vpush v1, $0x7  }
0x1b: {  	s24 =	sadd.s32 $0x300, s13;
	s21 =	sadd.s32 $0x480, s13;
	s18 =	sadd.s32 $0x700, s13  }
0x1c: {  	s26 =	sadd.s32 $0x80, s13;
	s28 =	sadd.s32 $0x280, s13;
	(v2sf) =	vpush v1, $0x8  }
0x1d: {  	s29 =	sadd.s32 $0x380, s13;
	s15 =	sadd.s32 $0x10, s15  }
0x1e: {  	s30 =	sadd.s32 $0x180, s13;
	s20 =	sadd.s32 $0x580, s13;
	s23 =	spop (v2sf);
	(v2sf) =	vpush v1, $0x9  }
0x1f: {  	s31 =	sand.u32 $0x1FFFFFF0, s23;
	s23 =	sadd.s32 $0x500, s13;
	s0 =	spop (v2sf)  }
0x20: {  	s31 =	sadd.s32 s3, s31;
	s0 =	sand.u32 $0x1FFFFFF0, s0;
	s1 =	spop (v2sf);
	(v2sf) =	vpush v1, $0xA  }
0x21: {  	[tilespmem:s26], [sflag:$0x1] =	stream.linear.gather [hbm4b:s31+s2], $0x80, $0x38;
	[tilespmem:$0xC080] =	vst v63  }
0x22: {  	s0 =	sadd.s32 s3, s0;
	s26 =	sadd.s32 $0x200, s13;
	s31 =	spop (v2sf);
	(v2sf) =	vpush v1, $0xB  }
0x23: {  	[tilespmem:s25], [sflag:$0x1] =	stream.linear.gather [hbm4b:s0+s2], $0x80, $0x38;
	[tilespmem:$0xC080] =	vst v63  }
0x24: {  	s0 =	sand.u32 $0x1FFFFFF0, s1;
	s1 =	sand.u32 $0x1FFFFFF0, s31;
	s25 =	spop (v2sf);
	(v2sf) =	vpush v1, $0xC  }
0x25: {  	s0 =	sadd.s32 s3, s0;
	s25 =	sand.u32 $0x1FFFFFF0, s25;
	s31 =	spop (v2sf)  }
0x26: {  	[tilespmem:s30], [sflag:$0x1] =	stream.linear.gather [hbm4b:s0+s2], $0x80, $0x38;
	(v2sf) =	vpush v1, $0xD;
	[tilespmem:$0xC080] =	vst v63  }
0x27: {  	s0 =	sadd.s32 s3, s25;
	s25 =	sand.u32 $0x1FFFFFF0, s31;
	s30 =	spop (v2sf)  }
0x28: {  	[tilespmem:s26], [sflag:$0x1] =	stream.linear.gather [hbm4b:s0+s2], $0x80, $0x38;
	(v2sf) =	vpush v1, $0xE;
	[tilespmem:$0xC080] =	vst v63  }
0x29: {  	s0 =	sadd.s32 s3, s1;
	s1 =	sand.u32 $0x1FFFFFF0, s30;
	s26 =	spop (v2sf)  }
0x2a: {  	[tilespmem:s28], [sflag:$0x1] =	stream.linear.gather [hbm4b:s0+s2], $0x80, $0x38;
	(v2sf) =	vpush v1, $0xF;
	[tilespmem:$0xC080] =	vst v63  }
0x2b: {  	s0 =	sadd.s32 s3, s25;
	s25 =	sand.u32 $0x1FFFFFF0, s26;
	s26 =	spop (v2sf)  }
0x2c: {  	[tilespmem:s24], [sflag:$0x1] =	stream.linear.gather [hbm4b:s0+s2], $0x80, $0x38;
	[tilespmem:$0xC080] =	vst v63  }
0x2d: {  	s0 =	sadd.s32 s3, s1;
	s1 =	sand.u32 $0x1FFFFFF0, s26;
	s24 =	spop (v2sf)  }
0x2e: {  	[tilespmem:s29], [sflag:$0x1] =	stream.linear.gather [hbm4b:s0+s2], $0x80, $0x38;
	[tilespmem:$0xC080] =	vst v63  }
0x2f: {  	s0 =	sadd.s32 s3, s25;
	s24 =	sand.u32 $0x1FFFFFF0, s24;
	s25 =	spop (v2sf)  }
0x30: {  	[tilespmem:s22], [sflag:$0x1] =	stream.linear.gather [hbm4b:s0+s2], $0x80, $0x38;
	[tilespmem:$0xC080] =	vst v63  }
0x31: {  	s0 =	sadd.s32 s3, s1;
	s1 =	sand.u32 $0x1FFFFFF0, s25;
	s22 =	spop (v2sf)  }
0x32: {  	[tilespmem:s21], [sflag:$0x1] =	stream.linear.gather [hbm4b:s0+s2], $0x80, $0x38;
	[tilespmem:$0xC080] =	vst v63  }
0x33: {  	s0 =	sadd.s32 s3, s24;
	s21 =	sand.u32 $0x1FFFFFF0, s22;
	s22 =	spop (v2sf)  }
0x34: {  	[tilespmem:s23], [sflag:$0x1] =	stream.linear.gather [hbm4b:s0+s2], $0x80, $0x38;
	[tilespmem:$0xC080] =	vst v63  }
0x35: {  	s0 =	sadd.s32 s3, s1;
	s1 =	sand.u32 $0x1FFFFFF0, s22;
	s22 =	spop (v2sf)  }
0x36: {  	[tilespmem:s20], [sflag:$0x1] =	stream.linear.gather [hbm4b:s0+s2], $0x80, $0x38;
	[tilespmem:$0xC080] =	vst v63  }
0x37: {  	s0 =	sadd.s32 s3, s21;
	s20 =	sand.u32 $0x1FFFFFF0, s22;
	s21 =	spop (v2sf)  }
0x38: {  	[tilespmem:s19], [sflag:$0x1] =	stream.linear.gather [hbm4b:s0+s2], $0x80, $0x38;
	[tilespmem:$0xC080] =	vst v63  }
0x39: {  	s0 =	sadd.s32 s3, s1;
	s1 =	sand.u32 $0x1FFFFFF0, s21;
	s19 =	spop (v2sf)  }
0x3a: {  	[tilespmem:s17], [sflag:$0x1] =	stream.linear.gather [hbm4b:s0+s2], $0x80, $0x38;
	[tilespmem:$0xC080] =	vst v63  }
0x3b: {  	s0 =	sadd.s32 s3, s20;
	s17 =	sand.u32 $0x1FFFFFF0, s19  }
0x3c: {  	[tilespmem:s18], [sflag:$0x1] =	stream.linear.gather [hbm4b:s0+s2], $0x80, $0x38;
	[tilespmem:$0xC080] =	vst v63  }
0x3d: {  	s1 =	sadd.s32 s3, s1;
	s0 =	sadd.s32 $0x780, s13  }
0x3e: {  	[tilespmem:s0], [sflag:$0x1] =	stream.linear.gather [hbm4b:s1+s2], $0x80, $0x38;
	[tilespmem:$0xC080] =	vst v63  }
0x3f: {  	s0 =	sadd.s32 $0x800, s13;
	s1 =	sadd.s32 s3, s17  }
0x40: {  	[tilespmem:s0], [sflag:$0x1] =	stream.linear.gather [hbm4b:s1+s2], $0x80, $0x38;
	[tilespmem:$0xC080] =	vst v63  }
0x41: {  	v0 =	vld [tilespmem:s15+$0x0];
	_ =	sdelay $0x4  }
0x42: {  	v1 =	vshll.u32 v0, $0x4  }
0x43: {  	(v2sf) =	vpush v1, $0x0  }
0x44: {  	(v2sf) =	vpush v1, $0x1  }
0x45: {  	(v2sf) =	vpush v1, $0x2;
	_ =	sdelay $0x1  }
0x46: {  	(v2sf) =	vpush v1, $0x4  }
.Ltmp0:
0x47: {  	(pc) =	sbr.rel @p0 .LBB2_2-.Ltmp0, $3  }
0x48: {  	(v2sf) =	vpush v1, $0x3  }
0x49: {  	(v2sf) =	vpush v1, $0x5;
	_ =	sdelay $0x1  }
0x4a: {  	s13 =	sshra.s32 s16, $0x2;
	(v2sf) =	vpush v1, $0x6  }
0x4b: {  	_ =	sdelay $0x1  }
0x4c: {  	s0 =	sadd.s32 $0x100, s13;
	s16 =	sadd.s32 $0x600, s13  }
0x4d: {  	s1 =	sadd.s32 $0x400, s13;
	s14 =	sadd.s32 $0x680, s13;
	(v2sf) =	vpush v1, $0x7;
	s17 =	sadd.s32 $0x300, s13  }
0x4e: {  	s18 =	sadd.s32 $0x480, s13;
	s15 =	sadd.s32 $0x700, s13;
	s19 =	sadd.s32 $0x80, s13  }
0x4f: {  	s20 =	sadd.s32 $0x280, s13;
	s21 =	sadd.s32 $0x380, s13;
	(v2sf) =	vpush v1, $0x8;
	s22 =	spop (v2sf)  }
0x50: {  	s23 =	sadd.s32 $0x180, s13;
	s22 =	sand.u32 $0x1FFFFFF0, s22;
	s24 =	spop (v2sf)  }
0x51: {  	(v2sf) =	vpush v1, $0x9;
	s22 =	sadd.s32 s3, s22;
	s24 =	sand.u32 $0x1FFFFFF0, s24;
	s25 =	spop (v2sf)  }
0x52: {  	[tilespmem:s19], [sflag:$0x1] =	stream.linear.gather [hbm4b:s22+s2], $0x80, $0x38;
	[tilespmem:$0xC080] =	vst v63  }
0x53: {  	(v2sf) =	vpush v1, $0xA;
	s26 =	sadd.s32 s3, s24;
	s29 =	sand.u32 $0x1FFFFFF0, s25;
	s28 =	spop (v2sf)  }
0x54: {  	[tilespmem:s0], [sflag:$0x1] =	stream.linear.gather [hbm4b:s26+s2], $0x80, $0x38;
	[tilespmem:$0xC080] =	vst v63  }
0x55: {  	s19 =	sadd.s32 $0x580, s13;
	(v2sf) =	vpush v1, $0xB;
	s22 =	sadd.s32 s3, s29;
	s30 =	spop (v2sf)  }
0x56: {  	s0 =	sadd.s32 $0x500, s13;
	s26 =	sadd.s32 $0x200, s13;
	s25 =	sand.u32 $0x1FFFFFF0, s30  }
0x57: {  	(v2sf) =	vpush v1, $0xC;
	[tilespmem:s23], [sflag:$0x1] =	stream.linear.gather [hbm4b:s22+s2], $0x80, $0x38;
	[tilespmem:$0xC080] =	vst v63  }
0x58: {  	s31 =	sand.u32 $0x1FFFFFF0, s28;
	s28 =	spop (v2sf);
	s29 =	sadd.s32 s3, s25  }
0x59: {  	(v2sf) =	vpush v1, $0xD;
	[tilespmem:s26], [sflag:$0x1] =	stream.linear.gather [hbm4b:s29+s2], $0x80, $0x38;
	[tilespmem:$0xC080] =	vst v63  }
0x5a: {  	s22 =	sadd.s32 s3, s31;
	s23 =	sand.u32 $0x1FFFFFF0, s28;
	s30 =	spop (v2sf)  }
0x5b: {  	(v2sf) =	vpush v1, $0xE;
	[tilespmem:s20], [sflag:$0x1] =	stream.linear.gather [hbm4b:s22+s2], $0x80, $0x38;
	[tilespmem:$0xC080] =	vst v63  }
0x5c: {  	s23 =	sadd.s32 s3, s23;
	s31 =	sand.u32 $0x1FFFFFF0, s30;
	s24 =	spop (v2sf)  }
0x5d: {  	(v2sf) =	vpush v1, $0xF;
	[tilespmem:s17], [sflag:$0x1] =	stream.linear.gather [hbm4b:s23+s2], $0x80, $0x38;
	[tilespmem:$0xC080] =	vst v63  }
0x5e: {  	s25 =	sand.u32 $0x1FFFFFF0, s24;
	s26 =	spop (v2sf);
	s20 =	sadd.s32 s3, s31  }
0x5f: {  	[tilespmem:s21], [sflag:$0x1] =	stream.linear.gather [hbm4b:s20+s2], $0x80, $0x38;
	[tilespmem:$0xC080] =	vst v63  }
0x60: {  	s28 =	sand.u32 $0x1FFFFFF0, s26;
	s17 =	sadd.s32 s3, s25;
	s29 =	spop (v2sf)  }
0x61: {  	[tilespmem:s1], [sflag:$0x1] =	stream.linear.gather [hbm4b:s17+s2], $0x80, $0x38;
	[tilespmem:$0xC080] =	vst v63  }
0x62: {  	s20 =	sadd.s32 s3, s28;
	s30 =	sand.u32 $0x1FFFFFF0, s29;
	s31 =	spop (v2sf)  }
0x63: {  	[tilespmem:s18], [sflag:$0x1] =	stream.linear.gather [hbm4b:s20+s2], $0x80, $0x38;
	[tilespmem:$0xC080] =	vst v63  }
0x64: {  	s17 =	sand.u32 $0x1FFFFFF0, s31;
	s1 =	sadd.s32 s3, s30;
	s20 =	spop (v2sf)  }
0x65: {  	[tilespmem:s0], [sflag:$0x1] =	stream.linear.gather [hbm4b:s1+s2], $0x80, $0x38;
	[tilespmem:$0xC080] =	vst v63  }
0x66: {  	s17 =	sadd.s32 s3, s17;
	s21 =	sand.u32 $0x1FFFFFF0, s20;
	s22 =	spop (v2sf)  }
0x67: {  	[tilespmem:s19], [sflag:$0x1] =	stream.linear.gather [hbm4b:s17+s2], $0x80, $0x38;
	[tilespmem:$0xC080] =	vst v63  }
0x68: {  	s0 =	sadd.s32 s3, s21;
	s1 =	sand.u32 $0x1FFFFFF0, s22;
	s23 =	spop (v2sf)  }
0x69: {  	[tilespmem:s16], [sflag:$0x1] =	stream.linear.gather [hbm4b:s0+s2], $0x80, $0x38;
	[tilespmem:$0xC080] =	vst v63  }
0x6a: {  	s24 =	sand.u32 $0x1FFFFFF0, s23;
	s1 =	sadd.s32 s3, s1;
	s25 =	spop (v2sf)  }
0x6b: {  	[tilespmem:s14], [sflag:$0x1] =	stream.linear.gather [hbm4b:s1+s2], $0x80, $0x38;
	[tilespmem:$0xC080] =	vst v63  }
0x6c: {  	s26 =	sand.u32 $0x1FFFFFF0, s25;
	s28 =	spop (v2sf);
	s0 =	sadd.s32 s3, s24  }
0x6d: {  	[tilespmem:s15], [sflag:$0x1] =	stream.linear.gather [hbm4b:s0+s2], $0x80, $0x38;
	[tilespmem:$0xC080] =	vst v63  }
0x6e: {  	s30 =	sadd.s32 $0x780, s13;
	s29 =	sand.u32 $0x1FFFFFF0, s28;
	s1 =	sadd.s32 s3, s26  }
0x6f: {  	[tilespmem:s30], [sflag:$0x1] =	stream.linear.gather [hbm4b:s1+s2], $0x80, $0x38;
	[tilespmem:$0xC080] =	vst v63  }
0x70: {  	s31 =	sadd.s32 $0x800, s13;
	s0 =	sadd.s32 s3, s29  }
0x71: {  	[tilespmem:s31], [sflag:$0x1] =	stream.linear.gather [hbm4b:s0+s2], $0x80, $0x38;
	[tilespmem:$0xC080] =	vst v63  }
0x72: {  	s14 =	simm.s32 $0x0  }
0x73: {  	[tilespmem:s9], [sflag:$0x2] =	stream.linear.gather [hbm4b:s5+s14], $0x4000, $0x38;
	[tilespmem:$0xC080] =	vst v63  }
0x74: {  	_ =	swait.ge [sflag:s8], $0x4000  }
0x75: {  	[sflag:s8] =	ssyncset.done $0x0  }
0x76: {  	[sflag:s8] =	ssyncadd.s32 $0xFFFFC000  }
0x77: {  	_ =	swait.ge [sflag:s10], $0x4000  }
0x78: {  	[sflag:s10] =	ssyncset.done $0x0  }
0x79: {  	s13 =	simm.s32 $0x0;
	[sflag:s10] =	ssyncadd.s32 $0xFFFFC000  }
0x7a: {  	v0 =	vld [tilespmem:s13+$0x4530];
	_ =	sdelay $0x4  }
0x7b: {  	[tilespmem:$0x1FE90] =	vst v0;
	v0 =	vld [tilespmem:s13+$0x4580];
	_ =	sdelay $0x4  }
0x7c: {  	[tilespmem:$0x1FEA0] =	vst v0;
	v0 =	vld [tilespmem:s13+$0x4590];
	_ =	sdelay $0x4  }
0x7d: {  	[tilespmem:$0x1FEB0] =	vst v0;
	v0 =	vld [tilespmem:s13+$0x45A0];
	_ =	sdelay $0x4  }
0x7e: {  	[tilespmem:$0x1FEC0] =	vst v0;
	v0 =	vld [tilespmem:s13+$0x45B0];
	_ =	sdelay $0x4  }
0x7f: {  	[tilespmem:$0x1FED0] =	vst v0;
	v0 =	vld [tilespmem:s13+$0x4600];
	_ =	sdelay $0x4  }
0x80: {  	[tilespmem:$0x1FEE0] =	vst v0;
	v0 =	vld [tilespmem:s13+$0x4610];
	_ =	sdelay $0x4  }
0x81: {  	[tilespmem:$0x1FEF0] =	vst v0;
	v0 =	vld [tilespmem:s13+$0x4620];
	_ =	sdelay $0x4  }
0x82: {  	[tilespmem:$0x1FF00] =	vst v0;
	v0 =	vld [tilespmem:s13+$0x4630];
	_ =	sdelay $0x4  }
0x83: {  	[tilespmem:$0x1FF10] =	vst v0;
	v0 =	vld [tilespmem:s13+$0x4680];
	_ =	sdelay $0x4  }
0x84: {  	[tilespmem:$0x1FF20] =	vst v0;
	v0 =	vld [tilespmem:s13+$0x4690];
	_ =	sdelay $0x2  }
0x85: {  	v61 =	vld [tilespmem:s13+$0x4080]  }
0x86: {  	v62 =	vld [tilespmem:s13+$0x4090]  }
0x87: {  	[tilespmem:$0x1FF30] =	vst v0;
	v0 =	vld [tilespmem:s13+$0x46A0]  }
0x88: {  	v59 =	vld [tilespmem:s13+$0x40A0]  }
0x89: {  	v60 =	vld [tilespmem:s13+$0x40B0]  }
0x8a: {  	v58 =	vld [tilespmem:s13+$0x4100]  }
0x8b: {  	v57 =	vld [tilespmem:s13+$0x4110]  }
0x8c: {  	[tilespmem:$0x1FF40] =	vst v0;
	v0 =	vld [tilespmem:s13+$0x46B0]  }
0x8d: {  	v56 =	vld [tilespmem:s13+$0x4120]  }
0x8e: {  	v55 =	vld [tilespmem:s13+$0x4130]  }
0x8f: {  	v54 =	vld [tilespmem:s13+$0x4180]  }
0x90: {  	v53 =	vld [tilespmem:s13+$0x4190]  }
0x91: {  	[tilespmem:$0x1FF50] =	vst v0;
	v0 =	vld [tilespmem:s13+$0x4700]  }
0x92: {  	v52 =	vld [tilespmem:s13+$0x41A0]  }
0x93: {  	v51 =	vld [tilespmem:s13+$0x41B0]  }
0x94: {  	v50 =	vld [tilespmem:s13+$0x4200]  }
0x95: {  	v49 =	vld [tilespmem:s13+$0x4210]  }
0x96: {  	[tilespmem:$0x1FF60] =	vst v0;
	v0 =	vld [tilespmem:s13+$0x4710]  }
0x97: {  	v48 =	vld [tilespmem:s13+$0x4220]  }
0x98: {  	v47 =	vld [tilespmem:s13+$0x4230]  }
0x99: {  	v46 =	vld [tilespmem:s13+$0x4280]  }
0x9a: {  	v45 =	vld [tilespmem:s13+$0x4290]  }
0x9b: {  	[tilespmem:$0x1FF70] =	vst v0;
	v0 =	vld [tilespmem:s13+$0x4720]  }
0x9c: {  	v44 =	vld [tilespmem:s13+$0x42A0]  }
0x9d: {  	v43 =	vld [tilespmem:s13+$0x42B0]  }
0x9e: {  	v42 =	vld [tilespmem:s13+$0x4300]  }
0x9f: {  	v41 =	vld [tilespmem:s13+$0x4310]  }
0xa0: {  	[tilespmem:$0x1FF80] =	vst v0;
	v0 =	vld [tilespmem:s13+$0x4730]  }
0xa1: {  	v40 =	vld [tilespmem:s13+$0x4320]  }
0xa2: {  	v39 =	vld [tilespmem:s13+$0x4330]  }
0xa3: {  	v38 =	vld [tilespmem:s13+$0x4380]  }
0xa4: {  	v37 =	vld [tilespmem:s13+$0x4390]  }
0xa5: {  	[tilespmem:$0x1FF90] =	vst v0;
	v0 =	vld [tilespmem:s13+$0x4780]  }
0xa6: {  	v36 =	vld [tilespmem:s13+$0x43A0]  }
0xa7: {  	v35 =	vld [tilespmem:s13+$0x43B0]  }
0xa8: {  	v34 =	vld [tilespmem:s13+$0x4400]  }
0xa9: {  	v33 =	vld [tilespmem:s13+$0x4410]  }
0xaa: {  	[tilespmem:$0x1FFA0] =	vst v0;
	v0 =	vld [tilespmem:s13+$0x4790]  }
0xab: {  	v32 =	vld [tilespmem:s13+$0x4420]  }
0xac: {  	v31 =	vld [tilespmem:s13+$0x4430]  }
0xad: {  	v30 =	vld [tilespmem:s13+$0x4480]  }
0xae: {  	v29 =	vld [tilespmem:s13+$0x4490]  }
0xaf: {  	[tilespmem:$0x1FFB0] =	vst v0;
	v0 =	vld [tilespmem:s13+$0x47A0]  }
0xb0: {  	v28 =	vld [tilespmem:s13+$0x44A0]  }
0xb1: {  	v27 =	vld [tilespmem:s13+$0x44B0]  }
0xb2: {  	v26 =	vld [tilespmem:s13+$0x4500]  }
0xb3: {  	v25 =	vld [tilespmem:s13+$0x4510]  }
0xb4: {  	[tilespmem:$0x1FFC0] =	vst v0;
	v0 =	vld [tilespmem:s13+$0x47B0]  }
0xb5: {  	v24 =	vld [tilespmem:s13+$0x4520]  }
0xb6: {  	v10 =	vld [tilespmem:s13+$0x80]  }
0xb7: {  	v9 =	vld [tilespmem:s13+$0x90]  }
0xb8: {  	v7 =	vld [tilespmem:s13+$0xA0]  }
0xb9: {  	[tilespmem:$0x1FFD0] =	vst v0;
	v0 =	vld [tilespmem:s13+$0x4800]  }
0xba: {  	v8 =	vld [tilespmem:s13+$0xB0]  }
0xbb: {  	v6 =	vld [tilespmem:s13+$0x100]  }
0xbc: {  	v5 =	vld [tilespmem:s13+$0x110]  }
0xbd: {  	v3 =	vld [tilespmem:s13+$0x120]  }
0xbe: {  	[tilespmem:$0x1FFE0] =	vst v0;
	v0 =	vld [tilespmem:s13+$0x4810]  }
0xbf: {  	v4 =	vld [tilespmem:s13+$0x130]  }
0xc0: {  	v2 =	vld [tilespmem:s13+$0x180]  }
0xc1: {  	v1 =	vld [tilespmem:s13+$0x190]  }
0xc2: {  	v63 =	vld [tilespmem:s14+$0x0]  }
0xc3: {  	v16 =	vimm.f32 $1.000000000e+00;
	s15 =	simm.s32 $0x2000;
	[tilespmem:$0x1FFF0] =	vst v0;
	v0 =	vld [tilespmem:s13+$0x1A0]  }
.LBB2_4:
0xc4: {  	v11 =	vld [tilespmem:s13+$0x1B0]  }
0xc5: {  	v12 =	vld [tilespmem:s13+$0x200]  }
0xc6: {  	v13 =	vld [tilespmem:s13+$0x210]  }
0xc7: {  	v14 =	vld [tilespmem:s13+$0x220];
	vm0 =	veq.s32 v63, $0x0  }
0xc8: {  	v15 =	vld [tilespmem:s13+$0x230];
	v63 =	vsel vm0, $0x0, v16  }
0xc9: {  	v19 =	vld [tilespmem:s13+$0x290];
	v17 =	vbroadcast v63, $0x0  }
0xca: {  	v22 =	vld [tilespmem:s13+$0x2A0];
	v18 =	vbroadcast v63, $0x1;
	v20 =	vbroadcast v63, $0x2  }
0xcb: {  	v23 =	vld [tilespmem:s13+$0x2B0];
	v10 =	vmul.f32 v17, v10;
	v9 =	vmul.f32 v9, v17  }
0xcc: {  	v16 =	vld [tilespmem:s13+$0x280];
	v7 =	vmul.f32 v7, v17;
	v8 =	vmul.f32 v8, v17  }
0xcd: {  	v17 =	vld [tilespmem:s13+$0x300];
	v6 =	vmul.f32 v6, v18;
	v5 =	vmul.f32 v5, v18  }
0xce: {  	v3 =	vmul.f32 v3, v18;
	v4 =	vmul.f32 v4, v18;
	v18 =	vld [tilespmem:s13+$0x410]  }
0xcf: {  	v10 =	vadd.f32 v10, v61;
	v61 =	vld [tilespmem:s13+$0x310]  }
0xd0: {  	v0 =	vmul.f32 v0, v20;
	v7 =	vadd.f32 v7, v59;
	v59 =	vld [tilespmem:s13+$0x320]  }
0xd1: {  	v1 =	vmul.f32 v1, v20;
	v9 =	vadd.f32 v9, v62;
	v62 =	vld [tilespmem:s13+$0x3B0]  }
0xd2: {  	v0 =	vadd.f32 v0, v52;
	v52 =	vld [tilespmem:s13+$0x420]  }
0xd3: {  	v1 =	vadd.f32 v1, v53;
	v53 =	vld [tilespmem:s13+$0x480]  }
0xd4: {  	v4 =	vadd.f32 v4, v55;
	v55 =	vld [tilespmem:s13+$0x4A0];
	[tilespmem:s13+$0x8080] =	vst v10  }
0xd5: {  	v8 =	vadd.f32 v8, v60;
	v3 =	vadd.f32 v3, v56;
	v56 =	vld [tilespmem:s13+$0x4B0];
	[tilespmem:s13+$0x8090] =	vst v9  }
0xd6: {  	v21 =	vbroadcast v63, $0x3;
	v2 =	vmul.f32 v2, v20;
	v6 =	vadd.f32 v6, v58;
	v10 =	vld [tilespmem:s13+$0x330];
	[tilespmem:s13+$0x80A0] =	vst v7  }
0xd7: {  	v5 =	vadd.f32 v5, v57;
	v9 =	vld [tilespmem:s13+$0x380];
	[tilespmem:s13+$0x80B0] =	vst v8;
	v8 =	vmul.f32 v11, v20  }
0xd8: {  	v2 =	vadd.f32 v2, v54;
	v7 =	vld [tilespmem:s13+$0x390];
	[tilespmem:s13+$0x8100] =	vst v6;
	v6 =	vmul.f32 v12, v21  }
0xd9: {  	v60 =	vmul.f32 v13, v21;
	v11 =	vld [tilespmem:s13+$0x3A0];
	[tilespmem:s13+$0x8110] =	vst v5;
	v5 =	vadd.f32 v8, v51;
	v8 =	vmul.f32 v14, v21  }
0xda: {  	[tilespmem:s13+$0x8120] =	vst v3;
	v21 =	vmul.f32 v15, v21;
	v15 =	vld [tilespmem:s13+$0x400];
	v3 =	vadd.f32 v6, v50;
	v50 =	vbroadcast v63, $0x4  }
0xdb: {  	v6 =	vadd.f32 v60, v49;
	v51 =	vbroadcast v63, $0x5;
	v60 =	vld [tilespmem:s13+$0x510]  }
0xdc: {  	[tilespmem:s13+$0x8180] =	vst v2;
	v2 =	vmul.f32 v16, v50;
	v16 =	vmul.f32 v19, v50;
	v19 =	vld [tilespmem:s13+$0x430]  }
0xdd: {  	v54 =	vmul.f32 v61, v51;
	v61 =	vld [tilespmem:s13+$0x530]  }
0xde: {  	[tilespmem:s13+$0x8130] =	vst v4;
	v4 =	vadd.f32 v8, v48;
	v8 =	vadd.f32 v21, v47;
	v47 =	vld [tilespmem:s13+$0x720]  }
0xdf: {  	v57 =	vbroadcast v63, $0x6;
	v48 =	vld [tilespmem:s13+$0x780]  }
0xe0: {  	[tilespmem:s13+$0x8190] =	vst v1;
	v1 =	vmul.f32 v22, v50;
	v12 =	vmul.f32 v23, v50;
	v50 =	vld [tilespmem:s13+$0x7A0]  }
0xe1: {  	[tilespmem:s13+$0x81A0] =	vst v0;
	v0 =	vadd.f32 v2, v46;
	v2 =	vadd.f32 v16, v45;
	v16 =	vmul.f32 v17, v51;
	v17 =	vld [tilespmem:s13+$0x490]  }
0xe2: {  	[tilespmem:s13+$0x8230] =	vst v8;
	v8 =	vmul.f32 v9, v57;
	v9 =	vld [tilespmem:s13+$0x520]  }
0xe3: {  	[tilespmem:s13+$0x81B0] =	vst v5;
	v5 =	vadd.f32 v12, v43;
	v43 =	vld [tilespmem:s13+$0x690]  }
0xe4: {  	v45 =	vld [tilespmem:s13+$0x710]  }
0xe5: {  	v7 =	vmul.f32 v7, v57;
	v46 =	vld [tilespmem:$0x1FED0]  }
0xe6: {  	[tilespmem:s13+$0x8210] =	vst v6;
	v6 =	vadd.f32 v54, v41;
	v54 =	vld [tilespmem:s13+$0x4820]  }
0xe7: {  	v7 =	vadd.f32 v7, v37;
	v37 =	vld [tilespmem:s13+$0x600]  }
0xe8: {  	v58 =	vbroadcast v63, $0x7;
	[tilespmem:s13+$0x8200] =	vst v3;
	v3 =	vadd.f32 v16, v42;
	v16 =	vmul.f32 v59, v51;
	v59 =	vld [tilespmem:s13+$0x500]  }
0xe9: {  	[tilespmem:s13+$0x8280] =	vst v0;
	v0 =	vmul.f32 v11, v57;
	v11 =	vmul.f32 v62, v57;
	v62 =	vld [tilespmem:s13+$0x580]  }
0xea: {  	v10 =	vmul.f32 v10, v51;
	[tilespmem:s13+$0x8290] =	vst v2;
	v2 =	vadd.f32 v8, v38;
	v8 =	vmul.f32 v15, v58;
	v15 =	vld [tilespmem:s13+$0x590]  }
0xeb: {  	v1 =	vadd.f32 v1, v44;
	v38 =	vld [tilespmem:s13+$0x620]  }
0xec: {  	[tilespmem:s13+$0x8220] =	vst v4;
	v10 =	vadd.f32 v10, v39;
	v42 =	vld [tilespmem:s13+$0x630];
	v4 =	vadd.f32 v16, v40  }
0xed: {  	[tilespmem:s13+$0x82A0] =	vst v1;
	v51 =	vld [tilespmem:$0x1FF50];
	v16 =	vbroadcast v63, $0x8;
	v1 =	vadd.f32 v11, v35;
	v11 =	vmul.f32 v18, v58  }
0xee: {  	[tilespmem:s13+$0x82B0] =	vst v5;
	v5 =	vadd.f32 v8, v34;
	v8 =	vmul.f32 v52, v58;
	v18 =	vmul.f32 v19, v58;
	v19 =	vld [tilespmem:s13+$0x5A0]  }
0xef: {  	v0 =	vadd.f32 v0, v36;
	[tilespmem:s13+$0x8300] =	vst v3;
	v36 =	vld [tilespmem:s13+$0x5B0];
	v3 =	vadd.f32 v11, v33  }
0xf0: {  	[tilespmem:s13+$0x8310] =	vst v6;
	v52 =	vld [tilespmem:s13+$0x800];
	v11 =	vmul.f32 v53, v16;
	v17 =	vmul.f32 v17, v16;
	v6 =	vadd.f32 v8, v32  }
0xf1: {  	[tilespmem:s13+$0x8330] =	vst v10;
	v8 =	vadd.f32 v18, v31;
	v18 =	vmul.f32 v55, v16;
	v14 =	vmul.f32 v56, v16;
	v16 =	vld [tilespmem:s13+$0x610]  }
0xf2: {  	[tilespmem:s13+$0x8400] =	vst v5;
	v5 =	vld [tilespmem:$0x1FE90]  }
0xf3: {  	[tilespmem:s13+$0x8390] =	vst v7;
	v53 =	vld [tilespmem:s13+$0x820]  }
0xf4: {  	[tilespmem:s13+$0x8380] =	vst v2;
	v55 =	vld [tilespmem:s13+$0x4830]  }
0xf5: {  	[tilespmem:s13+$0x8320] =	vst v4;
	v4 =	vadd.f32 v11, v30;
	v11 =	vadd.f32 v17, v29;
	v29 =	vld [tilespmem:s13+$0x680]  }
0xf6: {  	v17 =	vbroadcast v63, $0x9;
	[tilespmem:s13+$0x8410] =	vst v3;
	v3 =	vld [tilespmem:$0x1FEA0]  }
0xf7: {  	v10 =	vadd.f32 v18, v28;
	v18 =	vbroadcast v63, $0xA;
	[tilespmem:s13+$0x8420] =	vst v6;
	v6 =	vld [tilespmem:$0x1FEB0]  }
0xf8: {  	[tilespmem:s13+$0x8430] =	vst v8;
	v8 =	vld [tilespmem:$0x1FEC0];
	v7 =	vmul.f32 v59, v17;
	v28 =	vmul.f32 v60, v17  }
0xf9: {  	[tilespmem:s13+$0x83A0] =	vst v0;
	v0 =	vmul.f32 v9, v17;
	v9 =	vmul.f32 v61, v17;
	v17 =	vld [tilespmem:s13+$0x6A0]  }
0xfa: {  	[tilespmem:s13+$0x83B0] =	vst v1;
	v44 =	vmul.f32 v19, v18;
	v19 =	vld [tilespmem:s13+$0x700]  }
0xfb: {  	[tilespmem:s13+$0x8480] =	vst v4;
	v4 =	vld [tilespmem:$0x1FEE0]  }
0xfc: {  	v40 =	vbroadcast v63, $0xB;
	v2 =	vadd.f32 v14, v27;
	v13 =	vmul.f32 v62, v18;
	[tilespmem:s13+$0x8490] =	vst v11;
	v11 =	vld [tilespmem:$0x1FF00]  }
0xfd: {  	[tilespmem:s13+$0x84A0] =	vst v10;
	v10 =	vld [tilespmem:$0x1FF10];
	v5 =	vadd.f32 v9, v5;
	v9 =	vmul.f32 v15, v18;
	v18 =	vmul.f32 v36, v18  }
0xfe: {  	v27 =	vbroadcast v63, $0xC;
	[tilespmem:s13+$0x84B0] =	vst v2;
	v2 =	vld [tilespmem:$0x1FF20];
	v1 =	vadd.f32 v7, v26  }
0xff: {  	v15 =	vld [tilespmem:s13+$0x6B0];
	v3 =	vadd.f32 v13, v3;
	v13 =	vadd.f32 v18, v46;
	v18 =	vmul.f32 v38, v40  }
0x100: {  	v0 =	vadd.f32 v0, v24;
	v24 =	vld [tilespmem:s13+$0x7B0]  }
0x101: {  	[tilespmem:s13+$0x8500] =	vst v1;
	v1 =	vld [tilespmem:$0x1FF40];
	v11 =	vadd.f32 v18, v11;
	v18 =	vmul.f32 v29, v27  }
0x102: {  	v7 =	vadd.f32 v28, v25;
	[tilespmem:s13+$0x8530] =	vst v5;
	v5 =	vld [tilespmem:$0x1FF60]  }
0x103: {  	v6 =	vadd.f32 v9, v6;
	v9 =	vmul.f32 v37, v40;
	v2 =	vadd.f32 v18, v2;
	v18 =	vld [tilespmem:$0x1FF30]  }
0x104: {  	[tilespmem:s13+$0x8510] =	vst v7;
	v49 =	vmul.f32 v17, v27;
	v17 =	vld [tilespmem:s13+$0x790]  }
0x105: {  	v8 =	vadd.f32 v44, v8;
	[tilespmem:s13+$0x8520] =	vst v0;
	v4 =	vadd.f32 v9, v4;
	v9 =	vld [tilespmem:$0x1FEF0]  }
0x106: {  	v12 =	vmul.f32 v43, v27;
	[tilespmem:s13+$0x8580] =	vst v3;
	v3 =	vld [tilespmem:$0x1FF80]  }
0x107: {  	[tilespmem:s13+$0x85A0] =	vst v8;
	v8 =	vld [tilespmem:$0x1FFB0]  }
0x108: {  	s16 =	sshra.s32 s15, $0x2;
	v16 =	vmul.f32 v16, v40;
	[tilespmem:s13+$0x8590] =	vst v6;
	v6 =	vld [tilespmem:$0x1FFA0];
	v12 =	vadd.f32 v12, v18;
	v18 =	vbroadcast v63, $0xD  }
0x109: {  	v61 =	vld [tilespmem:s16+$0x4080]  }
0x10a: {  	[tilespmem:s13+$0x85B0] =	vst v13;
	v9 =	vadd.f32 v16, v9;
	v16 =	vld [tilespmem:s13+$0x730];
	v0 =	vmul.f32 v47, v18  }
0x10b: {  	v62 =	vld [tilespmem:s16+$0x4090]  }
0x10c: {  	v14 =	vmul.f32 v42, v40;
	v15 =	vmul.f32 v15, v27;
	[tilespmem:s13+$0x8600] =	vst v4;
	v0 =	vadd.f32 v0, v3;
	v3 =	vld [tilespmem:$0x1FF90]  }
0x10d: {  	v59 =	vld [tilespmem:s16+$0x40A0];
	[tilespmem:s13+$0x8610] =	vst v9;
	v7 =	vmul.f32 v19, v18  }
0x10e: {  	v10 =	vadd.f32 v14, v10;
	v14 =	vadd.f32 v15, v51;
	v60 =	vld [tilespmem:s16+$0x40B0]  }
0x10f: {  	v15 =	vbroadcast v63, $0xE;
	v16 =	vmul.f32 v16, v18;
	v5 =	vadd.f32 v7, v5;
	v7 =	vld [tilespmem:$0x1FF70]  }
0x110: {  	[tilespmem:s13+$0x8620] =	vst v11;
	v11 =	vld [tilespmem:$0x1FFE0]  }
0x111: {  	v19 =	vmul.f32 v45, v18;
	v18 =	vld [tilespmem:s13+$0x810];
	v3 =	vadd.f32 v16, v3;
	v16 =	vmul.f32 v17, v15  }
0x112: {  	v17 =	vld [tilespmem:s13+$0x830]  }
0x113: {  	v8 =	vadd.f32 v16, v8;
	v16 =	vbroadcast v63, $0xF;
	v63 =	vld [tilespmem:$0x1FFC0]  }
0x114: {  	v58 =	vld [tilespmem:s16+$0x4100];
	[tilespmem:s13+$0x8630] =	vst v10;
	v7 =	vadd.f32 v19, v7;
	v19 =	vmul.f32 v48, v15  }
0x115: {  	v1 =	vadd.f32 v49, v1;
	v57 =	vld [tilespmem:s16+$0x4110];
	[tilespmem:s13+$0x8680] =	vst v2;
	v4 =	vmul.f32 v52, v16  }
0x116: {  	v56 =	vld [tilespmem:s16+$0x4120];
	v6 =	vadd.f32 v19, v6;
	v19 =	vmul.f32 v50, v15;
	v18 =	vmul.f32 v18, v16  }
0x117: {  	v9 =	vmul.f32 v53, v16;
	v16 =	vmul.f32 v17, v16;
	v4 =	vadd.f32 v4, v11;
	v11 =	vld [tilespmem:$0x1FFF0]  }
0x118: {  	[tilespmem:s13+$0x8690] =	vst v12;
	v13 =	vadd.f32 v19, v63;
	v19 =	vld [tilespmem:$0x1FFD0]  }
0x119: {  	v10 =	vadd.f32 v16, v55;
	v55 =	vld [tilespmem:s16+$0x4130];
	[tilespmem:s13+$0x86A0] =	vst v1  }
0x11a: {  	v9 =	vadd.f32 v9, v54;
	v54 =	vld [tilespmem:s16+$0x4180];
	[tilespmem:s13+$0x86B0] =	vst v14  }
0x11b: {  	v53 =	vld [tilespmem:s16+$0x4190];
	[tilespmem:s13+$0x8700] =	vst v5  }
0x11c: {  	v52 =	vld [tilespmem:s16+$0x41A0];
	[tilespmem:s13+$0x8710] =	vst v7  }
0x11d: {  	v51 =	vld [tilespmem:s16+$0x41B0];
	[tilespmem:s13+$0x8720] =	vst v0  }
0x11e: {  	v15 =	vmul.f32 v24, v15;
	v50 =	vld [tilespmem:s16+$0x4200];
	[tilespmem:s13+$0x8730] =	vst v3  }
0x11f: {  	v49 =	vld [tilespmem:s16+$0x4210];
	[tilespmem:s13+$0x8780] =	vst v6  }
0x120: {  	v15 =	vadd.f32 v15, v19;
	v48 =	vld [tilespmem:s16+$0x4220];
	[tilespmem:s13+$0x8790] =	vst v8  }
0x121: {  	v47 =	vld [tilespmem:s16+$0x4230];
	[tilespmem:s13+$0x87A0] =	vst v13  }
0x122: {  	v11 =	vadd.f32 v18, v11;
	v46 =	vld [tilespmem:s16+$0x4280];
	[tilespmem:s13+$0x87B0] =	vst v15  }
0x123: {  	v45 =	vld [tilespmem:s16+$0x4290];
	[tilespmem:s13+$0x8800] =	vst v4  }
0x124: {  	v44 =	vld [tilespmem:s16+$0x42A0];
	[tilespmem:s13+$0x8810] =	vst v11  }
0x125: {  	v43 =	vld [tilespmem:s16+$0x42B0];
	[tilespmem:s13+$0x8820] =	vst v9  }
0x126: {  	v42 =	vld [tilespmem:s16+$0x4300];
	[tilespmem:s13+$0x8830] =	vst v10;
	s13 =	smov.u32 s16  }
0x127: {  	v0 =	vld [tilespmem:s13+$0x4530];
	_ =	sdelay $0x4  }
0x128: {  	[tilespmem:$0x1FE90] =	vst v0;
	v0 =	vld [tilespmem:s13+$0x4580];
	_ =	sdelay $0x4  }
0x129: {  	[tilespmem:$0x1FEA0] =	vst v0;
	v0 =	vld [tilespmem:s13+$0x4590];
	_ =	sdelay $0x4  }
0x12a: {  	[tilespmem:$0x1FEB0] =	vst v0;
	v0 =	vld [tilespmem:s13+$0x45A0];
	_ =	sdelay $0x4  }
0x12b: {  	[tilespmem:$0x1FEC0] =	vst v0;
	v0 =	vld [tilespmem:s13+$0x45B0];
	_ =	sdelay $0x4  }
0x12c: {  	[tilespmem:$0x1FED0] =	vst v0;
	v0 =	vld [tilespmem:s13+$0x4600];
	_ =	sdelay $0x4  }
0x12d: {  	[tilespmem:$0x1FEE0] =	vst v0;
	v0 =	vld [tilespmem:s13+$0x4610];
	_ =	sdelay $0x4  }
0x12e: {  	[tilespmem:$0x1FEF0] =	vst v0;
	v0 =	vld [tilespmem:s13+$0x4620];
	_ =	sdelay $0x4  }
0x12f: {  	[tilespmem:$0x1FF00] =	vst v0;
	v0 =	vld [tilespmem:s13+$0x4630];
	_ =	sdelay $0x4  }
0x130: {  	[tilespmem:$0x1FF10] =	vst v0;
	v0 =	vld [tilespmem:s13+$0x4680];
	_ =	sdelay $0x4  }
0x131: {  	[tilespmem:$0x1FF20] =	vst v0;
	v0 =	vld [tilespmem:s13+$0x4690];
	_ =	sdelay $0x4  }
0x132: {  	[tilespmem:$0x1FF30] =	vst v0;
	v0 =	vld [tilespmem:s13+$0x46A0];
	_ =	sdelay $0x4  }
0x133: {  	[tilespmem:$0x1FF40] =	vst v0;
	v0 =	vld [tilespmem:s13+$0x46B0];
	_ =	sdelay $0x4  }
0x134: {  	[tilespmem:$0x1FF50] =	vst v0;
	v0 =	vld [tilespmem:s13+$0x4700];
	_ =	sdelay $0x4  }
0x135: {  	[tilespmem:$0x1FF60] =	vst v0;
	v0 =	vld [tilespmem:s13+$0x4710];
	_ =	sdelay $0x4  }
0x136: {  	[tilespmem:$0x1FF70] =	vst v0;
	v0 =	vld [tilespmem:s13+$0x4720];
	_ =	sdelay $0x3  }
0x137: {  	v41 =	vld [tilespmem:s13+$0x4310]  }
0x138: {  	[tilespmem:$0x1FF80] =	vst v0;
	v0 =	vld [tilespmem:s13+$0x4730]  }
0x139: {  	v40 =	vld [tilespmem:s13+$0x4320]  }
0x13a: {  	v39 =	vld [tilespmem:s13+$0x4330]  }
0x13b: {  	v38 =	vld [tilespmem:s13+$0x4380]  }
0x13c: {  	v37 =	vld [tilespmem:s13+$0x4390]  }
0x13d: {  	[tilespmem:$0x1FF90] =	vst v0;
	v0 =	vld [tilespmem:s13+$0x4780]  }
0x13e: {  	v36 =	vld [tilespmem:s13+$0x43A0]  }
0x13f: {  	v35 =	vld [tilespmem:s13+$0x43B0]  }
0x140: {  	v34 =	vld [tilespmem:s13+$0x4400]  }
0x141: {  	v33 =	vld [tilespmem:s13+$0x4410]  }
0x142: {  	[tilespmem:$0x1FFA0] =	vst v0;
	v0 =	vld [tilespmem:s13+$0x4790]  }
0x143: {  	v32 =	vld [tilespmem:s13+$0x4420]  }
0x144: {  	v31 =	vld [tilespmem:s13+$0x4430]  }
0x145: {  	v30 =	vld [tilespmem:s13+$0x4480]  }
0x146: {  	v29 =	vld [tilespmem:s13+$0x4490]  }
0x147: {  	[tilespmem:$0x1FFB0] =	vst v0;
	v0 =	vld [tilespmem:s13+$0x47A0]  }
0x148: {  	v28 =	vld [tilespmem:s13+$0x44A0]  }
0x149: {  	v27 =	vld [tilespmem:s13+$0x44B0]  }
0x14a: {  	v26 =	vld [tilespmem:s13+$0x4500]  }
0x14b: {  	v25 =	vld [tilespmem:s13+$0x4510]  }
0x14c: {  	[tilespmem:$0x1FFC0] =	vst v0;
	v0 =	vld [tilespmem:s13+$0x47B0]  }
0x14d: {  	v24 =	vld [tilespmem:s13+$0x4520]  }
0x14e: {  	v10 =	vld [tilespmem:s13+$0x80]  }
0x14f: {  	v9 =	vld [tilespmem:s13+$0x90]  }
0x150: {  	v7 =	vld [tilespmem:s13+$0xA0]  }
0x151: {  	[tilespmem:$0x1FFD0] =	vst v0;
	v0 =	vld [tilespmem:s13+$0x4800]  }
0x152: {  	v8 =	vld [tilespmem:s13+$0xB0]  }
0x153: {  	v6 =	vld [tilespmem:s13+$0x100]  }
0x154: {  	v5 =	vld [tilespmem:s13+$0x110]  }
0x155: {  	v3 =	vld [tilespmem:s13+$0x120]  }
0x156: {  	p0 =	sne.s32 s15, $0xE000;
	[tilespmem:$0x1FFE0] =	vst v0;
	v0 =	vld [tilespmem:s13+$0x4810]  }
.Ltmp1:
0x157: {  	v4 =	vld [tilespmem:s13+$0x130];
	(pc) =	sbr.rel @p0 .LBB2_4-.Ltmp1, $4  }
0x158: {  	v2 =	vld [tilespmem:s13+$0x180]  }
0x159: {  	s14 =	sadd.s32 $0x10, s14;
	v1 =	vld [tilespmem:s13+$0x190]  }
0x15a: {  	v63 =	vld [tilespmem:s14+$0x0]  }
0x15b: {  	s15 =	sadd.s32 $0x2000, s15;
	v16 =	vimm.f32 $1.000000000e+00;
	[tilespmem:$0x1FFF0] =	vst v0;
	v0 =	vld [tilespmem:s13+$0x1A0]  }
0x15c: {  	v11 =	vld [tilespmem:s13+$0x1B0]  }
0x15d: {  	v12 =	vld [tilespmem:s13+$0x200]  }
0x15e: {  	v13 =	vld [tilespmem:s13+$0x210]  }
0x15f: {  	v14 =	vld [tilespmem:s13+$0x220]  }
0x160: {  	v15 =	vld [tilespmem:s13+$0x230]  }
0x161: {  	v18 =	vld [tilespmem:s13+$0x290];
	vm0 =	veq.s32 v63, $0x0  }
0x162: {  	v19 =	vld [tilespmem:s13+$0x2A0];
	v63 =	vsel vm0, $0x0, v16  }
0x163: {  	v20 =	vld [tilespmem:s13+$0x2B0];
	v17 =	vbroadcast v63, $0x0  }
0x164: {  	v21 =	vld [tilespmem:s13+$0x300]  }
0x165: {  	v22 =	vld [tilespmem:s13+$0x310];
	v10 =	vmul.f32 v17, v10  }
0x166: {  	v23 =	vld [tilespmem:s13+$0x320];
	v7 =	vmul.f32 v7, v17  }
0x167: {  	v16 =	vld [tilespmem:s13+$0x280];
	v9 =	vmul.f32 v9, v17;
	v8 =	vmul.f32 v8, v17;
	v10 =	vadd.f32 v10, v61  }
0x168: {  	v17 =	vld [tilespmem:s13+$0x380];
	v7 =	vadd.f32 v7, v59  }
0x169: {  	v9 =	vadd.f32 v9, v62;
	v62 =	vbroadcast v63, $0x1;
	v8 =	vadd.f32 v8, v60;
	[tilespmem:s13+$0x8080] =	vst v10;
	v10 =	vld [tilespmem:s13+$0x330]  }
0x16a: {  	v59 =	vbroadcast v63, $0x2;
	[tilespmem:s13+$0x80A0] =	vst v7;
	v7 =	vld [tilespmem:s13+$0x390]  }
0x16b: {  	v60 =	vbroadcast v63, $0x3;
	v6 =	vmul.f32 v6, v62;
	[tilespmem:s13+$0x80B0] =	vst v8;
	v8 =	vld [tilespmem:s13+$0x3A0]  }
0x16c: {  	[tilespmem:s13+$0x8090] =	vst v9;
	v5 =	vmul.f32 v5, v62;
	v3 =	vmul.f32 v3, v62;
	v9 =	vld [tilespmem:s13+$0x400]  }
0x16d: {  	v2 =	vmul.f32 v2, v59;
	v61 =	vmul.f32 v12, v60;
	v12 =	vld [tilespmem:s13+$0x490]  }
0x16e: {  	v4 =	vmul.f32 v4, v62;
	v62 =	vmul.f32 v13, v60;
	v13 =	vld [tilespmem:s13+$0x4A0]  }
0x16f: {  	v6 =	vadd.f32 v6, v58;
	v2 =	vadd.f32 v2, v54;
	v54 =	vld [tilespmem:s13+$0x520]  }
0x170: {  	v3 =	vadd.f32 v3, v56;
	v56 =	vld [tilespmem:s13+$0x530]  }
0x171: {  	v4 =	vadd.f32 v4, v55;
	[tilespmem:s13+$0x8100] =	vst v6;
	v6 =	vld [tilespmem:s13+$0x3B0]  }
0x172: {  	v0 =	vmul.f32 v0, v59;
	[tilespmem:s13+$0x8120] =	vst v3;
	v3 =	vld [tilespmem:s13+$0x410]  }
0x173: {  	v1 =	vmul.f32 v1, v59;
	v5 =	vadd.f32 v5, v57;
	[tilespmem:s13+$0x8130] =	vst v4;
	v4 =	vld [tilespmem:s13+$0x420]  }
0x174: {  	v0 =	vadd.f32 v0, v52;
	[tilespmem:s13+$0x8180] =	vst v2;
	v2 =	vld [tilespmem:s13+$0x430]  }
0x175: {  	v1 =	vadd.f32 v1, v53;
	[tilespmem:s13+$0x8110] =	vst v5;
	v5 =	vmul.f32 v11, v59;
	v11 =	vld [tilespmem:s13+$0x480]  }
0x176: {  	v57 =	vbroadcast v63, $0x5;
	[tilespmem:s13+$0x81A0] =	vst v0;
	v0 =	vadd.f32 v61, v50;
	v50 =	vld [tilespmem:s13+$0x4B0]  }
0x177: {  	[tilespmem:s13+$0x8190] =	vst v1;
	v1 =	vmul.f32 v15, v60;
	v15 =	vld [tilespmem:s13+$0x500]  }
0x178: {  	v58 =	vmul.f32 v21, v57;
	v21 =	vld [tilespmem:s13+$0x590]  }
0x179: {  	v61 =	vmul.f32 v23, v57;
	v23 =	vld [tilespmem:s13+$0x5B0];
	v5 =	vadd.f32 v5, v51;
	v51 =	vbroadcast v63, $0x4  }
0x17a: {  	v1 =	vadd.f32 v1, v47;
	v47 =	vld [tilespmem:s13+$0x710]  }
0x17b: {  	[tilespmem:s13+$0x81B0] =	vst v5;
	v5 =	vadd.f32 v62, v49;
	v52 =	vmul.f32 v16, v51;
	v16 =	vld [tilespmem:s13+$0x510]  }
0x17c: {  	v49 =	vmul.f32 v14, v60;
	v60 =	vld [tilespmem:s13+$0x5A0]  }
0x17d: {  	v53 =	vmul.f32 v18, v51;
	[tilespmem:s13+$0x8210] =	vst v5;
	v5 =	vmul.f32 v20, v51;
	v20 =	vld [tilespmem:s13+$0x580]  }
0x17e: {  	[tilespmem:s13+$0x8200] =	vst v0;
	v62 =	vbroadcast v63, $0x6;
	v0 =	vadd.f32 v49, v48;
	v48 =	vld [tilespmem:s13+$0x720]  }
0x17f: {  	[tilespmem:s13+$0x8230] =	vst v1;
	v1 =	vadd.f32 v53, v45;
	v49 =	vld [tilespmem:s13+$0x730]  }
0x180: {  	v55 =	vmul.f32 v19, v51;
	v17 =	vmul.f32 v17, v62;
	v51 =	vld [tilespmem:s13+$0x780];
	[tilespmem:s13+$0x8220] =	vst v0;
	v0 =	vadd.f32 v52, v46  }
0x181: {  	v7 =	vmul.f32 v7, v62;
	v53 =	vld [tilespmem:s13+$0x7A0];
	[tilespmem:s13+$0x8290] =	vst v1;
	v5 =	vadd.f32 v5, v43  }
0x182: {  	v8 =	vmul.f32 v8, v62;
	v6 =	vmul.f32 v6, v62;
	v62 =	vld [tilespmem:s13+$0x830];
	v17 =	vadd.f32 v17, v38;
	[tilespmem:s13+$0x8280] =	vst v0  }
0x183: {  	v38 =	vld [tilespmem:s13+$0x620];
	v7 =	vadd.f32 v7, v37;
	[tilespmem:s13+$0x82B0] =	vst v5  }
0x184: {  	v8 =	vadd.f32 v8, v36;
	v43 =	vld [tilespmem:s13+$0x6A0];
	[tilespmem:s13+$0x8380] =	vst v17  }
0x185: {  	v59 =	vmul.f32 v22, v57;
	v45 =	vbroadcast v63, $0x8;
	v6 =	vadd.f32 v6, v35;
	v46 =	vld [tilespmem:s13+$0x700];
	[tilespmem:s13+$0x8390] =	vst v7  }
0x186: {  	v1 =	vmul.f32 v10, v57;
	v52 =	vld [tilespmem:s13+$0x790];
	v0 =	vadd.f32 v55, v44;
	[tilespmem:s13+$0x83A0] =	vst v8  }
0x187: {  	v11 =	vmul.f32 v11, v45;
	v57 =	vld [tilespmem:$0x1FE90];
	v5 =	vadd.f32 v59, v41;
	[tilespmem:s13+$0x83B0] =	vst v6  }
0x188: {  	v12 =	vmul.f32 v12, v45;
	v35 =	vld [tilespmem:$0x1FF10];
	v1 =	vadd.f32 v1, v39;
	[tilespmem:s13+$0x82A0] =	vst v0  }
0x189: {  	v13 =	vmul.f32 v13, v45;
	v37 =	vld [tilespmem:$0x1FF20];
	v11 =	vadd.f32 v11, v30;
	[tilespmem:s13+$0x8310] =	vst v5  }
0x18a: {  	v10 =	vmul.f32 v50, v45;
	v50 =	vbroadcast v63, $0x9;
	v39 =	vld [tilespmem:s13+$0x630];
	v12 =	vadd.f32 v12, v29;
	[tilespmem:s13+$0x8330] =	vst v1  }
0x18b: {  	v41 =	vld [tilespmem:s13+$0x680];
	v13 =	vadd.f32 v13, v28;
	[tilespmem:s13+$0x8480] =	vst v11  }
0x18c: {  	v44 =	vld [tilespmem:s13+$0x6B0];
	v10 =	vadd.f32 v10, v27;
	v15 =	vmul.f32 v15, v50;
	[tilespmem:s13+$0x8490] =	vst v12  }
0x18d: {  	v16 =	vmul.f32 v16, v50;
	v18 =	vmul.f32 v54, v50;
	v54 =	vld [tilespmem:s13+$0x7B0];
	v0 =	vadd.f32 v58, v42;
	[tilespmem:s13+$0x84A0] =	vst v13  }
0x18e: {  	v59 =	vld [tilespmem:$0x1FEA0];
	v15 =	vadd.f32 v15, v26;
	[tilespmem:s13+$0x84B0] =	vst v10  }
0x18f: {  	v14 =	vmul.f32 v56, v50;
	v55 =	vbroadcast v63, $0xA;
	v27 =	vld [tilespmem:$0x1FEC0];
	v16 =	vadd.f32 v16, v25;
	[tilespmem:s13+$0x8300] =	vst v0  }
0x190: {  	v28 =	vld [tilespmem:$0x1FED0];
	v18 =	vadd.f32 v18, v24;
	[tilespmem:s13+$0x8500] =	vst v15  }
0x191: {  	v20 =	vmul.f32 v20, v55;
	v22 =	vmul.f32 v60, v55;
	v60 =	vld [tilespmem:$0x1FEB0];
	v14 =	vadd.f32 v14, v57;
	[tilespmem:s13+$0x8510] =	vst v16  }
0x192: {  	v56 =	vld [tilespmem:s13+$0x800];
	v0 =	vadd.f32 v61, v40;
	[tilespmem:s13+$0x8520] =	vst v18  }
0x193: {  	v30 =	vld [tilespmem:$0x1FEE0];
	v19 =	vmul.f32 v23, v55;
	v40 =	vbroadcast v63, $0x7;
	v20 =	vadd.f32 v20, v59;
	[tilespmem:s13+$0x8530] =	vst v14  }
0x194: {  	v5 =	vld [tilespmem:s13+$0x600];
	v21 =	vmul.f32 v21, v55;
	v22 =	vadd.f32 v22, v27;
	[tilespmem:s13+$0x8320] =	vst v0  }
0x195: {  	v42 =	vld [tilespmem:s13+$0x690];
	v19 =	vadd.f32 v19, v28;
	v9 =	vmul.f32 v9, v40;
	[tilespmem:s13+$0x8580] =	vst v20  }
0x196: {  	v58 =	vld [tilespmem:s13+$0x810];
	v61 =	vbroadcast v63, $0xB;
	v3 =	vmul.f32 v3, v40;
	v21 =	vadd.f32 v21, v60;
	[tilespmem:s13+$0x85A0] =	vst v22  }
0x197: {  	v29 =	vbroadcast v63, $0xC;
	v55 =	vld [tilespmem:$0x1FFC0];
	v4 =	vmul.f32 v4, v40;
	[tilespmem:s13+$0x85B0] =	vst v19;
	v9 =	vadd.f32 v9, v34  }
0x198: {  	v0 =	vld [tilespmem:s13+$0x610];
	v2 =	vmul.f32 v2, v40;
	v17 =	vmul.f32 v39, v61;
	v3 =	vadd.f32 v3, v33;
	[tilespmem:s13+$0x8590] =	vst v21  }
0x199: {  	v39 =	vmul.f32 v44, v29;
	v44 =	vld [tilespmem:$0x1FF60];
	v5 =	vmul.f32 v5, v61;
	v4 =	vadd.f32 v4, v32;
	[tilespmem:s13+$0x8400] =	vst v9  }
0x19a: {  	v1 =	vmul.f32 v38, v61;
	v38 =	vbroadcast v63, $0xD;
	v2 =	vadd.f32 v2, v31;
	v32 =	vld [tilespmem:$0x1FEF0];
	[tilespmem:s13+$0x8410] =	vst v3  }
0x19b: {  	v33 =	vld [tilespmem:$0x1FF00];
	v34 =	vmul.f32 v41, v29;
	v5 =	vadd.f32 v5, v30;
	[tilespmem:s13+$0x8420] =	vst v4  }
0x19c: {  	v45 =	vbroadcast v63, $0xE;
	v7 =	vadd.f32 v17, v35;
	v41 =	vld [tilespmem:$0x1FF40];
	[tilespmem:s13+$0x8430] =	vst v2;
	v3 =	vmul.f32 v46, v38  }
0x19d: {  	v36 =	vmul.f32 v42, v29;
	v42 =	vld [tilespmem:$0x1FF50];
	v0 =	vmul.f32 v0, v61;
	[tilespmem:s13+$0x8600] =	vst v5;
	v5 =	vadd.f32 v34, v37  }
0x19e: {  	v6 =	vmul.f32 v43, v29;
	v43 =	vmul.f32 v47, v38;
	v47 =	vld [tilespmem:$0x1FF80];
	[tilespmem:s13+$0x8630] =	vst v7;
	v3 =	vadd.f32 v3, v44  }
0x19f: {  	v50 =	vmul.f32 v52, v45;
	v31 =	vld [tilespmem:s13+$0x4830];
	v0 =	vadd.f32 v0, v32;
	[tilespmem:s13+$0x8680] =	vst v5  }
0x1a0: {  	v52 =	vmul.f32 v53, v45;
	v53 =	vbroadcast v63, $0xF;
	v40 =	vld [tilespmem:$0x1FF30];
	v1 =	vadd.f32 v1, v33;
	[tilespmem:s13+$0x8700] =	vst v3  }
0x1a1: {  	v2 =	vmul.f32 v48, v38;
	v48 =	vmul.f32 v51, v45;
	v51 =	vld [tilespmem:$0x1FFA0];
	v6 =	vadd.f32 v6, v41;
	[tilespmem:s13+$0x8610] =	vst v0  }
0x1a2: {  	v59 =	vld [tilespmem:$0x1FFE0];
	v61 =	vmul.f32 v62, v53;
	v5 =	vadd.f32 v39, v42;
	[tilespmem:s13+$0x8620] =	vst v1  }
0x1a3: {  	v46 =	vld [tilespmem:$0x1FF70];
	v2 =	vadd.f32 v2, v47;
	[tilespmem:s13+$0x86A0] =	vst v6  }
0x1a4: {  	v57 =	vld [tilespmem:$0x1FFD0];
	v63 =	vadd.f32 v61, v31;
	[tilespmem:s13+$0x86B0] =	vst v5  }
0x1a5: {  	v56 =	vmul.f32 v56, v53;
	v0 =	vadd.f32 v36, v40;
	v1 =	vmul.f32 v49, v38;
	v49 =	vld [tilespmem:$0x1FF90];
	[tilespmem:s13+$0x8720] =	vst v2  }
0x1a6: {  	v4 =	vmul.f32 v54, v45;
	v54 =	vld [tilespmem:$0x1FFB0];
	v3 =	vadd.f32 v48, v51;
	[tilespmem:s13+$0x8830] =	vst v63  }
0x1a7: {  	v14 =	vld [tilespmem:s13+$0x820];
	v2 =	vadd.f32 v56, v59;
	[tilespmem:s13+$0x8690] =	vst v0  }
0x1a8: {  	v62 =	vld [tilespmem:$0x1FFF0];
	v0 =	vadd.f32 v43, v46;
	[tilespmem:s13+$0x8780] =	vst v3  }
0x1a9: {  	v21 =	vld [tilespmem:s13+$0x4820];
	v3 =	vadd.f32 v4, v57;
	[tilespmem:s13+$0x8800] =	vst v2  }
0x1aa: {  	[tilespmem:s13+$0x8710] =	vst v0;
	v1 =	vadd.f32 v1, v49  }
0x1ab: {  	v58 =	vmul.f32 v58, v53;
	v0 =	vadd.f32 v50, v54;
	[tilespmem:s13+$0x87B0] =	vst v3  }
0x1ac: {  	v60 =	vmul.f32 v14, v53;
	[tilespmem:s13+$0x8730] =	vst v1;
	v1 =	vadd.f32 v52, v55  }
0x1ad: {  	[tilespmem:s13+$0x8790] =	vst v0;
	v0 =	vadd.f32 v58, v62  }
0x1ae: {  	s12 =	sadd.s32 $0x1, s12;
	[tilespmem:s13+$0x87A0] =	vst v1;
	v1 =	vadd.f32 v60, v21  }
0x1af: {  	p0 =	sne.s32 s12, s7;
	[tilespmem:s13+$0x8810] =	vst v0  }
.Ltmp2:
0x1b0: {  	[tilespmem:s13+$0x8820] =	vst v1;
	(pc) =	sbr.rel @p0 .LBB2_1-.Ltmp2, $4  }
0x1b1: {  	[hbm4b:s6+s2] =	stream.linear.scatter [tilespmem:s11], [sflag:$0x2], $0x4000, $0x38;
	[tilespmem:$0xC080] =	vst v63  }
0x1b2: {  	_ =	swait.ge [sflag:s8], $0x4000  }
0x1b3: {  	[sflag:s8] =	ssyncset.done $0x0  }
0x1b4: {  	[sflag:s8] =	ssyncadd.s32 $0xFFFFC000  }
0x1b5: {  	_ =	sfence.sel $0x180000  }
0x1b6: {  	[bflag:$0x0] =	sbarrier.arrive $0xFFFF  }
0x1b7: {  	_ =	strace $0x9000004A  }
0x1b8: {  	s0 =	stileid.u32;
	[bflag:$0x2] =	sbarrier.arrive $0xFFFF  }
0x1b9: {  	p0 =	sne.s32 s0, $0x0;
	s0 =	rddreg [dreg:$0x2]  }
0x1ba: {  	s0 =	sadd.s32 @!p0 $0x100000, s0  }
0x1bb: {  	[sflag:s0] =	ssyncadd.tile.s32 @!p0 $0x1;
	_ =	shalt  }
.Lfunc_end2:
_tile_overlayer_lowered:
.L_overlay_start_2:
0x1bc: {  	(tag) =	ssettag $0x2  }
0x1bd: {  	s0 =	rddreg [dreg:$0x0];
	s2 =	stileid.u32  }
0x1be: {  	s1 =	rddreg [dreg:$0x1];
	p0 =	sne.s32 s2, $0x0  }
0x1bf: {  	s3 =	rddreg [dreg:$0x2];
	[bflag:$0x3] =	sbarrier.arrive $0xFFFF;
	s2 =	simm.s32 @!p0 $0x1C02  }
0x1c0: {  	[timem:s3], [sflag:s2] =	dma.local @!p0 [hbm:s0], s1  }
0x1c1: {  	s0 =	simm.s32 @!p0 $0x2  }
0x1c2: {  	_ =	swait.ge @!p0 [sflag:s0], s1  }
0x1c3: {  	s1 =	ssub.s32 @!p0 $0x0, s1;
	[sflag:s0] =	ssyncset.done @!p0 $0x0  }
0x1c4: {  	[sflag:s0] =	ssyncadd.s32 @!p0 s1  }
0x1c5: {  	[bflag:$0x3] =	sbarrier.arrive $0xFFFF  }
0x1c6: {  	_ =	shalt  }

</sc_bundles>
